<compile_context>
chip_gen: v7x
topology: tpu7x:2x2x1
jax: 0.10.2.dev20260603
libtpu: 0.0.44.dev20260713+nightly
codegen_flags: <defaults>
</compile_context>

<pallas_src>
import functools

import jax
import jax.numpy as jnp
from jax import lax
from jax.experimental import pallas as pl
from jax.experimental.pallas import tpu as pltpu
from jax.experimental.pallas import tpu_sc as plsc

F32 = jnp.float32
N_NODES = 10000
N_EDGES = 160000
D = 128
G = 64

NC = 2
NS = 16
NW = NC * NS
C = 128
E_PAD = 163840
EW = E_PAD // NW
NCH = EW // C
NSP = 10112
RPT = NSP // NS

NB = 2000
EB = 2048

@functools.lru_cache(maxsize=None)
def _sc_mesh():
    return plsc.VectorSubcoreMesh(
        core_axis_name="c", subcore_axis_name="s", num_cores=NC,
        num_subcores=NS)


def _swish(v):
    return v * jax.nn.sigmoid(v)



def _d2_body(pos_hbm, bat_hbm, lat_hbm, shf_hbm, src_hbm, dst_hbm, d2_hbm,
             pos_t, bat_t, lat_t, shf_w, src_w, dst_w, d2_c):
    wid = lax.axis_index("s") * NC + lax.axis_index("c")
    w0 = pl.multiple_of(wid * EW, C)
    pltpu.sync_copy(pos_hbm, pos_t)
    pltpu.sync_copy(bat_hbm, bat_t)
    pltpu.sync_copy(lat_hbm, lat_t)
    pltpu.sync_copy(src_hbm.at[pl.ds(w0, EW)], src_w)
    pltpu.sync_copy(dst_hbm.at[pl.ds(w0, EW)], dst_w)
    pltpu.sync_copy(shf_hbm.at[pl.ds(w0 * 4, EW * 4)], shf_w)

    def chunk(ch, carry):
        c0 = ch * C
        for g in range(C // 16):
            e0 = c0 + g * 16
            i16 = src_w[pl.ds(e0, 16)] * 4
            j16 = dst_w[pl.ds(e0, 16)] * 4
            psx = plsc.load_gather(pos_t, [i16])
            psy = plsc.load_gather(pos_t, [i16 + 1])
            psz = plsc.load_gather(pos_t, [i16 + 2])
            pdx = plsc.load_gather(pos_t, [j16])
            pdy = plsc.load_gather(pos_t, [j16 + 1])
            pdz = plsc.load_gather(pos_t, [j16 + 2])
            b16 = plsc.load_gather(bat_t, [src_w[pl.ds(e0, 16)]]) * 16
            l9 = [plsc.load_gather(lat_t, [b16 + k]) for k in range(9)]
            off = (lax.iota(jnp.int32, 16) + e0) * 4
            sx = plsc.load_gather(shf_w, [off])
            sy = plsc.load_gather(shf_w, [off + 1])
            sz = plsc.load_gather(shf_w, [off + 2])
            ex = pdx - psx + sx * l9[0] + sy * l9[3] + sz * l9[6]
            ey = pdy - psy + sx * l9[1] + sy * l9[4] + sz * l9[7]
            ez = pdz - psz + sx * l9[2] + sy * l9[5] + sz * l9[8]
            d2_c[pl.ds(g * 16, 16)] = ex * ex + ey * ey + ez * ez
        pltpu.sync_copy(d2_c, d2_hbm.at[pl.ds(w0 + c0, C)])
        return carry

    lax.fori_loop(0, NCH, chunk, 0)


def sc_d2(pos4, bat, lat16, shf, srcg, dstg):
    f = pl.kernel(
        _d2_body,
        out_type=jax.ShapeDtypeStruct((E_PAD,), F32),
        mesh=_sc_mesh(),
        compiler_params=pltpu.CompilerParams(needs_layout_passes=False),
        scratch_types=[
            pltpu.VMEM((N_NODES * 4,), F32),
            pltpu.VMEM((N_NODES,), jnp.int32),
            pltpu.VMEM((G * 16,), F32),
            pltpu.VMEM((EW * 4,), F32),
            pltpu.VMEM((EW,), jnp.int32),
            pltpu.VMEM((EW,), jnp.int32),
            pltpu.VMEM((C,), F32),
        ],
    )
    return f(pos4, bat, lat16, shf, srcg, dstg)


def _gather_body(pa_hbm, pb_hbm, src_hbm, dst_hbm, s_hbm,
                 src_w, dst_w, ra0, rb0, ra1, rb1,
                 sa0, sb0, sa1, sb1, so):
    wid = lax.axis_index("s") * NC + lax.axis_index("c")
    ras = (ra0, ra1)
    rbs = (rb0, rb1)
    sas = (sa0, sa1)
    sbs = (sb0, sb1)
    pltpu.sync_copy(src_hbm.at[:, wid], src_w)
    pltpu.sync_copy(dst_hbm.at[:, wid], dst_w)

    def base(ch):
        return pl.multiple_of((ch * NW + wid) * C, C)

    def idx(ch):
        return src_w.at[ch], dst_w.at[ch]

    def start_gather(ch, b):
        ia, ib = idx(ch)
        pltpu.async_copy(pa_hbm.at[ia], ras[b], sas[b])
        pltpu.async_copy(pb_hbm.at[ib], rbs[b], sbs[b])

    def wait_gather(ch, b):
        ia, ib = idx(ch)
        pltpu.make_async_copy(pa_hbm.at[ia], ras[b], sas[b]).wait()
        pltpu.make_async_copy(pb_hbm.at[ib], rbs[b], sbs[b]).wait()

    def wait_out(ch, b):
        pltpu.make_async_copy(ras[b], s_hbm.at[pl.ds(base(ch), C)], so).wait()

    start_gather(0, 0)

    def outer(k2, carry):
        for b in range(2):
            ch = k2 * 2 + b
            nb = 1 - b

            @pl.when(ch + 1 < NCH)
            def _():
                @pl.when(ch >= 1)
                def _():
                    wait_out(ch - 1, nb)

                start_gather(ch + 1, nb)

            wait_gather(ch, b)

            def row(i, c2):
                for j in range(D // 16):
                    sl = pl.ds(j * 16, 16)
                    ras[b][i, sl] = ras[b][i, sl] + rbs[b][i, sl]
                return c2

            lax.fori_loop(0, C, row, 0)
            pltpu.async_copy(ras[b], s_hbm.at[pl.ds(base(ch), C)], so)
        return carry

    lax.fori_loop(0, NCH // 2, outer, 0)
    wait_out(NCH - 2, (NCH - 2) % 2)
    wait_out(NCH - 1, (NCH - 1) % 2)


def sc_gather(pa, pb, srcg, dstg):
    f = pl.kernel(
        _gather_body,
        out_type=jax.ShapeDtypeStruct((E_PAD, D), F32),
        mesh=_sc_mesh(),
        compiler_params=pltpu.CompilerParams(needs_layout_passes=False),
        scratch_types=[
            pltpu.VMEM((NCH, C), jnp.int32),
            pltpu.VMEM((NCH, C), jnp.int32),
            pltpu.VMEM((C, D), F32),
            pltpu.VMEM((C, D), F32),
            pltpu.VMEM((C, D), F32),
            pltpu.VMEM((C, D), F32),
            pltpu.SemaphoreType.DMA,
            pltpu.SemaphoreType.DMA,
            pltpu.SemaphoreType.DMA,
            pltpu.SemaphoreType.DMA,
            pltpu.SemaphoreType.DMA,
        ],
    )
    return f(pa, pb, srcg, dstg)


def _scatter_body(m_hbm, dst_hbm, zer_hbm, out_hbm, agg_sp, dst_w, mb0, mb1,
                  sm0, sm1):
    cid = lax.axis_index("c")
    sid = lax.axis_index("s")
    wid = sid * NC + cid
    w0 = pl.multiple_of(wid * EW, C)
    row0 = pl.multiple_of(sid * RPT, 8)
    pltpu.sync_copy(zer_hbm.at[pl.ds(row0, RPT)], agg_sp.at[pl.ds(row0, RPT)])
    pltpu.sync_copy(dst_hbm.at[wid], dst_w)
    plsc.subcore_barrier()
    mbs = (mb0, mb1)
    sms = (sm0, sm1)

    def load(ch, b):
        base = pl.multiple_of(w0 + ch * C, C)
        pltpu.async_copy(m_hbm.at[pl.ds(base, C)], mbs[b], sms[b])

    def wait_m(ch, b):
        base = pl.multiple_of(w0 + ch * C, C)
        pltpu.make_async_copy(m_hbm.at[pl.ds(base, C)], mbs[b], sms[b]).wait()

    load(0, 0)

    def outer(k2, carry):
        for b in range(2):
            ch = k2 * 2 + b

            @pl.when(ch + 1 < NCH)
            def _():
                load(ch + 1, 1 - b)

            wait_m(ch, b)
            pltpu.sync_copy(mbs[b], agg_sp.at[dst_w.at[ch]], add=True)
        return carry

    lax.fori_loop(0, NCH // 2, outer, 0)
    plsc.subcore_barrier()
    pltpu.sync_copy(agg_sp.at[pl.ds(row0, RPT)], out_hbm.at[cid].at[pl.ds(row0, RPT)])


def sc_scatter(m, dsts, zeros_sp):
    f = pl.kernel(
        _scatter_body,
        out_type=jax.ShapeDtypeStruct((NC, NSP, D), F32),
        mesh=_sc_mesh(),
        compiler_params=pltpu.CompilerParams(needs_layout_passes=False),
        scratch_types=[
            pltpu.VMEM_SHARED((NSP, D), F32),
            pltpu.VMEM((NCH, C), jnp.int32),
            pltpu.VMEM((C, D), F32),
            pltpu.VMEM((C, D), F32),
            pltpu.SemaphoreType.DMA,
            pltpu.SemaphoreType.DMA,
        ],
    )
    return f(m, dsts, zeros_sp)



def _embed_body(an_ref, emb_ref, wa_ref, wb_ref, b1_ref, x_ref, pa_ref, pb_ref):
    an = an_ref[...]
    oh = (an == lax.broadcasted_iota(jnp.int32, (NB, D), 1)).astype(F32)
    x = jnp.dot(oh, emb_ref[...], preferred_element_type=F32)
    x_ref[...] = x
    pa_ref[...] = jnp.dot(x, wa_ref[...], preferred_element_type=F32) + b1_ref[...]
    pb_ref[...] = jnp.dot(x, wb_ref[...], preferred_element_type=F32)


def tc_embed(an2, emb_pad, wa, wb, b1row):
    full = lambda i: (0, 0)
    return pl.pallas_call(
        _embed_body,
        grid=(N_NODES // NB,),
        in_specs=[
            pl.BlockSpec((NB, 1), lambda i: (i, 0)),
            pl.BlockSpec((D, D), full),
            pl.BlockSpec((D, D), full),
            pl.BlockSpec((D, D), full),
            pl.BlockSpec((1, D), full),
        ],
        out_specs=[
            pl.BlockSpec((NB, D), lambda i: (i, 0)),
            pl.BlockSpec((NB, D), lambda i: (i, 0)),
            pl.BlockSpec((NB, D), lambda i: (i, 0)),
        ],
        out_shape=[jax.ShapeDtypeStruct((N_NODES, D), F32)] * 3,
    )(an2, emb_pad, wa, wb, b1row)


def _edge_body(s_ref, d2_ref, wc_ref, w2_ref, b2_ref, m_ref):
    dist = jnp.sqrt(d2_ref[...] + 1e-12)
    h = _swish(s_ref[...] + dist * wc_ref[...])
    m_ref[...] = _swish(jnp.dot(h, w2_ref[...], preferred_element_type=F32)
                        + b2_ref[...])


def tc_edge(s, d2col, wcrow, w2, b2row):
    full = lambda i: (0, 0)
    return pl.pallas_call(
        _edge_body,
        grid=(E_PAD // EB,),
        in_specs=[
            pl.BlockSpec((EB, D), lambda i: (i, 0)),
            pl.BlockSpec((EB, 1), lambda i: (i, 0)),
            pl.BlockSpec((1, D), full),
            pl.BlockSpec((D, D), full),
            pl.BlockSpec((1, D), full),
        ],
        out_specs=pl.BlockSpec((EB, D), lambda i: (i, 0)),
        out_shape=jax.ShapeDtypeStruct((E_PAD, D), F32),
    )(s, d2col, wcrow, w2, b2row)


def _node_body(x_ref, aa_ref, ab_ref, w1x_ref, w1a_ref, b1_ref, w2_ref, b2_ref,
               wan_ref, wbn_ref, ban_ref, xn_ref, pa_ref, pb_ref):
    x = x_ref[...]
    agg = aa_ref[0] + ab_ref[0]
    h2 = _swish(jnp.dot(x, w1x_ref[...], preferred_element_type=F32)
                + jnp.dot(agg, w1a_ref[...], preferred_element_type=F32)
                + b1_ref[...])
    xn = x + jnp.dot(h2, w2_ref[...], preferred_element_type=F32) + b2_ref[...]
    xn_ref[...] = xn
    pa_ref[...] = jnp.dot(xn, wan_ref[...], preferred_element_type=F32) + ban_ref[...]
    pb_ref[...] = jnp.dot(xn, wbn_ref[...], preferred_element_type=F32)


def tc_node(x, agg2, w1x, w1a, b1row, w2, b2row, wan, wbn, b1nrow):
    full = lambda i: (0, 0)
    return pl.pallas_call(
        _node_body,
        grid=(N_NODES // NB,),
        in_specs=[
            pl.BlockSpec((NB, D), lambda i: (i, 0)),
            pl.BlockSpec((1, NB, D), lambda i: (0, i, 0)),
            pl.BlockSpec((1, NB, D), lambda i: (1, i, 0)),
            pl.BlockSpec((D, D), full),
            pl.BlockSpec((D, D), full),
            pl.BlockSpec((1, D), full),
            pl.BlockSpec((D, D), full),
            pl.BlockSpec((1, D), full),
            pl.BlockSpec((D, D), full),
            pl.BlockSpec((D, D), full),
            pl.BlockSpec((1, D), full),
        ],
        out_specs=[
            pl.BlockSpec((NB, D), lambda i: (i, 0)),
            pl.BlockSpec((NB, D), lambda i: (i, 0)),
            pl.BlockSpec((NB, D), lambda i: (i, 0)),
        ],
        out_shape=[jax.ShapeDtypeStruct((N_NODES, D), F32)] * 3,
    )(x, agg2, agg2, w1x, w1a, b1row, w2, b2row, wan, wbn, b1nrow)


def _node_final_body(x_ref, aa_ref, ab_ref, w1x_ref, w1a_ref, b1_ref, w2_ref,
                     b2_ref, ow1_ref, ob1_ref, ow2_ref, ob2_ref, bat_ref,
                     out_ref):
    x = x_ref[...]
    agg = aa_ref[0] + ab_ref[0]
    h2 = _swish(jnp.dot(x, w1x_ref[...], preferred_element_type=F32)
                + jnp.dot(agg, w1a_ref[...], preferred_element_type=F32)
                + b1_ref[...])
    xn = x + jnp.dot(h2, w2_ref[...], preferred_element_type=F32) + b2_ref[...]
    h = _swish(jnp.dot(xn, ow1_ref[...], preferred_element_type=F32)
               + ob1_ref[...])
    prop = jnp.dot(h, ow2_ref[...], preferred_element_type=F32) + ob2_ref[...]
    ohg = (bat_ref[...] == lax.broadcasted_iota(jnp.int32, (NB, G), 1)).astype(F32)
    contrib = lax.dot_general(ohg, prop, (((0,), (0,)), ((), ())),
                              preferred_element_type=F32)

    @pl.when(pl.program_id(0) == 0)
    def _():
        out_ref[...] = jnp.zeros_like(out_ref)

    out_ref[...] += contrib


def tc_node_final(x, agg2, w1x, w1a, b1row, w2, b2row, ow1, ob1row, ow2p,
                  ob2row, bat2):
    full = lambda i: (0, 0)
    return pl.pallas_call(
        _node_final_body,
        grid=(N_NODES // NB,),
        in_specs=[
            pl.BlockSpec((NB, D), lambda i: (i, 0)),
            pl.BlockSpec((1, NB, D), lambda i: (0, i, 0)),
            pl.BlockSpec((1, NB, D), lambda i: (1, i, 0)),
            pl.BlockSpec((D, D), full),
            pl.BlockSpec((D, D), full),
            pl.BlockSpec((1, D), full),
            pl.BlockSpec((D, D), full),
            pl.BlockSpec((1, D), full),
            pl.BlockSpec((D, D), full),
            pl.BlockSpec((1, D), full),
            pl.BlockSpec((D, D), full),
            pl.BlockSpec((1, D), full),
            pl.BlockSpec((NB, 1), lambda i: (i, 0)),
        ],
        out_specs=pl.BlockSpec((G, D), full),
        out_shape=jax.ShapeDtypeStruct((G, D), F32),
    )(x, agg2, agg2, w1x, w1a, b1row, w2, b2row, ow1, ob1row, ow2p, ob2row,
      bat2)



def kernel(batch, atomic_num, edge_index, pos, edge_shift, lattice, emb,
           e_w1, e_b1, e_w2, e_b2, n_w1, n_b1, n_w2, n_b2,
           o_w1, o_b1, o_w2, o_b2):
    src = edge_index[0].astype(jnp.int32)
    dst = edge_index[1].astype(jnp.int32)
    pad = E_PAD - N_EDGES
    srcg = jnp.pad(src, (0, pad))
    dstg = jnp.pad(dst, (0, pad))
    srcg3 = srcg.reshape(NCH, NW, C)
    dstg3 = dstg.reshape(NCH, NW, C)
    dsts3 = jnp.pad(dst, (0, pad),
                    constant_values=N_NODES).reshape(NW, NCH, C)
    shf = jnp.pad(edge_shift, ((0, pad), (0, 1))).reshape(-1)
    pos4 = jnp.pad(pos, ((0, 0), (0, 1))).reshape(-1)
    lat16 = jnp.pad(lattice.reshape(G, 9), ((0, 0), (0, 7))).reshape(-1)
    bat = batch.astype(jnp.int32)
    an2 = atomic_num.astype(jnp.int32)[:, None]
    bat2 = bat[:, None]
    emb_pad = jnp.pad(emb, ((0, D - emb.shape[0]), (0, 0)))
    zeros_sp = jnp.zeros((NSP, D), F32)
    ow2p = jnp.pad(o_w2, ((0, 0), (0, D - o_w2.shape[1])))
    ob2row = jnp.pad(o_b2[None, :], ((0, 0), (0, D - o_b2.shape[0])))

    wa = [e_w1[l][:D] for l in range(3)]
    wb = [e_w1[l][D:2 * D] for l in range(3)]
    wcrow = [e_w1[l][2 * D][None, :] for l in range(3)]
    b1row = [e_b1[l][None, :] for l in range(3)]
    b2row = [e_b2[l][None, :] for l in range(3)]
    w1x = [n_w1[l][:D] for l in range(3)]
    w1a = [n_w1[l][D:] for l in range(3)]
    nb1row = [n_b1[l][None, :] for l in range(3)]
    nb2row = [n_b2[l][None, :] for l in range(3)]

    d2 = sc_d2(pos4, bat, lat16, shf, srcg, dstg)
    d2col = d2[:, None]
    x, pa, pb = tc_embed(an2, emb_pad, wa[0], wb[0], b1row[0])
    for l in range(3):
        s = sc_gather(pa, pb, srcg3, dstg3)
        m = tc_edge(s, d2col, wcrow[l], e_w2[l], b2row[l])
        agg2 = sc_scatter(m, dsts3, zeros_sp)
        if l < 2:
            x, pa, pb = tc_node(x, agg2, w1x[l], w1a[l], nb1row[l], n_w2[l],
                                nb2row[l], wa[l + 1], wb[l + 1], b1row[l + 1])
        else:
            out = tc_node_final(x, agg2, w1x[l], w1a[l], nb1row[l], n_w2[l],
                                nb2row[l], o_w1, o_b1[None, :], ow2p, ob2row,
                                bat2)
    return out[:, :1]

# --- scband reference (transcript-rebuilt; emitter-appended) ---
"""Pipeline reference for scband-egnn-45818711114436 (READ-ONLY COPY).

The authoritative reference and input builder live on the scoring server;
editing this copy changes nothing except your own understanding.
"""

import jax, jax.numpy as jnp
import numpy as np

N_NODES = 10000
N_EDGES = 160000
NODE_DIM = 128
EDGE_DIM = 128
HIDDEN = 128
N_LAYERS = 3
OUT_DIM = 1
MAX_Z = 100
N_GRAPHS = 64
BETA = 1.0

def swish(x):
    return x * jax.nn.sigmoid(BETA * x)

def setup_inputs(seed: int = 0):
    key = jax.random.key(seed)
    ks = [jax.random.fold_in(key, i) for i in range(16)]
    batch = jnp.sort(jax.random.randint(ks[0], (N_NODES,), 0, N_GRAPHS))
    atomic_num = jax.random.randint(ks[1], (N_NODES,), 0, MAX_Z)
    edge_index = jax.random.randint(ks[2], (2, N_EDGES), 0, N_NODES)
    pos = jax.random.normal(ks[3], (N_NODES, 3), dtype=jnp.float32)
    edge_shift = jax.random.normal(ks[4], (N_EDGES, 3), dtype=jnp.float32)
    lattice = jax.random.normal(ks[5], (N_GRAPHS, 3, 3), dtype=jnp.float32)
    def lin(k, fan_in, shape):
        return jax.random.normal(k, shape, dtype=jnp.float32) / np.sqrt(fan_in)
    emb = lin(ks[6], NODE_DIM, (MAX_Z, NODE_DIM))
    e_in = 2 * NODE_DIM + 1
    e_w1 = lin(ks[7], e_in, (N_LAYERS, e_in, HIDDEN))
    e_b1 = jnp.zeros((N_LAYERS, HIDDEN), jnp.float32)
    e_w2 = lin(ks[8], HIDDEN, (N_LAYERS, HIDDEN, EDGE_DIM))
    e_b2 = jnp.zeros((N_LAYERS, EDGE_DIM), jnp.float32)
    n_in = NODE_DIM + EDGE_DIM
    n_w1 = lin(ks[9], n_in, (N_LAYERS, n_in, HIDDEN))
    n_b1 = jnp.zeros((N_LAYERS, HIDDEN), jnp.float32)
    n_w2 = lin(ks[10], HIDDEN, (N_LAYERS, HIDDEN, NODE_DIM))
    n_b2 = jnp.zeros((N_LAYERS, NODE_DIM), jnp.float32)
    o_w1 = lin(ks[11], NODE_DIM, (NODE_DIM, HIDDEN))
    o_b1 = jnp.zeros((HIDDEN,), jnp.float32)
    o_w2 = lin(ks[12], HIDDEN, (HIDDEN, OUT_DIM))
    o_b2 = jnp.zeros((OUT_DIM,), jnp.float32)
    return {"batch": batch, "atomic_num": atomic_num, "edge_index": edge_index,
            "pos": pos, "edge_shift": edge_shift, "lattice": lattice, "emb": emb,
            "e_w1": e_w1, "e_b1": e_b1, "e_w2": e_w2, "e_b2": e_b2,
            "n_w1": n_w1, "n_b1": n_b1, "n_w2": n_w2, "n_b2": n_b2,
            "o_w1": o_w1, "o_b1": o_b1, "o_w2": o_w2, "o_b2": o_b2}

def reference(batch, atomic_num, edge_index, pos, edge_shift, lattice, emb,
              e_w1, e_b1, e_w2, e_b2, n_w1, n_b1, n_w2, n_b2,
              o_w1, o_b1, o_w2, o_b2):
    src = edge_index[0]
    dst = edge_index[1]
    edge_batch = batch[src]
    # calc_atomic_distances: pos[dst] - pos[src] + edge_shift @ lattice[edge_batch]
    edge_vec = pos[dst] - pos[src] + jnp.einsum('ni,nij->nj', edge_shift, lattice[edge_batch])
    dist = jnp.sqrt(jnp.sum(edge_vec * edge_vec, axis=1) + 1e-12)
    # AtomicNum2Node: embedding lookup
    x = emb[atomic_num]
    # EGNNConv layers: edge MLP on [x_src, x_dst, dist], scatter-add to dst, node MLP, residual
    for l in range(N_LAYERS):
        h = jnp.concatenate([x[src], x[dst], dist[:, None]], axis=1)
        h = swish(h @ e_w1[l] + e_b1[l])
        m = swish(h @ e_w2[l] + e_b2[l])
        agg = jax.ops.segment_sum(m, dst, num_segments=N_NODES)
        h2 = swish(jnp.concatenate([x, agg], axis=1) @ n_w1[l] + n_b1[l])
        x = x + (h2 @ n_w2[l] + n_b2[l])
    # Node2Property: per-node MLP then 'add' aggregation over graphs in the batch
    h = swish(x @ o_w1 + o_b1)
    node_prop = h @ o_w2 + o_b2
    return jax.ops.segment_sum(node_prop, batch, num_segments=N_GRAPHS)

if __name__ == "__main__":
    import jax
    _d = setup_inputs()
    print(jax.jit(kernel)(*tuple(_d.values())))

</pallas_src>

<mosaic_0001>
#map = affine_map<(d0, d1) -> (0, 0)>
#map1 = affine_map<(d0, d1) -> (0, 0, 0)>
module attributes {stable_mosaic.version = 14 : i64} {
  func.func @_scatter_body(%arg0: i32, %arg1: i32, %arg2: memref<163840x128xf32, #tpu.memory_space<hbm>>, %arg3: memref<32x40x128xi32, #tpu.memory_space<hbm>>, %arg4: memref<10112x128xf32, #tpu.memory_space<hbm>>, %arg5: memref<2x10112x128xf32, #tpu.memory_space<hbm>>, %arg6: memref<10112x128xf32, #tpu.memory_space<vmem_shared>>, %arg7: memref<40x128xi32, #tpu.memory_space<vmem>>, %arg8: memref<128x128xf32, #tpu.memory_space<vmem>>, %arg9: memref<128x128xf32, #tpu.memory_space<vmem>>, %arg10: memref<!tpu.dma_semaphore, #tpu.memory_space<semaphore_mem>>, %arg11: memref<!tpu.dma_semaphore, #tpu.memory_space<semaphore_mem>>) attributes {dimension_semantics = [#tpu.dimension_semantics<core_parallel>, #tpu.dimension_semantics<subcore_parallel>], iteration_bounds = array<i64: 2, 16>, scalar_prefetch = 0 : i64, scratch_operands = 6 : i64, tpu.core_type = #tpu.core_type<sc_vector_subcore>, window_params = [{transform_indices = #map}, {transform_indices = #map1}, {transform_indices = #map}, {transform_indices = #map1}]} {
    %mul3A = arith.constant 2 : i32
    %mul3A_0 = arith.muli %arg1, %mul3A : i32
    %add3A = arith.addi %mul3A_0, %arg0 : i32
    %mul3A_1 = arith.constant 5120 : i32
    %mul3A_2 = arith.muli %add3A, %mul3A_1 : i32
    %multiple_of3A = tpu.assume_multiple %mul3A_2, 128 : i32
    %mul3A_3 = arith.constant 632 : i32
    %mul3A_4 = arith.muli %arg1, %mul3A_3 : i32
    %multiple_of3A_5 = tpu.assume_multiple %mul3A_4, 8 : i32
    "tpu.region"() ({
      %run_scoped3A = tpu.sem_alloc : memref<!tpu.dma_semaphore, #tpu.memory_space<semaphore_mem>>
      %dma_start3A_18 = arith.constant 0 : i32
      %dma_start3A_19 = tpu.memref_slice %arg6[%multiple_of3A_5, %dma_start3A_18] : memref<10112x128xf32, #tpu.memory_space<vmem_shared>> -> memref<632x128xf32, #tpu.memory_space<vmem_shared>>
      %dma_start3A_20 = arith.constant 0 : i32
      %dma_start3A_21 = tpu.memref_slice %arg4[%multiple_of3A_5, %dma_start3A_20] : memref<10112x128xf32, #tpu.memory_space<hbm>> -> memref<632x128xf32, #tpu.memory_space<hbm>>
      tpu.enqueue_dma source(%dma_start3A_21 : memref<632x128xf32, #tpu.memory_space<hbm>>) target(%dma_start3A_19 : memref<632x128xf32, #tpu.memory_space<vmem_shared>>) target_semaphore(%run_scoped3A : memref<!tpu.dma_semaphore, #tpu.memory_space<semaphore_mem>>)
      %dma_wait3A = arith.constant 0 : i32
      %dma_wait3A_22 = tpu.memref_slice %arg6[%multiple_of3A_5, %dma_wait3A] : memref<10112x128xf32, #tpu.memory_space<vmem_shared>> -> memref<632x128xf32, #tpu.memory_space<vmem_shared>>
      %dma_wait3A_23 = arith.constant 0 : i32
      %dma_wait3A_24 = tpu.memref_slice %arg4[%multiple_of3A_5, %dma_wait3A_23] : memref<10112x128xf32, #tpu.memory_space<hbm>> -> memref<632x128xf32, #tpu.memory_space<hbm>>
      tpu.wait_dma2 semaphore(%run_scoped3A : memref<!tpu.dma_semaphore, #tpu.memory_space<semaphore_mem>>) src(%dma_wait3A_24 : memref<632x128xf32, #tpu.memory_space<hbm>>) dst(%dma_wait3A_22 : memref<632x128xf32, #tpu.memory_space<vmem_shared>>)
      tpu.yield
    }) : () -> ()
    "tpu.region"() ({
      %run_scoped3A = tpu.sem_alloc : memref<!tpu.dma_semaphore, #tpu.memory_space<semaphore_mem>>
      %dma_start3A_18 = arith.constant 0 : i32
      %dma_start3A_19 = arith.constant 0 : i32
      %dma_start3A_20 = tpu.memref_slice %arg3[%add3A, %dma_start3A_18, %dma_start3A_19] : memref<32x40x128xi32, #tpu.memory_space<hbm>> -> memref<1x40x128xi32, #tpu.memory_space<hbm>>
      %dma_start3A_21 = tpu.memref_squeeze %dma_start3A_20 : memref<1x40x128xi32, #tpu.memory_space<hbm>> -> memref<40x128xi32, #tpu.memory_space<hbm>>
      %dma_start3A_22 = arith.constant 0 : i32
      %dma_start3A_23 = arith.constant 0 : i32
      %dma_start3A_24 = tpu.memref_slice %arg3[%add3A, %dma_start3A_22, %dma_start3A_23] : memref<32x40x128xi32, #tpu.memory_space<hbm>> -> memref<1x40x128xi32, #tpu.memory_space<hbm>>
      %dma_start3A_25 = tpu.memref_squeeze %dma_start3A_24 : memref<1x40x128xi32, #tpu.memory_space<hbm>> -> memref<40x128xi32, #tpu.memory_space<hbm>>
      tpu.enqueue_dma source(%dma_start3A_25 : memref<40x128xi32, #tpu.memory_space<hbm>>) target(%arg7 : memref<40x128xi32, #tpu.memory_space<vmem>>) target_semaphore(%run_scoped3A : memref<!tpu.dma_semaphore, #tpu.memory_space<semaphore_mem>>)
      %dma_wait3A = arith.constant 0 : i32
      %dma_wait3A_26 = arith.constant 0 : i32
      %dma_wait3A_27 = tpu.memref_slice %arg3[%add3A, %dma_wait3A, %dma_wait3A_26] : memref<32x40x128xi32, #tpu.memory_space<hbm>> -> memref<1x40x128xi32, #tpu.memory_space<hbm>>
      %dma_wait3A_28 = tpu.memref_squeeze %dma_wait3A_27 : memref<1x40x128xi32, #tpu.memory_space<hbm>> -> memref<40x128xi32, #tpu.memory_space<hbm>>
      %dma_wait3A_29 = arith.constant 0 : i32
      %dma_wait3A_30 = arith.constant 0 : i32
      %dma_wait3A_31 = tpu.memref_slice %arg3[%add3A, %dma_wait3A_29, %dma_wait3A_30] : memref<32x40x128xi32, #tpu.memory_space<hbm>> -> memref<1x40x128xi32, #tpu.memory_space<hbm>>
      %dma_wait3A_32 = tpu.memref_squeeze %dma_wait3A_31 : memref<1x40x128xi32, #tpu.memory_space<hbm>> -> memref<40x128xi32, #tpu.memory_space<hbm>>
      tpu.wait_dma2 semaphore(%run_scoped3A : memref<!tpu.dma_semaphore, #tpu.memory_space<semaphore_mem>>) src(%dma_wait3A_32 : memref<40x128xi32, #tpu.memory_space<hbm>>) dst(%arg7 : memref<40x128xi32, #tpu.memory_space<vmem>>)
      tpu.yield
    }) : () -> ()
    %barrier3A = arith.constant 0 : index
    tpu.barrier barrier_id(%barrier3A)
    %add3A_6 = arith.constant 0 : i32
    %add3A_7 = arith.addi %multiple_of3A, %add3A_6 : i32
    %multiple_of3A_8 = tpu.assume_multiple %add3A_7, 128 : i32
    %dma_start3A = arith.constant 0 : i32
    %dma_start3A_9 = tpu.memref_slice %arg2[%multiple_of3A_8, %dma_start3A] : memref<163840x128xf32, #tpu.memory_space<hbm>> -> memref<128x128xf32, #tpu.memory_space<hbm>>
    %dma_start3A_10 = arith.constant 0 : i32
    %dma_start3A_11 = tpu.memref_slice %arg2[%multiple_of3A_8, %dma_start3A_10] : memref<163840x128xf32, #tpu.memory_space<hbm>> -> memref<128x128xf32, #tpu.memory_space<hbm>>
    tpu.enqueue_dma source(%dma_start3A_11 : memref<128x128xf32, #tpu.memory_space<hbm>>) target(%arg8 : memref<128x128xf32, #tpu.memory_space<vmem>>) target_semaphore(%arg10 : memref<!tpu.dma_semaphore, #tpu.memory_space<semaphore_mem>>)
    %scan3A = arith.constant 0 : i32
    %scan3A_12 = arith.constant 0 : i32
    %scan3A_13 = arith.constant 20 : i32
    %scan3A_14 = arith.addi %scan3A_12, %scan3A_13 : i32
    %scan3A_15 = arith.constant 1 : i32
    scf.for %scan3A_18 = %scan3A_12 to %scan3A_14 step %scan3A_15  : i32 {
      %mul3A_19 = arith.constant 2 : i32
      %mul3A_20 = arith.muli %scan3A_18, %mul3A_19 : i32
      %add3A_21 = arith.constant 0 : i32
      %add3A_22 = arith.addi %mul3A_20, %add3A_21 : i32
      %add3A_23 = arith.constant 1 : i32
      %add3A_24 = arith.addi %add3A_22, %add3A_23 : i32
      %lt3A = arith.constant 40 : i32
      %lt3A_25 = arith.cmpi slt, %add3A_24, %lt3A : i32
      %convert_element_type3A = arith.extui %lt3A_25 : i1 to i32
      %cond3A = arith.constant 0 : i32
      %cond3A_26 = arith.cmpi ne, %convert_element_type3A, %cond3A : i32
      scf.if %cond3A_26 {
        %add3A_53 = arith.constant 1 : i32
        %add3A_54 = arith.addi %add3A_22, %add3A_53 : i32
        %mul3A_55 = arith.constant 128 : i32
        %mul3A_56 = arith.muli %add3A_54, %mul3A_55 : i32
        %add3A_57 = arith.addi %multiple_of3A, %mul3A_56 : i32
        %multiple_of3A_58 = tpu.assume_multiple %add3A_57, 128 : i32
        %dma_start3A_59 = arith.constant 0 : i32
        %dma_start3A_60 = tpu.memref_slice %arg2[%multiple_of3A_58, %dma_start3A_59] : memref<163840x128xf32, #tpu.memory_space<hbm>> -> memref<128x128xf32, #tpu.memory_space<hbm>>
        %dma_start3A_61 = arith.constant 0 : i32
        %dma_start3A_62 = tpu.memref_slice %arg2[%multiple_of3A_58, %dma_start3A_61] : memref<163840x128xf32, #tpu.memory_space<hbm>> -> memref<128x128xf32, #tpu.memory_space<hbm>>
        tpu.enqueue_dma source(%dma_start3A_62 : memref<128x128xf32, #tpu.memory_space<hbm>>) target(%arg9 : memref<128x128xf32, #tpu.memory_space<vmem>>) target_semaphore(%arg11 : memref<!tpu.dma_semaphore, #tpu.memory_space<semaphore_mem>>)
      } else {
      }
      %mul3A_27 = arith.constant 128 : i32
      %mul3A_28 = arith.muli %add3A_22, %mul3A_27 : i32
      %add3A_29 = arith.addi %multiple_of3A, %mul3A_28 : i32
      %multiple_of3A_30 = tpu.assume_multiple %add3A_29, 128 : i32
      %dma_wait3A = arith.constant 0 : i32
      %dma_wait3A_31 = tpu.memref_slice %arg2[%multiple_of3A_30, %dma_wait3A] : memref<163840x128xf32, #tpu.memory_space<hbm>> -> memref<128x128xf32, #tpu.memory_space<hbm>>
      %dma_wait3A_32 = arith.constant 0 : i32
      %dma_wait3A_33 = tpu.memref_slice %arg2[%multiple_of3A_30, %dma_wait3A_32] : memref<163840x128xf32, #tpu.memory_space<hbm>> -> memref<128x128xf32, #tpu.memory_space<hbm>>
      tpu.wait_dma2 semaphore(%arg10 : memref<!tpu.dma_semaphore, #tpu.memory_space<semaphore_mem>>) src(%dma_wait3A_33 : memref<128x128xf32, #tpu.memory_space<hbm>>) dst(%arg8 : memref<128x128xf32, #tpu.memory_space<vmem>>)
      "tpu.region"() ({
        %run_scoped3A = tpu.sem_alloc : memref<!tpu.dma_semaphore, #tpu.memory_space<semaphore_mem>>
        %dma_start3A_53 = arith.constant 0 : i32
        %dma_start3A_54 = tpu.memref_slice %arg7[%add3A_22, %dma_start3A_53] : memref<40x128xi32, #tpu.memory_space<vmem>> -> memref<1x128xi32, #tpu.memory_space<vmem>>
        %dma_start3A_55 = tpu.memref_squeeze %dma_start3A_54 : memref<1x128xi32, #tpu.memory_space<vmem>> -> memref<128xi32, #tpu.memory_space<vmem>>
        %dma_start3A_56 = arith.constant 0 : i32
        %dma_start3A_57 = arith.constant 0 : i32
        %dma_start3A_58 = tpu.memref_slice %arg6[%dma_start3A_56, %dma_start3A_57] : memref<10112x128xf32, #tpu.memory_space<vmem_shared>> -> memref<10112x128xf32, #tpu.memory_space<vmem_shared>>
        tpu.enqueue_indirect_dma source(%arg8 : memref<128x128xf32, #tpu.memory_space<vmem>>) target(%dma_start3A_58 : memref<10112x128xf32, #tpu.memory_space<vmem_shared>>) offsets(%dma_start3A_55 : memref<128xi32, #tpu.memory_space<vmem>>) semaphore(%run_scoped3A : memref<!tpu.dma_semaphore, #tpu.memory_space<semaphore_mem>>) {add = true}
        %dma_wait3A_59 = arith.constant 0 : i32
        %dma_wait3A_60 = tpu.memref_slice %arg7[%add3A_22, %dma_wait3A_59] : memref<40x128xi32, #tpu.memory_space<vmem>> -> memref<1x128xi32, #tpu.memory_space<vmem>>
        %dma_wait3A_61 = tpu.memref_squeeze %dma_wait3A_60 : memref<1x128xi32, #tpu.memory_space<vmem>> -> memref<128xi32, #tpu.memory_space<vmem>>
        %dma_wait3A_62 = arith.constant 0 : i32
        %dma_wait3A_63 = arith.constant 0 : i32
        %dma_wait3A_64 = tpu.memref_slice %arg6[%dma_wait3A_62, %dma_wait3A_63] : memref<10112x128xf32, #tpu.memory_space<vmem_shared>> -> memref<10112x128xf32, #tpu.memory_space<vmem_shared>>
        tpu.wait_indirect_dma semaphore(%run_scoped3A : memref<!tpu.dma_semaphore, #tpu.memory_space<semaphore_mem>>) src(%arg8 : memref<128x128xf32, #tpu.memory_space<vmem>>) dst(%dma_wait3A_64 : memref<10112x128xf32, #tpu.memory_space<vmem_shared>>)
        tpu.yield
      }) : () -> ()
      %mul3A_34 = arith.constant 2 : i32
      %mul3A_35 = arith.muli %scan3A_18, %mul3A_34 : i32
      %add3A_36 = arith.constant 1 : i32
      %add3A_37 = arith.addi %mul3A_35, %add3A_36 : i32
      %add3A_38 = arith.constant 1 : i32
      %add3A_39 = arith.addi %add3A_37, %add3A_38 : i32
      %lt3A_40 = arith.constant 40 : i32
      %lt3A_41 = arith.cmpi slt, %add3A_39, %lt3A_40 : i32
      %convert_element_type3A_42 = arith.extui %lt3A_41 : i1 to i32
      %cond3A_43 = arith.constant 0 : i32
      %cond3A_44 = arith.cmpi ne, %convert_element_type3A_42, %cond3A_43 : i32
      scf.if %cond3A_44 {
        %add3A_53 = arith.constant 1 : i32
        %add3A_54 = arith.addi %add3A_37, %add3A_53 : i32
        %mul3A_55 = arith.constant 128 : i32
        %mul3A_56 = arith.muli %add3A_54, %mul3A_55 : i32
        %add3A_57 = arith.addi %multiple_of3A, %mul3A_56 : i32
        %multiple_of3A_58 = tpu.assume_multiple %add3A_57, 128 : i32
        %dma_start3A_59 = arith.constant 0 : i32
        %dma_start3A_60 = tpu.memref_slice %arg2[%multiple_of3A_58, %dma_start3A_59] : memref<163840x128xf32, #tpu.memory_space<hbm>> -> memref<128x128xf32, #tpu.memory_space<hbm>>
        %dma_start3A_61 = arith.constant 0 : i32
        %dma_start3A_62 = tpu.memref_slice %arg2[%multiple_of3A_58, %dma_start3A_61] : memref<163840x128xf32, #tpu.memory_space<hbm>> -> memref<128x128xf32, #tpu.memory_space<hbm>>
        tpu.enqueue_dma source(%dma_start3A_62 : memref<128x128xf32, #tpu.memory_space<hbm>>) target(%arg8 : memref<128x128xf32, #tpu.memory_space<vmem>>) target_semaphore(%arg10 : memref<!tpu.dma_semaphore, #tpu.memory_space<semaphore_mem>>)
      } else {
      }
      %mul3A_45 = arith.constant 128 : i32
      %mul3A_46 = arith.muli %add3A_37, %mul3A_45 : i32
      %add3A_47 = arith.addi %multiple_of3A, %mul3A_46 : i32
      %multiple_of3A_48 = tpu.assume_multiple %add3A_47, 128 : i32
      %dma_wait3A_49 = arith.constant 0 : i32
      %dma_wait3A_50 = tpu.memref_slice %arg2[%multiple_of3A_48, %dma_wait3A_49] : memref<163840x128xf32, #tpu.memory_space<hbm>> -> memref<128x128xf32, #tpu.memory_space<hbm>>
      %dma_wait3A_51 = arith.constant 0 : i32
      %dma_wait3A_52 = tpu.memref_slice %arg2[%multiple_of3A_48, %dma_wait3A_51] : memref<163840x128xf32, #tpu.memory_space<hbm>> -> memref<128x128xf32, #tpu.memory_space<hbm>>
      tpu.wait_dma2 semaphore(%arg11 : memref<!tpu.dma_semaphore, #tpu.memory_space<semaphore_mem>>) src(%dma_wait3A_52 : memref<128x128xf32, #tpu.memory_space<hbm>>) dst(%arg9 : memref<128x128xf32, #tpu.memory_space<vmem>>)
      "tpu.region"() ({
        %run_scoped3A = tpu.sem_alloc : memref<!tpu.dma_semaphore, #tpu.memory_space<semaphore_mem>>
        %dma_start3A_53 = arith.constant 0 : i32
        %dma_start3A_54 = tpu.memref_slice %arg7[%add3A_37, %dma_start3A_53] : memref<40x128xi32, #tpu.memory_space<vmem>> -> memref<1x128xi32, #tpu.memory_space<vmem>>
        %dma_start3A_55 = tpu.memref_squeeze %dma_start3A_54 : memref<1x128xi32, #tpu.memory_space<vmem>> -> memref<128xi32, #tpu.memory_space<vmem>>
        %dma_start3A_56 = arith.constant 0 : i32
        %dma_start3A_57 = arith.constant 0 : i32
        %dma_start3A_58 = tpu.memref_slice %arg6[%dma_start3A_56, %dma_start3A_57] : memref<10112x128xf32, #tpu.memory_space<vmem_shared>> -> memref<10112x128xf32, #tpu.memory_space<vmem_shared>>
        tpu.enqueue_indirect_dma source(%arg9 : memref<128x128xf32, #tpu.memory_space<vmem>>) target(%dma_start3A_58 : memref<10112x128xf32, #tpu.memory_space<vmem_shared>>) offsets(%dma_start3A_55 : memref<128xi32, #tpu.memory_space<vmem>>) semaphore(%run_scoped3A : memref<!tpu.dma_semaphore, #tpu.memory_space<semaphore_mem>>) {add = true}
        %dma_wait3A_59 = arith.constant 0 : i32
        %dma_wait3A_60 = tpu.memref_slice %arg7[%add3A_37, %dma_wait3A_59] : memref<40x128xi32, #tpu.memory_space<vmem>> -> memref<1x128xi32, #tpu.memory_space<vmem>>
        %dma_wait3A_61 = tpu.memref_squeeze %dma_wait3A_60 : memref<1x128xi32, #tpu.memory_space<vmem>> -> memref<128xi32, #tpu.memory_space<vmem>>
        %dma_wait3A_62 = arith.constant 0 : i32
        %dma_wait3A_63 = arith.constant 0 : i32
        %dma_wait3A_64 = tpu.memref_slice %arg6[%dma_wait3A_62, %dma_wait3A_63] : memref<10112x128xf32, #tpu.memory_space<vmem_shared>> -> memref<10112x128xf32, #tpu.memory_space<vmem_shared>>
        tpu.wait_indirect_dma semaphore(%run_scoped3A : memref<!tpu.dma_semaphore, #tpu.memory_space<semaphore_mem>>) src(%arg9 : memref<128x128xf32, #tpu.memory_space<vmem>>) dst(%dma_wait3A_64 : memref<10112x128xf32, #tpu.memory_space<vmem_shared>>)
        tpu.yield
      }) : () -> ()
    }
    %scan3A_16 = arith.constant 20 : i32
    %barrier3A_17 = arith.constant 0 : index
    tpu.barrier barrier_id(%barrier3A_17)
    "tpu.region"() ({
      %run_scoped3A = tpu.sem_alloc : memref<!tpu.dma_semaphore, #tpu.memory_space<semaphore_mem>>
      %dma_start3A_18 = arith.constant 0 : i32
      %dma_start3A_19 = arith.constant 0 : i32
      %dma_start3A_20 = tpu.memref_slice %arg5[%arg0, %dma_start3A_18, %dma_start3A_19] : memref<2x10112x128xf32, #tpu.memory_space<hbm>> -> memref<1x10112x128xf32, #tpu.memory_space<hbm>>
      %dma_start3A_21 = tpu.memref_squeeze %dma_start3A_20 : memref<1x10112x128xf32, #tpu.memory_space<hbm>> -> memref<10112x128xf32, #tpu.memory_space<hbm>>
      %dma_start3A_22 = arith.constant 0 : i32
      %dma_start3A_23 = tpu.memref_slice %dma_start3A_21[%multiple_of3A_5, %dma_start3A_22] : memref<10112x128xf32, #tpu.memory_space<hbm>> -> memref<632x128xf32, #tpu.memory_space<hbm>>
      %dma_start3A_24 = arith.constant 0 : i32
      %dma_start3A_25 = tpu.memref_slice %arg6[%multiple_of3A_5, %dma_start3A_24] : memref<10112x128xf32, #tpu.memory_space<vmem_shared>> -> memref<632x128xf32, #tpu.memory_space<vmem_shared>>
      tpu.enqueue_dma source(%dma_start3A_25 : memref<632x128xf32, #tpu.memory_space<vmem_shared>>) target(%dma_start3A_23 : memref<632x128xf32, #tpu.memory_space<hbm>>) target_semaphore(%run_scoped3A : memref<!tpu.dma_semaphore, #tpu.memory_space<semaphore_mem>>)
      %dma_wait3A = arith.constant 0 : i32
      %dma_wait3A_26 = arith.constant 0 : i32
      %dma_wait3A_27 = tpu.memref_slice %arg5[%arg0, %dma_wait3A, %dma_wait3A_26] : memref<2x10112x128xf32, #tpu.memory_space<hbm>> -> memref<1x10112x128xf32, #tpu.memory_space<hbm>>
      %dma_wait3A_28 = tpu.memref_squeeze %dma_wait3A_27 : memref<1x10112x128xf32, #tpu.memory_space<hbm>> -> memref<10112x128xf32, #tpu.memory_space<hbm>>
      %dma_wait3A_29 = arith.constant 0 : i32
      %dma_wait3A_30 = tpu.memref_slice %dma_wait3A_28[%multiple_of3A_5, %dma_wait3A_29] : memref<10112x128xf32, #tpu.memory_space<hbm>> -> memref<632x128xf32, #tpu.memory_space<hbm>>
      %dma_wait3A_31 = arith.constant 0 : i32
      %dma_wait3A_32 = tpu.memref_slice %arg6[%multiple_of3A_5, %dma_wait3A_31] : memref<10112x128xf32, #tpu.memory_space<vmem_shared>> -> memref<632x128xf32, #tpu.memory_space<vmem_shared>>
      tpu.wait_dma2 semaphore(%run_scoped3A : memref<!tpu.dma_semaphore, #tpu.memory_space<semaphore_mem>>) src(%dma_wait3A_32 : memref<632x128xf32, #tpu.memory_space<vmem_shared>>) dst(%dma_wait3A_30 : memref<632x128xf32, #tpu.memory_space<hbm>>)
      tpu.yield
    }) : () -> ()
    return
  }
}

#map = affine_map<(d0, d1) -> (0)>
module attributes {stable_mosaic.version = 14 : i64} {
  func.func @_d2_body(%arg0: i32, %arg1: i32, %arg2: memref<40000xf32, #tpu.memory_space<hbm>>, %arg3: memref<10000xi32, #tpu.memory_space<hbm>>, %arg4: memref<1024xf32, #tpu.memory_space<hbm>>, %arg5: memref<655360xf32, #tpu.memory_space<hbm>>, %arg6: memref<163840xi32, #tpu.memory_space<hbm>>, %arg7: memref<163840xi32, #tpu.memory_space<hbm>>, %arg8: memref<163840xf32, #tpu.memory_space<hbm>>, %arg9: memref<40000xf32, #tpu.memory_space<vmem>>, %arg10: memref<10000xi32, #tpu.memory_space<vmem>>, %arg11: memref<1024xf32, #tpu.memory_space<vmem>>, %arg12: memref<20480xf32, #tpu.memory_space<vmem>>, %arg13: memref<5120xi32, #tpu.memory_space<vmem>>, %arg14: memref<5120xi32, #tpu.memory_space<vmem>>, %arg15: memref<128xf32, #tpu.memory_space<vmem>>) attributes {dimension_semantics = [#tpu.dimension_semantics<core_parallel>, #tpu.dimension_semantics<subcore_parallel>], iteration_bounds = array<i64: 2, 16>, scalar_prefetch = 0 : i64, scratch_operands = 7 : i64, tpu.core_type = #tpu.core_type<sc_vector_subcore>, window_params = [{transform_indices = #map}, {transform_indices = #map}, {transform_indices = #map}, {transform_indices = #map}, {transform_indices = #map}, {transform_indices = #map}, {transform_indices = #map}]} {
    %mul3A = arith.constant 2 : i32
    %mul3A_0 = arith.muli %arg1, %mul3A : i32
    %add3A = arith.addi %mul3A_0, %arg0 : i32
    %mul3A_1 = arith.constant 5120 : i32
    %mul3A_2 = arith.muli %add3A, %mul3A_1 : i32
    %multiple_of3A = tpu.assume_multiple %mul3A_2, 128 : i32
    "tpu.region"() ({
      %run_scoped3A = tpu.sem_alloc : memref<!tpu.dma_semaphore, #tpu.memory_space<semaphore_mem>>
      tpu.enqueue_dma source(%arg2 : memref<40000xf32, #tpu.memory_space<hbm>>) target(%arg9 : memref<40000xf32, #tpu.memory_space<vmem>>) target_semaphore(%run_scoped3A : memref<!tpu.dma_semaphore, #tpu.memory_space<semaphore_mem>>)
      tpu.wait_dma2 semaphore(%run_scoped3A : memref<!tpu.dma_semaphore, #tpu.memory_space<semaphore_mem>>) src(%arg2 : memref<40000xf32, #tpu.memory_space<hbm>>) dst(%arg9 : memref<40000xf32, #tpu.memory_space<vmem>>)
      tpu.yield
    }) : () -> ()
    "tpu.region"() ({
      %run_scoped3A = tpu.sem_alloc : memref<!tpu.dma_semaphore, #tpu.memory_space<semaphore_mem>>
      tpu.enqueue_dma source(%arg3 : memref<10000xi32, #tpu.memory_space<hbm>>) target(%arg10 : memref<10000xi32, #tpu.memory_space<vmem>>) target_semaphore(%run_scoped3A : memref<!tpu.dma_semaphore, #tpu.memory_space<semaphore_mem>>)
      tpu.wait_dma2 semaphore(%run_scoped3A : memref<!tpu.dma_semaphore, #tpu.memory_space<semaphore_mem>>) src(%arg3 : memref<10000xi32, #tpu.memory_space<hbm>>) dst(%arg10 : memref<10000xi32, #tpu.memory_space<vmem>>)
      tpu.yield
    }) : () -> ()
    "tpu.region"() ({
      %run_scoped3A = tpu.sem_alloc : memref<!tpu.dma_semaphore, #tpu.memory_space<semaphore_mem>>
      tpu.enqueue_dma source(%arg4 : memref<1024xf32, #tpu.memory_space<hbm>>) target(%arg11 : memref<1024xf32, #tpu.memory_space<vmem>>) target_semaphore(%run_scoped3A : memref<!tpu.dma_semaphore, #tpu.memory_space<semaphore_mem>>)
      tpu.wait_dma2 semaphore(%run_scoped3A : memref<!tpu.dma_semaphore, #tpu.memory_space<semaphore_mem>>) src(%arg4 : memref<1024xf32, #tpu.memory_space<hbm>>) dst(%arg11 : memref<1024xf32, #tpu.memory_space<vmem>>)
      tpu.yield
    }) : () -> ()
    "tpu.region"() ({
      %run_scoped3A = tpu.sem_alloc : memref<!tpu.dma_semaphore, #tpu.memory_space<semaphore_mem>>
      %dma_start3A = tpu.memref_slice %arg6[%multiple_of3A] : memref<163840xi32, #tpu.memory_space<hbm>> -> memref<5120xi32, #tpu.memory_space<hbm>>
      %dma_start3A_10 = tpu.memref_slice %arg6[%multiple_of3A] : memref<163840xi32, #tpu.memory_space<hbm>> -> memref<5120xi32, #tpu.memory_space<hbm>>
      tpu.enqueue_dma source(%dma_start3A_10 : memref<5120xi32, #tpu.memory_space<hbm>>) target(%arg13 : memref<5120xi32, #tpu.memory_space<vmem>>) target_semaphore(%run_scoped3A : memref<!tpu.dma_semaphore, #tpu.memory_space<semaphore_mem>>)
      %dma_wait3A = tpu.memref_slice %arg6[%multiple_of3A] : memref<163840xi32, #tpu.memory_space<hbm>> -> memref<5120xi32, #tpu.memory_space<hbm>>
      %dma_wait3A_11 = tpu.memref_slice %arg6[%multiple_of3A] : memref<163840xi32, #tpu.memory_space<hbm>> -> memref<5120xi32, #tpu.memory_space<hbm>>
      tpu.wait_dma2 semaphore(%run_scoped3A : memref<!tpu.dma_semaphore, #tpu.memory_space<semaphore_mem>>) src(%dma_wait3A_11 : memref<5120xi32, #tpu.memory_space<hbm>>) dst(%arg13 : memref<5120xi32, #tpu.memory_space<vmem>>)
      tpu.yield
    }) : () -> ()
    "tpu.region"() ({
      %run_scoped3A = tpu.sem_alloc : memref<!tpu.dma_semaphore, #tpu.memory_space<semaphore_mem>>
      %dma_start3A = tpu.memref_slice %arg7[%multiple_of3A] : memref<163840xi32, #tpu.memory_space<hbm>> -> memref<5120xi32, #tpu.memory_space<hbm>>
      %dma_start3A_10 = tpu.memref_slice %arg7[%multiple_of3A] : memref<163840xi32, #tpu.memory_space<hbm>> -> memref<5120xi32, #tpu.memory_space<hbm>>
      tpu.enqueue_dma source(%dma_start3A_10 : memref<5120xi32, #tpu.memory_space<hbm>>) target(%arg14 : memref<5120xi32, #tpu.memory_space<vmem>>) target_semaphore(%run_scoped3A : memref<!tpu.dma_semaphore, #tpu.memory_space<semaphore_mem>>)
      %dma_wait3A = tpu.memref_slice %arg7[%multiple_of3A] : memref<163840xi32, #tpu.memory_space<hbm>> -> memref<5120xi32, #tpu.memory_space<hbm>>
      %dma_wait3A_11 = tpu.memref_slice %arg7[%multiple_of3A] : memref<163840xi32, #tpu.memory_space<hbm>> -> memref<5120xi32, #tpu.memory_space<hbm>>
      tpu.wait_dma2 semaphore(%run_scoped3A : memref<!tpu.dma_semaphore, #tpu.memory_space<semaphore_mem>>) src(%dma_wait3A_11 : memref<5120xi32, #tpu.memory_space<hbm>>) dst(%arg14 : memref<5120xi32, #tpu.memory_space<vmem>>)
      tpu.yield
    }) : () -> ()
    %mul3A_3 = arith.constant 4 : i32
    %mul3A_4 = arith.muli %multiple_of3A, %mul3A_3 : i32
    "tpu.region"() ({
      %run_scoped3A = tpu.sem_alloc : memref<!tpu.dma_semaphore, #tpu.memory_space<semaphore_mem>>
      %dma_start3A = tpu.memref_slice %arg5[%mul3A_4] : memref<655360xf32, #tpu.memory_space<hbm>> -> memref<20480xf32, #tpu.memory_space<hbm>>
      %dma_start3A_10 = tpu.memref_slice %arg5[%mul3A_4] : memref<655360xf32, #tpu.memory_space<hbm>> -> memref<20480xf32, #tpu.memory_space<hbm>>
      tpu.enqueue_dma source(%dma_start3A_10 : memref<20480xf32, #tpu.memory_space<hbm>>) target(%arg12 : memref<20480xf32, #tpu.memory_space<vmem>>) target_semaphore(%run_scoped3A : memref<!tpu.dma_semaphore, #tpu.memory_space<semaphore_mem>>)
      %dma_wait3A = tpu.memref_slice %arg5[%mul3A_4] : memref<655360xf32, #tpu.memory_space<hbm>> -> memref<20480xf32, #tpu.memory_space<hbm>>
      %dma_wait3A_11 = tpu.memref_slice %arg5[%mul3A_4] : memref<655360xf32, #tpu.memory_space<hbm>> -> memref<20480xf32, #tpu.memory_space<hbm>>
      tpu.wait_dma2 semaphore(%run_scoped3A : memref<!tpu.dma_semaphore, #tpu.memory_space<semaphore_mem>>) src(%dma_wait3A_11 : memref<20480xf32, #tpu.memory_space<hbm>>) dst(%arg12 : memref<20480xf32, #tpu.memory_space<vmem>>)
      tpu.yield
    }) : () -> ()
    %scan3A = arith.constant 0 : i32
    %scan3A_5 = arith.constant 0 : i32
    %scan3A_6 = arith.constant 40 : i32
    %scan3A_7 = arith.addi %scan3A_5, %scan3A_6 : i32
    %scan3A_8 = arith.constant 1 : i32
    scf.for %scan3A_10 = %scan3A_5 to %scan3A_7 step %scan3A_8  : i32 {
      %mul3A_11 = arith.constant 128 : i32
      %mul3A_12 = arith.muli %scan3A_10, %mul3A_11 : i32
      %add3A_13 = arith.constant 0 : i32
      %add3A_14 = arith.addi %mul3A_12, %add3A_13 : i32
      %get3A = arith.index_cast %add3A_14 : i32 to index
      %get3A_15 = tpu.vector_load %arg13[%get3A] {strides = array<i32>} : memref<5120xi32, #tpu.memory_space<vmem>>, vector<16xi32>,
      %mul3A_16 = arith.constant 4 : i32
      %mul3A_17 = vector.broadcast %mul3A_16 : i32 to vector<16xi32>
      %mul3A_18 = arith.muli %get3A_15, %mul3A_17 : vector<16xi32>
      %get3A_19 = arith.index_cast %add3A_14 : i32 to index
      %get3A_20 = tpu.vector_load %arg14[%get3A_19] {strides = array<i32>} : memref<5120xi32, #tpu.memory_space<vmem>>, vector<16xi32>,
      %mul3A_21 = arith.constant 4 : i32
      %mul3A_22 = vector.broadcast %mul3A_21 : i32 to vector<16xi32>
      %mul3A_23 = arith.muli %get3A_20, %mul3A_22 : vector<16xi32>
      %gather3A = tpu.vector_load_idx %arg9[%mul3A_18] : memref<40000xf32, #tpu.memory_space<vmem>>[vector<16xi32>], vector<16xf32>,
      %add3A_24 = arith.constant 1 : i32
      %add3A_25 = vector.broadcast %add3A_24 : i32 to vector<16xi32>
      %add3A_26 = arith.addi %mul3A_18, %add3A_25 : vector<16xi32>
      %gather3A_27 = tpu.vector_load_idx %arg9[%add3A_26] : memref<40000xf32, #tpu.memory_space<vmem>>[vector<16xi32>], vector<16xf32>,
      %add3A_28 = arith.constant 2 : i32
      %add3A_29 = vector.broadcast %add3A_28 : i32 to vector<16xi32>
      %add3A_30 = arith.addi %mul3A_18, %add3A_29 : vector<16xi32>
      %gather3A_31 = tpu.vector_load_idx %arg9[%add3A_30] : memref<40000xf32, #tpu.memory_space<vmem>>[vector<16xi32>], vector<16xf32>,
      %gather3A_32 = tpu.vector_load_idx %arg9[%mul3A_23] : memref<40000xf32, #tpu.memory_space<vmem>>[vector<16xi32>], vector<16xf32>,
      %add3A_33 = arith.constant 1 : i32
      %add3A_34 = vector.broadcast %add3A_33 : i32 to vector<16xi32>
      %add3A_35 = arith.addi %mul3A_23, %add3A_34 : vector<16xi32>
      %gather3A_36 = tpu.vector_load_idx %arg9[%add3A_35] : memref<40000xf32, #tpu.memory_space<vmem>>[vector<16xi32>], vector<16xf32>,
      %add3A_37 = arith.constant 2 : i32
      %add3A_38 = vector.broadcast %add3A_37 : i32 to vector<16xi32>
      %add3A_39 = arith.addi %mul3A_23, %add3A_38 : vector<16xi32>
      %gather3A_40 = tpu.vector_load_idx %arg9[%add3A_39] : memref<40000xf32, #tpu.memory_space<vmem>>[vector<16xi32>], vector<16xf32>,
      %get3A_41 = arith.index_cast %add3A_14 : i32 to index
      %get3A_42 = tpu.vector_load %arg13[%get3A_41] {strides = array<i32>} : memref<5120xi32, #tpu.memory_space<vmem>>, vector<16xi32>,
      %gather3A_43 = tpu.vector_load_idx %arg10[%get3A_42] : memref<10000xi32, #tpu.memory_space<vmem>>[vector<16xi32>], vector<16xi32>,
      %mul3A_44 = arith.constant 16 : i32
      %mul3A_45 = vector.broadcast %mul3A_44 : i32 to vector<16xi32>
      %mul3A_46 = arith.muli %gather3A_43, %mul3A_45 : vector<16xi32>
      %add3A_47 = arith.constant 0 : i32
      %add3A_48 = vector.broadcast %add3A_47 : i32 to vector<16xi32>
      %add3A_49 = arith.addi %mul3A_46, %add3A_48 : vector<16xi32>
      %gather3A_50 = tpu.vector_load_idx %arg11[%add3A_49] : memref<1024xf32, #tpu.memory_space<vmem>>[vector<16xi32>], vector<16xf32>,
      %add3A_51 = arith.constant 1 : i32
      %add3A_52 = vector.broadcast %add3A_51 : i32 to vector<16xi32>
      %add3A_53 = arith.addi %mul3A_46, %add3A_52 : vector<16xi32>
      %gather3A_54 = tpu.vector_load_idx %arg11[%add3A_53] : memref<1024xf32, #tpu.memory_space<vmem>>[vector<16xi32>], vector<16xf32>,
      %add3A_55 = arith.constant 2 : i32
      %add3A_56 = vector.broadcast %add3A_55 : i32 to vector<16xi32>
      %add3A_57 = arith.addi %mul3A_46, %add3A_56 : vector<16xi32>
      %gather3A_58 = tpu.vector_load_idx %arg11[%add3A_57] : memref<1024xf32, #tpu.memory_space<vmem>>[vector<16xi32>], vector<16xf32>,
      %add3A_59 = arith.constant 3 : i32
      %add3A_60 = vector.broadcast %add3A_59 : i32 to vector<16xi32>
      %add3A_61 = arith.addi %mul3A_46, %add3A_60 : vector<16xi32>
      %gather3A_62 = tpu.vector_load_idx %arg11[%add3A_61] : memref<1024xf32, #tpu.memory_space<vmem>>[vector<16xi32>], vector<16xf32>,
      %add3A_63 = arith.constant 4 : i32
      %add3A_64 = vector.broadcast %add3A_63 : i32 to vector<16xi32>
      %add3A_65 = arith.addi %mul3A_46, %add3A_64 : vector<16xi32>
      %gather3A_66 = tpu.vector_load_idx %arg11[%add3A_65] : memref<1024xf32, #tpu.memory_space<vmem>>[vector<16xi32>], vector<16xf32>,
      %add3A_67 = arith.constant 5 : i32
      %add3A_68 = vector.broadcast %add3A_67 : i32 to vector<16xi32>
      %add3A_69 = arith.addi %mul3A_46, %add3A_68 : vector<16xi32>
      %gather3A_70 = tpu.vector_load_idx %arg11[%add3A_69] : memref<1024xf32, #tpu.memory_space<vmem>>[vector<16xi32>], vector<16xf32>,
      %add3A_71 = arith.constant 6 : i32
      %add3A_72 = vector.broadcast %add3A_71 : i32 to vector<16xi32>
      %add3A_73 = arith.addi %mul3A_46, %add3A_72 : vector<16xi32>
      %gather3A_74 = tpu.vector_load_idx %arg11[%add3A_73] : memref<1024xf32, #tpu.memory_space<vmem>>[vector<16xi32>], vector<16xf32>,
      %add3A_75 = arith.constant 7 : i32
      %add3A_76 = vector.broadcast %add3A_75 : i32 to vector<16xi32>
      %add3A_77 = arith.addi %mul3A_46, %add3A_76 : vector<16xi32>
      %gather3A_78 = tpu.vector_load_idx %arg11[%add3A_77] : memref<1024xf32, #tpu.memory_space<vmem>>[vector<16xi32>], vector<16xf32>,
      %add3A_79 = arith.constant 8 : i32
      %add3A_80 = vector.broadcast %add3A_79 : i32 to vector<16xi32>
      %add3A_81 = arith.addi %mul3A_46, %add3A_80 : vector<16xi32>
      %gather3A_82 = tpu.vector_load_idx %arg11[%add3A_81] : memref<1024xf32, #tpu.memory_space<vmem>>[vector<16xi32>], vector<16xf32>,
      %iota3A = tpu.iota {dimensions = array<i32: 0>} : vector<16xi32>
      %add3A_83 = vector.broadcast %add3A_14 : i32 to vector<16xi32>
      %add3A_84 = arith.addi %iota3A, %add3A_83 : vector<16xi32>
      %mul3A_85 = arith.constant 4 : i32
      %mul3A_86 = vector.broadcast %mul3A_85 : i32 to vector<16xi32>
      %mul3A_87 = arith.muli %add3A_84, %mul3A_86 : vector<16xi32>
      %gather3A_88 = tpu.vector_load_idx %arg12[%mul3A_87] : memref<20480xf32, #tpu.memory_space<vmem>>[vector<16xi32>], vector<16xf32>,
      %add3A_89 = arith.constant 1 : i32
      %add3A_90 = vector.broadcast %add3A_89 : i32 to vector<16xi32>
      %add3A_91 = arith.addi %mul3A_87, %add3A_90 : vector<16xi32>
      %gather3A_92 = tpu.vector_load_idx %arg12[%add3A_91] : memref<20480xf32, #tpu.memory_space<vmem>>[vector<16xi32>], vector<16xf32>,
      %add3A_93 = arith.constant 2 : i32
      %add3A_94 = vector.broadcast %add3A_93 : i32 to vector<16xi32>
      %add3A_95 = arith.addi %mul3A_87, %add3A_94 : vector<16xi32>
      %gather3A_96 = tpu.vector_load_idx %arg12[%add3A_95] : memref<20480xf32, #tpu.memory_space<vmem>>[vector<16xi32>], vector<16xf32>,
      %sub3A = arith.subf %gather3A_32, %gather3A : vector<16xf32>
      %mul3A_97 = arith.mulf %gather3A_88, %gather3A_50 : vector<16xf32>
      %add3A_98 = arith.addf %sub3A, %mul3A_97 : vector<16xf32>
      %mul3A_99 = arith.mulf %gather3A_92, %gather3A_62 : vector<16xf32>
      %add3A_100 = arith.addf %add3A_98, %mul3A_99 : vector<16xf32>
      %mul3A_101 = arith.mulf %gather3A_96, %gather3A_74 : vector<16xf32>
      %add3A_102 = arith.addf %add3A_100, %mul3A_101 : vector<16xf32>
      %sub3A_103 = arith.subf %gather3A_36, %gather3A_27 : vector<16xf32>
      %mul3A_104 = arith.mulf %gather3A_88, %gather3A_54 : vector<16xf32>
      %add3A_105 = arith.addf %sub3A_103, %mul3A_104 : vector<16xf32>
      %mul3A_106 = arith.mulf %gather3A_92, %gather3A_66 : vector<16xf32>
      %add3A_107 = arith.addf %add3A_105, %mul3A_106 : vector<16xf32>
      %mul3A_108 = arith.mulf %gather3A_96, %gather3A_78 : vector<16xf32>
      %add3A_109 = arith.addf %add3A_107, %mul3A_108 : vector<16xf32>
      %sub3A_110 = arith.subf %gather3A_40, %gather3A_31 : vector<16xf32>
      %mul3A_111 = arith.mulf %gather3A_88, %gather3A_58 : vector<16xf32>
      %add3A_112 = arith.addf %sub3A_110, %mul3A_111 : vector<16xf32>
      %mul3A_113 = arith.mulf %gather3A_92, %gather3A_70 : vector<16xf32>
      %add3A_114 = arith.addf %add3A_112, %mul3A_113 : vector<16xf32>
      %mul3A_115 = arith.mulf %gather3A_96, %gather3A_82 : vector<16xf32>
      %add3A_116 = arith.addf %add3A_114, %mul3A_115 : vector<16xf32>
      %mul3A_117 = arith.mulf %add3A_102, %add3A_102 : vector<16xf32>
      %mul3A_118 = arith.mulf %add3A_109, %add3A_109 : vector<16xf32>
      %add3A_119 = arith.addf %mul3A_117, %mul3A_118 : vector<16xf32>
      %mul3A_120 = arith.mulf %add3A_116, %add3A_116 : vector<16xf32>
      %add3A_121 = arith.addf %add3A_119, %mul3A_120 : vector<16xf32>
      %swap3A = arith.constant 0 : index
      %swap3A_122 = tpu.vector_load %arg15[%swap3A] {strides = array<i32>} : memref<128xf32, #tpu.memory_space<vmem>>, vector<16xf32>,
      tpu.vector_store %arg15[%swap3A], %add3A_121 {strides = array<i32>} : memref<128xf32, #tpu.memory_space<vmem>>, vector<16xf32>,
      %add3A_123 = arith.constant 16 : i32
      %add3A_124 = arith.addi %mul3A_12, %add3A_123 : i32
      %get3A_125 = arith.index_cast %add3A_124 : i32 to index
      %get3A_126 = tpu.vector_load %arg13[%get3A_125] {strides = array<i32>} : memref<5120xi32, #tpu.memory_space<vmem>>, vector<16xi32>,
      %mul3A_127 = arith.constant 4 : i32
      %mul3A_128 = vector.broadcast %mul3A_127 : i32 to vector<16xi32>
      %mul3A_129 = arith.muli %get3A_126, %mul3A_128 : vector<16xi32>
      %get3A_130 = arith.index_cast %add3A_124 : i32 to index
      %get3A_131 = tpu.vector_load %arg14[%get3A_130] {strides = array<i32>} : memref<5120xi32, #tpu.memory_space<vmem>>, vector<16xi32>,
      %mul3A_132 = arith.constant 4 : i32
      %mul3A_133 = vector.broadcast %mul3A_132 : i32 to vector<16xi32>
      %mul3A_134 = arith.muli %get3A_131, %mul3A_133 : vector<16xi32>
      %gather3A_135 = tpu.vector_load_idx %arg9[%mul3A_129] : memref<40000xf32, #tpu.memory_space<vmem>>[vector<16xi32>], vector<16xf32>,
      %add3A_136 = arith.constant 1 : i32
      %add3A_137 = vector.broadcast %add3A_136 : i32 to vector<16xi32>
      %add3A_138 = arith.addi %mul3A_129, %add3A_137 : vector<16xi32>
      %gather3A_139 = tpu.vector_load_idx %arg9[%add3A_138] : memref<40000xf32, #tpu.memory_space<vmem>>[vector<16xi32>], vector<16xf32>,
      %add3A_140 = arith.constant 2 : i32
      %add3A_141 = vector.broadcast %add3A_140 : i32 to vector<16xi32>
      %add3A_142 = arith.addi %mul3A_129, %add3A_141 : vector<16xi32>
      %gather3A_143 = tpu.vector_load_idx %arg9[%add3A_142] : memref<40000xf32, #tpu.memory_space<vmem>>[vector<16xi32>], vector<16xf32>,
      %gather3A_144 = tpu.vector_load_idx %arg9[%mul3A_134] : memref<40000xf32, #tpu.memory_space<vmem>>[vector<16xi32>], vector<16xf32>,
      %add3A_145 = arith.constant 1 : i32
      %add3A_146 = vector.broadcast %add3A_145 : i32 to vector<16xi32>
      %add3A_147 = arith.addi %mul3A_134, %add3A_146 : vector<16xi32>
      %gather3A_148 = tpu.vector_load_idx %arg9[%add3A_147] : memref<40000xf32, #tpu.memory_space<vmem>>[vector<16xi32>], vector<16xf32>,
      %add3A_149 = arith.constant 2 : i32
      %add3A_150 = vector.broadcast %add3A_149 : i32 to vector<16xi32>
      %add3A_151 = arith.addi %mul3A_134, %add3A_150 : vector<16xi32>
      %gather3A_152 = tpu.vector_load_idx %arg9[%add3A_151] : memref<40000xf32, #tpu.memory_space<vmem>>[vector<16xi32>], vector<16xf32>,
      %get3A_153 = arith.index_cast %add3A_124 : i32 to index
      %get3A_154 = tpu.vector_load %arg13[%get3A_153] {strides = array<i32>} : memref<5120xi32, #tpu.memory_space<vmem>>, vector<16xi32>,
      %gather3A_155 = tpu.vector_load_idx %arg10[%get3A_154] : memref<10000xi32, #tpu.memory_space<vmem>>[vector<16xi32>], vector<16xi32>,
      %mul3A_156 = arith.constant 16 : i32
      %mul3A_157 = vector.broadcast %mul3A_156 : i32 to vector<16xi32>
      %mul3A_158 = arith.muli %gather3A_155, %mul3A_157 : vector<16xi32>
      %add3A_159 = arith.constant 0 : i32
      %add3A_160 = vector.broadcast %add3A_159 : i32 to vector<16xi32>
      %add3A_161 = arith.addi %mul3A_158, %add3A_160 : vector<16xi32>
      %gather3A_162 = tpu.vector_load_idx %arg11[%add3A_161] : memref<1024xf32, #tpu.memory_space<vmem>>[vector<16xi32>], vector<16xf32>,
      %add3A_163 = arith.constant 1 : i32
      %add3A_164 = vector.broadcast %add3A_163 : i32 to vector<16xi32>
      %add3A_165 = arith.addi %mul3A_158, %add3A_164 : vector<16xi32>
      %gather3A_166 = tpu.vector_load_idx %arg11[%add3A_165] : memref<1024xf32, #tpu.memory_space<vmem>>[vector<16xi32>], vector<16xf32>,
      %add3A_167 = arith.constant 2 : i32
      %add3A_168 = vector.broadcast %add3A_167 : i32 to vector<16xi32>
      %add3A_169 = arith.addi %mul3A_158, %add3A_168 : vector<16xi32>
      %gather3A_170 = tpu.vector_load_idx %arg11[%add3A_169] : memref<1024xf32, #tpu.memory_space<vmem>>[vector<16xi32>], vector<16xf32>,
      %add3A_171 = arith.constant 3 : i32
      %add3A_172 = vector.broadcast %add3A_171 : i32 to vector<16xi32>
      %add3A_173 = arith.addi %mul3A_158, %add3A_172 : vector<16xi32>
      %gather3A_174 = tpu.vector_load_idx %arg11[%add3A_173] : memref<1024xf32, #tpu.memory_space<vmem>>[vector<16xi32>], vector<16xf32>,
      %add3A_175 = arith.constant 4 : i32
      %add3A_176 = vector.broadcast %add3A_175 : i32 to vector<16xi32>
      %add3A_177 = arith.addi %mul3A_158, %add3A_176 : vector<16xi32>
      %gather3A_178 = tpu.vector_load_idx %arg11[%add3A_177] : memref<1024xf32, #tpu.memory_space<vmem>>[vector<16xi32>], vector<16xf32>,
      %add3A_179 = arith.constant 5 : i32
      %add3A_180 = vector.broadcast %add3A_179 : i32 to vector<16xi32>
      %add3A_181 = arith.addi %mul3A_158, %add3A_180 : vector<16xi32>
      %gather3A_182 = tpu.vector_load_idx %arg11[%add3A_181] : memref<1024xf32, #tpu.memory_space<vmem>>[vector<16xi32>], vector<16xf32>,
      %add3A_183 = arith.constant 6 : i32
      %add3A_184 = vector.broadcast %add3A_183 : i32 to vector<16xi32>
      %add3A_185 = arith.addi %mul3A_158, %add3A_184 : vector<16xi32>
      %gather3A_186 = tpu.vector_load_idx %arg11[%add3A_185] : memref<1024xf32, #tpu.memory_space<vmem>>[vector<16xi32>], vector<16xf32>,
      %add3A_187 = arith.constant 7 : i32
      %add3A_188 = vector.broadcast %add3A_187 : i32 to vector<16xi32>
      %add3A_189 = arith.addi %mul3A_158, %add3A_188 : vector<16xi32>
      %gather3A_190 = tpu.vector_load_idx %arg11[%add3A_189] : memref<1024xf32, #tpu.memory_space<vmem>>[vector<16xi32>], vector<16xf32>,
      %add3A_191 = arith.constant 8 : i32
      %add3A_192 = vector.broadcast %add3A_191 : i32 to vector<16xi32>
      %add3A_193 = arith.addi %mul3A_158, %add3A_192 : vector<16xi32>
      %gather3A_194 = tpu.vector_load_idx %arg11[%add3A_193] : memref<1024xf32, #tpu.memory_space<vmem>>[vector<16xi32>], vector<16xf32>,
      %iota3A_195 = tpu.iota {dimensions = array<i32: 0>} : vector<16xi32>
      %add3A_196 = vector.broadcast %add3A_124 : i32 to vector<16xi32>
      %add3A_197 = arith.addi %iota3A_195, %add3A_196 : vector<16xi32>
      %mul3A_198 = arith.constant 4 : i32
      %mul3A_199 = vector.broadcast %mul3A_198 : i32 to vector<16xi32>
      %mul3A_200 = arith.muli %add3A_197, %mul3A_199 : vector<16xi32>
      %gather3A_201 = tpu.vector_load_idx %arg12[%mul3A_200] : memref<20480xf32, #tpu.memory_space<vmem>>[vector<16xi32>], vector<16xf32>,
      %add3A_202 = arith.constant 1 : i32
      %add3A_203 = vector.broadcast %add3A_202 : i32 to vector<16xi32>
      %add3A_204 = arith.addi %mul3A_200, %add3A_203 : vector<16xi32>
      %gather3A_205 = tpu.vector_load_idx %arg12[%add3A_204] : memref<20480xf32, #tpu.memory_space<vmem>>[vector<16xi32>], vector<16xf32>,
      %add3A_206 = arith.constant 2 : i32
      %add3A_207 = vector.broadcast %add3A_206 : i32 to vector<16xi32>
      %add3A_208 = arith.addi %mul3A_200, %add3A_207 : vector<16xi32>
      %gather3A_209 = tpu.vector_load_idx %arg12[%add3A_208] : memref<20480xf32, #tpu.memory_space<vmem>>[vector<16xi32>], vector<16xf32>,
      %sub3A_210 = arith.subf %gather3A_144, %gather3A_135 : vector<16xf32>
      %mul3A_211 = arith.mulf %gather3A_201, %gather3A_162 : vector<16xf32>
      %add3A_212 = arith.addf %sub3A_210, %mul3A_211 : vector<16xf32>
      %mul3A_213 = arith.mulf %gather3A_205, %gather3A_174 : vector<16xf32>
      %add3A_214 = arith.addf %add3A_212, %mul3A_213 : vector<16xf32>
      %mul3A_215 = arith.mulf %gather3A_209, %gather3A_186 : vector<16xf32>
      %add3A_216 = arith.addf %add3A_214, %mul3A_215 : vector<16xf32>
      %sub3A_217 = arith.subf %gather3A_148, %gather3A_139 : vector<16xf32>
      %mul3A_218 = arith.mulf %gather3A_201, %gather3A_166 : vector<16xf32>
      %add3A_219 = arith.addf %sub3A_217, %mul3A_218 : vector<16xf32>
      %mul3A_220 = arith.mulf %gather3A_205, %gather3A_178 : vector<16xf32>
      %add3A_221 = arith.addf %add3A_219, %mul3A_220 : vector<16xf32>
      %mul3A_222 = arith.mulf %gather3A_209, %gather3A_190 : vector<16xf32>
      %add3A_223 = arith.addf %add3A_221, %mul3A_222 : vector<16xf32>
      %sub3A_224 = arith.subf %gather3A_152, %gather3A_143 : vector<16xf32>
      %mul3A_225 = arith.mulf %gather3A_201, %gather3A_170 : vector<16xf32>
      %add3A_226 = arith.addf %sub3A_224, %mul3A_225 : vector<16xf32>
      %mul3A_227 = arith.mulf %gather3A_205, %gather3A_182 : vector<16xf32>
      %add3A_228 = arith.addf %add3A_226, %mul3A_227 : vector<16xf32>
      %mul3A_229 = arith.mulf %gather3A_209, %gather3A_194 : vector<16xf32>
      %add3A_230 = arith.addf %add3A_228, %mul3A_229 : vector<16xf32>
      %mul3A_231 = arith.mulf %add3A_216, %add3A_216 : vector<16xf32>
      %mul3A_232 = arith.mulf %add3A_223, %add3A_223 : vector<16xf32>
      %add3A_233 = arith.addf %mul3A_231, %mul3A_232 : vector<16xf32>
      %mul3A_234 = arith.mulf %add3A_230, %add3A_230 : vector<16xf32>
      %add3A_235 = arith.addf %add3A_233, %mul3A_234 : vector<16xf32>
      %swap3A_236 = arith.constant 16 : index
      %swap3A_237 = tpu.vector_load %arg15[%swap3A_236] {strides = array<i32>} : memref<128xf32, #tpu.memory_space<vmem>>, vector<16xf32>,
      tpu.vector_store %arg15[%swap3A_236], %add3A_235 {strides = array<i32>} : memref<128xf32, #tpu.memory_space<vmem>>, vector<16xf32>,
      %add3A_238 = arith.constant 32 : i32
      %add3A_239 = arith.addi %mul3A_12, %add3A_238 : i32
      %get3A_240 = arith.index_cast %add3A_239 : i32 to index
      %get3A_241 = tpu.vector_load %arg13[%get3A_240] {strides = array<i32>} : memref<5120xi32, #tpu.memory_space<vmem>>, vector<16xi32>,
      %mul3A_242 = arith.constant 4 : i32
      %mul3A_243 = vector.broadcast %mul3A_242 : i32 to vector<16xi32>
      %mul3A_244 = arith.muli %get3A_241, %mul3A_243 : vector<16xi32>
      %get3A_245 = arith.index_cast %add3A_239 : i32 to index
      %get3A_246 = tpu.vector_load %arg14[%get3A_245] {strides = array<i32>} : memref<5120xi32, #tpu.memory_space<vmem>>, vector<16xi32>,
      %mul3A_247 = arith.constant 4 : i32
      %mul3A_248 = vector.broadcast %mul3A_247 : i32 to vector<16xi32>
      %mul3A_249 = arith.muli %get3A_246, %mul3A_248 : vector<16xi32>
      %gather3A_250 = tpu.vector_load_idx %arg9[%mul3A_244] : memref<40000xf32, #tpu.memory_space<vmem>>[vector<16xi32>], vector<16xf32>,
      %add3A_251 = arith.constant 1 : i32
      %add3A_252 = vector.broadcast %add3A_251 : i32 to vector<16xi32>
      %add3A_253 = arith.addi %mul3A_244, %add3A_252 : vector<16xi32>
      %gather3A_254 = tpu.vector_load_idx %arg9[%add3A_253] : memref<40000xf32, #tpu.memory_space<vmem>>[vector<16xi32>], vector<16xf32>,
      %add3A_255 = arith.constant 2 : i32
      %add3A_256 = vector.broadcast %add3A_255 : i32 to vector<16xi32>
      %add3A_257 = arith.addi %mul3A_244, %add3A_256 : vector<16xi32>
      %gather3A_258 = tpu.vector_load_idx %arg9[%add3A_257] : memref<40000xf32, #tpu.memory_space<vmem>>[vector<16xi32>], vector<16xf32>,
      %gather3A_259 = tpu.vector_load_idx %arg9[%mul3A_249] : memref<40000xf32, #tpu.memory_space<vmem>>[vector<16xi32>], vector<16xf32>,
      %add3A_260 = arith.constant 1 : i32
      %add3A_261 = vector.broadcast %add3A_260 : i32 to vector<16xi32>
      %add3A_262 = arith.addi %mul3A_249, %add3A_261 : vector<16xi32>
      %gather3A_263 = tpu.vector_load_idx %arg9[%add3A_262] : memref<40000xf32, #tpu.memory_space<vmem>>[vector<16xi32>], vector<16xf32>,
      %add3A_264 = arith.constant 2 : i32
      %add3A_265 = vector.broadcast %add3A_264 : i32 to vector<16xi32>
      %add3A_266 = arith.addi %mul3A_249, %add3A_265 : vector<16xi32>
      %gather3A_267 = tpu.vector_load_idx %arg9[%add3A_266] : memref<40000xf32, #tpu.memory_space<vmem>>[vector<16xi32>], vector<16xf32>,
      %get3A_268 = arith.index_cast %add3A_239 : i32 to index
      %get3A_269 = tpu.vector_load %arg13[%get3A_268] {strides = array<i32>} : memref<5120xi32, #tpu.memory_space<vmem>>, vector<16xi32>,
      %gather3A_270 = tpu.vector_load_idx %arg10[%get3A_269] : memref<10000xi32, #tpu.memory_space<vmem>>[vector<16xi32>], vector<16xi32>,
      %mul3A_271 = arith.constant 16 : i32
      %mul3A_272 = vector.broadcast %mul3A_271 : i32 to vector<16xi32>
      %mul3A_273 = arith.muli %gather3A_270, %mul3A_272 : vector<16xi32>
      %add3A_274 = arith.constant 0 : i32
      %add3A_275 = vector.broadcast %add3A_274 : i32 to vector<16xi32>
      %add3A_276 = arith.addi %mul3A_273, %add3A_275 : vector<16xi32>
      %gather3A_277 = tpu.vector_load_idx %arg11[%add3A_276] : memref<1024xf32, #tpu.memory_space<vmem>>[vector<16xi32>], vector<16xf32>,
      %add3A_278 = arith.constant 1 : i32
      %add3A_279 = vector.broadcast %add3A_278 : i32 to vector<16xi32>
      %add3A_280 = arith.addi %mul3A_273, %add3A_279 : vector<16xi32>
      %gather3A_281 = tpu.vector_load_idx %arg11[%add3A_280] : memref<1024xf32, #tpu.memory_space<vmem>>[vector<16xi32>], vector<16xf32>,
      %add3A_282 = arith.constant 2 : i32
      %add3A_283 = vector.broadcast %add3A_282 : i32 to vector<16xi32>
      %add3A_284 = arith.addi %mul3A_273, %add3A_283 : vector<16xi32>
      %gather3A_285 = tpu.vector_load_idx %arg11[%add3A_284] : memref<1024xf32, #tpu.memory_space<vmem>>[vector<16xi32>], vector<16xf32>,
      %add3A_286 = arith.constant 3 : i32
      %add3A_287 = vector.broadcast %add3A_286 : i32 to vector<16xi32>
      %add3A_288 = arith.addi %mul3A_273, %add3A_287 : vector<16xi32>
      %gather3A_289 = tpu.vector_load_idx %arg11[%add3A_288] : memref<1024xf32, #tpu.memory_space<vmem>>[vector<16xi32>], vector<16xf32>,
      %add3A_290 = arith.constant 4 : i32
      %add3A_291 = vector.broadcast %add3A_290 : i32 to vector<16xi32>
      %add3A_292 = arith.addi %mul3A_273, %add3A_291 : vector<16xi32>
      %gather3A_293 = tpu.vector_load_idx %arg11[%add3A_292] : memref<1024xf32, #tpu.memory_space<vmem>>[vector<16xi32>], vector<16xf32>,
      %add3A_294 = arith.constant 5 : i32
      %add3A_295 = vector.broadcast %add3A_294 : i32 to vector<16xi32>
      %add3A_296 = arith.addi %mul3A_273, %add3A_295 : vector<16xi32>
      %gather3A_297 = tpu.vector_load_idx %arg11[%add3A_296] : memref<1024xf32, #tpu.memory_space<vmem>>[vector<16xi32>], vector<16xf32>,
      %add3A_298 = arith.constant 6 : i32
      %add3A_299 = vector.broadcast %add3A_298 : i32 to vector<16xi32>
      %add3A_300 = arith.addi %mul3A_273, %add3A_299 : vector<16xi32>
      %gather3A_301 = tpu.vector_load_idx %arg11[%add3A_300] : memref<1024xf32, #tpu.memory_space<vmem>>[vector<16xi32>], vector<16xf32>,
      %add3A_302 = arith.constant 7 : i32
      %add3A_303 = vector.broadcast %add3A_302 : i32 to vector<16xi32>
      %add3A_304 = arith.addi %mul3A_273, %add3A_303 : vector<16xi32>
      %gather3A_305 = tpu.vector_load_idx %arg11[%add3A_304] : memref<1024xf32, #tpu.memory_space<vmem>>[vector<16xi32>], vector<16xf32>,
      %add3A_306 = arith.constant 8 : i32
      %add3A_307 = vector.broadcast %add3A_306 : i32 to vector<16xi32>
      %add3A_308 = arith.addi %mul3A_273, %add3A_307 : vector<16xi32>
      %gather3A_309 = tpu.vector_load_idx %arg11[%add3A_308] : memref<1024xf32, #tpu.memory_space<vmem>>[vector<16xi32>], vector<16xf32>,
      %iota3A_310 = tpu.iota {dimensions = array<i32: 0>} : vector<16xi32>
      %add3A_311 = vector.broadcast %add3A_239 : i32 to vector<16xi32>
      %add3A_312 = arith.addi %iota3A_310, %add3A_311 : vector<16xi32>
      %mul3A_313 = arith.constant 4 : i32
      %mul3A_314 = vector.broadcast %mul3A_313 : i32 to vector<16xi32>
      %mul3A_315 = arith.muli %add3A_312, %mul3A_314 : vector<16xi32>
      %gather3A_316 = tpu.vector_load_idx %arg12[%mul3A_315] : memref<20480xf32, #tpu.memory_space<vmem>>[vector<16xi32>], vector<16xf32>,
      %add3A_317 = arith.constant 1 : i32
      %add3A_318 = vector.broadcast %add3A_317 : i32 to vector<16xi32>
      %add3A_319 = arith.addi %mul3A_315, %add3A_318 : vector<16xi32>
      %gather3A_320 = tpu.vector_load_idx %arg12[%add3A_319] : memref<20480xf32, #tpu.memory_space<vmem>>[vector<16xi32>], vector<16xf32>,
      %add3A_321 = arith.constant 2 : i32
      %add3A_322 = vector.broadcast %add3A_321 : i32 to vector<16xi32>
      %add3A_323 = arith.addi %mul3A_315, %add3A_322 : vector<16xi32>
      %gather3A_324 = tpu.vector_load_idx %arg12[%add3A_323] : memref<20480xf32, #tpu.memory_space<vmem>>[vector<16xi32>], vector<16xf32>,
      %sub3A_325 = arith.subf %gather3A_259, %gather3A_250 : vector<16xf32>
      %mul3A_326 = arith.mulf %gather3A_316, %gather3A_277 : vector<16xf32>
      %add3A_327 = arith.addf %sub3A_325, %mul3A_326 : vector<16xf32>
      %mul3A_328 = arith.mulf %gather3A_320, %gather3A_289 : vector<16xf32>
      %add3A_329 = arith.addf %add3A_327, %mul3A_328 : vector<16xf32>
      %mul3A_330 = arith.mulf %gather3A_324, %gather3A_301 : vector<16xf32>
      %add3A_331 = arith.addf %add3A_329, %mul3A_330 : vector<16xf32>
      %sub3A_332 = arith.subf %gather3A_263, %gather3A_254 : vector<16xf32>
      %mul3A_333 = arith.mulf %gather3A_316, %gather3A_281 : vector<16xf32>
      %add3A_334 = arith.addf %sub3A_332, %mul3A_333 : vector<16xf32>
      %mul3A_335 = arith.mulf %gather3A_320, %gather3A_293 : vector<16xf32>
      %add3A_336 = arith.addf %add3A_334, %mul3A_335 : vector<16xf32>
      %mul3A_337 = arith.mulf %gather3A_324, %gather3A_305 : vector<16xf32>
      %add3A_338 = arith.addf %add3A_336, %mul3A_337 : vector<16xf32>
      %sub3A_339 = arith.subf %gather3A_267, %gather3A_258 : vector<16xf32>
      %mul3A_340 = arith.mulf %gather3A_316, %gather3A_285 : vector<16xf32>
      %add3A_341 = arith.addf %sub3A_339, %mul3A_340 : vector<16xf32>
      %mul3A_342 = arith.mulf %gather3A_320, %gather3A_297 : vector<16xf32>
      %add3A_343 = arith.addf %add3A_341, %mul3A_342 : vector<16xf32>
      %mul3A_344 = arith.mulf %gather3A_324, %gather3A_309 : vector<16xf32>
      %add3A_345 = arith.addf %add3A_343, %mul3A_344 : vector<16xf32>
      %mul3A_346 = arith.mulf %add3A_331, %add3A_331 : vector<16xf32>
      %mul3A_347 = arith.mulf %add3A_338, %add3A_338 : vector<16xf32>
      %add3A_348 = arith.addf %mul3A_346, %mul3A_347 : vector<16xf32>
      %mul3A_349 = arith.mulf %add3A_345, %add3A_345 : vector<16xf32>
      %add3A_350 = arith.addf %add3A_348, %mul3A_349 : vector<16xf32>
      %swap3A_351 = arith.constant 32 : index
      %swap3A_352 = tpu.vector_load %arg15[%swap3A_351] {strides = array<i32>} : memref<128xf32, #tpu.memory_space<vmem>>, vector<16xf32>,
      tpu.vector_store %arg15[%swap3A_351], %add3A_350 {strides = array<i32>} : memref<128xf32, #tpu.memory_space<vmem>>, vector<16xf32>,
      %add3A_353 = arith.constant 48 : i32
      %add3A_354 = arith.addi %mul3A_12, %add3A_353 : i32
      %get3A_355 = arith.index_cast %add3A_354 : i32 to index
      %get3A_356 = tpu.vector_load %arg13[%get3A_355] {strides = array<i32>} : memref<5120xi32, #tpu.memory_space<vmem>>, vector<16xi32>,
      %mul3A_357 = arith.constant 4 : i32
      %mul3A_358 = vector.broadcast %mul3A_357 : i32 to vector<16xi32>
      %mul3A_359 = arith.muli %get3A_356, %mul3A_358 : vector<16xi32>
      %get3A_360 = arith.index_cast %add3A_354 : i32 to index
      %get3A_361 = tpu.vector_load %arg14[%get3A_360] {strides = array<i32>} : memref<5120xi32, #tpu.memory_space<vmem>>, vector<16xi32>,
      %mul3A_362 = arith.constant 4 : i32
      %mul3A_363 = vector.broadcast %mul3A_362 : i32 to vector<16xi32>
      %mul3A_364 = arith.muli %get3A_361, %mul3A_363 : vector<16xi32>
      %gather3A_365 = tpu.vector_load_idx %arg9[%mul3A_359] : memref<40000xf32, #tpu.memory_space<vmem>>[vector<16xi32>], vector<16xf32>,
      %add3A_366 = arith.constant 1 : i32
      %add3A_367 = vector.broadcast %add3A_366 : i32 to vector<16xi32>
      %add3A_368 = arith.addi %mul3A_359, %add3A_367 : vector<16xi32>
      %gather3A_369 = tpu.vector_load_idx %arg9[%add3A_368] : memref<40000xf32, #tpu.memory_space<vmem>>[vector<16xi32>], vector<16xf32>,
      %add3A_370 = arith.constant 2 : i32
      %add3A_371 = vector.broadcast %add3A_370 : i32 to vector<16xi32>
      %add3A_372 = arith.addi %mul3A_359, %add3A_371 : vector<16xi32>
      %gather3A_373 = tpu.vector_load_idx %arg9[%add3A_372] : memref<40000xf32, #tpu.memory_space<vmem>>[vector<16xi32>], vector<16xf32>,
      %gather3A_374 = tpu.vector_load_idx %arg9[%mul3A_364] : memref<40000xf32, #tpu.memory_space<vmem>>[vector<16xi32>], vector<16xf32>,
      %add3A_375 = arith.constant 1 : i32
      %add3A_376 = vector.broadcast %add3A_375 : i32 to vector<16xi32>
      %add3A_377 = arith.addi %mul3A_364, %add3A_376 : vector<16xi32>
      %gather3A_378 = tpu.vector_load_idx %arg9[%add3A_377] : memref<40000xf32, #tpu.memory_space<vmem>>[vector<16xi32>], vector<16xf32>,
      %add3A_379 = arith.constant 2 : i32
      %add3A_380 = vector.broadcast %add3A_379 : i32 to vector<16xi32>
      %add3A_381 = arith.addi %mul3A_364, %add3A_380 : vector<16xi32>
      %gather3A_382 = tpu.vector_load_idx %arg9[%add3A_381] : memref<40000xf32, #tpu.memory_space<vmem>>[vector<16xi32>], vector<16xf32>,
      %get3A_383 = arith.index_cast %add3A_354 : i32 to index
      %get3A_384 = tpu.vector_load %arg13[%get3A_383] {strides = array<i32>} : memref<5120xi32, #tpu.memory_space<vmem>>, vector<16xi32>,
      %gather3A_385 = tpu.vector_load_idx %arg10[%get3A_384] : memref<10000xi32, #tpu.memory_space<vmem>>[vector<16xi32>], vector<16xi32>,
      %mul3A_386 = arith.constant 16 : i32
      %mul3A_387 = vector.broadcast %mul3A_386 : i32 to vector<16xi32>
      %mul3A_388 = arith.muli %gather3A_385, %mul3A_387 : vector<16xi32>
      %add3A_389 = arith.constant 0 : i32
      %add3A_390 = vector.broadcast %add3A_389 : i32 to vector<16xi32>
      %add3A_391 = arith.addi %mul3A_388, %add3A_390 : vector<16xi32>
      %gather3A_392 = tpu.vector_load_idx %arg11[%add3A_391] : memref<1024xf32, #tpu.memory_space<vmem>>[vector<16xi32>], vector<16xf32>,
      %add3A_393 = arith.constant 1 : i32
      %add3A_394 = vector.broadcast %add3A_393 : i32 to vector<16xi32>
      %add3A_395 = arith.addi %mul3A_388, %add3A_394 : vector<16xi32>
      %gather3A_396 = tpu.vector_load_idx %arg11[%add3A_395] : memref<1024xf32, #tpu.memory_space<vmem>>[vector<16xi32>], vector<16xf32>,
      %add3A_397 = arith.constant 2 : i32
      %add3A_398 = vector.broadcast %add3A_397 : i32 to vector<16xi32>
      %add3A_399 = arith.addi %mul3A_388, %add3A_398 : vector<16xi32>
      %gather3A_400 = tpu.vector_load_idx %arg11[%add3A_399] : memref<1024xf32, #tpu.memory_space<vmem>>[vector<16xi32>], vector<16xf32>,
      %add3A_401 = arith.constant 3 : i32
      %add3A_402 = vector.broadcast %add3A_401 : i32 to vector<16xi32>
      %add3A_403 = arith.addi %mul3A_388, %add3A_402 : vector<16xi32>
      %gather3A_404 = tpu.vector_load_idx %arg11[%add3A_403] : memref<1024xf32, #tpu.memory_space<vmem>>[vector<16xi32>], vector<16xf32>,
      %add3A_405 = arith.constant 4 : i32
      %add3A_406 = vector.broadcast %add3A_405 : i32 to vector<16xi32>
      %add3A_407 = arith.addi %mul3A_388, %add3A_406 : vector<16xi32>
      %gather3A_408 = tpu.vector_load_idx %arg11[%add3A_407] : memref<1024xf32, #tpu.memory_space<vmem>>[vector<16xi32>], vector<16xf32>,
      %add3A_409 = arith.constant 5 : i32
      %add3A_410 = vector.broadcast %add3A_409 : i32 to vector<16xi32>
      %add3A_411 = arith.addi %mul3A_388, %add3A_410 : vector<16xi32>
      %gather3A_412 = tpu.vector_load_idx %arg11[%add3A_411] : memref<1024xf32, #tpu.memory_space<vmem>>[vector<16xi32>], vector<16xf32>,
      %add3A_413 = arith.constant 6 : i32
      %add3A_414 = vector.broadcast %add3A_413 : i32 to vector<16xi32>
      %add3A_415 = arith.addi %mul3A_388, %add3A_414 : vector<16xi32>
      %gather3A_416 = tpu.vector_load_idx %arg11[%add3A_415] : memref<1024xf32, #tpu.memory_space<vmem>>[vector<16xi32>], vector<16xf32>,
      %add3A_417 = arith.constant 7 : i32
      %add3A_418 = vector.broadcast %add3A_417 : i32 to vector<16xi32>
      %add3A_419 = arith.addi %mul3A_388, %add3A_418 : vector<16xi32>
      %gather3A_420 = tpu.vector_load_idx %arg11[%add3A_419] : memref<1024xf32, #tpu.memory_space<vmem>>[vector<16xi32>], vector<16xf32>,
      %add3A_421 = arith.constant 8 : i32
      %add3A_422 = vector.broadcast %add3A_421 : i32 to vector<16xi32>
      %add3A_423 = arith.addi %mul3A_388, %add3A_422 : vector<16xi32>
      %gather3A_424 = tpu.vector_load_idx %arg11[%add3A_423] : memref<1024xf32, #tpu.memory_space<vmem>>[vector<16xi32>], vector<16xf32>,
      %iota3A_425 = tpu.iota {dimensions = array<i32: 0>} : vector<16xi32>
      %add3A_426 = vector.broadcast %add3A_354 : i32 to vector<16xi32>
      %add3A_427 = arith.addi %iota3A_425, %add3A_426 : vector<16xi32>
      %mul3A_428 = arith.constant 4 : i32
      %mul3A_429 = vector.broadcast %mul3A_428 : i32 to vector<16xi32>
      %mul3A_430 = arith.muli %add3A_427, %mul3A_429 : vector<16xi32>
      %gather3A_431 = tpu.vector_load_idx %arg12[%mul3A_430] : memref<20480xf32, #tpu.memory_space<vmem>>[vector<16xi32>], vector<16xf32>,
      %add3A_432 = arith.constant 1 : i32
      %add3A_433 = vector.broadcast %add3A_432 : i32 to vector<16xi32>
      %add3A_434 = arith.addi %mul3A_430, %add3A_433 : vector<16xi32>
      %gather3A_435 = tpu.vector_load_idx %arg12[%add3A_434] : memref<20480xf32, #tpu.memory_space<vmem>>[vector<16xi32>], vector<16xf32>,
      %add3A_436 = arith.constant 2 : i32
      %add3A_437 = vector.broadcast %add3A_436 : i32 to vector<16xi32>
      %add3A_438 = arith.addi %mul3A_430, %add3A_437 : vector<16xi32>
      %gather3A_439 = tpu.vector_load_idx %arg12[%add3A_438] : memref<20480xf32, #tpu.memory_space<vmem>>[vector<16xi32>], vector<16xf32>,
      %sub3A_440 = arith.subf %gather3A_374, %gather3A_365 : vector<16xf32>
      %mul3A_441 = arith.mulf %gather3A_431, %gather3A_392 : vector<16xf32>
      %add3A_442 = arith.addf %sub3A_440, %mul3A_441 : vector<16xf32>
      %mul3A_443 = arith.mulf %gather3A_435, %gather3A_404 : vector<16xf32>
      %add3A_444 = arith.addf %add3A_442, %mul3A_443 : vector<16xf32>
      %mul3A_445 = arith.mulf %gather3A_439, %gather3A_416 : vector<16xf32>
      %add3A_446 = arith.addf %add3A_444, %mul3A_445 : vector<16xf32>
      %sub3A_447 = arith.subf %gather3A_378, %gather3A_369 : vector<16xf32>
      %mul3A_448 = arith.mulf %gather3A_431, %gather3A_396 : vector<16xf32>
      %add3A_449 = arith.addf %sub3A_447, %mul3A_448 : vector<16xf32>
      %mul3A_450 = arith.mulf %gather3A_435, %gather3A_408 : vector<16xf32>
      %add3A_451 = arith.addf %add3A_449, %mul3A_450 : vector<16xf32>
      %mul3A_452 = arith.mulf %gather3A_439, %gather3A_420 : vector<16xf32>
      %add3A_453 = arith.addf %add3A_451, %mul3A_452 : vector<16xf32>
      %sub3A_454 = arith.subf %gather3A_382, %gather3A_373 : vector<16xf32>
      %mul3A_455 = arith.mulf %gather3A_431, %gather3A_400 : vector<16xf32>
      %add3A_456 = arith.addf %sub3A_454, %mul3A_455 : vector<16xf32>
      %mul3A_457 = arith.mulf %gather3A_435, %gather3A_412 : vector<16xf32>
      %add3A_458 = arith.addf %add3A_456, %mul3A_457 : vector<16xf32>
      %mul3A_459 = arith.mulf %gather3A_439, %gather3A_424 : vector<16xf32>
      %add3A_460 = arith.addf %add3A_458, %mul3A_459 : vector<16xf32>
      %mul3A_461 = arith.mulf %add3A_446, %add3A_446 : vector<16xf32>
      %mul3A_462 = arith.mulf %add3A_453, %add3A_453 : vector<16xf32>
      %add3A_463 = arith.addf %mul3A_461, %mul3A_462 : vector<16xf32>
      %mul3A_464 = arith.mulf %add3A_460, %add3A_460 : vector<16xf32>
      %add3A_465 = arith.addf %add3A_463, %mul3A_464 : vector<16xf32>
      %swap3A_466 = arith.constant 48 : index
      %swap3A_467 = tpu.vector_load %arg15[%swap3A_466] {strides = array<i32>} : memref<128xf32, #tpu.memory_space<vmem>>, vector<16xf32>,
      tpu.vector_store %arg15[%swap3A_466], %add3A_465 {strides = array<i32>} : memref<128xf32, #tpu.memory_space<vmem>>, vector<16xf32>,
      %add3A_468 = arith.constant 64 : i32
      %add3A_469 = arith.addi %mul3A_12, %add3A_468 : i32
      %get3A_470 = arith.index_cast %add3A_469 : i32 to index
      %get3A_471 = tpu.vector_load %arg13[%get3A_470] {strides = array<i32>} : memref<5120xi32, #tpu.memory_space<vmem>>, vector<16xi32>,
      %mul3A_472 = arith.constant 4 : i32
      %mul3A_473 = vector.broadcast %mul3A_472 : i32 to vector<16xi32>
      %mul3A_474 = arith.muli %get3A_471, %mul3A_473 : vector<16xi32>
      %get3A_475 = arith.index_cast %add3A_469 : i32 to index
      %get3A_476 = tpu.vector_load %arg14[%get3A_475] {strides = array<i32>} : memref<5120xi32, #tpu.memory_space<vmem>>, vector<16xi32>,
      %mul3A_477 = arith.constant 4 : i32
      %mul3A_478 = vector.broadcast %mul3A_477 : i32 to vector<16xi32>
      %mul3A_479 = arith.muli %get3A_476, %mul3A_478 : vector<16xi32>
      %gather3A_480 = tpu.vector_load_idx %arg9[%mul3A_474] : memref<40000xf32, #tpu.memory_space<vmem>>[vector<16xi32>], vector<16xf32>,
      %add3A_481 = arith.constant 1 : i32
      %add3A_482 = vector.broadcast %add3A_481 : i32 to vector<16xi32>
      %add3A_483 = arith.addi %mul3A_474, %add3A_482 : vector<16xi32>
      %gather3A_484 = tpu.vector_load_idx %arg9[%add3A_483] : memref<40000xf32, #tpu.memory_space<vmem>>[vector<16xi32>], vector<16xf32>,
      %add3A_485 = arith.constant 2 : i32
      %add3A_486 = vector.broadcast %add3A_485 : i32 to vector<16xi32>
      %add3A_487 = arith.addi %mul3A_474, %add3A_486 : vector<16xi32>
      %gather3A_488 = tpu.vector_load_idx %arg9[%add3A_487] : memref<40000xf32, #tpu.memory_space<vmem>>[vector<16xi32>], vector<16xf32>,
      %gather3A_489 = tpu.vector_load_idx %arg9[%mul3A_479] : memref<40000xf32, #tpu.memory_space<vmem>>[vector<16xi32>], vector<16xf32>,
      %add3A_490 = arith.constant 1 : i32
      %add3A_491 = vector.broadcast %add3A_490 : i32 to vector<16xi32>
      %add3A_492 = arith.addi %mul3A_479, %add3A_491 : vector<16xi32>
      %gather3A_493 = tpu.vector_load_idx %arg9[%add3A_492] : memref<40000xf32, #tpu.memory_space<vmem>>[vector<16xi32>], vector<16xf32>,
      %add3A_494 = arith.constant 2 : i32
      %add3A_495 = vector.broadcast %add3A_494 : i32 to vector<16xi32>
      %add3A_496 = arith.addi %mul3A_479, %add3A_495 : vector<16xi32>
      %gather3A_497 = tpu.vector_load_idx %arg9[%add3A_496] : memref<40000xf32, #tpu.memory_space<vmem>>[vector<16xi32>], vector<16xf32>,
      %get3A_498 = arith.index_cast %add3A_469 : i32 to index
      %get3A_499 = tpu.vector_load %arg13[%get3A_498] {strides = array<i32>} : memref<5120xi32, #tpu.memory_space<vmem>>, vector<16xi32>,
      %gather3A_500 = tpu.vector_load_idx %arg10[%get3A_499] : memref<10000xi32, #tpu.memory_space<vmem>>[vector<16xi32>], vector<16xi32>,
      %mul3A_501 = arith.constant 16 : i32
      %mul3A_502 = vector.broadcast %mul3A_501 : i32 to vector<16xi32>
      %mul3A_503 = arith.muli %gather3A_500, %mul3A_502 : vector<16xi32>
      %add3A_504 = arith.constant 0 : i32
      %add3A_505 = vector.broadcast %add3A_504 : i32 to vector<16xi32>
      %add3A_506 = arith.addi %mul3A_503, %add3A_505 : vector<16xi32>
      %gather3A_507 = tpu.vector_load_idx %arg11[%add3A_506] : memref<1024xf32, #tpu.memory_space<vmem>>[vector<16xi32>], vector<16xf32>,
      %add3A_508 = arith.constant 1 : i32
      %add3A_509 = vector.broadcast %add3A_508 : i32 to vector<16xi32>
      %add3A_510 = arith.addi %mul3A_503, %add3A_509 : vector<16xi32>
      %gather3A_511 = tpu.vector_load_idx %arg11[%add3A_510] : memref<1024xf32, #tpu.memory_space<vmem>>[vector<16xi32>], vector<16xf32>,
      %add3A_512 = arith.constant 2 : i32
      %add3A_513 = vector.broadcast %add3A_512 : i32 to vector<16xi32>
      %add3A_514 = arith.addi %mul3A_503, %add3A_513 : vector<16xi32>
      %gather3A_515 = tpu.vector_load_idx %arg11[%add3A_514] : memref<1024xf32, #tpu.memory_space<vmem>>[vector<16xi32>], vector<16xf32>,
      %add3A_516 = arith.constant 3 : i32
      %add3A_517 = vector.broadcast %add3A_516 : i32 to vector<16xi32>
      %add3A_518 = arith.addi %mul3A_503, %add3A_517 : vector<16xi32>
      %gather3A_519 = tpu.vector_load_idx %arg11[%add3A_518] : memref<1024xf32, #tpu.memory_space<vmem>>[vector<16xi32>], vector<16xf32>,
      %add3A_520 = arith.constant 4 : i32
      %add3A_521 = vector.broadcast %add3A_520 : i32 to vector<16xi32>
      %add3A_522 = arith.addi %mul3A_503, %add3A_521 : vector<16xi32>
      %gather3A_523 = tpu.vector_load_idx %arg11[%add3A_522] : memref<1024xf32, #tpu.memory_space<vmem>>[vector<16xi32>], vector<16xf32>,
      %add3A_524 = arith.constant 5 : i32
      %add3A_525 = vector.broadcast %add3A_524 : i32 to vector<16xi32>
      %add3A_526 = arith.addi %mul3A_503, %add3A_525 : vector<16xi32>
      %gather3A_527 = tpu.vector_load_idx %arg11[%add3A_526] : memref<1024xf32, #tpu.memory_space<vmem>>[vector<16xi32>], vector<16xf32>,
      %add3A_528 = arith.constant 6 : i32
      %add3A_529 = vector.broadcast %add3A_528 : i32 to vector<16xi32>
      %add3A_530 = arith.addi %mul3A_503, %add3A_529 : vector<16xi32>
      %gather3A_531 = tpu.vector_load_idx %arg11[%add3A_530] : memref<1024xf32, #tpu.memory_space<vmem>>[vector<16xi32>], vector<16xf32>,
      %add3A_532 = arith.constant 7 : i32
      %add3A_533 = vector.broadcast %add3A_532 : i32 to vector<16xi32>
      %add3A_534 = arith.addi %mul3A_503, %add3A_533 : vector<16xi32>
      %gather3A_535 = tpu.vector_load_idx %arg11[%add3A_534] : memref<1024xf32, #tpu.memory_space<vmem>>[vector<16xi32>], vector<16xf32>,
      %add3A_536 = arith.constant 8 : i32
      %add3A_537 = vector.broadcast %add3A_536 : i32 to vector<16xi32>
      %add3A_538 = arith.addi %mul3A_503, %add3A_537 : vector<16xi32>
      %gather3A_539 = tpu.vector_load_idx %arg11[%add3A_538] : memref<1024xf32, #tpu.memory_space<vmem>>[vector<16xi32>], vector<16xf32>,
      %iota3A_540 = tpu.iota {dimensions = array<i32: 0>} : vector<16xi32>
      %add3A_541 = vector.broadcast %add3A_469 : i32 to vector<16xi32>
      %add3A_542 = arith.addi %iota3A_540, %add3A_541 : vector<16xi32>
      %mul3A_543 = arith.constant 4 : i32
      %mul3A_544 = vector.broadcast %mul3A_543 : i32 to vector<16xi32>
      %mul3A_545 = arith.muli %add3A_542, %mul3A_544 : vector<16xi32>
      %gather3A_546 = tpu.vector_load_idx %arg12[%mul3A_545] : memref<20480xf32, #tpu.memory_space<vmem>>[vector<16xi32>], vector<16xf32>,
      %add3A_547 = arith.constant 1 : i32
      %add3A_548 = vector.broadcast %add3A_547 : i32 to vector<16xi32>
      %add3A_549 = arith.addi %mul3A_545, %add3A_548 : vector<16xi32>
      %gather3A_550 = tpu.vector_load_idx %arg12[%add3A_549] : memref<20480xf32, #tpu.memory_space<vmem>>[vector<16xi32>], vector<16xf32>,
      %add3A_551 = arith.constant 2 : i32
      %add3A_552 = vector.broadcast %add3A_551 : i32 to vector<16xi32>
      %add3A_553 = arith.addi %mul3A_545, %add3A_552 : vector<16xi32>
      %gather3A_554 = tpu.vector_load_idx %arg12[%add3A_553] : memref<20480xf32, #tpu.memory_space<vmem>>[vector<16xi32>], vector<16xf32>,
      %sub3A_555 = arith.subf %gather3A_489, %gather3A_480 : vector<16xf32>
      %mul3A_556 = arith.mulf %gather3A_546, %gather3A_507 : vector<16xf32>
      %add3A_557 = arith.addf %sub3A_555, %mul3A_556 : vector<16xf32>
      %mul3A_558 = arith.mulf %gather3A_550, %gather3A_519 : vector<16xf32>
      %add3A_559 = arith.addf %add3A_557, %mul3A_558 : vector<16xf32>
      %mul3A_560 = arith.mulf %gather3A_554, %gather3A_531 : vector<16xf32>
      %add3A_561 = arith.addf %add3A_559, %mul3A_560 : vector<16xf32>
      %sub3A_562 = arith.subf %gather3A_493, %gather3A_484 : vector<16xf32>
      %mul3A_563 = arith.mulf %gather3A_546, %gather3A_511 : vector<16xf32>
      %add3A_564 = arith.addf %sub3A_562, %mul3A_563 : vector<16xf32>
      %mul3A_565 = arith.mulf %gather3A_550, %gather3A_523 : vector<16xf32>
      %add3A_566 = arith.addf %add3A_564, %mul3A_565 : vector<16xf32>
      %mul3A_567 = arith.mulf %gather3A_554, %gather3A_535 : vector<16xf32>
      %add3A_568 = arith.addf %add3A_566, %mul3A_567 : vector<16xf32>
      %sub3A_569 = arith.subf %gather3A_497, %gather3A_488 : vector<16xf32>
      %mul3A_570 = arith.mulf %gather3A_546, %gather3A_515 : vector<16xf32>
      %add3A_571 = arith.addf %sub3A_569, %mul3A_570 : vector<16xf32>
      %mul3A_572 = arith.mulf %gather3A_550, %gather3A_527 : vector<16xf32>
      %add3A_573 = arith.addf %add3A_571, %mul3A_572 : vector<16xf32>
      %mul3A_574 = arith.mulf %gather3A_554, %gather3A_539 : vector<16xf32>
      %add3A_575 = arith.addf %add3A_573, %mul3A_574 : vector<16xf32>
      %mul3A_576 = arith.mulf %add3A_561, %add3A_561 : vector<16xf32>
      %mul3A_577 = arith.mulf %add3A_568, %add3A_568 : vector<16xf32>
      %add3A_578 = arith.addf %mul3A_576, %mul3A_577 : vector<16xf32>
      %mul3A_579 = arith.mulf %add3A_575, %add3A_575 : vector<16xf32>
      %add3A_580 = arith.addf %add3A_578, %mul3A_579 : vector<16xf32>
      %swap3A_581 = arith.constant 64 : index
      %swap3A_582 = tpu.vector_load %arg15[%swap3A_581] {strides = array<i32>} : memref<128xf32, #tpu.memory_space<vmem>>, vector<16xf32>,
      tpu.vector_store %arg15[%swap3A_581], %add3A_580 {strides = array<i32>} : memref<128xf32, #tpu.memory_space<vmem>>, vector<16xf32>,
      %add3A_583 = arith.constant 80 : i32
      %add3A_584 = arith.addi %mul3A_12, %add3A_583 : i32
      %get3A_585 = arith.index_cast %add3A_584 : i32 to index
      %get3A_586 = tpu.vector_load %arg13[%get3A_585] {strides = array<i32>} : memref<5120xi32, #tpu.memory_space<vmem>>, vector<16xi32>,
      %mul3A_587 = arith.constant 4 : i32
      %mul3A_588 = vector.broadcast %mul3A_587 : i32 to vector<16xi32>
      %mul3A_589 = arith.muli %get3A_586, %mul3A_588 : vector<16xi32>
      %get3A_590 = arith.index_cast %add3A_584 : i32 to index
      %get3A_591 = tpu.vector_load %arg14[%get3A_590] {strides = array<i32>} : memref<5120xi32, #tpu.memory_space<vmem>>, vector<16xi32>,
      %mul3A_592 = arith.constant 4 : i32
      %mul3A_593 = vector.broadcast %mul3A_592 : i32 to vector<16xi32>
      %mul3A_594 = arith.muli %get3A_591, %mul3A_593 : vector<16xi32>
      %gather3A_595 = tpu.vector_load_idx %arg9[%mul3A_589] : memref<40000xf32, #tpu.memory_space<vmem>>[vector<16xi32>], vector<16xf32>,
      %add3A_596 = arith.constant 1 : i32
      %add3A_597 = vector.broadcast %add3A_596 : i32 to vector<16xi32>
      %add3A_598 = arith.addi %mul3A_589, %add3A_597 : vector<16xi32>
      %gather3A_599 = tpu.vector_load_idx %arg9[%add3A_598] : memref<40000xf32, #tpu.memory_space<vmem>>[vector<16xi32>], vector<16xf32>,
      %add3A_600 = arith.constant 2 : i32
      %add3A_601 = vector.broadcast %add3A_600 : i32 to vector<16xi32>
      %add3A_602 = arith.addi %mul3A_589, %add3A_601 : vector<16xi32>
      %gather3A_603 = tpu.vector_load_idx %arg9[%add3A_602] : memref<40000xf32, #tpu.memory_space<vmem>>[vector<16xi32>], vector<16xf32>,
      %gather3A_604 = tpu.vector_load_idx %arg9[%mul3A_594] : memref<40000xf32, #tpu.memory_space<vmem>>[vector<16xi32>], vector<16xf32>,
      %add3A_605 = arith.constant 1 : i32
      %add3A_606 = vector.broadcast %add3A_605 : i32 to vector<16xi32>
      %add3A_607 = arith.addi %mul3A_594, %add3A_606 : vector<16xi32>
      %gather3A_608 = tpu.vector_load_idx %arg9[%add3A_607] : memref<40000xf32, #tpu.memory_space<vmem>>[vector<16xi32>], vector<16xf32>,
      %add3A_609 = arith.constant 2 : i32
      %add3A_610 = vector.broadcast %add3A_609 : i32 to vector<16xi32>
      %add3A_611 = arith.addi %mul3A_594, %add3A_610 : vector<16xi32>
      %gather3A_612 = tpu.vector_load_idx %arg9[%add3A_611] : memref<40000xf32, #tpu.memory_space<vmem>>[vector<16xi32>], vector<16xf32>,
      %get3A_613 = arith.index_cast %add3A_584 : i32 to index
      %get3A_614 = tpu.vector_load %arg13[%get3A_613] {strides = array<i32>} : memref<5120xi32, #tpu.memory_space<vmem>>, vector<16xi32>,
      %gather3A_615 = tpu.vector_load_idx %arg10[%get3A_614] : memref<10000xi32, #tpu.memory_space<vmem>>[vector<16xi32>], vector<16xi32>,
      %mul3A_616 = arith.constant 16 : i32
      %mul3A_617 = vector.broadcast %mul3A_616 : i32 to vector<16xi32>
      %mul3A_618 = arith.muli %gather3A_615, %mul3A_617 : vector<16xi32>
      %add3A_619 = arith.constant 0 : i32
      %add3A_620 = vector.broadcast %add3A_619 : i32 to vector<16xi32>
      %add3A_621 = arith.addi %mul3A_618, %add3A_620 : vector<16xi32>
      %gather3A_622 = tpu.vector_load_idx %arg11[%add3A_621] : memref<1024xf32, #tpu.memory_space<vmem>>[vector<16xi32>], vector<16xf32>,
      %add3A_623 = arith.constant 1 : i32
      %add3A_624 = vector.broadcast %add3A_623 : i32 to vector<16xi32>
      %add3A_625 = arith.addi %mul3A_618, %add3A_624 : vector<16xi32>
      %gather3A_626 = tpu.vector_load_idx %arg11[%add3A_625] : memref<1024xf32, #tpu.memory_space<vmem>>[vector<16xi32>], vector<16xf32>,
      %add3A_627 = arith.constant 2 : i32
      %add3A_628 = vector.broadcast %add3A_627 : i32 to vector<16xi32>
      %add3A_629 = arith.addi %mul3A_618, %add3A_628 : vector<16xi32>
      %gather3A_630 = tpu.vector_load_idx %arg11[%add3A_629] : memref<1024xf32, #tpu.memory_space<vmem>>[vector<16xi32>], vector<16xf32>,
      %add3A_631 = arith.constant 3 : i32
      %add3A_632 = vector.broadcast %add3A_631 : i32 to vector<16xi32>
      %add3A_633 = arith.addi %mul3A_618, %add3A_632 : vector<16xi32>
      %gather3A_634 = tpu.vector_load_idx %arg11[%add3A_633] : memref<1024xf32, #tpu.memory_space<vmem>>[vector<16xi32>], vector<16xf32>,
      %add3A_635 = arith.constant 4 : i32
      %add3A_636 = vector.broadcast %add3A_635 : i32 to vector<16xi32>
      %add3A_637 = arith.addi %mul3A_618, %add3A_636 : vector<16xi32>
      %gather3A_638 = tpu.vector_load_idx %arg11[%add3A_637] : memref<1024xf32, #tpu.memory_space<vmem>>[vector<16xi32>], vector<16xf32>,
      %add3A_639 = arith.constant 5 : i32
      %add3A_640 = vector.broadcast %add3A_639 : i32 to vector<16xi32>
      %add3A_641 = arith.addi %mul3A_618, %add3A_640 : vector<16xi32>
      %gather3A_642 = tpu.vector_load_idx %arg11[%add3A_641] : memref<1024xf32, #tpu.memory_space<vmem>>[vector<16xi32>], vector<16xf32>,
      %add3A_643 = arith.constant 6 : i32
      %add3A_644 = vector.broadcast %add3A_643 : i32 to vector<16xi32>
      %add3A_645 = arith.addi %mul3A_618, %add3A_644 : vector<16xi32>
      %gather3A_646 = tpu.vector_load_idx %arg11[%add3A_645] : memref<1024xf32, #tpu.memory_space<vmem>>[vector<16xi32>], vector<16xf32>,
      %add3A_647 = arith.constant 7 : i32
      %add3A_648 = vector.broadcast %add3A_647 : i32 to vector<16xi32>
      %add3A_649 = arith.addi %mul3A_618, %add3A_648 : vector<16xi32>
      %gather3A_650 = tpu.vector_load_idx %arg11[%add3A_649] : memref<1024xf32, #tpu.memory_space<vmem>>[vector<16xi32>], vector<16xf32>,
      %add3A_651 = arith.constant 8 : i32
      %add3A_652 = vector.broadcast %add3A_651 : i32 to vector<16xi32>
      %add3A_653 = arith.addi %mul3A_618, %add3A_652 : vector<16xi32>
      %gather3A_654 = tpu.vector_load_idx %arg11[%add3A_653] : memref<1024xf32, #tpu.memory_space<vmem>>[vector<16xi32>], vector<16xf32>,
      %iota3A_655 = tpu.iota {dimensions = array<i32: 0>} : vector<16xi32>
      %add3A_656 = vector.broadcast %add3A_584 : i32 to vector<16xi32>
      %add3A_657 = arith.addi %iota3A_655, %add3A_656 : vector<16xi32>
      %mul3A_658 = arith.constant 4 : i32
      %mul3A_659 = vector.broadcast %mul3A_658 : i32 to vector<16xi32>
      %mul3A_660 = arith.muli %add3A_657, %mul3A_659 : vector<16xi32>
      %gather3A_661 = tpu.vector_load_idx %arg12[%mul3A_660] : memref<20480xf32, #tpu.memory_space<vmem>>[vector<16xi32>], vector<16xf32>,
      %add3A_662 = arith.constant 1 : i32
      %add3A_663 = vector.broadcast %add3A_662 : i32 to vector<16xi32>
      %add3A_664 = arith.addi %mul3A_660, %add3A_663 : vector<16xi32>
      %gather3A_665 = tpu.vector_load_idx %arg12[%add3A_664] : memref<20480xf32, #tpu.memory_space<vmem>>[vector<16xi32>], vector<16xf32>,
      %add3A_666 = arith.constant 2 : i32
      %add3A_667 = vector.broadcast %add3A_666 : i32 to vector<16xi32>
      %add3A_668 = arith.addi %mul3A_660, %add3A_667 : vector<16xi32>
      %gather3A_669 = tpu.vector_load_idx %arg12[%add3A_668] : memref<20480xf32, #tpu.memory_space<vmem>>[vector<16xi32>], vector<16xf32>,
      %sub3A_670 = arith.subf %gather3A_604, %gather3A_595 : vector<16xf32>
      %mul3A_671 = arith.mulf %gather3A_661, %gather3A_622 : vector<16xf32>
      %add3A_672 = arith.addf %sub3A_670, %mul3A_671 : vector<16xf32>
      %mul3A_673 = arith.mulf %gather3A_665, %gather3A_634 : vector<16xf32>
      %add3A_674 = arith.addf %add3A_672, %mul3A_673 : vector<16xf32>
      %mul3A_675 = arith.mulf %gather3A_669, %gather3A_646 : vector<16xf32>
      %add3A_676 = arith.addf %add3A_674, %mul3A_675 : vector<16xf32>
      %sub3A_677 = arith.subf %gather3A_608, %gather3A_599 : vector<16xf32>
      %mul3A_678 = arith.mulf %gather3A_661, %gather3A_626 : vector<16xf32>
      %add3A_679 = arith.addf %sub3A_677, %mul3A_678 : vector<16xf32>
      %mul3A_680 = arith.mulf %gather3A_665, %gather3A_638 : vector<16xf32>
      %add3A_681 = arith.addf %add3A_679, %mul3A_680 : vector<16xf32>
      %mul3A_682 = arith.mulf %gather3A_669, %gather3A_650 : vector<16xf32>
      %add3A_683 = arith.addf %add3A_681, %mul3A_682 : vector<16xf32>
      %sub3A_684 = arith.subf %gather3A_612, %gather3A_603 : vector<16xf32>
      %mul3A_685 = arith.mulf %gather3A_661, %gather3A_630 : vector<16xf32>
      %add3A_686 = arith.addf %sub3A_684, %mul3A_685 : vector<16xf32>
      %mul3A_687 = arith.mulf %gather3A_665, %gather3A_642 : vector<16xf32>
      %add3A_688 = arith.addf %add3A_686, %mul3A_687 : vector<16xf32>
      %mul3A_689 = arith.mulf %gather3A_669, %gather3A_654 : vector<16xf32>
      %add3A_690 = arith.addf %add3A_688, %mul3A_689 : vector<16xf32>
      %mul3A_691 = arith.mulf %add3A_676, %add3A_676 : vector<16xf32>
      %mul3A_692 = arith.mulf %add3A_683, %add3A_683 : vector<16xf32>
      %add3A_693 = arith.addf %mul3A_691, %mul3A_692 : vector<16xf32>
      %mul3A_694 = arith.mulf %add3A_690, %add3A_690 : vector<16xf32>
      %add3A_695 = arith.addf %add3A_693, %mul3A_694 : vector<16xf32>
      %swap3A_696 = arith.constant 80 : index
      %swap3A_697 = tpu.vector_load %arg15[%swap3A_696] {strides = array<i32>} : memref<128xf32, #tpu.memory_space<vmem>>, vector<16xf32>,
      tpu.vector_store %arg15[%swap3A_696], %add3A_695 {strides = array<i32>} : memref<128xf32, #tpu.memory_space<vmem>>, vector<16xf32>,
      %add3A_698 = arith.constant 96 : i32
      %add3A_699 = arith.addi %mul3A_12, %add3A_698 : i32
      %get3A_700 = arith.index_cast %add3A_699 : i32 to index
      %get3A_701 = tpu.vector_load %arg13[%get3A_700] {strides = array<i32>} : memref<5120xi32, #tpu.memory_space<vmem>>, vector<16xi32>,
      %mul3A_702 = arith.constant 4 : i32
      %mul3A_703 = vector.broadcast %mul3A_702 : i32 to vector<16xi32>
      %mul3A_704 = arith.muli %get3A_701, %mul3A_703 : vector<16xi32>
      %get3A_705 = arith.index_cast %add3A_699 : i32 to index
      %get3A_706 = tpu.vector_load %arg14[%get3A_705] {strides = array<i32>} : memref<5120xi32, #tpu.memory_space<vmem>>, vector<16xi32>,
      %mul3A_707 = arith.constant 4 : i32
      %mul3A_708 = vector.broadcast %mul3A_707 : i32 to vector<16xi32>
      %mul3A_709 = arith.muli %get3A_706, %mul3A_708 : vector<16xi32>
      %gather3A_710 = tpu.vector_load_idx %arg9[%mul3A_704] : memref<40000xf32, #tpu.memory_space<vmem>>[vector<16xi32>], vector<16xf32>,
      %add3A_711 = arith.constant 1 : i32
      %add3A_712 = vector.broadcast %add3A_711 : i32 to vector<16xi32>
      %add3A_713 = arith.addi %mul3A_704, %add3A_712 : vector<16xi32>
      %gather3A_714 = tpu.vector_load_idx %arg9[%add3A_713] : memref<40000xf32, #tpu.memory_space<vmem>>[vector<16xi32>], vector<16xf32>,
      %add3A_715 = arith.constant 2 : i32
      %add3A_716 = vector.broadcast %add3A_715 : i32 to vector<16xi32>
      %add3A_717 = arith.addi %mul3A_704, %add3A_716 : vector<16xi32>
      %gather3A_718 = tpu.vector_load_idx %arg9[%add3A_717] : memref<40000xf32, #tpu.memory_space<vmem>>[vector<16xi32>], vector<16xf32>,
      %gather3A_719 = tpu.vector_load_idx %arg9[%mul3A_709] : memref<40000xf32, #tpu.memory_space<vmem>>[vector<16xi32>], vector<16xf32>,
      %add3A_720 = arith.constant 1 : i32
      %add3A_721 = vector.broadcast %add3A_720 : i32 to vector<16xi32>
      %add3A_722 = arith.addi %mul3A_709, %add3A_721 : vector<16xi32>
      %gather3A_723 = tpu.vector_load_idx %arg9[%add3A_722] : memref<40000xf32, #tpu.memory_space<vmem>>[vector<16xi32>], vector<16xf32>,
      %add3A_724 = arith.constant 2 : i32
      %add3A_725 = vector.broadcast %add3A_724 : i32 to vector<16xi32>
      %add3A_726 = arith.addi %mul3A_709, %add3A_725 : vector<16xi32>
      %gather3A_727 = tpu.vector_load_idx %arg9[%add3A_726] : memref<40000xf32, #tpu.memory_space<vmem>>[vector<16xi32>], vector<16xf32>,
      %get3A_728 = arith.index_cast %add3A_699 : i32 to index
      %get3A_729 = tpu.vector_load %arg13[%get3A_728] {strides = array<i32>} : memref<5120xi32, #tpu.memory_space<vmem>>, vector<16xi32>,
      %gather3A_730 = tpu.vector_load_idx %arg10[%get3A_729] : memref<10000xi32, #tpu.memory_space<vmem>>[vector<16xi32>], vector<16xi32>,
      %mul3A_731 = arith.constant 16 : i32
      %mul3A_732 = vector.broadcast %mul3A_731 : i32 to vector<16xi32>
      %mul3A_733 = arith.muli %gather3A_730, %mul3A_732 : vector<16xi32>
      %add3A_734 = arith.constant 0 : i32
      %add3A_735 = vector.broadcast %add3A_734 : i32 to vector<16xi32>
      %add3A_736 = arith.addi %mul3A_733, %add3A_735 : vector<16xi32>
      %gather3A_737 = tpu.vector_load_idx %arg11[%add3A_736] : memref<1024xf32, #tpu.memory_space<vmem>>[vector<16xi32>], vector<16xf32>,
      %add3A_738 = arith.constant 1 : i32
      %add3A_739 = vector.broadcast %add3A_738 : i32 to vector<16xi32>
      %add3A_740 = arith.addi %mul3A_733, %add3A_739 : vector<16xi32>
      %gather3A_741 = tpu.vector_load_idx %arg11[%add3A_740] : memref<1024xf32, #tpu.memory_space<vmem>>[vector<16xi32>], vector<16xf32>,
      %add3A_742 = arith.constant 2 : i32
      %add3A_743 = vector.broadcast %add3A_742 : i32 to vector<16xi32>
      %add3A_744 = arith.addi %mul3A_733, %add3A_743 : vector<16xi32>
      %gather3A_745 = tpu.vector_load_idx %arg11[%add3A_744] : memref<1024xf32, #tpu.memory_space<vmem>>[vector<16xi32>], vector<16xf32>,
      %add3A_746 = arith.constant 3 : i32
      %add3A_747 = vector.broadcast %add3A_746 : i32 to vector<16xi32>
      %add3A_748 = arith.addi %mul3A_733, %add3A_747 : vector<16xi32>
      %gather3A_749 = tpu.vector_load_idx %arg11[%add3A_748] : memref<1024xf32, #tpu.memory_space<vmem>>[vector<16xi32>], vector<16xf32>,
      %add3A_750 = arith.constant 4 : i32
      %add3A_751 = vector.broadcast %add3A_750 : i32 to vector<16xi32>
      %add3A_752 = arith.addi %mul3A_733, %add3A_751 : vector<16xi32>
      %gather3A_753 = tpu.vector_load_idx %arg11[%add3A_752] : memref<1024xf32, #tpu.memory_space<vmem>>[vector<16xi32>], vector<16xf32>,
      %add3A_754 = arith.constant 5 : i32
      %add3A_755 = vector.broadcast %add3A_754 : i32 to vector<16xi32>
      %add3A_756 = arith.addi %mul3A_733, %add3A_755 : vector<16xi32>
      %gather3A_757 = tpu.vector_load_idx %arg11[%add3A_756] : memref<1024xf32, #tpu.memory_space<vmem>>[vector<16xi32>], vector<16xf32>,
      %add3A_758 = arith.constant 6 : i32
      %add3A_759 = vector.broadcast %add3A_758 : i32 to vector<16xi32>
      %add3A_760 = arith.addi %mul3A_733, %add3A_759 : vector<16xi32>
      %gather3A_761 = tpu.vector_load_idx %arg11[%add3A_760] : memref<1024xf32, #tpu.memory_space<vmem>>[vector<16xi32>], vector<16xf32>,
      %add3A_762 = arith.constant 7 : i32
      %add3A_763 = vector.broadcast %add3A_762 : i32 to vector<16xi32>
      %add3A_764 = arith.addi %mul3A_733, %add3A_763 : vector<16xi32>
      %gather3A_765 = tpu.vector_load_idx %arg11[%add3A_764] : memref<1024xf32, #tpu.memory_space<vmem>>[vector<16xi32>], vector<16xf32>,
      %add3A_766 = arith.constant 8 : i32
      %add3A_767 = vector.broadcast %add3A_766 : i32 to vector<16xi32>
      %add3A_768 = arith.addi %mul3A_733, %add3A_767 : vector<16xi32>
      %gather3A_769 = tpu.vector_load_idx %arg11[%add3A_768] : memref<1024xf32, #tpu.memory_space<vmem>>[vector<16xi32>], vector<16xf32>,
      %iota3A_770 = tpu.iota {dimensions = array<i32: 0>} : vector<16xi32>
      %add3A_771 = vector.broadcast %add3A_699 : i32 to vector<16xi32>
      %add3A_772 = arith.addi %iota3A_770, %add3A_771 : vector<16xi32>
      %mul3A_773 = arith.constant 4 : i32
      %mul3A_774 = vector.broadcast %mul3A_773 : i32 to vector<16xi32>
      %mul3A_775 = arith.muli %add3A_772, %mul3A_774 : vector<16xi32>
      %gather3A_776 = tpu.vector_load_idx %arg12[%mul3A_775] : memref<20480xf32, #tpu.memory_space<vmem>>[vector<16xi32>], vector<16xf32>,
      %add3A_777 = arith.constant 1 : i32
      %add3A_778 = vector.broadcast %add3A_777 : i32 to vector<16xi32>
      %add3A_779 = arith.addi %mul3A_775, %add3A_778 : vector<16xi32>
      %gather3A_780 = tpu.vector_load_idx %arg12[%add3A_779] : memref<20480xf32, #tpu.memory_space<vmem>>[vector<16xi32>], vector<16xf32>,
      %add3A_781 = arith.constant 2 : i32
      %add3A_782 = vector.broadcast %add3A_781 : i32 to vector<16xi32>
      %add3A_783 = arith.addi %mul3A_775, %add3A_782 : vector<16xi32>
      %gather3A_784 = tpu.vector_load_idx %arg12[%add3A_783] : memref<20480xf32, #tpu.memory_space<vmem>>[vector<16xi32>], vector<16xf32>,
      %sub3A_785 = arith.subf %gather3A_719, %gather3A_710 : vector<16xf32>
      %mul3A_786 = arith.mulf %gather3A_776, %gather3A_737 : vector<16xf32>
      %add3A_787 = arith.addf %sub3A_785, %mul3A_786 : vector<16xf32>
      %mul3A_788 = arith.mulf %gather3A_780, %gather3A_749 : vector<16xf32>
      %add3A_789 = arith.addf %add3A_787, %mul3A_788 : vector<16xf32>
      %mul3A_790 = arith.mulf %gather3A_784, %gather3A_761 : vector<16xf32>
      %add3A_791 = arith.addf %add3A_789, %mul3A_790 : vector<16xf32>
      %sub3A_792 = arith.subf %gather3A_723, %gather3A_714 : vector<16xf32>
      %mul3A_793 = arith.mulf %gather3A_776, %gather3A_741 : vector<16xf32>
      %add3A_794 = arith.addf %sub3A_792, %mul3A_793 : vector<16xf32>
      %mul3A_795 = arith.mulf %gather3A_780, %gather3A_753 : vector<16xf32>
      %add3A_796 = arith.addf %add3A_794, %mul3A_795 : vector<16xf32>
      %mul3A_797 = arith.mulf %gather3A_784, %gather3A_765 : vector<16xf32>
      %add3A_798 = arith.addf %add3A_796, %mul3A_797 : vector<16xf32>
      %sub3A_799 = arith.subf %gather3A_727, %gather3A_718 : vector<16xf32>
      %mul3A_800 = arith.mulf %gather3A_776, %gather3A_745 : vector<16xf32>
      %add3A_801 = arith.addf %sub3A_799, %mul3A_800 : vector<16xf32>
      %mul3A_802 = arith.mulf %gather3A_780, %gather3A_757 : vector<16xf32>
      %add3A_803 = arith.addf %add3A_801, %mul3A_802 : vector<16xf32>
      %mul3A_804 = arith.mulf %gather3A_784, %gather3A_769 : vector<16xf32>
      %add3A_805 = arith.addf %add3A_803, %mul3A_804 : vector<16xf32>
      %mul3A_806 = arith.mulf %add3A_791, %add3A_791 : vector<16xf32>
      %mul3A_807 = arith.mulf %add3A_798, %add3A_798 : vector<16xf32>
      %add3A_808 = arith.addf %mul3A_806, %mul3A_807 : vector<16xf32>
      %mul3A_809 = arith.mulf %add3A_805, %add3A_805 : vector<16xf32>
      %add3A_810 = arith.addf %add3A_808, %mul3A_809 : vector<16xf32>
      %swap3A_811 = arith.constant 96 : index
      %swap3A_812 = tpu.vector_load %arg15[%swap3A_811] {strides = array<i32>} : memref<128xf32, #tpu.memory_space<vmem>>, vector<16xf32>,
      tpu.vector_store %arg15[%swap3A_811], %add3A_810 {strides = array<i32>} : memref<128xf32, #tpu.memory_space<vmem>>, vector<16xf32>,
      %add3A_813 = arith.constant 112 : i32
      %add3A_814 = arith.addi %mul3A_12, %add3A_813 : i32
      %get3A_815 = arith.index_cast %add3A_814 : i32 to index
      %get3A_816 = tpu.vector_load %arg13[%get3A_815] {strides = array<i32>} : memref<5120xi32, #tpu.memory_space<vmem>>, vector<16xi32>,
      %mul3A_817 = arith.constant 4 : i32
      %mul3A_818 = vector.broadcast %mul3A_817 : i32 to vector<16xi32>
      %mul3A_819 = arith.muli %get3A_816, %mul3A_818 : vector<16xi32>
      %get3A_820 = arith.index_cast %add3A_814 : i32 to index
      %get3A_821 = tpu.vector_load %arg14[%get3A_820] {strides = array<i32>} : memref<5120xi32, #tpu.memory_space<vmem>>, vector<16xi32>,
      %mul3A_822 = arith.constant 4 : i32
      %mul3A_823 = vector.broadcast %mul3A_822 : i32 to vector<16xi32>
      %mul3A_824 = arith.muli %get3A_821, %mul3A_823 : vector<16xi32>
      %gather3A_825 = tpu.vector_load_idx %arg9[%mul3A_819] : memref<40000xf32, #tpu.memory_space<vmem>>[vector<16xi32>], vector<16xf32>,
      %add3A_826 = arith.constant 1 : i32
      %add3A_827 = vector.broadcast %add3A_826 : i32 to vector<16xi32>
      %add3A_828 = arith.addi %mul3A_819, %add3A_827 : vector<16xi32>
      %gather3A_829 = tpu.vector_load_idx %arg9[%add3A_828] : memref<40000xf32, #tpu.memory_space<vmem>>[vector<16xi32>], vector<16xf32>,
      %add3A_830 = arith.constant 2 : i32
      %add3A_831 = vector.broadcast %add3A_830 : i32 to vector<16xi32>
      %add3A_832 = arith.addi %mul3A_819, %add3A_831 : vector<16xi32>
      %gather3A_833 = tpu.vector_load_idx %arg9[%add3A_832] : memref<40000xf32, #tpu.memory_space<vmem>>[vector<16xi32>], vector<16xf32>,
      %gather3A_834 = tpu.vector_load_idx %arg9[%mul3A_824] : memref<40000xf32, #tpu.memory_space<vmem>>[vector<16xi32>], vector<16xf32>,
      %add3A_835 = arith.constant 1 : i32
      %add3A_836 = vector.broadcast %add3A_835 : i32 to vector<16xi32>
      %add3A_837 = arith.addi %mul3A_824, %add3A_836 : vector<16xi32>
      %gather3A_838 = tpu.vector_load_idx %arg9[%add3A_837] : memref<40000xf32, #tpu.memory_space<vmem>>[vector<16xi32>], vector<16xf32>,
      %add3A_839 = arith.constant 2 : i32
      %add3A_840 = vector.broadcast %add3A_839 : i32 to vector<16xi32>
      %add3A_841 = arith.addi %mul3A_824, %add3A_840 : vector<16xi32>
      %gather3A_842 = tpu.vector_load_idx %arg9[%add3A_841] : memref<40000xf32, #tpu.memory_space<vmem>>[vector<16xi32>], vector<16xf32>,
      %get3A_843 = arith.index_cast %add3A_814 : i32 to index
      %get3A_844 = tpu.vector_load %arg13[%get3A_843] {strides = array<i32>} : memref<5120xi32, #tpu.memory_space<vmem>>, vector<16xi32>,
      %gather3A_845 = tpu.vector_load_idx %arg10[%get3A_844] : memref<10000xi32, #tpu.memory_space<vmem>>[vector<16xi32>], vector<16xi32>,
      %mul3A_846 = arith.constant 16 : i32
      %mul3A_847 = vector.broadcast %mul3A_846 : i32 to vector<16xi32>
      %mul3A_848 = arith.muli %gather3A_845, %mul3A_847 : vector<16xi32>
      %add3A_849 = arith.constant 0 : i32
      %add3A_850 = vector.broadcast %add3A_849 : i32 to vector<16xi32>
      %add3A_851 = arith.addi %mul3A_848, %add3A_850 : vector<16xi32>
      %gather3A_852 = tpu.vector_load_idx %arg11[%add3A_851] : memref<1024xf32, #tpu.memory_space<vmem>>[vector<16xi32>], vector<16xf32>,
      %add3A_853 = arith.constant 1 : i32
      %add3A_854 = vector.broadcast %add3A_853 : i32 to vector<16xi32>
      %add3A_855 = arith.addi %mul3A_848, %add3A_854 : vector<16xi32>
      %gather3A_856 = tpu.vector_load_idx %arg11[%add3A_855] : memref<1024xf32, #tpu.memory_space<vmem>>[vector<16xi32>], vector<16xf32>,
      %add3A_857 = arith.constant 2 : i32
      %add3A_858 = vector.broadcast %add3A_857 : i32 to vector<16xi32>
      %add3A_859 = arith.addi %mul3A_848, %add3A_858 : vector<16xi32>
      %gather3A_860 = tpu.vector_load_idx %arg11[%add3A_859] : memref<1024xf32, #tpu.memory_space<vmem>>[vector<16xi32>], vector<16xf32>,
      %add3A_861 = arith.constant 3 : i32
      %add3A_862 = vector.broadcast %add3A_861 : i32 to vector<16xi32>
      %add3A_863 = arith.addi %mul3A_848, %add3A_862 : vector<16xi32>
      %gather3A_864 = tpu.vector_load_idx %arg11[%add3A_863] : memref<1024xf32, #tpu.memory_space<vmem>>[vector<16xi32>], vector<16xf32>,
      %add3A_865 = arith.constant 4 : i32
      %add3A_866 = vector.broadcast %add3A_865 : i32 to vector<16xi32>
      %add3A_867 = arith.addi %mul3A_848, %add3A_866 : vector<16xi32>
      %gather3A_868 = tpu.vector_load_idx %arg11[%add3A_867] : memref<1024xf32, #tpu.memory_space<vmem>>[vector<16xi32>], vector<16xf32>,
      %add3A_869 = arith.constant 5 : i32
      %add3A_870 = vector.broadcast %add3A_869 : i32 to vector<16xi32>
      %add3A_871 = arith.addi %mul3A_848, %add3A_870 : vector<16xi32>
      %gather3A_872 = tpu.vector_load_idx %arg11[%add3A_871] : memref<1024xf32, #tpu.memory_space<vmem>>[vector<16xi32>], vector<16xf32>,
      %add3A_873 = arith.constant 6 : i32
      %add3A_874 = vector.broadcast %add3A_873 : i32 to vector<16xi32>
      %add3A_875 = arith.addi %mul3A_848, %add3A_874 : vector<16xi32>
      %gather3A_876 = tpu.vector_load_idx %arg11[%add3A_875] : memref<1024xf32, #tpu.memory_space<vmem>>[vector<16xi32>], vector<16xf32>,
      %add3A_877 = arith.constant 7 : i32
      %add3A_878 = vector.broadcast %add3A_877 : i32 to vector<16xi32>
      %add3A_879 = arith.addi %mul3A_848, %add3A_878 : vector<16xi32>
      %gather3A_880 = tpu.vector_load_idx %arg11[%add3A_879] : memref<1024xf32, #tpu.memory_space<vmem>>[vector<16xi32>], vector<16xf32>,
      %add3A_881 = arith.constant 8 : i32
      %add3A_882 = vector.broadcast %add3A_881 : i32 to vector<16xi32>
      %add3A_883 = arith.addi %mul3A_848, %add3A_882 : vector<16xi32>
      %gather3A_884 = tpu.vector_load_idx %arg11[%add3A_883] : memref<1024xf32, #tpu.memory_space<vmem>>[vector<16xi32>], vector<16xf32>,
      %iota3A_885 = tpu.iota {dimensions = array<i32: 0>} : vector<16xi32>
      %add3A_886 = vector.broadcast %add3A_814 : i32 to vector<16xi32>
      %add3A_887 = arith.addi %iota3A_885, %add3A_886 : vector<16xi32>
      %mul3A_888 = arith.constant 4 : i32
      %mul3A_889 = vector.broadcast %mul3A_888 : i32 to vector<16xi32>
      %mul3A_890 = arith.muli %add3A_887, %mul3A_889 : vector<16xi32>
      %gather3A_891 = tpu.vector_load_idx %arg12[%mul3A_890] : memref<20480xf32, #tpu.memory_space<vmem>>[vector<16xi32>], vector<16xf32>,
      %add3A_892 = arith.constant 1 : i32
      %add3A_893 = vector.broadcast %add3A_892 : i32 to vector<16xi32>
      %add3A_894 = arith.addi %mul3A_890, %add3A_893 : vector<16xi32>
      %gather3A_895 = tpu.vector_load_idx %arg12[%add3A_894] : memref<20480xf32, #tpu.memory_space<vmem>>[vector<16xi32>], vector<16xf32>,
      %add3A_896 = arith.constant 2 : i32
      %add3A_897 = vector.broadcast %add3A_896 : i32 to vector<16xi32>
      %add3A_898 = arith.addi %mul3A_890, %add3A_897 : vector<16xi32>
      %gather3A_899 = tpu.vector_load_idx %arg12[%add3A_898] : memref<20480xf32, #tpu.memory_space<vmem>>[vector<16xi32>], vector<16xf32>,
      %sub3A_900 = arith.subf %gather3A_834, %gather3A_825 : vector<16xf32>
      %mul3A_901 = arith.mulf %gather3A_891, %gather3A_852 : vector<16xf32>
      %add3A_902 = arith.addf %sub3A_900, %mul3A_901 : vector<16xf32>
      %mul3A_903 = arith.mulf %gather3A_895, %gather3A_864 : vector<16xf32>
      %add3A_904 = arith.addf %add3A_902, %mul3A_903 : vector<16xf32>
      %mul3A_905 = arith.mulf %gather3A_899, %gather3A_876 : vector<16xf32>
      %add3A_906 = arith.addf %add3A_904, %mul3A_905 : vector<16xf32>
      %sub3A_907 = arith.subf %gather3A_838, %gather3A_829 : vector<16xf32>
      %mul3A_908 = arith.mulf %gather3A_891, %gather3A_856 : vector<16xf32>
      %add3A_909 = arith.addf %sub3A_907, %mul3A_908 : vector<16xf32>
      %mul3A_910 = arith.mulf %gather3A_895, %gather3A_868 : vector<16xf32>
      %add3A_911 = arith.addf %add3A_909, %mul3A_910 : vector<16xf32>
      %mul3A_912 = arith.mulf %gather3A_899, %gather3A_880 : vector<16xf32>
      %add3A_913 = arith.addf %add3A_911, %mul3A_912 : vector<16xf32>
      %sub3A_914 = arith.subf %gather3A_842, %gather3A_833 : vector<16xf32>
      %mul3A_915 = arith.mulf %gather3A_891, %gather3A_860 : vector<16xf32>
      %add3A_916 = arith.addf %sub3A_914, %mul3A_915 : vector<16xf32>
      %mul3A_917 = arith.mulf %gather3A_895, %gather3A_872 : vector<16xf32>
      %add3A_918 = arith.addf %add3A_916, %mul3A_917 : vector<16xf32>
      %mul3A_919 = arith.mulf %gather3A_899, %gather3A_884 : vector<16xf32>
      %add3A_920 = arith.addf %add3A_918, %mul3A_919 : vector<16xf32>
      %mul3A_921 = arith.mulf %add3A_906, %add3A_906 : vector<16xf32>
      %mul3A_922 = arith.mulf %add3A_913, %add3A_913 : vector<16xf32>
      %add3A_923 = arith.addf %mul3A_921, %mul3A_922 : vector<16xf32>
      %mul3A_924 = arith.mulf %add3A_920, %add3A_920 : vector<16xf32>
      %add3A_925 = arith.addf %add3A_923, %mul3A_924 : vector<16xf32>
      %swap3A_926 = arith.constant 112 : index
      %swap3A_927 = tpu.vector_load %arg15[%swap3A_926] {strides = array<i32>} : memref<128xf32, #tpu.memory_space<vmem>>, vector<16xf32>,
      tpu.vector_store %arg15[%swap3A_926], %add3A_925 {strides = array<i32>} : memref<128xf32, #tpu.memory_space<vmem>>, vector<16xf32>,
      %add3A_928 = arith.addi %multiple_of3A, %mul3A_12 : i32
      "tpu.region"() ({
        %run_scoped3A = tpu.sem_alloc : memref<!tpu.dma_semaphore, #tpu.memory_space<semaphore_mem>>
        %dma_start3A = tpu.memref_slice %arg8[%add3A_928] : memref<163840xf32, #tpu.memory_space<hbm>> -> memref<128xf32, #tpu.memory_space<hbm>>
        %dma_start3A_929 = tpu.memref_slice %arg8[%add3A_928] : memref<163840xf32, #tpu.memory_space<hbm>> -> memref<128xf32, #tpu.memory_space<hbm>>
        tpu.enqueue_dma source(%arg15 : memref<128xf32, #tpu.memory_space<vmem>>) target(%dma_start3A_929 : memref<128xf32, #tpu.memory_space<hbm>>) target_semaphore(%run_scoped3A : memref<!tpu.dma_semaphore, #tpu.memory_space<semaphore_mem>>)
        %dma_wait3A = tpu.memref_slice %arg8[%add3A_928] : memref<163840xf32, #tpu.memory_space<hbm>> -> memref<128xf32, #tpu.memory_space<hbm>>
        %dma_wait3A_930 = tpu.memref_slice %arg8[%add3A_928] : memref<163840xf32, #tpu.memory_space<hbm>> -> memref<128xf32, #tpu.memory_space<hbm>>
        tpu.wait_dma2 semaphore(%run_scoped3A : memref<!tpu.dma_semaphore, #tpu.memory_space<semaphore_mem>>) src(%arg15 : memref<128xf32, #tpu.memory_space<vmem>>) dst(%dma_wait3A_930 : memref<128xf32, #tpu.memory_space<hbm>>)
        tpu.yield
      }) : () -> ()
    }
    %scan3A_9 = arith.constant 40 : i32
    return
  }
}

#map = affine_map<(d0, d1) -> (0, 0)>
#map1 = affine_map<(d0, d1) -> (0, 0, 0)>
module attributes {stable_mosaic.version = 14 : i64} {
  func.func @_gather_body(%arg0: i32, %arg1: i32, %arg2: memref<10000x128xf32, #tpu.memory_space<hbm>>, %arg3: memref<10000x128xf32, #tpu.memory_space<hbm>>, %arg4: memref<40x32x128xi32, #tpu.memory_space<hbm>>, %arg5: memref<40x32x128xi32, #tpu.memory_space<hbm>>, %arg6: memref<163840x128xf32, #tpu.memory_space<hbm>>, %arg7: memref<40x128xi32, #tpu.memory_space<vmem>>, %arg8: memref<40x128xi32, #tpu.memory_space<vmem>>, %arg9: memref<128x128xf32, #tpu.memory_space<vmem>>, %arg10: memref<128x128xf32, #tpu.memory_space<vmem>>, %arg11: memref<128x128xf32, #tpu.memory_space<vmem>>, %arg12: memref<128x128xf32, #tpu.memory_space<vmem>>, %arg13: memref<!tpu.dma_semaphore, #tpu.memory_space<semaphore_mem>>, %arg14: memref<!tpu.dma_semaphore, #tpu.memory_space<semaphore_mem>>, %arg15: memref<!tpu.dma_semaphore, #tpu.memory_space<semaphore_mem>>, %arg16: memref<!tpu.dma_semaphore, #tpu.memory_space<semaphore_mem>>, %arg17: memref<!tpu.dma_semaphore, #tpu.memory_space<semaphore_mem>>) attributes {dimension_semantics = [#tpu.dimension_semantics<core_parallel>, #tpu.dimension_semantics<subcore_parallel>], iteration_bounds = array<i64: 2, 16>, scalar_prefetch = 0 : i64, scratch_operands = 11 : i64, tpu.core_type = #tpu.core_type<sc_vector_subcore>, window_params = [{transform_indices = #map}, {transform_indices = #map}, {transform_indices = #map1}, {transform_indices = #map1}, {transform_indices = #map}]} {
    %mul3A = arith.constant 2 : i32
    %mul3A_0 = arith.muli %arg1, %mul3A : i32
    %add3A = arith.addi %mul3A_0, %arg0 : i32
    "tpu.region"() ({
      %run_scoped3A = tpu.sem_alloc : memref<!tpu.dma_semaphore, #tpu.memory_space<semaphore_mem>>
      %dma_start3A_35 = arith.constant 0 : i32
      %dma_start3A_36 = arith.constant 0 : i32
      %dma_start3A_37 = tpu.memref_slice %arg4[%dma_start3A_35, %add3A, %dma_start3A_36] : memref<40x32x128xi32, #tpu.memory_space<hbm>> -> memref<40x1x128xi32, #tpu.memory_space<hbm>>
      %dma_start3A_38 = tpu.memref_squeeze %dma_start3A_37 : memref<40x1x128xi32, #tpu.memory_space<hbm>> -> memref<40x128xi32, #tpu.memory_space<hbm>>
      %dma_start3A_39 = arith.constant 0 : i32
      %dma_start3A_40 = arith.constant 0 : i32
      %dma_start3A_41 = tpu.memref_slice %arg4[%dma_start3A_39, %add3A, %dma_start3A_40] : memref<40x32x128xi32, #tpu.memory_space<hbm>> -> memref<40x1x128xi32, #tpu.memory_space<hbm>>
      %dma_start3A_42 = tpu.memref_squeeze %dma_start3A_41 : memref<40x1x128xi32, #tpu.memory_space<hbm>> -> memref<40x128xi32, #tpu.memory_space<hbm>>
      tpu.enqueue_dma source(%dma_start3A_42 : memref<40x128xi32, #tpu.memory_space<hbm>>) target(%arg7 : memref<40x128xi32, #tpu.memory_space<vmem>>) target_semaphore(%run_scoped3A : memref<!tpu.dma_semaphore, #tpu.memory_space<semaphore_mem>>)
      %dma_wait3A_43 = arith.constant 0 : i32
      %dma_wait3A_44 = arith.constant 0 : i32
      %dma_wait3A_45 = tpu.memref_slice %arg4[%dma_wait3A_43, %add3A, %dma_wait3A_44] : memref<40x32x128xi32, #tpu.memory_space<hbm>> -> memref<40x1x128xi32, #tpu.memory_space<hbm>>
      %dma_wait3A_46 = tpu.memref_squeeze %dma_wait3A_45 : memref<40x1x128xi32, #tpu.memory_space<hbm>> -> memref<40x128xi32, #tpu.memory_space<hbm>>
      %dma_wait3A_47 = arith.constant 0 : i32
      %dma_wait3A_48 = arith.constant 0 : i32
      %dma_wait3A_49 = tpu.memref_slice %arg4[%dma_wait3A_47, %add3A, %dma_wait3A_48] : memref<40x32x128xi32, #tpu.memory_space<hbm>> -> memref<40x1x128xi32, #tpu.memory_space<hbm>>
      %dma_wait3A_50 = tpu.memref_squeeze %dma_wait3A_49 : memref<40x1x128xi32, #tpu.memory_space<hbm>> -> memref<40x128xi32, #tpu.memory_space<hbm>>
      tpu.wait_dma2 semaphore(%run_scoped3A : memref<!tpu.dma_semaphore, #tpu.memory_space<semaphore_mem>>) src(%dma_wait3A_50 : memref<40x128xi32, #tpu.memory_space<hbm>>) dst(%arg7 : memref<40x128xi32, #tpu.memory_space<vmem>>)
      tpu.yield
    }) : () -> ()
    "tpu.region"() ({
      %run_scoped3A = tpu.sem_alloc : memref<!tpu.dma_semaphore, #tpu.memory_space<semaphore_mem>>
      %dma_start3A_35 = arith.constant 0 : i32
      %dma_start3A_36 = arith.constant 0 : i32
      %dma_start3A_37 = tpu.memref_slice %arg5[%dma_start3A_35, %add3A, %dma_start3A_36] : memref<40x32x128xi32, #tpu.memory_space<hbm>> -> memref<40x1x128xi32, #tpu.memory_space<hbm>>
      %dma_start3A_38 = tpu.memref_squeeze %dma_start3A_37 : memref<40x1x128xi32, #tpu.memory_space<hbm>> -> memref<40x128xi32, #tpu.memory_space<hbm>>
      %dma_start3A_39 = arith.constant 0 : i32
      %dma_start3A_40 = arith.constant 0 : i32
      %dma_start3A_41 = tpu.memref_slice %arg5[%dma_start3A_39, %add3A, %dma_start3A_40] : memref<40x32x128xi32, #tpu.memory_space<hbm>> -> memref<40x1x128xi32, #tpu.memory_space<hbm>>
      %dma_start3A_42 = tpu.memref_squeeze %dma_start3A_41 : memref<40x1x128xi32, #tpu.memory_space<hbm>> -> memref<40x128xi32, #tpu.memory_space<hbm>>
      tpu.enqueue_dma source(%dma_start3A_42 : memref<40x128xi32, #tpu.memory_space<hbm>>) target(%arg8 : memref<40x128xi32, #tpu.memory_space<vmem>>) target_semaphore(%run_scoped3A : memref<!tpu.dma_semaphore, #tpu.memory_space<semaphore_mem>>)
      %dma_wait3A_43 = arith.constant 0 : i32
      %dma_wait3A_44 = arith.constant 0 : i32
      %dma_wait3A_45 = tpu.memref_slice %arg5[%dma_wait3A_43, %add3A, %dma_wait3A_44] : memref<40x32x128xi32, #tpu.memory_space<hbm>> -> memref<40x1x128xi32, #tpu.memory_space<hbm>>
      %dma_wait3A_46 = tpu.memref_squeeze %dma_wait3A_45 : memref<40x1x128xi32, #tpu.memory_space<hbm>> -> memref<40x128xi32, #tpu.memory_space<hbm>>
      %dma_wait3A_47 = arith.constant 0 : i32
      %dma_wait3A_48 = arith.constant 0 : i32
      %dma_wait3A_49 = tpu.memref_slice %arg5[%dma_wait3A_47, %add3A, %dma_wait3A_48] : memref<40x32x128xi32, #tpu.memory_space<hbm>> -> memref<40x1x128xi32, #tpu.memory_space<hbm>>
      %dma_wait3A_50 = tpu.memref_squeeze %dma_wait3A_49 : memref<40x1x128xi32, #tpu.memory_space<hbm>> -> memref<40x128xi32, #tpu.memory_space<hbm>>
      tpu.wait_dma2 semaphore(%run_scoped3A : memref<!tpu.dma_semaphore, #tpu.memory_space<semaphore_mem>>) src(%dma_wait3A_50 : memref<40x128xi32, #tpu.memory_space<hbm>>) dst(%arg8 : memref<40x128xi32, #tpu.memory_space<vmem>>)
      tpu.yield
    }) : () -> ()
    %dma_start3A = arith.constant 0 : i32
    %dma_start3A_1 = arith.constant 0 : i32
    %dma_start3A_2 = tpu.memref_slice %arg7[%dma_start3A, %dma_start3A_1] : memref<40x128xi32, #tpu.memory_space<vmem>> -> memref<1x128xi32, #tpu.memory_space<vmem>>
    %dma_start3A_3 = tpu.memref_squeeze %dma_start3A_2 : memref<1x128xi32, #tpu.memory_space<vmem>> -> memref<128xi32, #tpu.memory_space<vmem>>
    %dma_start3A_4 = arith.constant 0 : i32
    %dma_start3A_5 = arith.constant 0 : i32
    %dma_start3A_6 = tpu.memref_slice %arg2[%dma_start3A_4, %dma_start3A_5] : memref<10000x128xf32, #tpu.memory_space<hbm>> -> memref<10000x128xf32, #tpu.memory_space<hbm>>
    tpu.enqueue_indirect_dma source(%dma_start3A_6 : memref<10000x128xf32, #tpu.memory_space<hbm>>) target(%arg9 : memref<128x128xf32, #tpu.memory_space<vmem>>) offsets(%dma_start3A_3 : memref<128xi32, #tpu.memory_space<vmem>>) semaphore(%arg13 : memref<!tpu.dma_semaphore, #tpu.memory_space<semaphore_mem>>)
    %dma_start3A_7 = arith.constant 0 : i32
    %dma_start3A_8 = arith.constant 0 : i32
    %dma_start3A_9 = tpu.memref_slice %arg8[%dma_start3A_7, %dma_start3A_8] : memref<40x128xi32, #tpu.memory_space<vmem>> -> memref<1x128xi32, #tpu.memory_space<vmem>>
    %dma_start3A_10 = tpu.memref_squeeze %dma_start3A_9 : memref<1x128xi32, #tpu.memory_space<vmem>> -> memref<128xi32, #tpu.memory_space<vmem>>
    %dma_start3A_11 = arith.constant 0 : i32
    %dma_start3A_12 = arith.constant 0 : i32
    %dma_start3A_13 = tpu.memref_slice %arg3[%dma_start3A_11, %dma_start3A_12] : memref<10000x128xf32, #tpu.memory_space<hbm>> -> memref<10000x128xf32, #tpu.memory_space<hbm>>
    tpu.enqueue_indirect_dma source(%dma_start3A_13 : memref<10000x128xf32, #tpu.memory_space<hbm>>) target(%arg10 : memref<128x128xf32, #tpu.memory_space<vmem>>) offsets(%dma_start3A_10 : memref<128xi32, #tpu.memory_space<vmem>>) semaphore(%arg14 : memref<!tpu.dma_semaphore, #tpu.memory_space<semaphore_mem>>)
    %scan3A = arith.constant 0 : i32
    %scan3A_14 = arith.constant 0 : i32
    %scan3A_15 = arith.constant 20 : i32
    %scan3A_16 = arith.addi %scan3A_14, %scan3A_15 : i32
    %scan3A_17 = arith.constant 1 : i32
    scf.for %scan3A_35 = %scan3A_14 to %scan3A_16 step %scan3A_17  : i32 {
      %mul3A_36 = arith.constant 2 : i32
      %mul3A_37 = arith.muli %scan3A_35, %mul3A_36 : i32
      %add3A_38 = arith.constant 0 : i32
      %add3A_39 = arith.addi %mul3A_37, %add3A_38 : i32
      %add3A_40 = arith.constant 1 : i32
      %add3A_41 = arith.addi %add3A_39, %add3A_40 : i32
      %lt3A = arith.constant 40 : i32
      %lt3A_42 = arith.cmpi slt, %add3A_41, %lt3A : i32
      %convert_element_type3A = arith.extui %lt3A_42 : i1 to i32
      %cond3A = arith.constant 0 : i32
      %cond3A_43 = arith.cmpi ne, %convert_element_type3A, %cond3A : i32
      scf.if %cond3A_43 {
        %ge3A = arith.constant 1 : i32
        %ge3A_111 = arith.cmpi sge, %add3A_39, %ge3A : i32
        %convert_element_type3A_112 = arith.extui %ge3A_111 : i1 to i32
        %cond3A_113 = arith.constant 0 : i32
        %cond3A_114 = arith.cmpi ne, %convert_element_type3A_112, %cond3A_113 : i32
        scf.if %cond3A_114 {
          %sub3A = arith.constant 1 : i32
          %sub3A_129 = arith.subi %add3A_39, %sub3A : i32
          %mul3A_130 = arith.constant 32 : i32
          %mul3A_131 = arith.muli %sub3A_129, %mul3A_130 : i32
          %add3A_132 = arith.addi %mul3A_131, %add3A : i32
          %mul3A_133 = arith.constant 128 : i32
          %mul3A_134 = arith.muli %add3A_132, %mul3A_133 : i32
          %multiple_of3A_135 = tpu.assume_multiple %mul3A_134, 128 : i32
          %dma_wait3A_136 = arith.constant 0 : i32
          %dma_wait3A_137 = tpu.memref_slice %arg6[%multiple_of3A_135, %dma_wait3A_136] : memref<163840x128xf32, #tpu.memory_space<hbm>> -> memref<128x128xf32, #tpu.memory_space<hbm>>
          %dma_wait3A_138 = arith.constant 0 : i32
          %dma_wait3A_139 = tpu.memref_slice %arg6[%multiple_of3A_135, %dma_wait3A_138] : memref<163840x128xf32, #tpu.memory_space<hbm>> -> memref<128x128xf32, #tpu.memory_space<hbm>>
          tpu.wait_dma2 semaphore(%arg17 : memref<!tpu.dma_semaphore, #tpu.memory_space<semaphore_mem>>) src(%arg11 : memref<128x128xf32, #tpu.memory_space<vmem>>) dst(%dma_wait3A_139 : memref<128x128xf32, #tpu.memory_space<hbm>>)
        } else {
        }
        %add3A_115 = arith.constant 1 : i32
        %add3A_116 = arith.addi %add3A_39, %add3A_115 : i32
        %dma_start3A_117 = arith.constant 0 : i32
        %dma_start3A_118 = tpu.memref_slice %arg7[%add3A_116, %dma_start3A_117] : memref<40x128xi32, #tpu.memory_space<vmem>> -> memref<1x128xi32, #tpu.memory_space<vmem>>
        %dma_start3A_119 = tpu.memref_squeeze %dma_start3A_118 : memref<1x128xi32, #tpu.memory_space<vmem>> -> memref<128xi32, #tpu.memory_space<vmem>>
        %dma_start3A_120 = arith.constant 0 : i32
        %dma_start3A_121 = arith.constant 0 : i32
        %dma_start3A_122 = tpu.memref_slice %arg2[%dma_start3A_120, %dma_start3A_121] : memref<10000x128xf32, #tpu.memory_space<hbm>> -> memref<10000x128xf32, #tpu.memory_space<hbm>>
        tpu.enqueue_indirect_dma source(%dma_start3A_122 : memref<10000x128xf32, #tpu.memory_space<hbm>>) target(%arg11 : memref<128x128xf32, #tpu.memory_space<vmem>>) offsets(%dma_start3A_119 : memref<128xi32, #tpu.memory_space<vmem>>) semaphore(%arg15 : memref<!tpu.dma_semaphore, #tpu.memory_space<semaphore_mem>>)
        %dma_start3A_123 = arith.constant 0 : i32
        %dma_start3A_124 = tpu.memref_slice %arg8[%add3A_116, %dma_start3A_123] : memref<40x128xi32, #tpu.memory_space<vmem>> -> memref<1x128xi32, #tpu.memory_space<vmem>>
        %dma_start3A_125 = tpu.memref_squeeze %dma_start3A_124 : memref<1x128xi32, #tpu.memory_space<vmem>> -> memref<128xi32, #tpu.memory_space<vmem>>
        %dma_start3A_126 = arith.constant 0 : i32
        %dma_start3A_127 = arith.constant 0 : i32
        %dma_start3A_128 = tpu.memref_slice %arg3[%dma_start3A_126, %dma_start3A_127] : memref<10000x128xf32, #tpu.memory_space<hbm>> -> memref<10000x128xf32, #tpu.memory_space<hbm>>
        tpu.enqueue_indirect_dma source(%dma_start3A_128 : memref<10000x128xf32, #tpu.memory_space<hbm>>) target(%arg12 : memref<128x128xf32, #tpu.memory_space<vmem>>) offsets(%dma_start3A_125 : memref<128xi32, #tpu.memory_space<vmem>>) semaphore(%arg16 : memref<!tpu.dma_semaphore, #tpu.memory_space<semaphore_mem>>)
      } else {
      }
      %dma_wait3A_44 = arith.constant 0 : i32
      %dma_wait3A_45 = tpu.memref_slice %arg7[%add3A_39, %dma_wait3A_44] : memref<40x128xi32, #tpu.memory_space<vmem>> -> memref<1x128xi32, #tpu.memory_space<vmem>>
      %dma_wait3A_46 = tpu.memref_squeeze %dma_wait3A_45 : memref<1x128xi32, #tpu.memory_space<vmem>> -> memref<128xi32, #tpu.memory_space<vmem>>
      %dma_wait3A_47 = arith.constant 0 : i32
      %dma_wait3A_48 = arith.constant 0 : i32
      %dma_wait3A_49 = tpu.memref_slice %arg2[%dma_wait3A_47, %dma_wait3A_48] : memref<10000x128xf32, #tpu.memory_space<hbm>> -> memref<10000x128xf32, #tpu.memory_space<hbm>>
      tpu.wait_indirect_dma semaphore(%arg13 : memref<!tpu.dma_semaphore, #tpu.memory_space<semaphore_mem>>) src(%dma_wait3A_49 : memref<10000x128xf32, #tpu.memory_space<hbm>>) dst(%arg9 : memref<128x128xf32, #tpu.memory_space<vmem>>)
      %dma_wait3A_50 = arith.constant 0 : i32
      %dma_wait3A_51 = tpu.memref_slice %arg8[%add3A_39, %dma_wait3A_50] : memref<40x128xi32, #tpu.memory_space<vmem>> -> memref<1x128xi32, #tpu.memory_space<vmem>>
      %dma_wait3A_52 = tpu.memref_squeeze %dma_wait3A_51 : memref<1x128xi32, #tpu.memory_space<vmem>> -> memref<128xi32, #tpu.memory_space<vmem>>
      %dma_wait3A_53 = arith.constant 0 : i32
      %dma_wait3A_54 = arith.constant 0 : i32
      %dma_wait3A_55 = tpu.memref_slice %arg3[%dma_wait3A_53, %dma_wait3A_54] : memref<10000x128xf32, #tpu.memory_space<hbm>> -> memref<10000x128xf32, #tpu.memory_space<hbm>>
      tpu.wait_indirect_dma semaphore(%arg14 : memref<!tpu.dma_semaphore, #tpu.memory_space<semaphore_mem>>) src(%dma_wait3A_55 : memref<10000x128xf32, #tpu.memory_space<hbm>>) dst(%arg10 : memref<128x128xf32, #tpu.memory_space<vmem>>)
      %scan3A_56 = arith.constant 0 : i32
      %scan3A_57 = arith.constant 0 : i32
      %scan3A_58 = arith.constant 128 : i32
      %scan3A_59 = arith.addi %scan3A_57, %scan3A_58 : i32
      %scan3A_60 = arith.constant 1 : i32
      scf.for %scan3A_111 = %scan3A_57 to %scan3A_59 step %scan3A_60  : i32 {
        %get3A = arith.index_cast %scan3A_111 : i32 to index
        %get3A_112 = arith.constant 0 : index
        %get3A_113 = tpu.vector_load %arg9[%get3A, %get3A_112] {strides = array<i32>} : memref<128x128xf32, #tpu.memory_space<vmem>>, vector<16xf32>,
        %get3A_114 = arith.index_cast %scan3A_111 : i32 to index
        %get3A_115 = arith.constant 0 : index
        %get3A_116 = tpu.vector_load %arg10[%get3A_114, %get3A_115] {strides = array<i32>} : memref<128x128xf32, #tpu.memory_space<vmem>>, vector<16xf32>,
        %add3A_117 = arith.addf %get3A_113, %get3A_116 : vector<16xf32>
        %swap3A = arith.index_cast %scan3A_111 : i32 to index
        %swap3A_118 = arith.constant 0 : index
        %swap3A_119 = tpu.vector_load %arg9[%swap3A, %swap3A_118] {strides = array<i32>} : memref<128x128xf32, #tpu.memory_space<vmem>>, vector<16xf32>,
        tpu.vector_store %arg9[%swap3A, %swap3A_118], %add3A_117 {strides = array<i32>} : memref<128x128xf32, #tpu.memory_space<vmem>>, vector<16xf32>,
        %get3A_120 = arith.index_cast %scan3A_111 : i32 to index
        %get3A_121 = arith.constant 16 : index
        %get3A_122 = tpu.vector_load %arg9[%get3A_120, %get3A_121] {strides = array<i32>} : memref<128x128xf32, #tpu.memory_space<vmem>>, vector<16xf32>,
        %get3A_123 = arith.index_cast %scan3A_111 : i32 to index
        %get3A_124 = arith.constant 16 : index
        %get3A_125 = tpu.vector_load %arg10[%get3A_123, %get3A_124] {strides = array<i32>} : memref<128x128xf32, #tpu.memory_space<vmem>>, vector<16xf32>,
        %add3A_126 = arith.addf %get3A_122, %get3A_125 : vector<16xf32>
        %swap3A_127 = arith.index_cast %scan3A_111 : i32 to index
        %swap3A_128 = arith.constant 16 : index
        %swap3A_129 = tpu.vector_load %arg9[%swap3A_127, %swap3A_128] {strides = array<i32>} : memref<128x128xf32, #tpu.memory_space<vmem>>, vector<16xf32>,
        tpu.vector_store %arg9[%swap3A_127, %swap3A_128], %add3A_126 {strides = array<i32>} : memref<128x128xf32, #tpu.memory_space<vmem>>, vector<16xf32>,
        %get3A_130 = arith.index_cast %scan3A_111 : i32 to index
        %get3A_131 = arith.constant 32 : index
        %get3A_132 = tpu.vector_load %arg9[%get3A_130, %get3A_131] {strides = array<i32>} : memref<128x128xf32, #tpu.memory_space<vmem>>, vector<16xf32>,
        %get3A_133 = arith.index_cast %scan3A_111 : i32 to index
        %get3A_134 = arith.constant 32 : index
        %get3A_135 = tpu.vector_load %arg10[%get3A_133, %get3A_134] {strides = array<i32>} : memref<128x128xf32, #tpu.memory_space<vmem>>, vector<16xf32>,
        %add3A_136 = arith.addf %get3A_132, %get3A_135 : vector<16xf32>
        %swap3A_137 = arith.index_cast %scan3A_111 : i32 to index
        %swap3A_138 = arith.constant 32 : index
        %swap3A_139 = tpu.vector_load %arg9[%swap3A_137, %swap3A_138] {strides = array<i32>} : memref<128x128xf32, #tpu.memory_space<vmem>>, vector<16xf32>,
        tpu.vector_store %arg9[%swap3A_137, %swap3A_138], %add3A_136 {strides = array<i32>} : memref<128x128xf32, #tpu.memory_space<vmem>>, vector<16xf32>,
        %get3A_140 = arith.index_cast %scan3A_111 : i32 to index
        %get3A_141 = arith.constant 48 : index
        %get3A_142 = tpu.vector_load %arg9[%get3A_140, %get3A_141] {strides = array<i32>} : memref<128x128xf32, #tpu.memory_space<vmem>>, vector<16xf32>,
        %get3A_143 = arith.index_cast %scan3A_111 : i32 to index
        %get3A_144 = arith.constant 48 : index
        %get3A_145 = tpu.vector_load %arg10[%get3A_143, %get3A_144] {strides = array<i32>} : memref<128x128xf32, #tpu.memory_space<vmem>>, vector<16xf32>,
        %add3A_146 = arith.addf %get3A_142, %get3A_145 : vector<16xf32>
        %swap3A_147 = arith.index_cast %scan3A_111 : i32 to index
        %swap3A_148 = arith.constant 48 : index
        %swap3A_149 = tpu.vector_load %arg9[%swap3A_147, %swap3A_148] {strides = array<i32>} : memref<128x128xf32, #tpu.memory_space<vmem>>, vector<16xf32>,
        tpu.vector_store %arg9[%swap3A_147, %swap3A_148], %add3A_146 {strides = array<i32>} : memref<128x128xf32, #tpu.memory_space<vmem>>, vector<16xf32>,
        %get3A_150 = arith.index_cast %scan3A_111 : i32 to index
        %get3A_151 = arith.constant 64 : index
        %get3A_152 = tpu.vector_load %arg9[%get3A_150, %get3A_151] {strides = array<i32>} : memref<128x128xf32, #tpu.memory_space<vmem>>, vector<16xf32>,
        %get3A_153 = arith.index_cast %scan3A_111 : i32 to index
        %get3A_154 = arith.constant 64 : index
        %get3A_155 = tpu.vector_load %arg10[%get3A_153, %get3A_154] {strides = array<i32>} : memref<128x128xf32, #tpu.memory_space<vmem>>, vector<16xf32>,
        %add3A_156 = arith.addf %get3A_152, %get3A_155 : vector<16xf32>
        %swap3A_157 = arith.index_cast %scan3A_111 : i32 to index
        %swap3A_158 = arith.constant 64 : index
        %swap3A_159 = tpu.vector_load %arg9[%swap3A_157, %swap3A_158] {strides = array<i32>} : memref<128x128xf32, #tpu.memory_space<vmem>>, vector<16xf32>,
        tpu.vector_store %arg9[%swap3A_157, %swap3A_158], %add3A_156 {strides = array<i32>} : memref<128x128xf32, #tpu.memory_space<vmem>>, vector<16xf32>,
        %get3A_160 = arith.index_cast %scan3A_111 : i32 to index
        %get3A_161 = arith.constant 80 : index
        %get3A_162 = tpu.vector_load %arg9[%get3A_160, %get3A_161] {strides = array<i32>} : memref<128x128xf32, #tpu.memory_space<vmem>>, vector<16xf32>,
        %get3A_163 = arith.index_cast %scan3A_111 : i32 to index
        %get3A_164 = arith.constant 80 : index
        %get3A_165 = tpu.vector_load %arg10[%get3A_163, %get3A_164] {strides = array<i32>} : memref<128x128xf32, #tpu.memory_space<vmem>>, vector<16xf32>,
        %add3A_166 = arith.addf %get3A_162, %get3A_165 : vector<16xf32>
        %swap3A_167 = arith.index_cast %scan3A_111 : i32 to index
        %swap3A_168 = arith.constant 80 : index
        %swap3A_169 = tpu.vector_load %arg9[%swap3A_167, %swap3A_168] {strides = array<i32>} : memref<128x128xf32, #tpu.memory_space<vmem>>, vector<16xf32>,
        tpu.vector_store %arg9[%swap3A_167, %swap3A_168], %add3A_166 {strides = array<i32>} : memref<128x128xf32, #tpu.memory_space<vmem>>, vector<16xf32>,
        %get3A_170 = arith.index_cast %scan3A_111 : i32 to index
        %get3A_171 = arith.constant 96 : index
        %get3A_172 = tpu.vector_load %arg9[%get3A_170, %get3A_171] {strides = array<i32>} : memref<128x128xf32, #tpu.memory_space<vmem>>, vector<16xf32>,
        %get3A_173 = arith.index_cast %scan3A_111 : i32 to index
        %get3A_174 = arith.constant 96 : index
        %get3A_175 = tpu.vector_load %arg10[%get3A_173, %get3A_174] {strides = array<i32>} : memref<128x128xf32, #tpu.memory_space<vmem>>, vector<16xf32>,
        %add3A_176 = arith.addf %get3A_172, %get3A_175 : vector<16xf32>
        %swap3A_177 = arith.index_cast %scan3A_111 : i32 to index
        %swap3A_178 = arith.constant 96 : index
        %swap3A_179 = tpu.vector_load %arg9[%swap3A_177, %swap3A_178] {strides = array<i32>} : memref<128x128xf32, #tpu.memory_space<vmem>>, vector<16xf32>,
        tpu.vector_store %arg9[%swap3A_177, %swap3A_178], %add3A_176 {strides = array<i32>} : memref<128x128xf32, #tpu.memory_space<vmem>>, vector<16xf32>,
        %get3A_180 = arith.index_cast %scan3A_111 : i32 to index
        %get3A_181 = arith.constant 112 : index
        %get3A_182 = tpu.vector_load %arg9[%get3A_180, %get3A_181] {strides = array<i32>} : memref<128x128xf32, #tpu.memory_space<vmem>>, vector<16xf32>,
        %get3A_183 = arith.index_cast %scan3A_111 : i32 to index
        %get3A_184 = arith.constant 112 : index
        %get3A_185 = tpu.vector_load %arg10[%get3A_183, %get3A_184] {strides = array<i32>} : memref<128x128xf32, #tpu.memory_space<vmem>>, vector<16xf32>,
        %add3A_186 = arith.addf %get3A_182, %get3A_185 : vector<16xf32>
        %swap3A_187 = arith.index_cast %scan3A_111 : i32 to index
        %swap3A_188 = arith.constant 112 : index
        %swap3A_189 = tpu.vector_load %arg9[%swap3A_187, %swap3A_188] {strides = array<i32>} : memref<128x128xf32, #tpu.memory_space<vmem>>, vector<16xf32>,
        tpu.vector_store %arg9[%swap3A_187, %swap3A_188], %add3A_186 {strides = array<i32>} : memref<128x128xf32, #tpu.memory_space<vmem>>, vector<16xf32>,
      }
      %scan3A_61 = arith.constant 128 : i32
      %mul3A_62 = arith.constant 32 : i32
      %mul3A_63 = arith.muli %add3A_39, %mul3A_62 : i32
      %add3A_64 = arith.addi %mul3A_63, %add3A : i32
      %mul3A_65 = arith.constant 128 : i32
      %mul3A_66 = arith.muli %add3A_64, %mul3A_65 : i32
      %multiple_of3A_67 = tpu.assume_multiple %mul3A_66, 128 : i32
      %dma_start3A_68 = arith.constant 0 : i32
      %dma_start3A_69 = tpu.memref_slice %arg6[%multiple_of3A_67, %dma_start3A_68] : memref<163840x128xf32, #tpu.memory_space<hbm>> -> memref<128x128xf32, #tpu.memory_space<hbm>>
      %dma_start3A_70 = arith.constant 0 : i32
      %dma_start3A_71 = tpu.memref_slice %arg6[%multiple_of3A_67, %dma_start3A_70] : memref<163840x128xf32, #tpu.memory_space<hbm>> -> memref<128x128xf32, #tpu.memory_space<hbm>>
      tpu.enqueue_dma source(%arg9 : memref<128x128xf32, #tpu.memory_space<vmem>>) target(%dma_start3A_71 : memref<128x128xf32, #tpu.memory_space<hbm>>) target_semaphore(%arg17 : memref<!tpu.dma_semaphore, #tpu.memory_space<semaphore_mem>>)
      %mul3A_72 = arith.constant 2 : i32
      %mul3A_73 = arith.muli %scan3A_35, %mul3A_72 : i32
      %add3A_74 = arith.constant 1 : i32
      %add3A_75 = arith.addi %mul3A_73, %add3A_74 : i32
      %add3A_76 = arith.constant 1 : i32
      %add3A_77 = arith.addi %add3A_75, %add3A_76 : i32
      %lt3A_78 = arith.constant 40 : i32
      %lt3A_79 = arith.cmpi slt, %add3A_77, %lt3A_78 : i32
      %convert_element_type3A_80 = arith.extui %lt3A_79 : i1 to i32
      %cond3A_81 = arith.constant 0 : i32
      %cond3A_82 = arith.cmpi ne, %convert_element_type3A_80, %cond3A_81 : i32
      scf.if %cond3A_82 {
        %ge3A = arith.constant 1 : i32
        %ge3A_111 = arith.cmpi sge, %add3A_75, %ge3A : i32
        %convert_element_type3A_112 = arith.extui %ge3A_111 : i1 to i32
        %cond3A_113 = arith.constant 0 : i32
        %cond3A_114 = arith.cmpi ne, %convert_element_type3A_112, %cond3A_113 : i32
        scf.if %cond3A_114 {
          %sub3A = arith.constant 1 : i32
          %sub3A_129 = arith.subi %add3A_75, %sub3A : i32
          %mul3A_130 = arith.constant 32 : i32
          %mul3A_131 = arith.muli %sub3A_129, %mul3A_130 : i32
          %add3A_132 = arith.addi %mul3A_131, %add3A : i32
          %mul3A_133 = arith.constant 128 : i32
          %mul3A_134 = arith.muli %add3A_132, %mul3A_133 : i32
          %multiple_of3A_135 = tpu.assume_multiple %mul3A_134, 128 : i32
          %dma_wait3A_136 = arith.constant 0 : i32
          %dma_wait3A_137 = tpu.memref_slice %arg6[%multiple_of3A_135, %dma_wait3A_136] : memref<163840x128xf32, #tpu.memory_space<hbm>> -> memref<128x128xf32, #tpu.memory_space<hbm>>
          %dma_wait3A_138 = arith.constant 0 : i32
          %dma_wait3A_139 = tpu.memref_slice %arg6[%multiple_of3A_135, %dma_wait3A_138] : memref<163840x128xf32, #tpu.memory_space<hbm>> -> memref<128x128xf32, #tpu.memory_space<hbm>>
          tpu.wait_dma2 semaphore(%arg17 : memref<!tpu.dma_semaphore, #tpu.memory_space<semaphore_mem>>) src(%arg9 : memref<128x128xf32, #tpu.memory_space<vmem>>) dst(%dma_wait3A_139 : memref<128x128xf32, #tpu.memory_space<hbm>>)
        } else {
        }
        %add3A_115 = arith.constant 1 : i32
        %add3A_116 = arith.addi %add3A_75, %add3A_115 : i32
        %dma_start3A_117 = arith.constant 0 : i32
        %dma_start3A_118 = tpu.memref_slice %arg7[%add3A_116, %dma_start3A_117] : memref<40x128xi32, #tpu.memory_space<vmem>> -> memref<1x128xi32, #tpu.memory_space<vmem>>
        %dma_start3A_119 = tpu.memref_squeeze %dma_start3A_118 : memref<1x128xi32, #tpu.memory_space<vmem>> -> memref<128xi32, #tpu.memory_space<vmem>>
        %dma_start3A_120 = arith.constant 0 : i32
        %dma_start3A_121 = arith.constant 0 : i32
        %dma_start3A_122 = tpu.memref_slice %arg2[%dma_start3A_120, %dma_start3A_121] : memref<10000x128xf32, #tpu.memory_space<hbm>> -> memref<10000x128xf32, #tpu.memory_space<hbm>>
        tpu.enqueue_indirect_dma source(%dma_start3A_122 : memref<10000x128xf32, #tpu.memory_space<hbm>>) target(%arg9 : memref<128x128xf32, #tpu.memory_space<vmem>>) offsets(%dma_start3A_119 : memref<128xi32, #tpu.memory_space<vmem>>) semaphore(%arg13 : memref<!tpu.dma_semaphore, #tpu.memory_space<semaphore_mem>>)
        %dma_start3A_123 = arith.constant 0 : i32
        %dma_start3A_124 = tpu.memref_slice %arg8[%add3A_116, %dma_start3A_123] : memref<40x128xi32, #tpu.memory_space<vmem>> -> memref<1x128xi32, #tpu.memory_space<vmem>>
        %dma_start3A_125 = tpu.memref_squeeze %dma_start3A_124 : memref<1x128xi32, #tpu.memory_space<vmem>> -> memref<128xi32, #tpu.memory_space<vmem>>
        %dma_start3A_126 = arith.constant 0 : i32
        %dma_start3A_127 = arith.constant 0 : i32
        %dma_start3A_128 = tpu.memref_slice %arg3[%dma_start3A_126, %dma_start3A_127] : memref<10000x128xf32, #tpu.memory_space<hbm>> -> memref<10000x128xf32, #tpu.memory_space<hbm>>
        tpu.enqueue_indirect_dma source(%dma_start3A_128 : memref<10000x128xf32, #tpu.memory_space<hbm>>) target(%arg10 : memref<128x128xf32, #tpu.memory_space<vmem>>) offsets(%dma_start3A_125 : memref<128xi32, #tpu.memory_space<vmem>>) semaphore(%arg14 : memref<!tpu.dma_semaphore, #tpu.memory_space<semaphore_mem>>)
      } else {
      }
      %dma_wait3A_83 = arith.constant 0 : i32
      %dma_wait3A_84 = tpu.memref_slice %arg7[%add3A_75, %dma_wait3A_83] : memref<40x128xi32, #tpu.memory_space<vmem>> -> memref<1x128xi32, #tpu.memory_space<vmem>>
      %dma_wait3A_85 = tpu.memref_squeeze %dma_wait3A_84 : memref<1x128xi32, #tpu.memory_space<vmem>> -> memref<128xi32, #tpu.memory_space<vmem>>
      %dma_wait3A_86 = arith.constant 0 : i32
      %dma_wait3A_87 = arith.constant 0 : i32
      %dma_wait3A_88 = tpu.memref_slice %arg2[%dma_wait3A_86, %dma_wait3A_87] : memref<10000x128xf32, #tpu.memory_space<hbm>> -> memref<10000x128xf32, #tpu.memory_space<hbm>>
      tpu.wait_indirect_dma semaphore(%arg15 : memref<!tpu.dma_semaphore, #tpu.memory_space<semaphore_mem>>) src(%dma_wait3A_88 : memref<10000x128xf32, #tpu.memory_space<hbm>>) dst(%arg11 : memref<128x128xf32, #tpu.memory_space<vmem>>)
      %dma_wait3A_89 = arith.constant 0 : i32
      %dma_wait3A_90 = tpu.memref_slice %arg8[%add3A_75, %dma_wait3A_89] : memref<40x128xi32, #tpu.memory_space<vmem>> -> memref<1x128xi32, #tpu.memory_space<vmem>>
      %dma_wait3A_91 = tpu.memref_squeeze %dma_wait3A_90 : memref<1x128xi32, #tpu.memory_space<vmem>> -> memref<128xi32, #tpu.memory_space<vmem>>
      %dma_wait3A_92 = arith.constant 0 : i32
      %dma_wait3A_93 = arith.constant 0 : i32
      %dma_wait3A_94 = tpu.memref_slice %arg3[%dma_wait3A_92, %dma_wait3A_93] : memref<10000x128xf32, #tpu.memory_space<hbm>> -> memref<10000x128xf32, #tpu.memory_space<hbm>>
      tpu.wait_indirect_dma semaphore(%arg16 : memref<!tpu.dma_semaphore, #tpu.memory_space<semaphore_mem>>) src(%dma_wait3A_94 : memref<10000x128xf32, #tpu.memory_space<hbm>>) dst(%arg12 : memref<128x128xf32, #tpu.memory_space<vmem>>)
      %scan3A_95 = arith.constant 0 : i32
      %scan3A_96 = arith.constant 0 : i32
      %scan3A_97 = arith.constant 128 : i32
      %scan3A_98 = arith.addi %scan3A_96, %scan3A_97 : i32
      %scan3A_99 = arith.constant 1 : i32
      scf.for %scan3A_111 = %scan3A_96 to %scan3A_98 step %scan3A_99  : i32 {
        %get3A = arith.index_cast %scan3A_111 : i32 to index
        %get3A_112 = arith.constant 0 : index
        %get3A_113 = tpu.vector_load %arg11[%get3A, %get3A_112] {strides = array<i32>} : memref<128x128xf32, #tpu.memory_space<vmem>>, vector<16xf32>,
        %get3A_114 = arith.index_cast %scan3A_111 : i32 to index
        %get3A_115 = arith.constant 0 : index
        %get3A_116 = tpu.vector_load %arg12[%get3A_114, %get3A_115] {strides = array<i32>} : memref<128x128xf32, #tpu.memory_space<vmem>>, vector<16xf32>,
        %add3A_117 = arith.addf %get3A_113, %get3A_116 : vector<16xf32>
        %swap3A = arith.index_cast %scan3A_111 : i32 to index
        %swap3A_118 = arith.constant 0 : index
        %swap3A_119 = tpu.vector_load %arg11[%swap3A, %swap3A_118] {strides = array<i32>} : memref<128x128xf32, #tpu.memory_space<vmem>>, vector<16xf32>,
        tpu.vector_store %arg11[%swap3A, %swap3A_118], %add3A_117 {strides = array<i32>} : memref<128x128xf32, #tpu.memory_space<vmem>>, vector<16xf32>,
        %get3A_120 = arith.index_cast %scan3A_111 : i32 to index
        %get3A_121 = arith.constant 16 : index
        %get3A_122 = tpu.vector_load %arg11[%get3A_120, %get3A_121] {strides = array<i32>} : memref<128x128xf32, #tpu.memory_space<vmem>>, vector<16xf32>,
        %get3A_123 = arith.index_cast %scan3A_111 : i32 to index
        %get3A_124 = arith.constant 16 : index
        %get3A_125 = tpu.vector_load %arg12[%get3A_123, %get3A_124] {strides = array<i32>} : memref<128x128xf32, #tpu.memory_space<vmem>>, vector<16xf32>,
        %add3A_126 = arith.addf %get3A_122, %get3A_125 : vector<16xf32>
        %swap3A_127 = arith.index_cast %scan3A_111 : i32 to index
        %swap3A_128 = arith.constant 16 : index
        %swap3A_129 = tpu.vector_load %arg11[%swap3A_127, %swap3A_128] {strides = array<i32>} : memref<128x128xf32, #tpu.memory_space<vmem>>, vector<16xf32>,
        tpu.vector_store %arg11[%swap3A_127, %swap3A_128], %add3A_126 {strides = array<i32>} : memref<128x128xf32, #tpu.memory_space<vmem>>, vector<16xf32>,
        %get3A_130 = arith.index_cast %scan3A_111 : i32 to index
        %get3A_131 = arith.constant 32 : index
        %get3A_132 = tpu.vector_load %arg11[%get3A_130, %get3A_131] {strides = array<i32>} : memref<128x128xf32, #tpu.memory_space<vmem>>, vector<16xf32>,
        %get3A_133 = arith.index_cast %scan3A_111 : i32 to index
        %get3A_134 = arith.constant 32 : index
        %get3A_135 = tpu.vector_load %arg12[%get3A_133, %get3A_134] {strides = array<i32>} : memref<128x128xf32, #tpu.memory_space<vmem>>, vector<16xf32>,
        %add3A_136 = arith.addf %get3A_132, %get3A_135 : vector<16xf32>
        %swap3A_137 = arith.index_cast %scan3A_111 : i32 to index
        %swap3A_138 = arith.constant 32 : index
        %swap3A_139 = tpu.vector_load %arg11[%swap3A_137, %swap3A_138] {strides = array<i32>} : memref<128x128xf32, #tpu.memory_space<vmem>>, vector<16xf32>,
        tpu.vector_store %arg11[%swap3A_137, %swap3A_138], %add3A_136 {strides = array<i32>} : memref<128x128xf32, #tpu.memory_space<vmem>>, vector<16xf32>,
        %get3A_140 = arith.index_cast %scan3A_111 : i32 to index
        %get3A_141 = arith.constant 48 : index
        %get3A_142 = tpu.vector_load %arg11[%get3A_140, %get3A_141] {strides = array<i32>} : memref<128x128xf32, #tpu.memory_space<vmem>>, vector<16xf32>,
        %get3A_143 = arith.index_cast %scan3A_111 : i32 to index
        %get3A_144 = arith.constant 48 : index
        %get3A_145 = tpu.vector_load %arg12[%get3A_143, %get3A_144] {strides = array<i32>} : memref<128x128xf32, #tpu.memory_space<vmem>>, vector<16xf32>,
        %add3A_146 = arith.addf %get3A_142, %get3A_145 : vector<16xf32>
        %swap3A_147 = arith.index_cast %scan3A_111 : i32 to index
        %swap3A_148 = arith.constant 48 : index
        %swap3A_149 = tpu.vector_load %arg11[%swap3A_147, %swap3A_148] {strides = array<i32>} : memref<128x128xf32, #tpu.memory_space<vmem>>, vector<16xf32>,
        tpu.vector_store %arg11[%swap3A_147, %swap3A_148], %add3A_146 {strides = array<i32>} : memref<128x128xf32, #tpu.memory_space<vmem>>, vector<16xf32>,
        %get3A_150 = arith.index_cast %scan3A_111 : i32 to index
        %get3A_151 = arith.constant 64 : index
        %get3A_152 = tpu.vector_load %arg11[%get3A_150, %get3A_151] {strides = array<i32>} : memref<128x128xf32, #tpu.memory_space<vmem>>, vector<16xf32>,
        %get3A_153 = arith.index_cast %scan3A_111 : i32 to index
        %get3A_154 = arith.constant 64 : index
        %get3A_155 = tpu.vector_load %arg12[%get3A_153, %get3A_154] {strides = array<i32>} : memref<128x128xf32, #tpu.memory_space<vmem>>, vector<16xf32>,
        %add3A_156 = arith.addf %get3A_152, %get3A_155 : vector<16xf32>
        %swap3A_157 = arith.index_cast %scan3A_111 : i32 to index
        %swap3A_158 = arith.constant 64 : index
        %swap3A_159 = tpu.vector_load %arg11[%swap3A_157, %swap3A_158] {strides = array<i32>} : memref<128x128xf32, #tpu.memory_space<vmem>>, vector<16xf32>,
        tpu.vector_store %arg11[%swap3A_157, %swap3A_158], %add3A_156 {strides = array<i32>} : memref<128x128xf32, #tpu.memory_space<vmem>>, vector<16xf32>,
        %get3A_160 = arith.index_cast %scan3A_111 : i32 to index
        %get3A_161 = arith.constant 80 : index
        %get3A_162 = tpu.vector_load %arg11[%get3A_160, %get3A_161] {strides = array<i32>} : memref<128x128xf32, #tpu.memory_space<vmem>>, vector<16xf32>,
        %get3A_163 = arith.index_cast %scan3A_111 : i32 to index
        %get3A_164 = arith.constant 80 : index
        %get3A_165 = tpu.vector_load %arg12[%get3A_163, %get3A_164] {strides = array<i32>} : memref<128x128xf32, #tpu.memory_space<vmem>>, vector<16xf32>,
        %add3A_166 = arith.addf %get3A_162, %get3A_165 : vector<16xf32>
        %swap3A_167 = arith.index_cast %scan3A_111 : i32 to index
        %swap3A_168 = arith.constant 80 : index
        %swap3A_169 = tpu.vector_load %arg11[%swap3A_167, %swap3A_168] {strides = array<i32>} : memref<128x128xf32, #tpu.memory_space<vmem>>, vector<16xf32>,
        tpu.vector_store %arg11[%swap3A_167, %swap3A_168], %add3A_166 {strides = array<i32>} : memref<128x128xf32, #tpu.memory_space<vmem>>, vector<16xf32>,
        %get3A_170 = arith.index_cast %scan3A_111 : i32 to index
        %get3A_171 = arith.constant 96 : index
        %get3A_172 = tpu.vector_load %arg11[%get3A_170, %get3A_171] {strides = array<i32>} : memref<128x128xf32, #tpu.memory_space<vmem>>, vector<16xf32>,
        %get3A_173 = arith.index_cast %scan3A_111 : i32 to index
        %get3A_174 = arith.constant 96 : index
        %get3A_175 = tpu.vector_load %arg12[%get3A_173, %get3A_174] {strides = array<i32>} : memref<128x128xf32, #tpu.memory_space<vmem>>, vector<16xf32>,
        %add3A_176 = arith.addf %get3A_172, %get3A_175 : vector<16xf32>
        %swap3A_177 = arith.index_cast %scan3A_111 : i32 to index
        %swap3A_178 = arith.constant 96 : index
        %swap3A_179 = tpu.vector_load %arg11[%swap3A_177, %swap3A_178] {strides = array<i32>} : memref<128x128xf32, #tpu.memory_space<vmem>>, vector<16xf32>,
        tpu.vector_store %arg11[%swap3A_177, %swap3A_178], %add3A_176 {strides = array<i32>} : memref<128x128xf32, #tpu.memory_space<vmem>>, vector<16xf32>,
        %get3A_180 = arith.index_cast %scan3A_111 : i32 to index
        %get3A_181 = arith.constant 112 : index
        %get3A_182 = tpu.vector_load %arg11[%get3A_180, %get3A_181] {strides = array<i32>} : memref<128x128xf32, #tpu.memory_space<vmem>>, vector<16xf32>,
        %get3A_183 = arith.index_cast %scan3A_111 : i32 to index
        %get3A_184 = arith.constant 112 : index
        %get3A_185 = tpu.vector_load %arg12[%get3A_183, %get3A_184] {strides = array<i32>} : memref<128x128xf32, #tpu.memory_space<vmem>>, vector<16xf32>,
        %add3A_186 = arith.addf %get3A_182, %get3A_185 : vector<16xf32>
        %swap3A_187 = arith.index_cast %scan3A_111 : i32 to index
        %swap3A_188 = arith.constant 112 : index
        %swap3A_189 = tpu.vector_load %arg11[%swap3A_187, %swap3A_188] {strides = array<i32>} : memref<128x128xf32, #tpu.memory_space<vmem>>, vector<16xf32>,
        tpu.vector_store %arg11[%swap3A_187, %swap3A_188], %add3A_186 {strides = array<i32>} : memref<128x128xf32, #tpu.memory_space<vmem>>, vector<16xf32>,
      }
      %scan3A_100 = arith.constant 128 : i32
      %mul3A_101 = arith.constant 32 : i32
      %mul3A_102 = arith.muli %add3A_75, %mul3A_101 : i32
      %add3A_103 = arith.addi %mul3A_102, %add3A : i32
      %mul3A_104 = arith.constant 128 : i32
      %mul3A_105 = arith.muli %add3A_103, %mul3A_104 : i32
      %multiple_of3A_106 = tpu.assume_multiple %mul3A_105, 128 : i32
      %dma_start3A_107 = arith.constant 0 : i32
      %dma_start3A_108 = tpu.memref_slice %arg6[%multiple_of3A_106, %dma_start3A_107] : memref<163840x128xf32, #tpu.memory_space<hbm>> -> memref<128x128xf32, #tpu.memory_space<hbm>>
      %dma_start3A_109 = arith.constant 0 : i32
      %dma_start3A_110 = tpu.memref_slice %arg6[%multiple_of3A_106, %dma_start3A_109] : memref<163840x128xf32, #tpu.memory_space<hbm>> -> memref<128x128xf32, #tpu.memory_space<hbm>>
      tpu.enqueue_dma source(%arg11 : memref<128x128xf32, #tpu.memory_space<vmem>>) target(%dma_start3A_110 : memref<128x128xf32, #tpu.memory_space<hbm>>) target_semaphore(%arg17 : memref<!tpu.dma_semaphore, #tpu.memory_space<semaphore_mem>>)
    }
    %scan3A_18 = arith.constant 20 : i32
    %add3A_19 = arith.constant 1216 : i32
    %add3A_20 = arith.addi %add3A_19, %add3A : i32
    %mul3A_21 = arith.constant 128 : i32
    %mul3A_22 = arith.muli %add3A_20, %mul3A_21 : i32
    %multiple_of3A = tpu.assume_multiple %mul3A_22, 128 : i32
    %dma_wait3A = arith.constant 0 : i32
    %dma_wait3A_23 = tpu.memref_slice %arg6[%multiple_of3A, %dma_wait3A] : memref<163840x128xf32, #tpu.memory_space<hbm>> -> memref<128x128xf32, #tpu.memory_space<hbm>>
    %dma_wait3A_24 = arith.constant 0 : i32
    %dma_wait3A_25 = tpu.memref_slice %arg6[%multiple_of3A, %dma_wait3A_24] : memref<163840x128xf32, #tpu.memory_space<hbm>> -> memref<128x128xf32, #tpu.memory_space<hbm>>
    tpu.wait_dma2 semaphore(%arg17 : memref<!tpu.dma_semaphore, #tpu.memory_space<semaphore_mem>>) src(%arg9 : memref<128x128xf32, #tpu.memory_space<vmem>>) dst(%dma_wait3A_25 : memref<128x128xf32, #tpu.memory_space<hbm>>)
    %add3A_26 = arith.constant 1248 : i32
    %add3A_27 = arith.addi %add3A_26, %add3A : i32
    %mul3A_28 = arith.constant 128 : i32
    %mul3A_29 = arith.muli %add3A_27, %mul3A_28 : i32
    %multiple_of3A_30 = tpu.assume_multiple %mul3A_29, 128 : i32
    %dma_wait3A_31 = arith.constant 0 : i32
    %dma_wait3A_32 = tpu.memref_slice %arg6[%multiple_of3A_30, %dma_wait3A_31] : memref<163840x128xf32, #tpu.memory_space<hbm>> -> memref<128x128xf32, #tpu.memory_space<hbm>>
    %dma_wait3A_33 = arith.constant 0 : i32
    %dma_wait3A_34 = tpu.memref_slice %arg6[%multiple_of3A_30, %dma_wait3A_33] : memref<163840x128xf32, #tpu.memory_space<hbm>> -> memref<128x128xf32, #tpu.memory_space<hbm>>
    tpu.wait_dma2 semaphore(%arg17 : memref<!tpu.dma_semaphore, #tpu.memory_space<semaphore_mem>>) src(%arg11 : memref<128x128xf32, #tpu.memory_space<vmem>>) dst(%dma_wait3A_34 : memref<128x128xf32, #tpu.memory_space<hbm>>)
    return
  }
}

#map = affine_map<(d0, d1) -> (0, 0)>
#map1 = affine_map<(d0, d1) -> (0, 0, 0)>
module attributes {stable_mosaic.version = 14 : i64} {
  func.func @_gather_body(%arg0: i32, %arg1: i32, %arg2: memref<10000x128xf32, #tpu.memory_space<hbm>>, %arg3: memref<10000x128xf32, #tpu.memory_space<hbm>>, %arg4: memref<40x32x128xi32, #tpu.memory_space<hbm>>, %arg5: memref<40x32x128xi32, #tpu.memory_space<hbm>>, %arg6: memref<163840x128xf32, #tpu.memory_space<hbm>>, %arg7: memref<40x128xi32, #tpu.memory_space<vmem>>, %arg8: memref<40x128xi32, #tpu.memory_space<vmem>>, %arg9: memref<128x128xf32, #tpu.memory_space<vmem>>, %arg10: memref<128x128xf32, #tpu.memory_space<vmem>>, %arg11: memref<128x128xf32, #tpu.memory_space<vmem>>, %arg12: memref<128x128xf32, #tpu.memory_space<vmem>>, %arg13: memref<!tpu.dma_semaphore, #tpu.memory_space<semaphore_mem>>, %arg14: memref<!tpu.dma_semaphore, #tpu.memory_space<semaphore_mem>>, %arg15: memref<!tpu.dma_semaphore, #tpu.memory_space<semaphore_mem>>, %arg16: memref<!tpu.dma_semaphore, #tpu.memory_space<semaphore_mem>>, %arg17: memref<!tpu.dma_semaphore, #tpu.memory_space<semaphore_mem>>) attributes {dimension_semantics = [#tpu.dimension_semantics<core_parallel>, #tpu.dimension_semantics<subcore_parallel>], iteration_bounds = array<i64: 2, 16>, scalar_prefetch = 0 : i64, scratch_operands = 11 : i64, tpu.core_type = #tpu.core_type<sc_vector_subcore>, window_params = [{transform_indices = #map}, {transform_indices = #map}, {transform_indices = #map1}, {transform_indices = #map1}, {transform_indices = #map}]} {
    %mul3A = arith.constant 2 : i32
    %mul3A_0 = arith.muli %arg1, %mul3A : i32
    %add3A = arith.addi %mul3A_0, %arg0 : i32
    "tpu.region"() ({
      %run_scoped3A = tpu.sem_alloc : memref<!tpu.dma_semaphore, #tpu.memory_space<semaphore_mem>>
      %dma_start3A_35 = arith.constant 0 : i32
      %dma_start3A_36 = arith.constant 0 : i32
      %dma_start3A_37 = tpu.memref_slice %arg4[%dma_start3A_35, %add3A, %dma_start3A_36] : memref<40x32x128xi32, #tpu.memory_space<hbm>> -> memref<40x1x128xi32, #tpu.memory_space<hbm>>
      %dma_start3A_38 = tpu.memref_squeeze %dma_start3A_37 : memref<40x1x128xi32, #tpu.memory_space<hbm>> -> memref<40x128xi32, #tpu.memory_space<hbm>>
      %dma_start3A_39 = arith.constant 0 : i32
      %dma_start3A_40 = arith.constant 0 : i32
      %dma_start3A_41 = tpu.memref_slice %arg4[%dma_start3A_39, %add3A, %dma_start3A_40] : memref<40x32x128xi32, #tpu.memory_space<hbm>> -> memref<40x1x128xi32, #tpu.memory_space<hbm>>
      %dma_start3A_42 = tpu.memref_squeeze %dma_start3A_41 : memref<40x1x128xi32, #tpu.memory_space<hbm>> -> memref<40x128xi32, #tpu.memory_space<hbm>>
      tpu.enqueue_dma source(%dma_start3A_42 : memref<40x128xi32, #tpu.memory_space<hbm>>) target(%arg7 : memref<40x128xi32, #tpu.memory_space<vmem>>) target_semaphore(%run_scoped3A : memref<!tpu.dma_semaphore, #tpu.memory_space<semaphore_mem>>)
      %dma_wait3A_43 = arith.constant 0 : i32
      %dma_wait3A_44 = arith.constant 0 : i32
      %dma_wait3A_45 = tpu.memref_slice %arg4[%dma_wait3A_43, %add3A, %dma_wait3A_44] : memref<40x32x128xi32, #tpu.memory_space<hbm>> -> memref<40x1x128xi32, #tpu.memory_space<hbm>>
      %dma_wait3A_46 = tpu.memref_squeeze %dma_wait3A_45 : memref<40x1x128xi32, #tpu.memory_space<hbm>> -> memref<40x128xi32, #tpu.memory_space<hbm>>
      %dma_wait3A_47 = arith.constant 0 : i32
      %dma_wait3A_48 = arith.constant 0 : i32
      %dma_wait3A_49 = tpu.memref_slice %arg4[%dma_wait3A_47, %add3A, %dma_wait3A_48] : memref<40x32x128xi32, #tpu.memory_space<hbm>> -> memref<40x1x128xi32, #tpu.memory_space<hbm>>
      %dma_wait3A_50 = tpu.memref_squeeze %dma_wait3A_49 : memref<40x1x128xi32, #tpu.memory_space<hbm>> -> memref<40x128xi32, #tpu.memory_space<hbm>>
      tpu.wait_dma2 semaphore(%run_scoped3A : memref<!tpu.dma_semaphore, #tpu.memory_space<semaphore_mem>>) src(%dma_wait3A_50 : memref<40x128xi32, #tpu.memory_space<hbm>>) dst(%arg7 : memref<40x128xi32, #tpu.memory_space<vmem>>)
      tpu.yield
    }) : () -> ()
    "tpu.region"() ({
      %run_scoped3A = tpu.sem_alloc : memref<!tpu.dma_semaphore, #tpu.memory_space<semaphore_mem>>
      %dma_start3A_35 = arith.constant 0 : i32
      %dma_start3A_36 = arith.constant 0 : i32
      %dma_start3A_37 = tpu.memref_slice %arg5[%dma_start3A_35, %add3A, %dma_start3A_36] : memref<40x32x128xi32, #tpu.memory_space<hbm>> -> memref<40x1x128xi32, #tpu.memory_space<hbm>>
      %dma_start3A_38 = tpu.memref_squeeze %dma_start3A_37 : memref<40x1x128xi32, #tpu.memory_space<hbm>> -> memref<40x128xi32, #tpu.memory_space<hbm>>
      %dma_start3A_39 = arith.constant 0 : i32
      %dma_start3A_40 = arith.constant 0 : i32
      %dma_start3A_41 = tpu.memref_slice %arg5[%dma_start3A_39, %add3A, %dma_start3A_40] : memref<40x32x128xi32, #tpu.memory_space<hbm>> -> memref<40x1x128xi32, #tpu.memory_space<hbm>>
      %dma_start3A_42 = tpu.memref_squeeze %dma_start3A_41 : memref<40x1x128xi32, #tpu.memory_space<hbm>> -> memref<40x128xi32, #tpu.memory_space<hbm>>
      tpu.enqueue_dma source(%dma_start3A_42 : memref<40x128xi32, #tpu.memory_space<hbm>>) target(%arg8 : memref<40x128xi32, #tpu.memory_space<vmem>>) target_semaphore(%run_scoped3A : memref<!tpu.dma_semaphore, #tpu.memory_space<semaphore_mem>>)
      %dma_wait3A_43 = arith.constant 0 : i32
      %dma_wait3A_44 = arith.constant 0 : i32
      %dma_wait3A_45 = tpu.memref_slice %arg5[%dma_wait3A_43, %add3A, %dma_wait3A_44] : memref<40x32x128xi32, #tpu.memory_space<hbm>> -> memref<40x1x128xi32, #tpu.memory_space<hbm>>
      %dma_wait3A_46 = tpu.memref_squeeze %dma_wait3A_45 : memref<40x1x128xi32, #tpu.memory_space<hbm>> -> memref<40x128xi32, #tpu.memory_space<hbm>>
      %dma_wait3A_47 = arith.constant 0 : i32
      %dma_wait3A_48 = arith.constant 0 : i32
      %dma_wait3A_49 = tpu.memref_slice %arg5[%dma_wait3A_47, %add3A, %dma_wait3A_48] : memref<40x32x128xi32, #tpu.memory_space<hbm>> -> memref<40x1x128xi32, #tpu.memory_space<hbm>>
      %dma_wait3A_50 = tpu.memref_squeeze %dma_wait3A_49 : memref<40x1x128xi32, #tpu.memory_space<hbm>> -> memref<40x128xi32, #tpu.memory_space<hbm>>
      tpu.wait_dma2 semaphore(%run_scoped3A : memref<!tpu.dma_semaphore, #tpu.memory_space<semaphore_mem>>) src(%dma_wait3A_50 : memref<40x128xi32, #tpu.memory_space<hbm>>) dst(%arg8 : memref<40x128xi32, #tpu.memory_space<vmem>>)
      tpu.yield
    }) : () -> ()
    %dma_start3A = arith.constant 0 : i32
    %dma_start3A_1 = arith.constant 0 : i32
    %dma_start3A_2 = tpu.memref_slice %arg7[%dma_start3A, %dma_start3A_1] : memref<40x128xi32, #tpu.memory_space<vmem>> -> memref<1x128xi32, #tpu.memory_space<vmem>>
    %dma_start3A_3 = tpu.memref_squeeze %dma_start3A_2 : memref<1x128xi32, #tpu.memory_space<vmem>> -> memref<128xi32, #tpu.memory_space<vmem>>
    %dma_start3A_4 = arith.constant 0 : i32
    %dma_start3A_5 = arith.constant 0 : i32
    %dma_start3A_6 = tpu.memref_slice %arg2[%dma_start3A_4, %dma_start3A_5] : memref<10000x128xf32, #tpu.memory_space<hbm>> -> memref<10000x128xf32, #tpu.memory_space<hbm>>
    tpu.enqueue_indirect_dma source(%dma_start3A_6 : memref<10000x128xf32, #tpu.memory_space<hbm>>) target(%arg9 : memref<128x128xf32, #tpu.memory_space<vmem>>) offsets(%dma_start3A_3 : memref<128xi32, #tpu.memory_space<vmem>>) semaphore(%arg13 : memref<!tpu.dma_semaphore, #tpu.memory_space<semaphore_mem>>)
    %dma_start3A_7 = arith.constant 0 : i32
    %dma_start3A_8 = arith.constant 0 : i32
    %dma_start3A_9 = tpu.memref_slice %arg8[%dma_start3A_7, %dma_start3A_8] : memref<40x128xi32, #tpu.memory_space<vmem>> -> memref<1x128xi32, #tpu.memory_space<vmem>>
    %dma_start3A_10 = tpu.memref_squeeze %dma_start3A_9 : memref<1x128xi32, #tpu.memory_space<vmem>> -> memref<128xi32, #tpu.memory_space<vmem>>
    %dma_start3A_11 = arith.constant 0 : i32
    %dma_start3A_12 = arith.constant 0 : i32
    %dma_start3A_13 = tpu.memref_slice %arg3[%dma_start3A_11, %dma_start3A_12] : memref<10000x128xf32, #tpu.memory_space<hbm>> -> memref<10000x128xf32, #tpu.memory_space<hbm>>
    tpu.enqueue_indirect_dma source(%dma_start3A_13 : memref<10000x128xf32, #tpu.memory_space<hbm>>) target(%arg10 : memref<128x128xf32, #tpu.memory_space<vmem>>) offsets(%dma_start3A_10 : memref<128xi32, #tpu.memory_space<vmem>>) semaphore(%arg14 : memref<!tpu.dma_semaphore, #tpu.memory_space<semaphore_mem>>)
    %scan3A = arith.constant 0 : i32
    %scan3A_14 = arith.constant 0 : i32
    %scan3A_15 = arith.constant 20 : i32
    %scan3A_16 = arith.addi %scan3A_14, %scan3A_15 : i32
    %scan3A_17 = arith.constant 1 : i32
    scf.for %scan3A_35 = %scan3A_14 to %scan3A_16 step %scan3A_17  : i32 {
      %mul3A_36 = arith.constant 2 : i32
      %mul3A_37 = arith.muli %scan3A_35, %mul3A_36 : i32
      %add3A_38 = arith.constant 0 : i32
      %add3A_39 = arith.addi %mul3A_37, %add3A_38 : i32
      %add3A_40 = arith.constant 1 : i32
      %add3A_41 = arith.addi %add3A_39, %add3A_40 : i32
      %lt3A = arith.constant 40 : i32
      %lt3A_42 = arith.cmpi slt, %add3A_41, %lt3A : i32
      %convert_element_type3A = arith.extui %lt3A_42 : i1 to i32
      %cond3A = arith.constant 0 : i32
      %cond3A_43 = arith.cmpi ne, %convert_element_type3A, %cond3A : i32
      scf.if %cond3A_43 {
        %ge3A = arith.constant 1 : i32
        %ge3A_111 = arith.cmpi sge, %add3A_39, %ge3A : i32
        %convert_element_type3A_112 = arith.extui %ge3A_111 : i1 to i32
        %cond3A_113 = arith.constant 0 : i32
        %cond3A_114 = arith.cmpi ne, %convert_element_type3A_112, %cond3A_113 : i32
        scf.if %cond3A_114 {
          %sub3A = arith.constant 1 : i32
          %sub3A_129 = arith.subi %add3A_39, %sub3A : i32
          %mul3A_130 = arith.constant 32 : i32
          %mul3A_131 = arith.muli %sub3A_129, %mul3A_130 : i32
          %add3A_132 = arith.addi %mul3A_131, %add3A : i32
          %mul3A_133 = arith.constant 128 : i32
          %mul3A_134 = arith.muli %add3A_132, %mul3A_133 : i32
          %multiple_of3A_135 = tpu.assume_multiple %mul3A_134, 128 : i32
          %dma_wait3A_136 = arith.constant 0 : i32
          %dma_wait3A_137 = tpu.memref_slice %arg6[%multiple_of3A_135, %dma_wait3A_136] : memref<163840x128xf32, #tpu.memory_space<hbm>> -> memref<128x128xf32, #tpu.memory_space<hbm>>
          %dma_wait3A_138 = arith.constant 0 : i32
          %dma_wait3A_139 = tpu.memref_slice %arg6[%multiple_of3A_135, %dma_wait3A_138] : memref<163840x128xf32, #tpu.memory_space<hbm>> -> memref<128x128xf32, #tpu.memory_space<hbm>>
          tpu.wait_dma2 semaphore(%arg17 : memref<!tpu.dma_semaphore, #tpu.memory_space<semaphore_mem>>) src(%arg11 : memref<128x128xf32, #tpu.memory_space<vmem>>) dst(%dma_wait3A_139 : memref<128x128xf32, #tpu.memory_space<hbm>>)
        } else {
        }
        %add3A_115 = arith.constant 1 : i32
        %add3A_116 = arith.addi %add3A_39, %add3A_115 : i32
        %dma_start3A_117 = arith.constant 0 : i32
        %dma_start3A_118 = tpu.memref_slice %arg7[%add3A_116, %dma_start3A_117] : memref<40x128xi32, #tpu.memory_space<vmem>> -> memref<1x128xi32, #tpu.memory_space<vmem>>
        %dma_start3A_119 = tpu.memref_squeeze %dma_start3A_118 : memref<1x128xi32, #tpu.memory_space<vmem>> -> memref<128xi32, #tpu.memory_space<vmem>>
        %dma_start3A_120 = arith.constant 0 : i32
        %dma_start3A_121 = arith.constant 0 : i32
        %dma_start3A_122 = tpu.memref_slice %arg2[%dma_start3A_120, %dma_start3A_121] : memref<10000x128xf32, #tpu.memory_space<hbm>> -> memref<10000x128xf32, #tpu.memory_space<hbm>>
        tpu.enqueue_indirect_dma source(%dma_start3A_122 : memref<10000x128xf32, #tpu.memory_space<hbm>>) target(%arg11 : memref<128x128xf32, #tpu.memory_space<vmem>>) offsets(%dma_start3A_119 : memref<128xi32, #tpu.memory_space<vmem>>) semaphore(%arg15 : memref<!tpu.dma_semaphore, #tpu.memory_space<semaphore_mem>>)
        %dma_start3A_123 = arith.constant 0 : i32
        %dma_start3A_124 = tpu.memref_slice %arg8[%add3A_116, %dma_start3A_123] : memref<40x128xi32, #tpu.memory_space<vmem>> -> memref<1x128xi32, #tpu.memory_space<vmem>>
        %dma_start3A_125 = tpu.memref_squeeze %dma_start3A_124 : memref<1x128xi32, #tpu.memory_space<vmem>> -> memref<128xi32, #tpu.memory_space<vmem>>
        %dma_start3A_126 = arith.constant 0 : i32
        %dma_start3A_127 = arith.constant 0 : i32
        %dma_start3A_128 = tpu.memref_slice %arg3[%dma_start3A_126, %dma_start3A_127] : memref<10000x128xf32, #tpu.memory_space<hbm>> -> memref<10000x128xf32, #tpu.memory_space<hbm>>
        tpu.enqueue_indirect_dma source(%dma_start3A_128 : memref<10000x128xf32, #tpu.memory_space<hbm>>) target(%arg12 : memref<128x128xf32, #tpu.memory_space<vmem>>) offsets(%dma_start3A_125 : memref<128xi32, #tpu.memory_space<vmem>>) semaphore(%arg16 : memref<!tpu.dma_semaphore, #tpu.memory_space<semaphore_mem>>)
      } else {
      }
      %dma_wait3A_44 = arith.constant 0 : i32
      %dma_wait3A_45 = tpu.memref_slice %arg7[%add3A_39, %dma_wait3A_44] : memref<40x128xi32, #tpu.memory_space<vmem>> -> memref<1x128xi32, #tpu.memory_space<vmem>>
      %dma_wait3A_46 = tpu.memref_squeeze %dma_wait3A_45 : memref<1x128xi32, #tpu.memory_space<vmem>> -> memref<128xi32, #tpu.memory_space<vmem>>
      %dma_wait3A_47 = arith.constant 0 : i32
      %dma_wait3A_48 = arith.constant 0 : i32
      %dma_wait3A_49 = tpu.memref_slice %arg2[%dma_wait3A_47, %dma_wait3A_48] : memref<10000x128xf32, #tpu.memory_space<hbm>> -> memref<10000x128xf32, #tpu.memory_space<hbm>>
      tpu.wait_indirect_dma semaphore(%arg13 : memref<!tpu.dma_semaphore, #tpu.memory_space<semaphore_mem>>) src(%dma_wait3A_49 : memref<10000x128xf32, #tpu.memory_space<hbm>>) dst(%arg9 : memref<128x128xf32, #tpu.memory_space<vmem>>)
      %dma_wait3A_50 = arith.constant 0 : i32
      %dma_wait3A_51 = tpu.memref_slice %arg8[%add3A_39, %dma_wait3A_50] : memref<40x128xi32, #tpu.memory_space<vmem>> -> memref<1x128xi32, #tpu.memory_space<vmem>>
      %dma_wait3A_52 = tpu.memref_squeeze %dma_wait3A_51 : memref<1x128xi32, #tpu.memory_space<vmem>> -> memref<128xi32, #tpu.memory_space<vmem>>
      %dma_wait3A_53 = arith.constant 0 : i32
      %dma_wait3A_54 = arith.constant 0 : i32
      %dma_wait3A_55 = tpu.memref_slice %arg3[%dma_wait3A_53, %dma_wait3A_54] : memref<10000x128xf32, #tpu.memory_space<hbm>> -> memref<10000x128xf32, #tpu.memory_space<hbm>>
      tpu.wait_indirect_dma semaphore(%arg14 : memref<!tpu.dma_semaphore, #tpu.memory_space<semaphore_mem>>) src(%dma_wait3A_55 : memref<10000x128xf32, #tpu.memory_space<hbm>>) dst(%arg10 : memref<128x128xf32, #tpu.memory_space<vmem>>)
      %scan3A_56 = arith.constant 0 : i32
      %scan3A_57 = arith.constant 0 : i32
      %scan3A_58 = arith.constant 128 : i32
      %scan3A_59 = arith.addi %scan3A_57, %scan3A_58 : i32
      %scan3A_60 = arith.constant 1 : i32
      scf.for %scan3A_111 = %scan3A_57 to %scan3A_59 step %scan3A_60  : i32 {
        %get3A = arith.index_cast %scan3A_111 : i32 to index
        %get3A_112 = arith.constant 0 : index
        %get3A_113 = tpu.vector_load %arg9[%get3A, %get3A_112] {strides = array<i32>} : memref<128x128xf32, #tpu.memory_space<vmem>>, vector<16xf32>,
        %get3A_114 = arith.index_cast %scan3A_111 : i32 to index
        %get3A_115 = arith.constant 0 : index
        %get3A_116 = tpu.vector_load %arg10[%get3A_114, %get3A_115] {strides = array<i32>} : memref<128x128xf32, #tpu.memory_space<vmem>>, vector<16xf32>,
        %add3A_117 = arith.addf %get3A_113, %get3A_116 : vector<16xf32>
        %swap3A = arith.index_cast %scan3A_111 : i32 to index
        %swap3A_118 = arith.constant 0 : index
        %swap3A_119 = tpu.vector_load %arg9[%swap3A, %swap3A_118] {strides = array<i32>} : memref<128x128xf32, #tpu.memory_space<vmem>>, vector<16xf32>,
        tpu.vector_store %arg9[%swap3A, %swap3A_118], %add3A_117 {strides = array<i32>} : memref<128x128xf32, #tpu.memory_space<vmem>>, vector<16xf32>,
        %get3A_120 = arith.index_cast %scan3A_111 : i32 to index
        %get3A_121 = arith.constant 16 : index
        %get3A_122 = tpu.vector_load %arg9[%get3A_120, %get3A_121] {strides = array<i32>} : memref<128x128xf32, #tpu.memory_space<vmem>>, vector<16xf32>,
        %get3A_123 = arith.index_cast %scan3A_111 : i32 to index
        %get3A_124 = arith.constant 16 : index
        %get3A_125 = tpu.vector_load %arg10[%get3A_123, %get3A_124] {strides = array<i32>} : memref<128x128xf32, #tpu.memory_space<vmem>>, vector<16xf32>,
        %add3A_126 = arith.addf %get3A_122, %get3A_125 : vector<16xf32>
        %swap3A_127 = arith.index_cast %scan3A_111 : i32 to index
        %swap3A_128 = arith.constant 16 : index
        %swap3A_129 = tpu.vector_load %arg9[%swap3A_127, %swap3A_128] {strides = array<i32>} : memref<128x128xf32, #tpu.memory_space<vmem>>, vector<16xf32>,
        tpu.vector_store %arg9[%swap3A_127, %swap3A_128], %add3A_126 {strides = array<i32>} : memref<128x128xf32, #tpu.memory_space<vmem>>, vector<16xf32>,
        %get3A_130 = arith.index_cast %scan3A_111 : i32 to index
        %get3A_131 = arith.constant 32 : index
        %get3A_132 = tpu.vector_load %arg9[%get3A_130, %get3A_131] {strides = array<i32>} : memref<128x128xf32, #tpu.memory_space<vmem>>, vector<16xf32>,
        %get3A_133 = arith.index_cast %scan3A_111 : i32 to index
        %get3A_134 = arith.constant 32 : index
        %get3A_135 = tpu.vector_load %arg10[%get3A_133, %get3A_134] {strides = array<i32>} : memref<128x128xf32, #tpu.memory_space<vmem>>, vector<16xf32>,
        %add3A_136 = arith.addf %get3A_132, %get3A_135 : vector<16xf32>
        %swap3A_137 = arith.index_cast %scan3A_111 : i32 to index
        %swap3A_138 = arith.constant 32 : index
        %swap3A_139 = tpu.vector_load %arg9[%swap3A_137, %swap3A_138] {strides = array<i32>} : memref<128x128xf32, #tpu.memory_space<vmem>>, vector<16xf32>,
        tpu.vector_store %arg9[%swap3A_137, %swap3A_138], %add3A_136 {strides = array<i32>} : memref<128x128xf32, #tpu.memory_space<vmem>>, vector<16xf32>,
        %get3A_140 = arith.index_cast %scan3A_111 : i32 to index
        %get3A_141 = arith.constant 48 : index
        %get3A_142 = tpu.vector_load %arg9[%get3A_140, %get3A_141] {strides = array<i32>} : memref<128x128xf32, #tpu.memory_space<vmem>>, vector<16xf32>,
        %get3A_143 = arith.index_cast %scan3A_111 : i32 to index
        %get3A_144 = arith.constant 48 : index
        %get3A_145 = tpu.vector_load %arg10[%get3A_143, %get3A_144] {strides = array<i32>} : memref<128x128xf32, #tpu.memory_space<vmem>>, vector<16xf32>,
        %add3A_146 = arith.addf %get3A_142, %get3A_145 : vector<16xf32>
        %swap3A_147 = arith.index_cast %scan3A_111 : i32 to index
        %swap3A_148 = arith.constant 48 : index
        %swap3A_149 = tpu.vector_load %arg9[%swap3A_147, %swap3A_148] {strides = array<i32>} : memref<128x128xf32, #tpu.memory_space<vmem>>, vector<16xf32>,
        tpu.vector_store %arg9[%swap3A_147, %swap3A_148], %add3A_146 {strides = array<i32>} : memref<128x128xf32, #tpu.memory_space<vmem>>, vector<16xf32>,
        %get3A_150 = arith.index_cast %scan3A_111 : i32 to index
        %get3A_151 = arith.constant 64 : index
        %get3A_152 = tpu.vector_load %arg9[%get3A_150, %get3A_151] {strides = array<i32>} : memref<128x128xf32, #tpu.memory_space<vmem>>, vector<16xf32>,
        %get3A_153 = arith.index_cast %scan3A_111 : i32 to index
        %get3A_154 = arith.constant 64 : index
        %get3A_155 = tpu.vector_load %arg10[%get3A_153, %get3A_154] {strides = array<i32>} : memref<128x128xf32, #tpu.memory_space<vmem>>, vector<16xf32>,
        %add3A_156 = arith.addf %get3A_152, %get3A_155 : vector<16xf32>
        %swap3A_157 = arith.index_cast %scan3A_111 : i32 to index
        %swap3A_158 = arith.constant 64 : index
        %swap3A_159 = tpu.vector_load %arg9[%swap3A_157, %swap3A_158] {strides = array<i32>} : memref<128x128xf32, #tpu.memory_space<vmem>>, vector<16xf32>,
        tpu.vector_store %arg9[%swap3A_157, %swap3A_158], %add3A_156 {strides = array<i32>} : memref<128x128xf32, #tpu.memory_space<vmem>>, vector<16xf32>,
        %get3A_160 = arith.index_cast %scan3A_111 : i32 to index
        %get3A_161 = arith.constant 80 : index
        %get3A_162 = tpu.vector_load %arg9[%get3A_160, %get3A_161] {strides = array<i32>} : memref<128x128xf32, #tpu.memory_space<vmem>>, vector<16xf32>,
        %get3A_163 = arith.index_cast %scan3A_111 : i32 to index
        %get3A_164 = arith.constant 80 : index
        %get3A_165 = tpu.vector_load %arg10[%get3A_163, %get3A_164] {strides = array<i32>} : memref<128x128xf32, #tpu.memory_space<vmem>>, vector<16xf32>,
        %add3A_166 = arith.addf %get3A_162, %get3A_165 : vector<16xf32>
        %swap3A_167 = arith.index_cast %scan3A_111 : i32 to index
        %swap3A_168 = arith.constant 80 : index
        %swap3A_169 = tpu.vector_load %arg9[%swap3A_167, %swap3A_168] {strides = array<i32>} : memref<128x128xf32, #tpu.memory_space<vmem>>, vector<16xf32>,
        tpu.vector_store %arg9[%swap3A_167, %swap3A_168], %add3A_166 {strides = array<i32>} : memref<128x128xf32, #tpu.memory_space<vmem>>, vector<16xf32>,
        %get3A_170 = arith.index_cast %scan3A_111 : i32 to index
        %get3A_171 = arith.constant 96 : index
        %get3A_172 = tpu.vector_load %arg9[%get3A_170, %get3A_171] {strides = array<i32>} : memref<128x128xf32, #tpu.memory_space<vmem>>, vector<16xf32>,
        %get3A_173 = arith.index_cast %scan3A_111 : i32 to index
        %get3A_174 = arith.constant 96 : index
        %get3A_175 = tpu.vector_load %arg10[%get3A_173, %get3A_174] {strides = array<i32>} : memref<128x128xf32, #tpu.memory_space<vmem>>, vector<16xf32>,
        %add3A_176 = arith.addf %get3A_172, %get3A_175 : vector<16xf32>
        %swap3A_177 = arith.index_cast %scan3A_111 : i32 to index
        %swap3A_178 = arith.constant 96 : index
        %swap3A_179 = tpu.vector_load %arg9[%swap3A_177, %swap3A_178] {strides = array<i32>} : memref<128x128xf32, #tpu.memory_space<vmem>>, vector<16xf32>,
        tpu.vector_store %arg9[%swap3A_177, %swap3A_178], %add3A_176 {strides = array<i32>} : memref<128x128xf32, #tpu.memory_space<vmem>>, vector<16xf32>,
        %get3A_180 = arith.index_cast %scan3A_111 : i32 to index
        %get3A_181 = arith.constant 112 : index
        %get3A_182 = tpu.vector_load %arg9[%get3A_180, %get3A_181] {strides = array<i32>} : memref<128x128xf32, #tpu.memory_space<vmem>>, vector<16xf32>,
        %get3A_183 = arith.index_cast %scan3A_111 : i32 to index
        %get3A_184 = arith.constant 112 : index
        %get3A_185 = tpu.vector_load %arg10[%get3A_183, %get3A_184] {strides = array<i32>} : memref<128x128xf32, #tpu.memory_space<vmem>>, vector<16xf32>,
        %add3A_186 = arith.addf %get3A_182, %get3A_185 : vector<16xf32>
        %swap3A_187 = arith.index_cast %scan3A_111 : i32 to index
        %swap3A_188 = arith.constant 112 : index
        %swap3A_189 = tpu.vector_load %arg9[%swap3A_187, %swap3A_188] {strides = array<i32>} : memref<128x128xf32, #tpu.memory_space<vmem>>, vector<16xf32>,
        tpu.vector_store %arg9[%swap3A_187, %swap3A_188], %add3A_186 {strides = array<i32>} : memref<128x128xf32, #tpu.memory_space<vmem>>, vector<16xf32>,
      }
      %scan3A_61 = arith.constant 128 : i32
      %mul3A_62 = arith.constant 32 : i32
      %mul3A_63 = arith.muli %add3A_39, %mul3A_62 : i32
      %add3A_64 = arith.addi %mul3A_63, %add3A : i32
      %mul3A_65 = arith.constant 128 : i32
      %mul3A_66 = arith.muli %add3A_64, %mul3A_65 : i32
      %multiple_of3A_67 = tpu.assume_multiple %mul3A_66, 128 : i32
      %dma_start3A_68 = arith.constant 0 : i32
      %dma_start3A_69 = tpu.memref_slice %arg6[%multiple_of3A_67, %dma_start3A_68] : memref<163840x128xf32, #tpu.memory_space<hbm>> -> memref<128x128xf32, #tpu.memory_space<hbm>>
      %dma_start3A_70 = arith.constant 0 : i32
      %dma_start3A_71 = tpu.memref_slice %arg6[%multiple_of3A_67, %dma_start3A_70] : memref<163840x128xf32, #tpu.memory_space<hbm>> -> memref<128x128xf32, #tpu.memory_space<hbm>>
      tpu.enqueue_dma source(%arg9 : memref<128x128xf32, #tpu.memory_space<vmem>>) target(%dma_start3A_71 : memref<128x128xf32, #tpu.memory_space<hbm>>) target_semaphore(%arg17 : memref<!tpu.dma_semaphore, #tpu.memory_space<semaphore_mem>>)
      %mul3A_72 = arith.constant 2 : i32
      %mul3A_73 = arith.muli %scan3A_35, %mul3A_72 : i32
      %add3A_74 = arith.constant 1 : i32
      %add3A_75 = arith.addi %mul3A_73, %add3A_74 : i32
      %add3A_76 = arith.constant 1 : i32
      %add3A_77 = arith.addi %add3A_75, %add3A_76 : i32
      %lt3A_78 = arith.constant 40 : i32
      %lt3A_79 = arith.cmpi slt, %add3A_77, %lt3A_78 : i32
      %convert_element_type3A_80 = arith.extui %lt3A_79 : i1 to i32
      %cond3A_81 = arith.constant 0 : i32
      %cond3A_82 = arith.cmpi ne, %convert_element_type3A_80, %cond3A_81 : i32
      scf.if %cond3A_82 {
        %ge3A = arith.constant 1 : i32
        %ge3A_111 = arith.cmpi sge, %add3A_75, %ge3A : i32
        %convert_element_type3A_112 = arith.extui %ge3A_111 : i1 to i32
        %cond3A_113 = arith.constant 0 : i32
        %cond3A_114 = arith.cmpi ne, %convert_element_type3A_112, %cond3A_113 : i32
        scf.if %cond3A_114 {
          %sub3A = arith.constant 1 : i32
          %sub3A_129 = arith.subi %add3A_75, %sub3A : i32
          %mul3A_130 = arith.constant 32 : i32
          %mul3A_131 = arith.muli %sub3A_129, %mul3A_130 : i32
          %add3A_132 = arith.addi %mul3A_131, %add3A : i32
          %mul3A_133 = arith.constant 128 : i32
          %mul3A_134 = arith.muli %add3A_132, %mul3A_133 : i32
          %multiple_of3A_135 = tpu.assume_multiple %mul3A_134, 128 : i32
          %dma_wait3A_136 = arith.constant 0 : i32
          %dma_wait3A_137 = tpu.memref_slice %arg6[%multiple_of3A_135, %dma_wait3A_136] : memref<163840x128xf32, #tpu.memory_space<hbm>> -> memref<128x128xf32, #tpu.memory_space<hbm>>
          %dma_wait3A_138 = arith.constant 0 : i32
          %dma_wait3A_139 = tpu.memref_slice %arg6[%multiple_of3A_135, %dma_wait3A_138] : memref<163840x128xf32, #tpu.memory_space<hbm>> -> memref<128x128xf32, #tpu.memory_space<hbm>>
          tpu.wait_dma2 semaphore(%arg17 : memref<!tpu.dma_semaphore, #tpu.memory_space<semaphore_mem>>) src(%arg9 : memref<128x128xf32, #tpu.memory_space<vmem>>) dst(%dma_wait3A_139 : memref<128x128xf32, #tpu.memory_space<hbm>>)
        } else {
        }
        %add3A_115 = arith.constant 1 : i32
        %add3A_116 = arith.addi %add3A_75, %add3A_115 : i32
        %dma_start3A_117 = arith.constant 0 : i32
        %dma_start3A_118 = tpu.memref_slice %arg7[%add3A_116, %dma_start3A_117] : memref<40x128xi32, #tpu.memory_space<vmem>> -> memref<1x128xi32, #tpu.memory_space<vmem>>
        %dma_start3A_119 = tpu.memref_squeeze %dma_start3A_118 : memref<1x128xi32, #tpu.memory_space<vmem>> -> memref<128xi32, #tpu.memory_space<vmem>>
        %dma_start3A_120 = arith.constant 0 : i32
        %dma_start3A_121 = arith.constant 0 : i32
        %dma_start3A_122 = tpu.memref_slice %arg2[%dma_start3A_120, %dma_start3A_121] : memref<10000x128xf32, #tpu.memory_space<hbm>> -> memref<10000x128xf32, #tpu.memory_space<hbm>>
        tpu.enqueue_indirect_dma source(%dma_start3A_122 : memref<10000x128xf32, #tpu.memory_space<hbm>>) target(%arg9 : memref<128x128xf32, #tpu.memory_space<vmem>>) offsets(%dma_start3A_119 : memref<128xi32, #tpu.memory_space<vmem>>) semaphore(%arg13 : memref<!tpu.dma_semaphore, #tpu.memory_space<semaphore_mem>>)
        %dma_start3A_123 = arith.constant 0 : i32
        %dma_start3A_124 = tpu.memref_slice %arg8[%add3A_116, %dma_start3A_123] : memref<40x128xi32, #tpu.memory_space<vmem>> -> memref<1x128xi32, #tpu.memory_space<vmem>>
        %dma_start3A_125 = tpu.memref_squeeze %dma_start3A_124 : memref<1x128xi32, #tpu.memory_space<vmem>> -> memref<128xi32, #tpu.memory_space<vmem>>
        %dma_start3A_126 = arith.constant 0 : i32
        %dma_start3A_127 = arith.constant 0 : i32
        %dma_start3A_128 = tpu.memref_slice %arg3[%dma_start3A_126, %dma_start3A_127] : memref<10000x128xf32, #tpu.memory_space<hbm>> -> memref<10000x128xf32, #tpu.memory_space<hbm>>
        tpu.enqueue_indirect_dma source(%dma_start3A_128 : memref<10000x128xf32, #tpu.memory_space<hbm>>) target(%arg10 : memref<128x128xf32, #tpu.memory_space<vmem>>) offsets(%dma_start3A_125 : memref<128xi32, #tpu.memory_space<vmem>>) semaphore(%arg14 : memref<!tpu.dma_semaphore, #tpu.memory_space<semaphore_mem>>)
      } else {
      }
      %dma_wait3A_83 = arith.constant 0 : i32
      %dma_wait3A_84 = tpu.memref_slice %arg7[%add3A_75, %dma_wait3A_83] : memref<40x128xi32, #tpu.memory_space<vmem>> -> memref<1x128xi32, #tpu.memory_space<vmem>>
      %dma_wait3A_85 = tpu.memref_squeeze %dma_wait3A_84 : memref<1x128xi32, #tpu.memory_space<vmem>> -> memref<128xi32, #tpu.memory_space<vmem>>
      %dma_wait3A_86 = arith.constant 0 : i32
      %dma_wait3A_87 = arith.constant 0 : i32
      %dma_wait3A_88 = tpu.memref_slice %arg2[%dma_wait3A_86, %dma_wait3A_87] : memref<10000x128xf32, #tpu.memory_space<hbm>> -> memref<10000x128xf32, #tpu.memory_space<hbm>>
      tpu.wait_indirect_dma semaphore(%arg15 : memref<!tpu.dma_semaphore, #tpu.memory_space<semaphore_mem>>) src(%dma_wait3A_88 : memref<10000x128xf32, #tpu.memory_space<hbm>>) dst(%arg11 : memref<128x128xf32, #tpu.memory_space<vmem>>)
      %dma_wait3A_89 = arith.constant 0 : i32
      %dma_wait3A_90 = tpu.memref_slice %arg8[%add3A_75, %dma_wait3A_89] : memref<40x128xi32, #tpu.memory_space<vmem>> -> memref<1x128xi32, #tpu.memory_space<vmem>>
      %dma_wait3A_91 = tpu.memref_squeeze %dma_wait3A_90 : memref<1x128xi32, #tpu.memory_space<vmem>> -> memref<128xi32, #tpu.memory_space<vmem>>
      %dma_wait3A_92 = arith.constant 0 : i32
      %dma_wait3A_93 = arith.constant 0 : i32
      %dma_wait3A_94 = tpu.memref_slice %arg3[%dma_wait3A_92, %dma_wait3A_93] : memref<10000x128xf32, #tpu.memory_space<hbm>> -> memref<10000x128xf32, #tpu.memory_space<hbm>>
      tpu.wait_indirect_dma semaphore(%arg16 : memref<!tpu.dma_semaphore, #tpu.memory_space<semaphore_mem>>) src(%dma_wait3A_94 : memref<10000x128xf32, #tpu.memory_space<hbm>>) dst(%arg12 : memref<128x128xf32, #tpu.memory_space<vmem>>)
      %scan3A_95 = arith.constant 0 : i32
      %scan3A_96 = arith.constant 0 : i32
      %scan3A_97 = arith.constant 128 : i32
      %scan3A_98 = arith.addi %scan3A_96, %scan3A_97 : i32
      %scan3A_99 = arith.constant 1 : i32
      scf.for %scan3A_111 = %scan3A_96 to %scan3A_98 step %scan3A_99  : i32 {
        %get3A = arith.index_cast %scan3A_111 : i32 to index
        %get3A_112 = arith.constant 0 : index
        %get3A_113 = tpu.vector_load %arg11[%get3A, %get3A_112] {strides = array<i32>} : memref<128x128xf32, #tpu.memory_space<vmem>>, vector<16xf32>,
        %get3A_114 = arith.index_cast %scan3A_111 : i32 to index
        %get3A_115 = arith.constant 0 : index
        %get3A_116 = tpu.vector_load %arg12[%get3A_114, %get3A_115] {strides = array<i32>} : memref<128x128xf32, #tpu.memory_space<vmem>>, vector<16xf32>,
        %add3A_117 = arith.addf %get3A_113, %get3A_116 : vector<16xf32>
        %swap3A = arith.index_cast %scan3A_111 : i32 to index
        %swap3A_118 = arith.constant 0 : index
        %swap3A_119 = tpu.vector_load %arg11[%swap3A, %swap3A_118] {strides = array<i32>} : memref<128x128xf32, #tpu.memory_space<vmem>>, vector<16xf32>,
        tpu.vector_store %arg11[%swap3A, %swap3A_118], %add3A_117 {strides = array<i32>} : memref<128x128xf32, #tpu.memory_space<vmem>>, vector<16xf32>,
        %get3A_120 = arith.index_cast %scan3A_111 : i32 to index
        %get3A_121 = arith.constant 16 : index
        %get3A_122 = tpu.vector_load %arg11[%get3A_120, %get3A_121] {strides = array<i32>} : memref<128x128xf32, #tpu.memory_space<vmem>>, vector<16xf32>,
        %get3A_123 = arith.index_cast %scan3A_111 : i32 to index
        %get3A_124 = arith.constant 16 : index
        %get3A_125 = tpu.vector_load %arg12[%get3A_123, %get3A_124] {strides = array<i32>} : memref<128x128xf32, #tpu.memory_space<vmem>>, vector<16xf32>,
        %add3A_126 = arith.addf %get3A_122, %get3A_125 : vector<16xf32>
        %swap3A_127 = arith.index_cast %scan3A_111 : i32 to index
        %swap3A_128 = arith.constant 16 : index
        %swap3A_129 = tpu.vector_load %arg11[%swap3A_127, %swap3A_128] {strides = array<i32>} : memref<128x128xf32, #tpu.memory_space<vmem>>, vector<16xf32>,
        tpu.vector_store %arg11[%swap3A_127, %swap3A_128], %add3A_126 {strides = array<i32>} : memref<128x128xf32, #tpu.memory_space<vmem>>, vector<16xf32>,
        %get3A_130 = arith.index_cast %scan3A_111 : i32 to index
        %get3A_131 = arith.constant 32 : index
        %get3A_132 = tpu.vector_load %arg11[%get3A_130, %get3A_131] {strides = array<i32>} : memref<128x128xf32, #tpu.memory_space<vmem>>, vector<16xf32>,
        %get3A_133 = arith.index_cast %scan3A_111 : i32 to index
        %get3A_134 = arith.constant 32 : index
        %get3A_135 = tpu.vector_load %arg12[%get3A_133, %get3A_134] {strides = array<i32>} : memref<128x128xf32, #tpu.memory_space<vmem>>, vector<16xf32>,
        %add3A_136 = arith.addf %get3A_132, %get3A_135 : vector<16xf32>
        %swap3A_137 = arith.index_cast %scan3A_111 : i32 to index
        %swap3A_138 = arith.constant 32 : index
        %swap3A_139 = tpu.vector_load %arg11[%swap3A_137, %swap3A_138] {strides = array<i32>} : memref<128x128xf32, #tpu.memory_space<vmem>>, vector<16xf32>,
        tpu.vector_store %arg11[%swap3A_137, %swap3A_138], %add3A_136 {strides = array<i32>} : memref<128x128xf32, #tpu.memory_space<vmem>>, vector<16xf32>,
        %get3A_140 = arith.index_cast %scan3A_111 : i32 to index
        %get3A_141 = arith.constant 48 : index
        %get3A_142 = tpu.vector_load %arg11[%get3A_140, %get3A_141] {strides = array<i32>} : memref<128x128xf32, #tpu.memory_space<vmem>>, vector<16xf32>,
        %get3A_143 = arith.index_cast %scan3A_111 : i32 to index
        %get3A_144 = arith.constant 48 : index
        %get3A_145 = tpu.vector_load %arg12[%get3A_143, %get3A_144] {strides = array<i32>} : memref<128x128xf32, #tpu.memory_space<vmem>>, vector<16xf32>,
        %add3A_146 = arith.addf %get3A_142, %get3A_145 : vector<16xf32>
        %swap3A_147 = arith.index_cast %scan3A_111 : i32 to index
        %swap3A_148 = arith.constant 48 : index
        %swap3A_149 = tpu.vector_load %arg11[%swap3A_147, %swap3A_148] {strides = array<i32>} : memref<128x128xf32, #tpu.memory_space<vmem>>, vector<16xf32>,
        tpu.vector_store %arg11[%swap3A_147, %swap3A_148], %add3A_146 {strides = array<i32>} : memref<128x128xf32, #tpu.memory_space<vmem>>, vector<16xf32>,
        %get3A_150 = arith.index_cast %scan3A_111 : i32 to index
        %get3A_151 = arith.constant 64 : index
        %get3A_152 = tpu.vector_load %arg11[%get3A_150, %get3A_151] {strides = array<i32>} : memref<128x128xf32, #tpu.memory_space<vmem>>, vector<16xf32>,
        %get3A_153 = arith.index_cast %scan3A_111 : i32 to index
        %get3A_154 = arith.constant 64 : index
        %get3A_155 = tpu.vector_load %arg12[%get3A_153, %get3A_154] {strides = array<i32>} : memref<128x128xf32, #tpu.memory_space<vmem>>, vector<16xf32>,
        %add3A_156 = arith.addf %get3A_152, %get3A_155 : vector<16xf32>
        %swap3A_157 = arith.index_cast %scan3A_111 : i32 to index
        %swap3A_158 = arith.constant 64 : index
        %swap3A_159 = tpu.vector_load %arg11[%swap3A_157, %swap3A_158] {strides = array<i32>} : memref<128x128xf32, #tpu.memory_space<vmem>>, vector<16xf32>,
        tpu.vector_store %arg11[%swap3A_157, %swap3A_158], %add3A_156 {strides = array<i32>} : memref<128x128xf32, #tpu.memory_space<vmem>>, vector<16xf32>,
        %get3A_160 = arith.index_cast %scan3A_111 : i32 to index
        %get3A_161 = arith.constant 80 : index
        %get3A_162 = tpu.vector_load %arg11[%get3A_160, %get3A_161] {strides = array<i32>} : memref<128x128xf32, #tpu.memory_space<vmem>>, vector<16xf32>,
        %get3A_163 = arith.index_cast %scan3A_111 : i32 to index
        %get3A_164 = arith.constant 80 : index
        %get3A_165 = tpu.vector_load %arg12[%get3A_163, %get3A_164] {strides = array<i32>} : memref<128x128xf32, #tpu.memory_space<vmem>>, vector<16xf32>,
        %add3A_166 = arith.addf %get3A_162, %get3A_165 : vector<16xf32>
        %swap3A_167 = arith.index_cast %scan3A_111 : i32 to index
        %swap3A_168 = arith.constant 80 : index
        %swap3A_169 = tpu.vector_load %arg11[%swap3A_167, %swap3A_168] {strides = array<i32>} : memref<128x128xf32, #tpu.memory_space<vmem>>, vector<16xf32>,
        tpu.vector_store %arg11[%swap3A_167, %swap3A_168], %add3A_166 {strides = array<i32>} : memref<128x128xf32, #tpu.memory_space<vmem>>, vector<16xf32>,
        %get3A_170 = arith.index_cast %scan3A_111 : i32 to index
        %get3A_171 = arith.constant 96 : index
        %get3A_172 = tpu.vector_load %arg11[%get3A_170, %get3A_171] {strides = array<i32>} : memref<128x128xf32, #tpu.memory_space<vmem>>, vector<16xf32>,
        %get3A_173 = arith.index_cast %scan3A_111 : i32 to index
        %get3A_174 = arith.constant 96 : index
        %get3A_175 = tpu.vector_load %arg12[%get3A_173, %get3A_174] {strides = array<i32>} : memref<128x128xf32, #tpu.memory_space<vmem>>, vector<16xf32>,
        %add3A_176 = arith.addf %get3A_172, %get3A_175 : vector<16xf32>
        %swap3A_177 = arith.index_cast %scan3A_111 : i32 to index
        %swap3A_178 = arith.constant 96 : index
        %swap3A_179 = tpu.vector_load %arg11[%swap3A_177, %swap3A_178] {strides = array<i32>} : memref<128x128xf32, #tpu.memory_space<vmem>>, vector<16xf32>,
        tpu.vector_store %arg11[%swap3A_177, %swap3A_178], %add3A_176 {strides = array<i32>} : memref<128x128xf32, #tpu.memory_space<vmem>>, vector<16xf32>,
        %get3A_180 = arith.index_cast %scan3A_111 : i32 to index
        %get3A_181 = arith.constant 112 : index
        %get3A_182 = tpu.vector_load %arg11[%get3A_180, %get3A_181] {strides = array<i32>} : memref<128x128xf32, #tpu.memory_space<vmem>>, vector<16xf32>,
        %get3A_183 = arith.index_cast %scan3A_111 : i32 to index
        %get3A_184 = arith.constant 112 : index
        %get3A_185 = tpu.vector_load %arg12[%get3A_183, %get3A_184] {strides = array<i32>} : memref<128x128xf32, #tpu.memory_space<vmem>>, vector<16xf32>,
        %add3A_186 = arith.addf %get3A_182, %get3A_185 : vector<16xf32>
        %swap3A_187 = arith.index_cast %scan3A_111 : i32 to index
        %swap3A_188 = arith.constant 112 : index
        %swap3A_189 = tpu.vector_load %arg11[%swap3A_187, %swap3A_188] {strides = array<i32>} : memref<128x128xf32, #tpu.memory_space<vmem>>, vector<16xf32>,
        tpu.vector_store %arg11[%swap3A_187, %swap3A_188], %add3A_186 {strides = array<i32>} : memref<128x128xf32, #tpu.memory_space<vmem>>, vector<16xf32>,
      }
      %scan3A_100 = arith.constant 128 : i32
      %mul3A_101 = arith.constant 32 : i32
      %mul3A_102 = arith.muli %add3A_75, %mul3A_101 : i32
      %add3A_103 = arith.addi %mul3A_102, %add3A : i32
      %mul3A_104 = arith.constant 128 : i32
      %mul3A_105 = arith.muli %add3A_103, %mul3A_104 : i32
      %multiple_of3A_106 = tpu.assume_multiple %mul3A_105, 128 : i32
      %dma_start3A_107 = arith.constant 0 : i32
      %dma_start3A_108 = tpu.memref_slice %arg6[%multiple_of3A_106, %dma_start3A_107] : memref<163840x128xf32, #tpu.memory_space<hbm>> -> memref<128x128xf32, #tpu.memory_space<hbm>>
      %dma_start3A_109 = arith.constant 0 : i32
      %dma_start3A_110 = tpu.memref_slice %arg6[%multiple_of3A_106, %dma_start3A_109] : memref<163840x128xf32, #tpu.memory_space<hbm>> -> memref<128x128xf32, #tpu.memory_space<hbm>>
      tpu.enqueue_dma source(%arg11 : memref<128x128xf32, #tpu.memory_space<vmem>>) target(%dma_start3A_110 : memref<128x128xf32, #tpu.memory_space<hbm>>) target_semaphore(%arg17 : memref<!tpu.dma_semaphore, #tpu.memory_space<semaphore_mem>>)
    }
    %scan3A_18 = arith.constant 20 : i32
    %add3A_19 = arith.constant 1216 : i32
    %add3A_20 = arith.addi %add3A_19, %add3A : i32
    %mul3A_21 = arith.constant 128 : i32
    %mul3A_22 = arith.muli %add3A_20, %mul3A_21 : i32
    %multiple_of3A = tpu.assume_multiple %mul3A_22, 128 : i32
    %dma_wait3A = arith.constant 0 : i32
    %dma_wait3A_23 = tpu.memref_slice %arg6[%multiple_of3A, %dma_wait3A] : memref<163840x128xf32, #tpu.memory_space<hbm>> -> memref<128x128xf32, #tpu.memory_space<hbm>>
    %dma_wait3A_24 = arith.constant 0 : i32
    %dma_wait3A_25 = tpu.memref_slice %arg6[%multiple_of3A, %dma_wait3A_24] : memref<163840x128xf32, #tpu.memory_space<hbm>> -> memref<128x128xf32, #tpu.memory_space<hbm>>
    tpu.wait_dma2 semaphore(%arg17 : memref<!tpu.dma_semaphore, #tpu.memory_space<semaphore_mem>>) src(%arg9 : memref<128x128xf32, #tpu.memory_space<vmem>>) dst(%dma_wait3A_25 : memref<128x128xf32, #tpu.memory_space<hbm>>)
    %add3A_26 = arith.constant 1248 : i32
    %add3A_27 = arith.addi %add3A_26, %add3A : i32
    %mul3A_28 = arith.constant 128 : i32
    %mul3A_29 = arith.muli %add3A_27, %mul3A_28 : i32
    %multiple_of3A_30 = tpu.assume_multiple %mul3A_29, 128 : i32
    %dma_wait3A_31 = arith.constant 0 : i32
    %dma_wait3A_32 = tpu.memref_slice %arg6[%multiple_of3A_30, %dma_wait3A_31] : memref<163840x128xf32, #tpu.memory_space<hbm>> -> memref<128x128xf32, #tpu.memory_space<hbm>>
    %dma_wait3A_33 = arith.constant 0 : i32
    %dma_wait3A_34 = tpu.memref_slice %arg6[%multiple_of3A_30, %dma_wait3A_33] : memref<163840x128xf32, #tpu.memory_space<hbm>> -> memref<128x128xf32, #tpu.memory_space<hbm>>
    tpu.wait_dma2 semaphore(%arg17 : memref<!tpu.dma_semaphore, #tpu.memory_space<semaphore_mem>>) src(%arg11 : memref<128x128xf32, #tpu.memory_space<vmem>>) dst(%dma_wait3A_34 : memref<128x128xf32, #tpu.memory_space<hbm>>)
    return
  }
}

#map = affine_map<(d0, d1) -> (0, 0)>
#map1 = affine_map<(d0, d1) -> (0, 0, 0)>
module attributes {stable_mosaic.version = 14 : i64} {
  func.func @_scatter_body(%arg0: i32, %arg1: i32, %arg2: memref<163840x128xf32, #tpu.memory_space<hbm>>, %arg3: memref<32x40x128xi32, #tpu.memory_space<hbm>>, %arg4: memref<10112x128xf32, #tpu.memory_space<hbm>>, %arg5: memref<2x10112x128xf32, #tpu.memory_space<hbm>>, %arg6: memref<10112x128xf32, #tpu.memory_space<vmem_shared>>, %arg7: memref<40x128xi32, #tpu.memory_space<vmem>>, %arg8: memref<128x128xf32, #tpu.memory_space<vmem>>, %arg9: memref<128x128xf32, #tpu.memory_space<vmem>>, %arg10: memref<!tpu.dma_semaphore, #tpu.memory_space<semaphore_mem>>, %arg11: memref<!tpu.dma_semaphore, #tpu.memory_space<semaphore_mem>>) attributes {dimension_semantics = [#tpu.dimension_semantics<core_parallel>, #tpu.dimension_semantics<subcore_parallel>], iteration_bounds = array<i64: 2, 16>, scalar_prefetch = 0 : i64, scratch_operands = 6 : i64, tpu.core_type = #tpu.core_type<sc_vector_subcore>, window_params = [{transform_indices = #map}, {transform_indices = #map1}, {transform_indices = #map}, {transform_indices = #map1}]} {
    %mul3A = arith.constant 2 : i32
    %mul3A_0 = arith.muli %arg1, %mul3A : i32
    %add3A = arith.addi %mul3A_0, %arg0 : i32
    %mul3A_1 = arith.constant 5120 : i32
    %mul3A_2 = arith.muli %add3A, %mul3A_1 : i32
    %multiple_of3A = tpu.assume_multiple %mul3A_2, 128 : i32
    %mul3A_3 = arith.constant 632 : i32
    %mul3A_4 = arith.muli %arg1, %mul3A_3 : i32
    %multiple_of3A_5 = tpu.assume_multiple %mul3A_4, 8 : i32
    "tpu.region"() ({
      %run_scoped3A = tpu.sem_alloc : memref<!tpu.dma_semaphore, #tpu.memory_space<semaphore_mem>>
      %dma_start3A_18 = arith.constant 0 : i32
      %dma_start3A_19 = tpu.memref_slice %arg6[%multiple_of3A_5, %dma_start3A_18] : memref<10112x128xf32, #tpu.memory_space<vmem_shared>> -> memref<632x128xf32, #tpu.memory_space<vmem_shared>>
      %dma_start3A_20 = arith.constant 0 : i32
      %dma_start3A_21 = tpu.memref_slice %arg4[%multiple_of3A_5, %dma_start3A_20] : memref<10112x128xf32, #tpu.memory_space<hbm>> -> memref<632x128xf32, #tpu.memory_space<hbm>>
      tpu.enqueue_dma source(%dma_start3A_21 : memref<632x128xf32, #tpu.memory_space<hbm>>) target(%dma_start3A_19 : memref<632x128xf32, #tpu.memory_space<vmem_shared>>) target_semaphore(%run_scoped3A : memref<!tpu.dma_semaphore, #tpu.memory_space<semaphore_mem>>)
      %dma_wait3A = arith.constant 0 : i32
      %dma_wait3A_22 = tpu.memref_slice %arg6[%multiple_of3A_5, %dma_wait3A] : memref<10112x128xf32, #tpu.memory_space<vmem_shared>> -> memref<632x128xf32, #tpu.memory_space<vmem_shared>>
      %dma_wait3A_23 = arith.constant 0 : i32
      %dma_wait3A_24 = tpu.memref_slice %arg4[%multiple_of3A_5, %dma_wait3A_23] : memref<10112x128xf32, #tpu.memory_space<hbm>> -> memref<632x128xf32, #tpu.memory_space<hbm>>
      tpu.wait_dma2 semaphore(%run_scoped3A : memref<!tpu.dma_semaphore, #tpu.memory_space<semaphore_mem>>) src(%dma_wait3A_24 : memref<632x128xf32, #tpu.memory_space<hbm>>) dst(%dma_wait3A_22 : memref<632x128xf32, #tpu.memory_space<vmem_shared>>)
      tpu.yield
    }) : () -> ()
    "tpu.region"() ({
      %run_scoped3A = tpu.sem_alloc : memref<!tpu.dma_semaphore, #tpu.memory_space<semaphore_mem>>
      %dma_start3A_18 = arith.constant 0 : i32
      %dma_start3A_19 = arith.constant 0 : i32
      %dma_start3A_20 = tpu.memref_slice %arg3[%add3A, %dma_start3A_18, %dma_start3A_19] : memref<32x40x128xi32, #tpu.memory_space<hbm>> -> memref<1x40x128xi32, #tpu.memory_space<hbm>>
      %dma_start3A_21 = tpu.memref_squeeze %dma_start3A_20 : memref<1x40x128xi32, #tpu.memory_space<hbm>> -> memref<40x128xi32, #tpu.memory_space<hbm>>
      %dma_start3A_22 = arith.constant 0 : i32
      %dma_start3A_23 = arith.constant 0 : i32
      %dma_start3A_24 = tpu.memref_slice %arg3[%add3A, %dma_start3A_22, %dma_start3A_23] : memref<32x40x128xi32, #tpu.memory_space<hbm>> -> memref<1x40x128xi32, #tpu.memory_space<hbm>>
      %dma_start3A_25 = tpu.memref_squeeze %dma_start3A_24 : memref<1x40x128xi32, #tpu.memory_space<hbm>> -> memref<40x128xi32, #tpu.memory_space<hbm>>
      tpu.enqueue_dma source(%dma_start3A_25 : memref<40x128xi32, #tpu.memory_space<hbm>>) target(%arg7 : memref<40x128xi32, #tpu.memory_space<vmem>>) target_semaphore(%run_scoped3A : memref<!tpu.dma_semaphore, #tpu.memory_space<semaphore_mem>>)
      %dma_wait3A = arith.constant 0 : i32
      %dma_wait3A_26 = arith.constant 0 : i32
      %dma_wait3A_27 = tpu.memref_slice %arg3[%add3A, %dma_wait3A, %dma_wait3A_26] : memref<32x40x128xi32, #tpu.memory_space<hbm>> -> memref<1x40x128xi32, #tpu.memory_space<hbm>>
      %dma_wait3A_28 = tpu.memref_squeeze %dma_wait3A_27 : memref<1x40x128xi32, #tpu.memory_space<hbm>> -> memref<40x128xi32, #tpu.memory_space<hbm>>
      %dma_wait3A_29 = arith.constant 0 : i32
      %dma_wait3A_30 = arith.constant 0 : i32
      %dma_wait3A_31 = tpu.memref_slice %arg3[%add3A, %dma_wait3A_29, %dma_wait3A_30] : memref<32x40x128xi32, #tpu.memory_space<hbm>> -> memref<1x40x128xi32, #tpu.memory_space<hbm>>
      %dma_wait3A_32 = tpu.memref_squeeze %dma_wait3A_31 : memref<1x40x128xi32, #tpu.memory_space<hbm>> -> memref<40x128xi32, #tpu.memory_space<hbm>>
      tpu.wait_dma2 semaphore(%run_scoped3A : memref<!tpu.dma_semaphore, #tpu.memory_space<semaphore_mem>>) src(%dma_wait3A_32 : memref<40x128xi32, #tpu.memory_space<hbm>>) dst(%arg7 : memref<40x128xi32, #tpu.memory_space<vmem>>)
      tpu.yield
    }) : () -> ()
    %barrier3A = arith.constant 0 : index
    tpu.barrier barrier_id(%barrier3A)
    %add3A_6 = arith.constant 0 : i32
    %add3A_7 = arith.addi %multiple_of3A, %add3A_6 : i32
    %multiple_of3A_8 = tpu.assume_multiple %add3A_7, 128 : i32
    %dma_start3A = arith.constant 0 : i32
    %dma_start3A_9 = tpu.memref_slice %arg2[%multiple_of3A_8, %dma_start3A] : memref<163840x128xf32, #tpu.memory_space<hbm>> -> memref<128x128xf32, #tpu.memory_space<hbm>>
    %dma_start3A_10 = arith.constant 0 : i32
    %dma_start3A_11 = tpu.memref_slice %arg2[%multiple_of3A_8, %dma_start3A_10] : memref<163840x128xf32, #tpu.memory_space<hbm>> -> memref<128x128xf32, #tpu.memory_space<hbm>>
    tpu.enqueue_dma source(%dma_start3A_11 : memref<128x128xf32, #tpu.memory_space<hbm>>) target(%arg8 : memref<128x128xf32, #tpu.memory_space<vmem>>) target_semaphore(%arg10 : memref<!tpu.dma_semaphore, #tpu.memory_space<semaphore_mem>>)
    %scan3A = arith.constant 0 : i32
    %scan3A_12 = arith.constant 0 : i32
    %scan3A_13 = arith.constant 20 : i32
    %scan3A_14 = arith.addi %scan3A_12, %scan3A_13 : i32
    %scan3A_15 = arith.constant 1 : i32
    scf.for %scan3A_18 = %scan3A_12 to %scan3A_14 step %scan3A_15  : i32 {
      %mul3A_19 = arith.constant 2 : i32
      %mul3A_20 = arith.muli %scan3A_18, %mul3A_19 : i32
      %add3A_21 = arith.constant 0 : i32
      %add3A_22 = arith.addi %mul3A_20, %add3A_21 : i32
      %add3A_23 = arith.constant 1 : i32
      %add3A_24 = arith.addi %add3A_22, %add3A_23 : i32
      %lt3A = arith.constant 40 : i32
      %lt3A_25 = arith.cmpi slt, %add3A_24, %lt3A : i32
      %convert_element_type3A = arith.extui %lt3A_25 : i1 to i32
      %cond3A = arith.constant 0 : i32
      %cond3A_26 = arith.cmpi ne, %convert_element_type3A, %cond3A : i32
      scf.if %cond3A_26 {
        %add3A_53 = arith.constant 1 : i32
        %add3A_54 = arith.addi %add3A_22, %add3A_53 : i32
        %mul3A_55 = arith.constant 128 : i32
        %mul3A_56 = arith.muli %add3A_54, %mul3A_55 : i32
        %add3A_57 = arith.addi %multiple_of3A, %mul3A_56 : i32
        %multiple_of3A_58 = tpu.assume_multiple %add3A_57, 128 : i32
        %dma_start3A_59 = arith.constant 0 : i32
        %dma_start3A_60 = tpu.memref_slice %arg2[%multiple_of3A_58, %dma_start3A_59] : memref<163840x128xf32, #tpu.memory_space<hbm>> -> memref<128x128xf32, #tpu.memory_space<hbm>>
        %dma_start3A_61 = arith.constant 0 : i32
        %dma_start3A_62 = tpu.memref_slice %arg2[%multiple_of3A_58, %dma_start3A_61] : memref<163840x128xf32, #tpu.memory_space<hbm>> -> memref<128x128xf32, #tpu.memory_space<hbm>>
        tpu.enqueue_dma source(%dma_start3A_62 : memref<128x128xf32, #tpu.memory_space<hbm>>) target(%arg9 : memref<128x128xf32, #tpu.memory_space<vmem>>) target_semaphore(%arg11 : memref<!tpu.dma_semaphore, #tpu.memory_space<semaphore_mem>>)
      } else {
      }
      %mul3A_27 = arith.constant 128 : i32
      %mul3A_28 = arith.muli %add3A_22, %mul3A_27 : i32
      %add3A_29 = arith.addi %multiple_of3A, %mul3A_28 : i32
      %multiple_of3A_30 = tpu.assume_multiple %add3A_29, 128 : i32
      %dma_wait3A = arith.constant 0 : i32
      %dma_wait3A_31 = tpu.memref_slice %arg2[%multiple_of3A_30, %dma_wait3A] : memref<163840x128xf32, #tpu.memory_space<hbm>> -> memref<128x128xf32, #tpu.memory_space<hbm>>
      %dma_wait3A_32 = arith.constant 0 : i32
      %dma_wait3A_33 = tpu.memref_slice %arg2[%multiple_of3A_30, %dma_wait3A_32] : memref<163840x128xf32, #tpu.memory_space<hbm>> -> memref<128x128xf32, #tpu.memory_space<hbm>>
      tpu.wait_dma2 semaphore(%arg10 : memref<!tpu.dma_semaphore, #tpu.memory_space<semaphore_mem>>) src(%dma_wait3A_33 : memref<128x128xf32, #tpu.memory_space<hbm>>) dst(%arg8 : memref<128x128xf32, #tpu.memory_space<vmem>>)
      "tpu.region"() ({
        %run_scoped3A = tpu.sem_alloc : memref<!tpu.dma_semaphore, #tpu.memory_space<semaphore_mem>>
        %dma_start3A_53 = arith.constant 0 : i32
        %dma_start3A_54 = tpu.memref_slice %arg7[%add3A_22, %dma_start3A_53] : memref<40x128xi32, #tpu.memory_space<vmem>> -> memref<1x128xi32, #tpu.memory_space<vmem>>
        %dma_start3A_55 = tpu.memref_squeeze %dma_start3A_54 : memref<1x128xi32, #tpu.memory_space<vmem>> -> memref<128xi32, #tpu.memory_space<vmem>>
        %dma_start3A_56 = arith.constant 0 : i32
        %dma_start3A_57 = arith.constant 0 : i32
        %dma_start3A_58 = tpu.memref_slice %arg6[%dma_start3A_56, %dma_start3A_57] : memref<10112x128xf32, #tpu.memory_space<vmem_shared>> -> memref<10112x128xf32, #tpu.memory_space<vmem_shared>>
        tpu.enqueue_indirect_dma source(%arg8 : memref<128x128xf32, #tpu.memory_space<vmem>>) target(%dma_start3A_58 : memref<10112x128xf32, #tpu.memory_space<vmem_shared>>) offsets(%dma_start3A_55 : memref<128xi32, #tpu.memory_space<vmem>>) semaphore(%run_scoped3A : memref<!tpu.dma_semaphore, #tpu.memory_space<semaphore_mem>>) {add = true}
        %dma_wait3A_59 = arith.constant 0 : i32
        %dma_wait3A_60 = tpu.memref_slice %arg7[%add3A_22, %dma_wait3A_59] : memref<40x128xi32, #tpu.memory_space<vmem>> -> memref<1x128xi32, #tpu.memory_space<vmem>>
        %dma_wait3A_61 = tpu.memref_squeeze %dma_wait3A_60 : memref<1x128xi32, #tpu.memory_space<vmem>> -> memref<128xi32, #tpu.memory_space<vmem>>
        %dma_wait3A_62 = arith.constant 0 : i32
        %dma_wait3A_63 = arith.constant 0 : i32
        %dma_wait3A_64 = tpu.memref_slice %arg6[%dma_wait3A_62, %dma_wait3A_63] : memref<10112x128xf32, #tpu.memory_space<vmem_shared>> -> memref<10112x128xf32, #tpu.memory_space<vmem_shared>>
        tpu.wait_indirect_dma semaphore(%run_scoped3A : memref<!tpu.dma_semaphore, #tpu.memory_space<semaphore_mem>>) src(%arg8 : memref<128x128xf32, #tpu.memory_space<vmem>>) dst(%dma_wait3A_64 : memref<10112x128xf32, #tpu.memory_space<vmem_shared>>)
        tpu.yield
      }) : () -> ()
      %mul3A_34 = arith.constant 2 : i32
      %mul3A_35 = arith.muli %scan3A_18, %mul3A_34 : i32
      %add3A_36 = arith.constant 1 : i32
      %add3A_37 = arith.addi %mul3A_35, %add3A_36 : i32
      %add3A_38 = arith.constant 1 : i32
      %add3A_39 = arith.addi %add3A_37, %add3A_38 : i32
      %lt3A_40 = arith.constant 40 : i32
      %lt3A_41 = arith.cmpi slt, %add3A_39, %lt3A_40 : i32
      %convert_element_type3A_42 = arith.extui %lt3A_41 : i1 to i32
      %cond3A_43 = arith.constant 0 : i32
      %cond3A_44 = arith.cmpi ne, %convert_element_type3A_42, %cond3A_43 : i32
      scf.if %cond3A_44 {
        %add3A_53 = arith.constant 1 : i32
        %add3A_54 = arith.addi %add3A_37, %add3A_53 : i32
        %mul3A_55 = arith.constant 128 : i32
        %mul3A_56 = arith.muli %add3A_54, %mul3A_55 : i32
        %add3A_57 = arith.addi %multiple_of3A, %mul3A_56 : i32
        %multiple_of3A_58 = tpu.assume_multiple %add3A_57, 128 : i32
        %dma_start3A_59 = arith.constant 0 : i32
        %dma_start3A_60 = tpu.memref_slice %arg2[%multiple_of3A_58, %dma_start3A_59] : memref<163840x128xf32, #tpu.memory_space<hbm>> -> memref<128x128xf32, #tpu.memory_space<hbm>>
        %dma_start3A_61 = arith.constant 0 : i32
        %dma_start3A_62 = tpu.memref_slice %arg2[%multiple_of3A_58, %dma_start3A_61] : memref<163840x128xf32, #tpu.memory_space<hbm>> -> memref<128x128xf32, #tpu.memory_space<hbm>>
        tpu.enqueue_dma source(%dma_start3A_62 : memref<128x128xf32, #tpu.memory_space<hbm>>) target(%arg8 : memref<128x128xf32, #tpu.memory_space<vmem>>) target_semaphore(%arg10 : memref<!tpu.dma_semaphore, #tpu.memory_space<semaphore_mem>>)
      } else {
      }
      %mul3A_45 = arith.constant 128 : i32
      %mul3A_46 = arith.muli %add3A_37, %mul3A_45 : i32
      %add3A_47 = arith.addi %multiple_of3A, %mul3A_46 : i32
      %multiple_of3A_48 = tpu.assume_multiple %add3A_47, 128 : i32
      %dma_wait3A_49 = arith.constant 0 : i32
      %dma_wait3A_50 = tpu.memref_slice %arg2[%multiple_of3A_48, %dma_wait3A_49] : memref<163840x128xf32, #tpu.memory_space<hbm>> -> memref<128x128xf32, #tpu.memory_space<hbm>>
      %dma_wait3A_51 = arith.constant 0 : i32
      %dma_wait3A_52 = tpu.memref_slice %arg2[%multiple_of3A_48, %dma_wait3A_51] : memref<163840x128xf32, #tpu.memory_space<hbm>> -> memref<128x128xf32, #tpu.memory_space<hbm>>
      tpu.wait_dma2 semaphore(%arg11 : memref<!tpu.dma_semaphore, #tpu.memory_space<semaphore_mem>>) src(%dma_wait3A_52 : memref<128x128xf32, #tpu.memory_space<hbm>>) dst(%arg9 : memref<128x128xf32, #tpu.memory_space<vmem>>)
      "tpu.region"() ({
        %run_scoped3A = tpu.sem_alloc : memref<!tpu.dma_semaphore, #tpu.memory_space<semaphore_mem>>
        %dma_start3A_53 = arith.constant 0 : i32
        %dma_start3A_54 = tpu.memref_slice %arg7[%add3A_37, %dma_start3A_53] : memref<40x128xi32, #tpu.memory_space<vmem>> -> memref<1x128xi32, #tpu.memory_space<vmem>>
        %dma_start3A_55 = tpu.memref_squeeze %dma_start3A_54 : memref<1x128xi32, #tpu.memory_space<vmem>> -> memref<128xi32, #tpu.memory_space<vmem>>
        %dma_start3A_56 = arith.constant 0 : i32
        %dma_start3A_57 = arith.constant 0 : i32
        %dma_start3A_58 = tpu.memref_slice %arg6[%dma_start3A_56, %dma_start3A_57] : memref<10112x128xf32, #tpu.memory_space<vmem_shared>> -> memref<10112x128xf32, #tpu.memory_space<vmem_shared>>
        tpu.enqueue_indirect_dma source(%arg9 : memref<128x128xf32, #tpu.memory_space<vmem>>) target(%dma_start3A_58 : memref<10112x128xf32, #tpu.memory_space<vmem_shared>>) offsets(%dma_start3A_55 : memref<128xi32, #tpu.memory_space<vmem>>) semaphore(%run_scoped3A : memref<!tpu.dma_semaphore, #tpu.memory_space<semaphore_mem>>) {add = true}
        %dma_wait3A_59 = arith.constant 0 : i32
        %dma_wait3A_60 = tpu.memref_slice %arg7[%add3A_37, %dma_wait3A_59] : memref<40x128xi32, #tpu.memory_space<vmem>> -> memref<1x128xi32, #tpu.memory_space<vmem>>
        %dma_wait3A_61 = tpu.memref_squeeze %dma_wait3A_60 : memref<1x128xi32, #tpu.memory_space<vmem>> -> memref<128xi32, #tpu.memory_space<vmem>>
        %dma_wait3A_62 = arith.constant 0 : i32
        %dma_wait3A_63 = arith.constant 0 : i32
        %dma_wait3A_64 = tpu.memref_slice %arg6[%dma_wait3A_62, %dma_wait3A_63] : memref<10112x128xf32, #tpu.memory_space<vmem_shared>> -> memref<10112x128xf32, #tpu.memory_space<vmem_shared>>
        tpu.wait_indirect_dma semaphore(%run_scoped3A : memref<!tpu.dma_semaphore, #tpu.memory_space<semaphore_mem>>) src(%arg9 : memref<128x128xf32, #tpu.memory_space<vmem>>) dst(%dma_wait3A_64 : memref<10112x128xf32, #tpu.memory_space<vmem_shared>>)
        tpu.yield
      }) : () -> ()
    }
    %scan3A_16 = arith.constant 20 : i32
    %barrier3A_17 = arith.constant 0 : index
    tpu.barrier barrier_id(%barrier3A_17)
    "tpu.region"() ({
      %run_scoped3A = tpu.sem_alloc : memref<!tpu.dma_semaphore, #tpu.memory_space<semaphore_mem>>
      %dma_start3A_18 = arith.constant 0 : i32
      %dma_start3A_19 = arith.constant 0 : i32
      %dma_start3A_20 = tpu.memref_slice %arg5[%arg0, %dma_start3A_18, %dma_start3A_19] : memref<2x10112x128xf32, #tpu.memory_space<hbm>> -> memref<1x10112x128xf32, #tpu.memory_space<hbm>>
      %dma_start3A_21 = tpu.memref_squeeze %dma_start3A_20 : memref<1x10112x128xf32, #tpu.memory_space<hbm>> -> memref<10112x128xf32, #tpu.memory_space<hbm>>
      %dma_start3A_22 = arith.constant 0 : i32
      %dma_start3A_23 = tpu.memref_slice %dma_start3A_21[%multiple_of3A_5, %dma_start3A_22] : memref<10112x128xf32, #tpu.memory_space<hbm>> -> memref<632x128xf32, #tpu.memory_space<hbm>>
      %dma_start3A_24 = arith.constant 0 : i32
      %dma_start3A_25 = tpu.memref_slice %arg6[%multiple_of3A_5, %dma_start3A_24] : memref<10112x128xf32, #tpu.memory_space<vmem_shared>> -> memref<632x128xf32, #tpu.memory_space<vmem_shared>>
      tpu.enqueue_dma source(%dma_start3A_25 : memref<632x128xf32, #tpu.memory_space<vmem_shared>>) target(%dma_start3A_23 : memref<632x128xf32, #tpu.memory_space<hbm>>) target_semaphore(%run_scoped3A : memref<!tpu.dma_semaphore, #tpu.memory_space<semaphore_mem>>)
      %dma_wait3A = arith.constant 0 : i32
      %dma_wait3A_26 = arith.constant 0 : i32
      %dma_wait3A_27 = tpu.memref_slice %arg5[%arg0, %dma_wait3A, %dma_wait3A_26] : memref<2x10112x128xf32, #tpu.memory_space<hbm>> -> memref<1x10112x128xf32, #tpu.memory_space<hbm>>
      %dma_wait3A_28 = tpu.memref_squeeze %dma_wait3A_27 : memref<1x10112x128xf32, #tpu.memory_space<hbm>> -> memref<10112x128xf32, #tpu.memory_space<hbm>>
      %dma_wait3A_29 = arith.constant 0 : i32
      %dma_wait3A_30 = tpu.memref_slice %dma_wait3A_28[%multiple_of3A_5, %dma_wait3A_29] : memref<10112x128xf32, #tpu.memory_space<hbm>> -> memref<632x128xf32, #tpu.memory_space<hbm>>
      %dma_wait3A_31 = arith.constant 0 : i32
      %dma_wait3A_32 = tpu.memref_slice %arg6[%multiple_of3A_5, %dma_wait3A_31] : memref<10112x128xf32, #tpu.memory_space<vmem_shared>> -> memref<632x128xf32, #tpu.memory_space<vmem_shared>>
      tpu.wait_dma2 semaphore(%run_scoped3A : memref<!tpu.dma_semaphore, #tpu.memory_space<semaphore_mem>>) src(%dma_wait3A_32 : memref<632x128xf32, #tpu.memory_space<vmem_shared>>) dst(%dma_wait3A_30 : memref<632x128xf32, #tpu.memory_space<hbm>>)
      tpu.yield
    }) : () -> ()
    return
  }
}

#map = affine_map<(d0, d1) -> (0, 0)>
#map1 = affine_map<(d0, d1) -> (0, 0, 0)>
module attributes {stable_mosaic.version = 14 : i64} {
  func.func @_gather_body(%arg0: i32, %arg1: i32, %arg2: memref<10000x128xf32, #tpu.memory_space<hbm>>, %arg3: memref<10000x128xf32, #tpu.memory_space<hbm>>, %arg4: memref<40x32x128xi32, #tpu.memory_space<hbm>>, %arg5: memref<40x32x128xi32, #tpu.memory_space<hbm>>, %arg6: memref<163840x128xf32, #tpu.memory_space<hbm>>, %arg7: memref<40x128xi32, #tpu.memory_space<vmem>>, %arg8: memref<40x128xi32, #tpu.memory_space<vmem>>, %arg9: memref<128x128xf32, #tpu.memory_space<vmem>>, %arg10: memref<128x128xf32, #tpu.memory_space<vmem>>, %arg11: memref<128x128xf32, #tpu.memory_space<vmem>>, %arg12: memref<128x128xf32, #tpu.memory_space<vmem>>, %arg13: memref<!tpu.dma_semaphore, #tpu.memory_space<semaphore_mem>>, %arg14: memref<!tpu.dma_semaphore, #tpu.memory_space<semaphore_mem>>, %arg15: memref<!tpu.dma_semaphore, #tpu.memory_space<semaphore_mem>>, %arg16: memref<!tpu.dma_semaphore, #tpu.memory_space<semaphore_mem>>, %arg17: memref<!tpu.dma_semaphore, #tpu.memory_space<semaphore_mem>>) attributes {dimension_semantics = [#tpu.dimension_semantics<core_parallel>, #tpu.dimension_semantics<subcore_parallel>], iteration_bounds = array<i64: 2, 16>, scalar_prefetch = 0 : i64, scratch_operands = 11 : i64, tpu.core_type = #tpu.core_type<sc_vector_subcore>, window_params = [{transform_indices = #map}, {transform_indices = #map}, {transform_indices = #map1}, {transform_indices = #map1}, {transform_indices = #map}]} {
    %mul3A = arith.constant 2 : i32
    %mul3A_0 = arith.muli %arg1, %mul3A : i32
    %add3A = arith.addi %mul3A_0, %arg0 : i32
    "tpu.region"() ({
      %run_scoped3A = tpu.sem_alloc : memref<!tpu.dma_semaphore, #tpu.memory_space<semaphore_mem>>
      %dma_start3A_35 = arith.constant 0 : i32
      %dma_start3A_36 = arith.constant 0 : i32
      %dma_start3A_37 = tpu.memref_slice %arg4[%dma_start3A_35, %add3A, %dma_start3A_36] : memref<40x32x128xi32, #tpu.memory_space<hbm>> -> memref<40x1x128xi32, #tpu.memory_space<hbm>>
      %dma_start3A_38 = tpu.memref_squeeze %dma_start3A_37 : memref<40x1x128xi32, #tpu.memory_space<hbm>> -> memref<40x128xi32, #tpu.memory_space<hbm>>
      %dma_start3A_39 = arith.constant 0 : i32
      %dma_start3A_40 = arith.constant 0 : i32
      %dma_start3A_41 = tpu.memref_slice %arg4[%dma_start3A_39, %add3A, %dma_start3A_40] : memref<40x32x128xi32, #tpu.memory_space<hbm>> -> memref<40x1x128xi32, #tpu.memory_space<hbm>>
      %dma_start3A_42 = tpu.memref_squeeze %dma_start3A_41 : memref<40x1x128xi32, #tpu.memory_space<hbm>> -> memref<40x128xi32, #tpu.memory_space<hbm>>
      tpu.enqueue_dma source(%dma_start3A_42 : memref<40x128xi32, #tpu.memory_space<hbm>>) target(%arg7 : memref<40x128xi32, #tpu.memory_space<vmem>>) target_semaphore(%run_scoped3A : memref<!tpu.dma_semaphore, #tpu.memory_space<semaphore_mem>>)
      %dma_wait3A_43 = arith.constant 0 : i32
      %dma_wait3A_44 = arith.constant 0 : i32
      %dma_wait3A_45 = tpu.memref_slice %arg4[%dma_wait3A_43, %add3A, %dma_wait3A_44] : memref<40x32x128xi32, #tpu.memory_space<hbm>> -> memref<40x1x128xi32, #tpu.memory_space<hbm>>
      %dma_wait3A_46 = tpu.memref_squeeze %dma_wait3A_45 : memref<40x1x128xi32, #tpu.memory_space<hbm>> -> memref<40x128xi32, #tpu.memory_space<hbm>>
      %dma_wait3A_47 = arith.constant 0 : i32
      %dma_wait3A_48 = arith.constant 0 : i32
      %dma_wait3A_49 = tpu.memref_slice %arg4[%dma_wait3A_47, %add3A, %dma_wait3A_48] : memref<40x32x128xi32, #tpu.memory_space<hbm>> -> memref<40x1x128xi32, #tpu.memory_space<hbm>>
      %dma_wait3A_50 = tpu.memref_squeeze %dma_wait3A_49 : memref<40x1x128xi32, #tpu.memory_space<hbm>> -> memref<40x128xi32, #tpu.memory_space<hbm>>
      tpu.wait_dma2 semaphore(%run_scoped3A : memref<!tpu.dma_semaphore, #tpu.memory_space<semaphore_mem>>) src(%dma_wait3A_50 : memref<40x128xi32, #tpu.memory_space<hbm>>) dst(%arg7 : memref<40x128xi32, #tpu.memory_space<vmem>>)
      tpu.yield
    }) : () -> ()
    "tpu.region"() ({
      %run_scoped3A = tpu.sem_alloc : memref<!tpu.dma_semaphore, #tpu.memory_space<semaphore_mem>>
      %dma_start3A_35 = arith.constant 0 : i32
      %dma_start3A_36 = arith.constant 0 : i32
      %dma_start3A_37 = tpu.memref_slice %arg5[%dma_start3A_35, %add3A, %dma_start3A_36] : memref<40x32x128xi32, #tpu.memory_space<hbm>> -> memref<40x1x128xi32, #tpu.memory_space<hbm>>
      %dma_start3A_38 = tpu.memref_squeeze %dma_start3A_37 : memref<40x1x128xi32, #tpu.memory_space<hbm>> -> memref<40x128xi32, #tpu.memory_space<hbm>>
      %dma_start3A_39 = arith.constant 0 : i32
      %dma_start3A_40 = arith.constant 0 : i32
      %dma_start3A_41 = tpu.memref_slice %arg5[%dma_start3A_39, %add3A, %dma_start3A_40] : memref<40x32x128xi32, #tpu.memory_space<hbm>> -> memref<40x1x128xi32, #tpu.memory_space<hbm>>
      %dma_start3A_42 = tpu.memref_squeeze %dma_start3A_41 : memref<40x1x128xi32, #tpu.memory_space<hbm>> -> memref<40x128xi32, #tpu.memory_space<hbm>>
      tpu.enqueue_dma source(%dma_start3A_42 : memref<40x128xi32, #tpu.memory_space<hbm>>) target(%arg8 : memref<40x128xi32, #tpu.memory_space<vmem>>) target_semaphore(%run_scoped3A : memref<!tpu.dma_semaphore, #tpu.memory_space<semaphore_mem>>)
      %dma_wait3A_43 = arith.constant 0 : i32
      %dma_wait3A_44 = arith.constant 0 : i32
      %dma_wait3A_45 = tpu.memref_slice %arg5[%dma_wait3A_43, %add3A, %dma_wait3A_44] : memref<40x32x128xi32, #tpu.memory_space<hbm>> -> memref<40x1x128xi32, #tpu.memory_space<hbm>>
      %dma_wait3A_46 = tpu.memref_squeeze %dma_wait3A_45 : memref<40x1x128xi32, #tpu.memory_space<hbm>> -> memref<40x128xi32, #tpu.memory_space<hbm>>
      %dma_wait3A_47 = arith.constant 0 : i32
      %dma_wait3A_48 = arith.constant 0 : i32
      %dma_wait3A_49 = tpu.memref_slice %arg5[%dma_wait3A_47, %add3A, %dma_wait3A_48] : memref<40x32x128xi32, #tpu.memory_space<hbm>> -> memref<40x1x128xi32, #tpu.memory_space<hbm>>
      %dma_wait3A_50 = tpu.memref_squeeze %dma_wait3A_49 : memref<40x1x128xi32, #tpu.memory_space<hbm>> -> memref<40x128xi32, #tpu.memory_space<hbm>>
      tpu.wait_dma2 semaphore(%run_scoped3A : memref<!tpu.dma_semaphore, #tpu.memory_space<semaphore_mem>>) src(%dma_wait3A_50 : memref<40x128xi32, #tpu.memory_space<hbm>>) dst(%arg8 : memref<40x128xi32, #tpu.memory_space<vmem>>)
      tpu.yield
    }) : () -> ()
    %dma_start3A = arith.constant 0 : i32
    %dma_start3A_1 = arith.constant 0 : i32
    %dma_start3A_2 = tpu.memref_slice %arg7[%dma_start3A, %dma_start3A_1] : memref<40x128xi32, #tpu.memory_space<vmem>> -> memref<1x128xi32, #tpu.memory_space<vmem>>
    %dma_start3A_3 = tpu.memref_squeeze %dma_start3A_2 : memref<1x128xi32, #tpu.memory_space<vmem>> -> memref<128xi32, #tpu.memory_space<vmem>>
    %dma_start3A_4 = arith.constant 0 : i32
    %dma_start3A_5 = arith.constant 0 : i32
    %dma_start3A_6 = tpu.memref_slice %arg2[%dma_start3A_4, %dma_start3A_5] : memref<10000x128xf32, #tpu.memory_space<hbm>> -> memref<10000x128xf32, #tpu.memory_space<hbm>>
    tpu.enqueue_indirect_dma source(%dma_start3A_6 : memref<10000x128xf32, #tpu.memory_space<hbm>>) target(%arg9 : memref<128x128xf32, #tpu.memory_space<vmem>>) offsets(%dma_start3A_3 : memref<128xi32, #tpu.memory_space<vmem>>) semaphore(%arg13 : memref<!tpu.dma_semaphore, #tpu.memory_space<semaphore_mem>>)
    %dma_start3A_7 = arith.constant 0 : i32
    %dma_start3A_8 = arith.constant 0 : i32
    %dma_start3A_9 = tpu.memref_slice %arg8[%dma_start3A_7, %dma_start3A_8] : memref<40x128xi32, #tpu.memory_space<vmem>> -> memref<1x128xi32, #tpu.memory_space<vmem>>
    %dma_start3A_10 = tpu.memref_squeeze %dma_start3A_9 : memref<1x128xi32, #tpu.memory_space<vmem>> -> memref<128xi32, #tpu.memory_space<vmem>>
    %dma_start3A_11 = arith.constant 0 : i32
    %dma_start3A_12 = arith.constant 0 : i32
    %dma_start3A_13 = tpu.memref_slice %arg3[%dma_start3A_11, %dma_start3A_12] : memref<10000x128xf32, #tpu.memory_space<hbm>> -> memref<10000x128xf32, #tpu.memory_space<hbm>>
    tpu.enqueue_indirect_dma source(%dma_start3A_13 : memref<10000x128xf32, #tpu.memory_space<hbm>>) target(%arg10 : memref<128x128xf32, #tpu.memory_space<vmem>>) offsets(%dma_start3A_10 : memref<128xi32, #tpu.memory_space<vmem>>) semaphore(%arg14 : memref<!tpu.dma_semaphore, #tpu.memory_space<semaphore_mem>>)
    %scan3A = arith.constant 0 : i32
    %scan3A_14 = arith.constant 0 : i32
    %scan3A_15 = arith.constant 20 : i32
    %scan3A_16 = arith.addi %scan3A_14, %scan3A_15 : i32
    %scan3A_17 = arith.constant 1 : i32
    scf.for %scan3A_35 = %scan3A_14 to %scan3A_16 step %scan3A_17  : i32 {
      %mul3A_36 = arith.constant 2 : i32
      %mul3A_37 = arith.muli %scan3A_35, %mul3A_36 : i32
      %add3A_38 = arith.constant 0 : i32
      %add3A_39 = arith.addi %mul3A_37, %add3A_38 : i32
      %add3A_40 = arith.constant 1 : i32
      %add3A_41 = arith.addi %add3A_39, %add3A_40 : i32
      %lt3A = arith.constant 40 : i32
      %lt3A_42 = arith.cmpi slt, %add3A_41, %lt3A : i32
      %convert_element_type3A = arith.extui %lt3A_42 : i1 to i32
      %cond3A = arith.constant 0 : i32
      %cond3A_43 = arith.cmpi ne, %convert_element_type3A, %cond3A : i32
      scf.if %cond3A_43 {
        %ge3A = arith.constant 1 : i32
        %ge3A_111 = arith.cmpi sge, %add3A_39, %ge3A : i32
        %convert_element_type3A_112 = arith.extui %ge3A_111 : i1 to i32
        %cond3A_113 = arith.constant 0 : i32
        %cond3A_114 = arith.cmpi ne, %convert_element_type3A_112, %cond3A_113 : i32
        scf.if %cond3A_114 {
          %sub3A = arith.constant 1 : i32
          %sub3A_129 = arith.subi %add3A_39, %sub3A : i32
          %mul3A_130 = arith.constant 32 : i32
          %mul3A_131 = arith.muli %sub3A_129, %mul3A_130 : i32
          %add3A_132 = arith.addi %mul3A_131, %add3A : i32
          %mul3A_133 = arith.constant 128 : i32
          %mul3A_134 = arith.muli %add3A_132, %mul3A_133 : i32
          %multiple_of3A_135 = tpu.assume_multiple %mul3A_134, 128 : i32
          %dma_wait3A_136 = arith.constant 0 : i32
          %dma_wait3A_137 = tpu.memref_slice %arg6[%multiple_of3A_135, %dma_wait3A_136] : memref<163840x128xf32, #tpu.memory_space<hbm>> -> memref<128x128xf32, #tpu.memory_space<hbm>>
          %dma_wait3A_138 = arith.constant 0 : i32
          %dma_wait3A_139 = tpu.memref_slice %arg6[%multiple_of3A_135, %dma_wait3A_138] : memref<163840x128xf32, #tpu.memory_space<hbm>> -> memref<128x128xf32, #tpu.memory_space<hbm>>
          tpu.wait_dma2 semaphore(%arg17 : memref<!tpu.dma_semaphore, #tpu.memory_space<semaphore_mem>>) src(%arg11 : memref<128x128xf32, #tpu.memory_space<vmem>>) dst(%dma_wait3A_139 : memref<128x128xf32, #tpu.memory_space<hbm>>)
        } else {
        }
        %add3A_115 = arith.constant 1 : i32
        %add3A_116 = arith.addi %add3A_39, %add3A_115 : i32
        %dma_start3A_117 = arith.constant 0 : i32
        %dma_start3A_118 = tpu.memref_slice %arg7[%add3A_116, %dma_start3A_117] : memref<40x128xi32, #tpu.memory_space<vmem>> -> memref<1x128xi32, #tpu.memory_space<vmem>>
        %dma_start3A_119 = tpu.memref_squeeze %dma_start3A_118 : memref<1x128xi32, #tpu.memory_space<vmem>> -> memref<128xi32, #tpu.memory_space<vmem>>
        %dma_start3A_120 = arith.constant 0 : i32
        %dma_start3A_121 = arith.constant 0 : i32
        %dma_start3A_122 = tpu.memref_slice %arg2[%dma_start3A_120, %dma_start3A_121] : memref<10000x128xf32, #tpu.memory_space<hbm>> -> memref<10000x128xf32, #tpu.memory_space<hbm>>
        tpu.enqueue_indirect_dma source(%dma_start3A_122 : memref<10000x128xf32, #tpu.memory_space<hbm>>) target(%arg11 : memref<128x128xf32, #tpu.memory_space<vmem>>) offsets(%dma_start3A_119 : memref<128xi32, #tpu.memory_space<vmem>>) semaphore(%arg15 : memref<!tpu.dma_semaphore, #tpu.memory_space<semaphore_mem>>)
        %dma_start3A_123 = arith.constant 0 : i32
        %dma_start3A_124 = tpu.memref_slice %arg8[%add3A_116, %dma_start3A_123] : memref<40x128xi32, #tpu.memory_space<vmem>> -> memref<1x128xi32, #tpu.memory_space<vmem>>
        %dma_start3A_125 = tpu.memref_squeeze %dma_start3A_124 : memref<1x128xi32, #tpu.memory_space<vmem>> -> memref<128xi32, #tpu.memory_space<vmem>>
        %dma_start3A_126 = arith.constant 0 : i32
        %dma_start3A_127 = arith.constant 0 : i32
        %dma_start3A_128 = tpu.memref_slice %arg3[%dma_start3A_126, %dma_start3A_127] : memref<10000x128xf32, #tpu.memory_space<hbm>> -> memref<10000x128xf32, #tpu.memory_space<hbm>>
        tpu.enqueue_indirect_dma source(%dma_start3A_128 : memref<10000x128xf32, #tpu.memory_space<hbm>>) target(%arg12 : memref<128x128xf32, #tpu.memory_space<vmem>>) offsets(%dma_start3A_125 : memref<128xi32, #tpu.memory_space<vmem>>) semaphore(%arg16 : memref<!tpu.dma_semaphore, #tpu.memory_space<semaphore_mem>>)
      } else {
      }
      %dma_wait3A_44 = arith.constant 0 : i32
      %dma_wait3A_45 = tpu.memref_slice %arg7[%add3A_39, %dma_wait3A_44] : memref<40x128xi32, #tpu.memory_space<vmem>> -> memref<1x128xi32, #tpu.memory_space<vmem>>
      %dma_wait3A_46 = tpu.memref_squeeze %dma_wait3A_45 : memref<1x128xi32, #tpu.memory_space<vmem>> -> memref<128xi32, #tpu.memory_space<vmem>>
      %dma_wait3A_47 = arith.constant 0 : i32
      %dma_wait3A_48 = arith.constant 0 : i32
      %dma_wait3A_49 = tpu.memref_slice %arg2[%dma_wait3A_47, %dma_wait3A_48] : memref<10000x128xf32, #tpu.memory_space<hbm>> -> memref<10000x128xf32, #tpu.memory_space<hbm>>
      tpu.wait_indirect_dma semaphore(%arg13 : memref<!tpu.dma_semaphore, #tpu.memory_space<semaphore_mem>>) src(%dma_wait3A_49 : memref<10000x128xf32, #tpu.memory_space<hbm>>) dst(%arg9 : memref<128x128xf32, #tpu.memory_space<vmem>>)
      %dma_wait3A_50 = arith.constant 0 : i32
      %dma_wait3A_51 = tpu.memref_slice %arg8[%add3A_39, %dma_wait3A_50] : memref<40x128xi32, #tpu.memory_space<vmem>> -> memref<1x128xi32, #tpu.memory_space<vmem>>
      %dma_wait3A_52 = tpu.memref_squeeze %dma_wait3A_51 : memref<1x128xi32, #tpu.memory_space<vmem>> -> memref<128xi32, #tpu.memory_space<vmem>>
      %dma_wait3A_53 = arith.constant 0 : i32
      %dma_wait3A_54 = arith.constant 0 : i32
      %dma_wait3A_55 = tpu.memref_slice %arg3[%dma_wait3A_53, %dma_wait3A_54] : memref<10000x128xf32, #tpu.memory_space<hbm>> -> memref<10000x128xf32, #tpu.memory_space<hbm>>
      tpu.wait_indirect_dma semaphore(%arg14 : memref<!tpu.dma_semaphore, #tpu.memory_space<semaphore_mem>>) src(%dma_wait3A_55 : memref<10000x128xf32, #tpu.memory_space<hbm>>) dst(%arg10 : memref<128x128xf32, #tpu.memory_space<vmem>>)
      %scan3A_56 = arith.constant 0 : i32
      %scan3A_57 = arith.constant 0 : i32
      %scan3A_58 = arith.constant 128 : i32
      %scan3A_59 = arith.addi %scan3A_57, %scan3A_58 : i32
      %scan3A_60 = arith.constant 1 : i32
      scf.for %scan3A_111 = %scan3A_57 to %scan3A_59 step %scan3A_60  : i32 {
        %get3A = arith.index_cast %scan3A_111 : i32 to index
        %get3A_112 = arith.constant 0 : index
        %get3A_113 = tpu.vector_load %arg9[%get3A, %get3A_112] {strides = array<i32>} : memref<128x128xf32, #tpu.memory_space<vmem>>, vector<16xf32>,
        %get3A_114 = arith.index_cast %scan3A_111 : i32 to index
        %get3A_115 = arith.constant 0 : index
        %get3A_116 = tpu.vector_load %arg10[%get3A_114, %get3A_115] {strides = array<i32>} : memref<128x128xf32, #tpu.memory_space<vmem>>, vector<16xf32>,
        %add3A_117 = arith.addf %get3A_113, %get3A_116 : vector<16xf32>
        %swap3A = arith.index_cast %scan3A_111 : i32 to index
        %swap3A_118 = arith.constant 0 : index
        %swap3A_119 = tpu.vector_load %arg9[%swap3A, %swap3A_118] {strides = array<i32>} : memref<128x128xf32, #tpu.memory_space<vmem>>, vector<16xf32>,
        tpu.vector_store %arg9[%swap3A, %swap3A_118], %add3A_117 {strides = array<i32>} : memref<128x128xf32, #tpu.memory_space<vmem>>, vector<16xf32>,
        %get3A_120 = arith.index_cast %scan3A_111 : i32 to index
        %get3A_121 = arith.constant 16 : index
        %get3A_122 = tpu.vector_load %arg9[%get3A_120, %get3A_121] {strides = array<i32>} : memref<128x128xf32, #tpu.memory_space<vmem>>, vector<16xf32>,
        %get3A_123 = arith.index_cast %scan3A_111 : i32 to index
        %get3A_124 = arith.constant 16 : index
        %get3A_125 = tpu.vector_load %arg10[%get3A_123, %get3A_124] {strides = array<i32>} : memref<128x128xf32, #tpu.memory_space<vmem>>, vector<16xf32>,
        %add3A_126 = arith.addf %get3A_122, %get3A_125 : vector<16xf32>
        %swap3A_127 = arith.index_cast %scan3A_111 : i32 to index
        %swap3A_128 = arith.constant 16 : index
        %swap3A_129 = tpu.vector_load %arg9[%swap3A_127, %swap3A_128] {strides = array<i32>} : memref<128x128xf32, #tpu.memory_space<vmem>>, vector<16xf32>,
        tpu.vector_store %arg9[%swap3A_127, %swap3A_128], %add3A_126 {strides = array<i32>} : memref<128x128xf32, #tpu.memory_space<vmem>>, vector<16xf32>,
        %get3A_130 = arith.index_cast %scan3A_111 : i32 to index
        %get3A_131 = arith.constant 32 : index
        %get3A_132 = tpu.vector_load %arg9[%get3A_130, %get3A_131] {strides = array<i32>} : memref<128x128xf32, #tpu.memory_space<vmem>>, vector<16xf32>,
        %get3A_133 = arith.index_cast %scan3A_111 : i32 to index
        %get3A_134 = arith.constant 32 : index
        %get3A_135 = tpu.vector_load %arg10[%get3A_133, %get3A_134] {strides = array<i32>} : memref<128x128xf32, #tpu.memory_space<vmem>>, vector<16xf32>,
        %add3A_136 = arith.addf %get3A_132, %get3A_135 : vector<16xf32>
        %swap3A_137 = arith.index_cast %scan3A_111 : i32 to index
        %swap3A_138 = arith.constant 32 : index
        %swap3A_139 = tpu.vector_load %arg9[%swap3A_137, %swap3A_138] {strides = array<i32>} : memref<128x128xf32, #tpu.memory_space<vmem>>, vector<16xf32>,
        tpu.vector_store %arg9[%swap3A_137, %swap3A_138], %add3A_136 {strides = array<i32>} : memref<128x128xf32, #tpu.memory_space<vmem>>, vector<16xf32>,
        %get3A_140 = arith.index_cast %scan3A_111 : i32 to index
        %get3A_141 = arith.constant 48 : index
        %get3A_142 = tpu.vector_load %arg9[%get3A_140, %get3A_141] {strides = array<i32>} : memref<128x128xf32, #tpu.memory_space<vmem>>, vector<16xf32>,
        %get3A_143 = arith.index_cast %scan3A_111 : i32 to index
        %get3A_144 = arith.constant 48 : index
        %get3A_145 = tpu.vector_load %arg10[%get3A_143, %get3A_144] {strides = array<i32>} : memref<128x128xf32, #tpu.memory_space<vmem>>, vector<16xf32>,
        %add3A_146 = arith.addf %get3A_142, %get3A_145 : vector<16xf32>
        %swap3A_147 = arith.index_cast %scan3A_111 : i32 to index
        %swap3A_148 = arith.constant 48 : index
        %swap3A_149 = tpu.vector_load %arg9[%swap3A_147, %swap3A_148] {strides = array<i32>} : memref<128x128xf32, #tpu.memory_space<vmem>>, vector<16xf32>,
        tpu.vector_store %arg9[%swap3A_147, %swap3A_148], %add3A_146 {strides = array<i32>} : memref<128x128xf32, #tpu.memory_space<vmem>>, vector<16xf32>,
        %get3A_150 = arith.index_cast %scan3A_111 : i32 to index
        %get3A_151 = arith.constant 64 : index
        %get3A_152 = tpu.vector_load %arg9[%get3A_150, %get3A_151] {strides = array<i32>} : memref<128x128xf32, #tpu.memory_space<vmem>>, vector<16xf32>,
        %get3A_153 = arith.index_cast %scan3A_111 : i32 to index
        %get3A_154 = arith.constant 64 : index
        %get3A_155 = tpu.vector_load %arg10[%get3A_153, %get3A_154] {strides = array<i32>} : memref<128x128xf32, #tpu.memory_space<vmem>>, vector<16xf32>,
        %add3A_156 = arith.addf %get3A_152, %get3A_155 : vector<16xf32>
        %swap3A_157 = arith.index_cast %scan3A_111 : i32 to index
        %swap3A_158 = arith.constant 64 : index
        %swap3A_159 = tpu.vector_load %arg9[%swap3A_157, %swap3A_158] {strides = array<i32>} : memref<128x128xf32, #tpu.memory_space<vmem>>, vector<16xf32>,
        tpu.vector_store %arg9[%swap3A_157, %swap3A_158], %add3A_156 {strides = array<i32>} : memref<128x128xf32, #tpu.memory_space<vmem>>, vector<16xf32>,
        %get3A_160 = arith.index_cast %scan3A_111 : i32 to index
        %get3A_161 = arith.constant 80 : index
        %get3A_162 = tpu.vector_load %arg9[%get3A_160, %get3A_161] {strides = array<i32>} : memref<128x128xf32, #tpu.memory_space<vmem>>, vector<16xf32>,
        %get3A_163 = arith.index_cast %scan3A_111 : i32 to index
        %get3A_164 = arith.constant 80 : index
        %get3A_165 = tpu.vector_load %arg10[%get3A_163, %get3A_164] {strides = array<i32>} : memref<128x128xf32, #tpu.memory_space<vmem>>, vector<16xf32>,
        %add3A_166 = arith.addf %get3A_162, %get3A_165 : vector<16xf32>
        %swap3A_167 = arith.index_cast %scan3A_111 : i32 to index
        %swap3A_168 = arith.constant 80 : index
        %swap3A_169 = tpu.vector_load %arg9[%swap3A_167, %swap3A_168] {strides = array<i32>} : memref<128x128xf32, #tpu.memory_space<vmem>>, vector<16xf32>,
        tpu.vector_store %arg9[%swap3A_167, %swap3A_168], %add3A_166 {strides = array<i32>} : memref<128x128xf32, #tpu.memory_space<vmem>>, vector<16xf32>,
        %get3A_170 = arith.index_cast %scan3A_111 : i32 to index
        %get3A_171 = arith.constant 96 : index
        %get3A_172 = tpu.vector_load %arg9[%get3A_170, %get3A_171] {strides = array<i32>} : memref<128x128xf32, #tpu.memory_space<vmem>>, vector<16xf32>,
        %get3A_173 = arith.index_cast %scan3A_111 : i32 to index
        %get3A_174 = arith.constant 96 : index
        %get3A_175 = tpu.vector_load %arg10[%get3A_173, %get3A_174] {strides = array<i32>} : memref<128x128xf32, #tpu.memory_space<vmem>>, vector<16xf32>,
        %add3A_176 = arith.addf %get3A_172, %get3A_175 : vector<16xf32>
        %swap3A_177 = arith.index_cast %scan3A_111 : i32 to index
        %swap3A_178 = arith.constant 96 : index
        %swap3A_179 = tpu.vector_load %arg9[%swap3A_177, %swap3A_178] {strides = array<i32>} : memref<128x128xf32, #tpu.memory_space<vmem>>, vector<16xf32>,
        tpu.vector_store %arg9[%swap3A_177, %swap3A_178], %add3A_176 {strides = array<i32>} : memref<128x128xf32, #tpu.memory_space<vmem>>, vector<16xf32>,
        %get3A_180 = arith.index_cast %scan3A_111 : i32 to index
        %get3A_181 = arith.constant 112 : index
        %get3A_182 = tpu.vector_load %arg9[%get3A_180, %get3A_181] {strides = array<i32>} : memref<128x128xf32, #tpu.memory_space<vmem>>, vector<16xf32>,
        %get3A_183 = arith.index_cast %scan3A_111 : i32 to index
        %get3A_184 = arith.constant 112 : index
        %get3A_185 = tpu.vector_load %arg10[%get3A_183, %get3A_184] {strides = array<i32>} : memref<128x128xf32, #tpu.memory_space<vmem>>, vector<16xf32>,
        %add3A_186 = arith.addf %get3A_182, %get3A_185 : vector<16xf32>
        %swap3A_187 = arith.index_cast %scan3A_111 : i32 to index
        %swap3A_188 = arith.constant 112 : index
        %swap3A_189 = tpu.vector_load %arg9[%swap3A_187, %swap3A_188] {strides = array<i32>} : memref<128x128xf32, #tpu.memory_space<vmem>>, vector<16xf32>,
        tpu.vector_store %arg9[%swap3A_187, %swap3A_188], %add3A_186 {strides = array<i32>} : memref<128x128xf32, #tpu.memory_space<vmem>>, vector<16xf32>,
      }
      %scan3A_61 = arith.constant 128 : i32
      %mul3A_62 = arith.constant 32 : i32
      %mul3A_63 = arith.muli %add3A_39, %mul3A_62 : i32
      %add3A_64 = arith.addi %mul3A_63, %add3A : i32
      %mul3A_65 = arith.constant 128 : i32
      %mul3A_66 = arith.muli %add3A_64, %mul3A_65 : i32
      %multiple_of3A_67 = tpu.assume_multiple %mul3A_66, 128 : i32
      %dma_start3A_68 = arith.constant 0 : i32
      %dma_start3A_69 = tpu.memref_slice %arg6[%multiple_of3A_67, %dma_start3A_68] : memref<163840x128xf32, #tpu.memory_space<hbm>> -> memref<128x128xf32, #tpu.memory_space<hbm>>
      %dma_start3A_70 = arith.constant 0 : i32
      %dma_start3A_71 = tpu.memref_slice %arg6[%multiple_of3A_67, %dma_start3A_70] : memref<163840x128xf32, #tpu.memory_space<hbm>> -> memref<128x128xf32, #tpu.memory_space<hbm>>
      tpu.enqueue_dma source(%arg9 : memref<128x128xf32, #tpu.memory_space<vmem>>) target(%dma_start3A_71 : memref<128x128xf32, #tpu.memory_space<hbm>>) target_semaphore(%arg17 : memref<!tpu.dma_semaphore, #tpu.memory_space<semaphore_mem>>)
      %mul3A_72 = arith.constant 2 : i32
      %mul3A_73 = arith.muli %scan3A_35, %mul3A_72 : i32
      %add3A_74 = arith.constant 1 : i32
      %add3A_75 = arith.addi %mul3A_73, %add3A_74 : i32
      %add3A_76 = arith.constant 1 : i32
      %add3A_77 = arith.addi %add3A_75, %add3A_76 : i32
      %lt3A_78 = arith.constant 40 : i32
      %lt3A_79 = arith.cmpi slt, %add3A_77, %lt3A_78 : i32
      %convert_element_type3A_80 = arith.extui %lt3A_79 : i1 to i32
      %cond3A_81 = arith.constant 0 : i32
      %cond3A_82 = arith.cmpi ne, %convert_element_type3A_80, %cond3A_81 : i32
      scf.if %cond3A_82 {
        %ge3A = arith.constant 1 : i32
        %ge3A_111 = arith.cmpi sge, %add3A_75, %ge3A : i32
        %convert_element_type3A_112 = arith.extui %ge3A_111 : i1 to i32
        %cond3A_113 = arith.constant 0 : i32
        %cond3A_114 = arith.cmpi ne, %convert_element_type3A_112, %cond3A_113 : i32
        scf.if %cond3A_114 {
          %sub3A = arith.constant 1 : i32
          %sub3A_129 = arith.subi %add3A_75, %sub3A : i32
          %mul3A_130 = arith.constant 32 : i32
          %mul3A_131 = arith.muli %sub3A_129, %mul3A_130 : i32
          %add3A_132 = arith.addi %mul3A_131, %add3A : i32
          %mul3A_133 = arith.constant 128 : i32
          %mul3A_134 = arith.muli %add3A_132, %mul3A_133 : i32
          %multiple_of3A_135 = tpu.assume_multiple %mul3A_134, 128 : i32
          %dma_wait3A_136 = arith.constant 0 : i32
          %dma_wait3A_137 = tpu.memref_slice %arg6[%multiple_of3A_135, %dma_wait3A_136] : memref<163840x128xf32, #tpu.memory_space<hbm>> -> memref<128x128xf32, #tpu.memory_space<hbm>>
          %dma_wait3A_138 = arith.constant 0 : i32
          %dma_wait3A_139 = tpu.memref_slice %arg6[%multiple_of3A_135, %dma_wait3A_138] : memref<163840x128xf32, #tpu.memory_space<hbm>> -> memref<128x128xf32, #tpu.memory_space<hbm>>
          tpu.wait_dma2 semaphore(%arg17 : memref<!tpu.dma_semaphore, #tpu.memory_space<semaphore_mem>>) src(%arg9 : memref<128x128xf32, #tpu.memory_space<vmem>>) dst(%dma_wait3A_139 : memref<128x128xf32, #tpu.memory_space<hbm>>)
        } else {
        }
        %add3A_115 = arith.constant 1 : i32
        %add3A_116 = arith.addi %add3A_75, %add3A_115 : i32
        %dma_start3A_117 = arith.constant 0 : i32
        %dma_start3A_118 = tpu.memref_slice %arg7[%add3A_116, %dma_start3A_117] : memref<40x128xi32, #tpu.memory_space<vmem>> -> memref<1x128xi32, #tpu.memory_space<vmem>>
        %dma_start3A_119 = tpu.memref_squeeze %dma_start3A_118 : memref<1x128xi32, #tpu.memory_space<vmem>> -> memref<128xi32, #tpu.memory_space<vmem>>
        %dma_start3A_120 = arith.constant 0 : i32
        %dma_start3A_121 = arith.constant 0 : i32
        %dma_start3A_122 = tpu.memref_slice %arg2[%dma_start3A_120, %dma_start3A_121] : memref<10000x128xf32, #tpu.memory_space<hbm>> -> memref<10000x128xf32, #tpu.memory_space<hbm>>
        tpu.enqueue_indirect_dma source(%dma_start3A_122 : memref<10000x128xf32, #tpu.memory_space<hbm>>) target(%arg9 : memref<128x128xf32, #tpu.memory_space<vmem>>) offsets(%dma_start3A_119 : memref<128xi32, #tpu.memory_space<vmem>>) semaphore(%arg13 : memref<!tpu.dma_semaphore, #tpu.memory_space<semaphore_mem>>)
        %dma_start3A_123 = arith.constant 0 : i32
        %dma_start3A_124 = tpu.memref_slice %arg8[%add3A_116, %dma_start3A_123] : memref<40x128xi32, #tpu.memory_space<vmem>> -> memref<1x128xi32, #tpu.memory_space<vmem>>
        %dma_start3A_125 = tpu.memref_squeeze %dma_start3A_124 : memref<1x128xi32, #tpu.memory_space<vmem>> -> memref<128xi32, #tpu.memory_space<vmem>>
        %dma_start3A_126 = arith.constant 0 : i32
        %dma_start3A_127 = arith.constant 0 : i32
        %dma_start3A_128 = tpu.memref_slice %arg3[%dma_start3A_126, %dma_start3A_127] : memref<10000x128xf32, #tpu.memory_space<hbm>> -> memref<10000x128xf32, #tpu.memory_space<hbm>>
        tpu.enqueue_indirect_dma source(%dma_start3A_128 : memref<10000x128xf32, #tpu.memory_space<hbm>>) target(%arg10 : memref<128x128xf32, #tpu.memory_space<vmem>>) offsets(%dma_start3A_125 : memref<128xi32, #tpu.memory_space<vmem>>) semaphore(%arg14 : memref<!tpu.dma_semaphore, #tpu.memory_space<semaphore_mem>>)
      } else {
      }
      %dma_wait3A_83 = arith.constant 0 : i32
      %dma_wait3A_84 = tpu.memref_slice %arg7[%add3A_75, %dma_wait3A_83] : memref<40x128xi32, #tpu.memory_space<vmem>> -> memref<1x128xi32, #tpu.memory_space<vmem>>
      %dma_wait3A_85 = tpu.memref_squeeze %dma_wait3A_84 : memref<1x128xi32, #tpu.memory_space<vmem>> -> memref<128xi32, #tpu.memory_space<vmem>>
      %dma_wait3A_86 = arith.constant 0 : i32
      %dma_wait3A_87 = arith.constant 0 : i32
      %dma_wait3A_88 = tpu.memref_slice %arg2[%dma_wait3A_86, %dma_wait3A_87] : memref<10000x128xf32, #tpu.memory_space<hbm>> -> memref<10000x128xf32, #tpu.memory_space<hbm>>
      tpu.wait_indirect_dma semaphore(%arg15 : memref<!tpu.dma_semaphore, #tpu.memory_space<semaphore_mem>>) src(%dma_wait3A_88 : memref<10000x128xf32, #tpu.memory_space<hbm>>) dst(%arg11 : memref<128x128xf32, #tpu.memory_space<vmem>>)
      %dma_wait3A_89 = arith.constant 0 : i32
      %dma_wait3A_90 = tpu.memref_slice %arg8[%add3A_75, %dma_wait3A_89] : memref<40x128xi32, #tpu.memory_space<vmem>> -> memref<1x128xi32, #tpu.memory_space<vmem>>
      %dma_wait3A_91 = tpu.memref_squeeze %dma_wait3A_90 : memref<1x128xi32, #tpu.memory_space<vmem>> -> memref<128xi32, #tpu.memory_space<vmem>>
      %dma_wait3A_92 = arith.constant 0 : i32
      %dma_wait3A_93 = arith.constant 0 : i32
      %dma_wait3A_94 = tpu.memref_slice %arg3[%dma_wait3A_92, %dma_wait3A_93] : memref<10000x128xf32, #tpu.memory_space<hbm>> -> memref<10000x128xf32, #tpu.memory_space<hbm>>
      tpu.wait_indirect_dma semaphore(%arg16 : memref<!tpu.dma_semaphore, #tpu.memory_space<semaphore_mem>>) src(%dma_wait3A_94 : memref<10000x128xf32, #tpu.memory_space<hbm>>) dst(%arg12 : memref<128x128xf32, #tpu.memory_space<vmem>>)
      %scan3A_95 = arith.constant 0 : i32
      %scan3A_96 = arith.constant 0 : i32
      %scan3A_97 = arith.constant 128 : i32
      %scan3A_98 = arith.addi %scan3A_96, %scan3A_97 : i32
      %scan3A_99 = arith.constant 1 : i32
      scf.for %scan3A_111 = %scan3A_96 to %scan3A_98 step %scan3A_99  : i32 {
        %get3A = arith.index_cast %scan3A_111 : i32 to index
        %get3A_112 = arith.constant 0 : index
        %get3A_113 = tpu.vector_load %arg11[%get3A, %get3A_112] {strides = array<i32>} : memref<128x128xf32, #tpu.memory_space<vmem>>, vector<16xf32>,
        %get3A_114 = arith.index_cast %scan3A_111 : i32 to index
        %get3A_115 = arith.constant 0 : index
        %get3A_116 = tpu.vector_load %arg12[%get3A_114, %get3A_115] {strides = array<i32>} : memref<128x128xf32, #tpu.memory_space<vmem>>, vector<16xf32>,
        %add3A_117 = arith.addf %get3A_113, %get3A_116 : vector<16xf32>
        %swap3A = arith.index_cast %scan3A_111 : i32 to index
        %swap3A_118 = arith.constant 0 : index
        %swap3A_119 = tpu.vector_load %arg11[%swap3A, %swap3A_118] {strides = array<i32>} : memref<128x128xf32, #tpu.memory_space<vmem>>, vector<16xf32>,
        tpu.vector_store %arg11[%swap3A, %swap3A_118], %add3A_117 {strides = array<i32>} : memref<128x128xf32, #tpu.memory_space<vmem>>, vector<16xf32>,
        %get3A_120 = arith.index_cast %scan3A_111 : i32 to index
        %get3A_121 = arith.constant 16 : index
        %get3A_122 = tpu.vector_load %arg11[%get3A_120, %get3A_121] {strides = array<i32>} : memref<128x128xf32, #tpu.memory_space<vmem>>, vector<16xf32>,
        %get3A_123 = arith.index_cast %scan3A_111 : i32 to index
        %get3A_124 = arith.constant 16 : index
        %get3A_125 = tpu.vector_load %arg12[%get3A_123, %get3A_124] {strides = array<i32>} : memref<128x128xf32, #tpu.memory_space<vmem>>, vector<16xf32>,
        %add3A_126 = arith.addf %get3A_122, %get3A_125 : vector<16xf32>
        %swap3A_127 = arith.index_cast %scan3A_111 : i32 to index
        %swap3A_128 = arith.constant 16 : index
        %swap3A_129 = tpu.vector_load %arg11[%swap3A_127, %swap3A_128] {strides = array<i32>} : memref<128x128xf32, #tpu.memory_space<vmem>>, vector<16xf32>,
        tpu.vector_store %arg11[%swap3A_127, %swap3A_128], %add3A_126 {strides = array<i32>} : memref<128x128xf32, #tpu.memory_space<vmem>>, vector<16xf32>,
        %get3A_130 = arith.index_cast %scan3A_111 : i32 to index
        %get3A_131 = arith.constant 32 : index
        %get3A_132 = tpu.vector_load %arg11[%get3A_130, %get3A_131] {strides = array<i32>} : memref<128x128xf32, #tpu.memory_space<vmem>>, vector<16xf32>,
        %get3A_133 = arith.index_cast %scan3A_111 : i32 to index
        %get3A_134 = arith.constant 32 : index
        %get3A_135 = tpu.vector_load %arg12[%get3A_133, %get3A_134] {strides = array<i32>} : memref<128x128xf32, #tpu.memory_space<vmem>>, vector<16xf32>,
        %add3A_136 = arith.addf %get3A_132, %get3A_135 : vector<16xf32>
        %swap3A_137 = arith.index_cast %scan3A_111 : i32 to index
        %swap3A_138 = arith.constant 32 : index
        %swap3A_139 = tpu.vector_load %arg11[%swap3A_137, %swap3A_138] {strides = array<i32>} : memref<128x128xf32, #tpu.memory_space<vmem>>, vector<16xf32>,
        tpu.vector_store %arg11[%swap3A_137, %swap3A_138], %add3A_136 {strides = array<i32>} : memref<128x128xf32, #tpu.memory_space<vmem>>, vector<16xf32>,
        %get3A_140 = arith.index_cast %scan3A_111 : i32 to index
        %get3A_141 = arith.constant 48 : index
        %get3A_142 = tpu.vector_load %arg11[%get3A_140, %get3A_141] {strides = array<i32>} : memref<128x128xf32, #tpu.memory_space<vmem>>, vector<16xf32>,
        %get3A_143 = arith.index_cast %scan3A_111 : i32 to index
        %get3A_144 = arith.constant 48 : index
        %get3A_145 = tpu.vector_load %arg12[%get3A_143, %get3A_144] {strides = array<i32>} : memref<128x128xf32, #tpu.memory_space<vmem>>, vector<16xf32>,
        %add3A_146 = arith.addf %get3A_142, %get3A_145 : vector<16xf32>
        %swap3A_147 = arith.index_cast %scan3A_111 : i32 to index
        %swap3A_148 = arith.constant 48 : index
        %swap3A_149 = tpu.vector_load %arg11[%swap3A_147, %swap3A_148] {strides = array<i32>} : memref<128x128xf32, #tpu.memory_space<vmem>>, vector<16xf32>,
        tpu.vector_store %arg11[%swap3A_147, %swap3A_148], %add3A_146 {strides = array<i32>} : memref<128x128xf32, #tpu.memory_space<vmem>>, vector<16xf32>,
        %get3A_150 = arith.index_cast %scan3A_111 : i32 to index
        %get3A_151 = arith.constant 64 : index
        %get3A_152 = tpu.vector_load %arg11[%get3A_150, %get3A_151] {strides = array<i32>} : memref<128x128xf32, #tpu.memory_space<vmem>>, vector<16xf32>,
        %get3A_153 = arith.index_cast %scan3A_111 : i32 to index
        %get3A_154 = arith.constant 64 : index
        %get3A_155 = tpu.vector_load %arg12[%get3A_153, %get3A_154] {strides = array<i32>} : memref<128x128xf32, #tpu.memory_space<vmem>>, vector<16xf32>,
        %add3A_156 = arith.addf %get3A_152, %get3A_155 : vector<16xf32>
        %swap3A_157 = arith.index_cast %scan3A_111 : i32 to index
        %swap3A_158 = arith.constant 64 : index
        %swap3A_159 = tpu.vector_load %arg11[%swap3A_157, %swap3A_158] {strides = array<i32>} : memref<128x128xf32, #tpu.memory_space<vmem>>, vector<16xf32>,
        tpu.vector_store %arg11[%swap3A_157, %swap3A_158], %add3A_156 {strides = array<i32>} : memref<128x128xf32, #tpu.memory_space<vmem>>, vector<16xf32>,
        %get3A_160 = arith.index_cast %scan3A_111 : i32 to index
        %get3A_161 = arith.constant 80 : index
        %get3A_162 = tpu.vector_load %arg11[%get3A_160, %get3A_161] {strides = array<i32>} : memref<128x128xf32, #tpu.memory_space<vmem>>, vector<16xf32>,
        %get3A_163 = arith.index_cast %scan3A_111 : i32 to index
        %get3A_164 = arith.constant 80 : index
        %get3A_165 = tpu.vector_load %arg12[%get3A_163, %get3A_164] {strides = array<i32>} : memref<128x128xf32, #tpu.memory_space<vmem>>, vector<16xf32>,
        %add3A_166 = arith.addf %get3A_162, %get3A_165 : vector<16xf32>
        %swap3A_167 = arith.index_cast %scan3A_111 : i32 to index
        %swap3A_168 = arith.constant 80 : index
        %swap3A_169 = tpu.vector_load %arg11[%swap3A_167, %swap3A_168] {strides = array<i32>} : memref<128x128xf32, #tpu.memory_space<vmem>>, vector<16xf32>,
        tpu.vector_store %arg11[%swap3A_167, %swap3A_168], %add3A_166 {strides = array<i32>} : memref<128x128xf32, #tpu.memory_space<vmem>>, vector<16xf32>,
        %get3A_170 = arith.index_cast %scan3A_111 : i32 to index
        %get3A_171 = arith.constant 96 : index
        %get3A_172 = tpu.vector_load %arg11[%get3A_170, %get3A_171] {strides = array<i32>} : memref<128x128xf32, #tpu.memory_space<vmem>>, vector<16xf32>,
        %get3A_173 = arith.index_cast %scan3A_111 : i32 to index
        %get3A_174 = arith.constant 96 : index
        %get3A_175 = tpu.vector_load %arg12[%get3A_173, %get3A_174] {strides = array<i32>} : memref<128x128xf32, #tpu.memory_space<vmem>>, vector<16xf32>,
        %add3A_176 = arith.addf %get3A_172, %get3A_175 : vector<16xf32>
        %swap3A_177 = arith.index_cast %scan3A_111 : i32 to index
        %swap3A_178 = arith.constant 96 : index
        %swap3A_179 = tpu.vector_load %arg11[%swap3A_177, %swap3A_178] {strides = array<i32>} : memref<128x128xf32, #tpu.memory_space<vmem>>, vector<16xf32>,
        tpu.vector_store %arg11[%swap3A_177, %swap3A_178], %add3A_176 {strides = array<i32>} : memref<128x128xf32, #tpu.memory_space<vmem>>, vector<16xf32>,
        %get3A_180 = arith.index_cast %scan3A_111 : i32 to index
        %get3A_181 = arith.constant 112 : index
        %get3A_182 = tpu.vector_load %arg11[%get3A_180, %get3A_181] {strides = array<i32>} : memref<128x128xf32, #tpu.memory_space<vmem>>, vector<16xf32>,
        %get3A_183 = arith.index_cast %scan3A_111 : i32 to index
        %get3A_184 = arith.constant 112 : index
        %get3A_185 = tpu.vector_load %arg12[%get3A_183, %get3A_184] {strides = array<i32>} : memref<128x128xf32, #tpu.memory_space<vmem>>, vector<16xf32>,
        %add3A_186 = arith.addf %get3A_182, %get3A_185 : vector<16xf32>
        %swap3A_187 = arith.index_cast %scan3A_111 : i32 to index
        %swap3A_188 = arith.constant 112 : index
        %swap3A_189 = tpu.vector_load %arg11[%swap3A_187, %swap3A_188] {strides = array<i32>} : memref<128x128xf32, #tpu.memory_space<vmem>>, vector<16xf32>,
        tpu.vector_store %arg11[%swap3A_187, %swap3A_188], %add3A_186 {strides = array<i32>} : memref<128x128xf32, #tpu.memory_space<vmem>>, vector<16xf32>,
      }
      %scan3A_100 = arith.constant 128 : i32
      %mul3A_101 = arith.constant 32 : i32
      %mul3A_102 = arith.muli %add3A_75, %mul3A_101 : i32
      %add3A_103 = arith.addi %mul3A_102, %add3A : i32
      %mul3A_104 = arith.constant 128 : i32
      %mul3A_105 = arith.muli %add3A_103, %mul3A_104 : i32
      %multiple_of3A_106 = tpu.assume_multiple %mul3A_105, 128 : i32
      %dma_start3A_107 = arith.constant 0 : i32
      %dma_start3A_108 = tpu.memref_slice %arg6[%multiple_of3A_106, %dma_start3A_107] : memref<163840x128xf32, #tpu.memory_space<hbm>> -> memref<128x128xf32, #tpu.memory_space<hbm>>
      %dma_start3A_109 = arith.constant 0 : i32
      %dma_start3A_110 = tpu.memref_slice %arg6[%multiple_of3A_106, %dma_start3A_109] : memref<163840x128xf32, #tpu.memory_space<hbm>> -> memref<128x128xf32, #tpu.memory_space<hbm>>
      tpu.enqueue_dma source(%arg11 : memref<128x128xf32, #tpu.memory_space<vmem>>) target(%dma_start3A_110 : memref<128x128xf32, #tpu.memory_space<hbm>>) target_semaphore(%arg17 : memref<!tpu.dma_semaphore, #tpu.memory_space<semaphore_mem>>)
    }
    %scan3A_18 = arith.constant 20 : i32
    %add3A_19 = arith.constant 1216 : i32
    %add3A_20 = arith.addi %add3A_19, %add3A : i32
    %mul3A_21 = arith.constant 128 : i32
    %mul3A_22 = arith.muli %add3A_20, %mul3A_21 : i32
    %multiple_of3A = tpu.assume_multiple %mul3A_22, 128 : i32
    %dma_wait3A = arith.constant 0 : i32
    %dma_wait3A_23 = tpu.memref_slice %arg6[%multiple_of3A, %dma_wait3A] : memref<163840x128xf32, #tpu.memory_space<hbm>> -> memref<128x128xf32, #tpu.memory_space<hbm>>
    %dma_wait3A_24 = arith.constant 0 : i32
    %dma_wait3A_25 = tpu.memref_slice %arg6[%multiple_of3A, %dma_wait3A_24] : memref<163840x128xf32, #tpu.memory_space<hbm>> -> memref<128x128xf32, #tpu.memory_space<hbm>>
    tpu.wait_dma2 semaphore(%arg17 : memref<!tpu.dma_semaphore, #tpu.memory_space<semaphore_mem>>) src(%arg9 : memref<128x128xf32, #tpu.memory_space<vmem>>) dst(%dma_wait3A_25 : memref<128x128xf32, #tpu.memory_space<hbm>>)
    %add3A_26 = arith.constant 1248 : i32
    %add3A_27 = arith.addi %add3A_26, %add3A : i32
    %mul3A_28 = arith.constant 128 : i32
    %mul3A_29 = arith.muli %add3A_27, %mul3A_28 : i32
    %multiple_of3A_30 = tpu.assume_multiple %mul3A_29, 128 : i32
    %dma_wait3A_31 = arith.constant 0 : i32
    %dma_wait3A_32 = tpu.memref_slice %arg6[%multiple_of3A_30, %dma_wait3A_31] : memref<163840x128xf32, #tpu.memory_space<hbm>> -> memref<128x128xf32, #tpu.memory_space<hbm>>
    %dma_wait3A_33 = arith.constant 0 : i32
    %dma_wait3A_34 = tpu.memref_slice %arg6[%multiple_of3A_30, %dma_wait3A_33] : memref<163840x128xf32, #tpu.memory_space<hbm>> -> memref<128x128xf32, #tpu.memory_space<hbm>>
    tpu.wait_dma2 semaphore(%arg17 : memref<!tpu.dma_semaphore, #tpu.memory_space<semaphore_mem>>) src(%arg11 : memref<128x128xf32, #tpu.memory_space<vmem>>) dst(%dma_wait3A_34 : memref<128x128xf32, #tpu.memory_space<hbm>>)
    return
  }
}

#map = affine_map<(d0, d1) -> (0, 0)>
#map1 = affine_map<(d0, d1) -> (0, 0, 0)>
module attributes {stable_mosaic.version = 14 : i64} {
  func.func @_scatter_body(%arg0: i32, %arg1: i32, %arg2: memref<163840x128xf32, #tpu.memory_space<hbm>>, %arg3: memref<32x40x128xi32, #tpu.memory_space<hbm>>, %arg4: memref<10112x128xf32, #tpu.memory_space<hbm>>, %arg5: memref<2x10112x128xf32, #tpu.memory_space<hbm>>, %arg6: memref<10112x128xf32, #tpu.memory_space<vmem_shared>>, %arg7: memref<40x128xi32, #tpu.memory_space<vmem>>, %arg8: memref<128x128xf32, #tpu.memory_space<vmem>>, %arg9: memref<128x128xf32, #tpu.memory_space<vmem>>, %arg10: memref<!tpu.dma_semaphore, #tpu.memory_space<semaphore_mem>>, %arg11: memref<!tpu.dma_semaphore, #tpu.memory_space<semaphore_mem>>) attributes {dimension_semantics = [#tpu.dimension_semantics<core_parallel>, #tpu.dimension_semantics<subcore_parallel>], iteration_bounds = array<i64: 2, 16>, scalar_prefetch = 0 : i64, scratch_operands = 6 : i64, tpu.core_type = #tpu.core_type<sc_vector_subcore>, window_params = [{transform_indices = #map}, {transform_indices = #map1}, {transform_indices = #map}, {transform_indices = #map1}]} {
    %mul3A = arith.constant 2 : i32
    %mul3A_0 = arith.muli %arg1, %mul3A : i32
    %add3A = arith.addi %mul3A_0, %arg0 : i32
    %mul3A_1 = arith.constant 5120 : i32
    %mul3A_2 = arith.muli %add3A, %mul3A_1 : i32
    %multiple_of3A = tpu.assume_multiple %mul3A_2, 128 : i32
    %mul3A_3 = arith.constant 632 : i32
    %mul3A_4 = arith.muli %arg1, %mul3A_3 : i32
    %multiple_of3A_5 = tpu.assume_multiple %mul3A_4, 8 : i32
    "tpu.region"() ({
      %run_scoped3A = tpu.sem_alloc : memref<!tpu.dma_semaphore, #tpu.memory_space<semaphore_mem>>
      %dma_start3A_18 = arith.constant 0 : i32
      %dma_start3A_19 = tpu.memref_slice %arg6[%multiple_of3A_5, %dma_start3A_18] : memref<10112x128xf32, #tpu.memory_space<vmem_shared>> -> memref<632x128xf32, #tpu.memory_space<vmem_shared>>
      %dma_start3A_20 = arith.constant 0 : i32
      %dma_start3A_21 = tpu.memref_slice %arg4[%multiple_of3A_5, %dma_start3A_20] : memref<10112x128xf32, #tpu.memory_space<hbm>> -> memref<632x128xf32, #tpu.memory_space<hbm>>
      tpu.enqueue_dma source(%dma_start3A_21 : memref<632x128xf32, #tpu.memory_space<hbm>>) target(%dma_start3A_19 : memref<632x128xf32, #tpu.memory_space<vmem_shared>>) target_semaphore(%run_scoped3A : memref<!tpu.dma_semaphore, #tpu.memory_space<semaphore_mem>>)
      %dma_wait3A = arith.constant 0 : i32
      %dma_wait3A_22 = tpu.memref_slice %arg6[%multiple_of3A_5, %dma_wait3A] : memref<10112x128xf32, #tpu.memory_space<vmem_shared>> -> memref<632x128xf32, #tpu.memory_space<vmem_shared>>
      %dma_wait3A_23 = arith.constant 0 : i32
      %dma_wait3A_24 = tpu.memref_slice %arg4[%multiple_of3A_5, %dma_wait3A_23] : memref<10112x128xf32, #tpu.memory_space<hbm>> -> memref<632x128xf32, #tpu.memory_space<hbm>>
      tpu.wait_dma2 semaphore(%run_scoped3A : memref<!tpu.dma_semaphore, #tpu.memory_space<semaphore_mem>>) src(%dma_wait3A_24 : memref<632x128xf32, #tpu.memory_space<hbm>>) dst(%dma_wait3A_22 : memref<632x128xf32, #tpu.memory_space<vmem_shared>>)
      tpu.yield
    }) : () -> ()
    "tpu.region"() ({
      %run_scoped3A = tpu.sem_alloc : memref<!tpu.dma_semaphore, #tpu.memory_space<semaphore_mem>>
      %dma_start3A_18 = arith.constant 0 : i32
      %dma_start3A_19 = arith.constant 0 : i32
      %dma_start3A_20 = tpu.memref_slice %arg3[%add3A, %dma_start3A_18, %dma_start3A_19] : memref<32x40x128xi32, #tpu.memory_space<hbm>> -> memref<1x40x128xi32, #tpu.memory_space<hbm>>
      %dma_start3A_21 = tpu.memref_squeeze %dma_start3A_20 : memref<1x40x128xi32, #tpu.memory_space<hbm>> -> memref<40x128xi32, #tpu.memory_space<hbm>>
      %dma_start3A_22 = arith.constant 0 : i32
      %dma_start3A_23 = arith.constant 0 : i32
      %dma_start3A_24 = tpu.memref_slice %arg3[%add3A, %dma_start3A_22, %dma_start3A_23] : memref<32x40x128xi32, #tpu.memory_space<hbm>> -> memref<1x40x128xi32, #tpu.memory_space<hbm>>
      %dma_start3A_25 = tpu.memref_squeeze %dma_start3A_24 : memref<1x40x128xi32, #tpu.memory_space<hbm>> -> memref<40x128xi32, #tpu.memory_space<hbm>>
      tpu.enqueue_dma source(%dma_start3A_25 : memref<40x128xi32, #tpu.memory_space<hbm>>) target(%arg7 : memref<40x128xi32, #tpu.memory_space<vmem>>) target_semaphore(%run_scoped3A : memref<!tpu.dma_semaphore, #tpu.memory_space<semaphore_mem>>)
      %dma_wait3A = arith.constant 0 : i32
      %dma_wait3A_26 = arith.constant 0 : i32
      %dma_wait3A_27 = tpu.memref_slice %arg3[%add3A, %dma_wait3A, %dma_wait3A_26] : memref<32x40x128xi32, #tpu.memory_space<hbm>> -> memref<1x40x128xi32, #tpu.memory_space<hbm>>
      %dma_wait3A_28 = tpu.memref_squeeze %dma_wait3A_27 : memref<1x40x128xi32, #tpu.memory_space<hbm>> -> memref<40x128xi32, #tpu.memory_space<hbm>>
      %dma_wait3A_29 = arith.constant 0 : i32
      %dma_wait3A_30 = arith.constant 0 : i32
      %dma_wait3A_31 = tpu.memref_slice %arg3[%add3A, %dma_wait3A_29, %dma_wait3A_30] : memref<32x40x128xi32, #tpu.memory_space<hbm>> -> memref<1x40x128xi32, #tpu.memory_space<hbm>>
      %dma_wait3A_32 = tpu.memref_squeeze %dma_wait3A_31 : memref<1x40x128xi32, #tpu.memory_space<hbm>> -> memref<40x128xi32, #tpu.memory_space<hbm>>
      tpu.wait_dma2 semaphore(%run_scoped3A : memref<!tpu.dma_semaphore, #tpu.memory_space<semaphore_mem>>) src(%dma_wait3A_32 : memref<40x128xi32, #tpu.memory_space<hbm>>) dst(%arg7 : memref<40x128xi32, #tpu.memory_space<vmem>>)
      tpu.yield
    }) : () -> ()
    %barrier3A = arith.constant 0 : index
    tpu.barrier barrier_id(%barrier3A)
    %add3A_6 = arith.constant 0 : i32
    %add3A_7 = arith.addi %multiple_of3A, %add3A_6 : i32
    %multiple_of3A_8 = tpu.assume_multiple %add3A_7, 128 : i32
    %dma_start3A = arith.constant 0 : i32
    %dma_start3A_9 = tpu.memref_slice %arg2[%multiple_of3A_8, %dma_start3A] : memref<163840x128xf32, #tpu.memory_space<hbm>> -> memref<128x128xf32, #tpu.memory_space<hbm>>
    %dma_start3A_10 = arith.constant 0 : i32
    %dma_start3A_11 = tpu.memref_slice %arg2[%multiple_of3A_8, %dma_start3A_10] : memref<163840x128xf32, #tpu.memory_space<hbm>> -> memref<128x128xf32, #tpu.memory_space<hbm>>
    tpu.enqueue_dma source(%dma_start3A_11 : memref<128x128xf32, #tpu.memory_space<hbm>>) target(%arg8 : memref<128x128xf32, #tpu.memory_space<vmem>>) target_semaphore(%arg10 : memref<!tpu.dma_semaphore, #tpu.memory_space<semaphore_mem>>)
    %scan3A = arith.constant 0 : i32
    %scan3A_12 = arith.constant 0 : i32
    %scan3A_13 = arith.constant 20 : i32
    %scan3A_14 = arith.addi %scan3A_12, %scan3A_13 : i32
    %scan3A_15 = arith.constant 1 : i32
    scf.for %scan3A_18 = %scan3A_12 to %scan3A_14 step %scan3A_15  : i32 {
      %mul3A_19 = arith.constant 2 : i32
      %mul3A_20 = arith.muli %scan3A_18, %mul3A_19 : i32
      %add3A_21 = arith.constant 0 : i32
      %add3A_22 = arith.addi %mul3A_20, %add3A_21 : i32
      %add3A_23 = arith.constant 1 : i32
      %add3A_24 = arith.addi %add3A_22, %add3A_23 : i32
      %lt3A = arith.constant 40 : i32
      %lt3A_25 = arith.cmpi slt, %add3A_24, %lt3A : i32
      %convert_element_type3A = arith.extui %lt3A_25 : i1 to i32
      %cond3A = arith.constant 0 : i32
      %cond3A_26 = arith.cmpi ne, %convert_element_type3A, %cond3A : i32
      scf.if %cond3A_26 {
        %add3A_53 = arith.constant 1 : i32
        %add3A_54 = arith.addi %add3A_22, %add3A_53 : i32
        %mul3A_55 = arith.constant 128 : i32
        %mul3A_56 = arith.muli %add3A_54, %mul3A_55 : i32
        %add3A_57 = arith.addi %multiple_of3A, %mul3A_56 : i32
        %multiple_of3A_58 = tpu.assume_multiple %add3A_57, 128 : i32
        %dma_start3A_59 = arith.constant 0 : i32
        %dma_start3A_60 = tpu.memref_slice %arg2[%multiple_of3A_58, %dma_start3A_59] : memref<163840x128xf32, #tpu.memory_space<hbm>> -> memref<128x128xf32, #tpu.memory_space<hbm>>
        %dma_start3A_61 = arith.constant 0 : i32
        %dma_start3A_62 = tpu.memref_slice %arg2[%multiple_of3A_58, %dma_start3A_61] : memref<163840x128xf32, #tpu.memory_space<hbm>> -> memref<128x128xf32, #tpu.memory_space<hbm>>
        tpu.enqueue_dma source(%dma_start3A_62 : memref<128x128xf32, #tpu.memory_space<hbm>>) target(%arg9 : memref<128x128xf32, #tpu.memory_space<vmem>>) target_semaphore(%arg11 : memref<!tpu.dma_semaphore, #tpu.memory_space<semaphore_mem>>)
      } else {
      }
      %mul3A_27 = arith.constant 128 : i32
      %mul3A_28 = arith.muli %add3A_22, %mul3A_27 : i32
      %add3A_29 = arith.addi %multiple_of3A, %mul3A_28 : i32
      %multiple_of3A_30 = tpu.assume_multiple %add3A_29, 128 : i32
      %dma_wait3A = arith.constant 0 : i32
      %dma_wait3A_31 = tpu.memref_slice %arg2[%multiple_of3A_30, %dma_wait3A] : memref<163840x128xf32, #tpu.memory_space<hbm>> -> memref<128x128xf32, #tpu.memory_space<hbm>>
      %dma_wait3A_32 = arith.constant 0 : i32
      %dma_wait3A_33 = tpu.memref_slice %arg2[%multiple_of3A_30, %dma_wait3A_32] : memref<163840x128xf32, #tpu.memory_space<hbm>> -> memref<128x128xf32, #tpu.memory_space<hbm>>
      tpu.wait_dma2 semaphore(%arg10 : memref<!tpu.dma_semaphore, #tpu.memory_space<semaphore_mem>>) src(%dma_wait3A_33 : memref<128x128xf32, #tpu.memory_space<hbm>>) dst(%arg8 : memref<128x128xf32, #tpu.memory_space<vmem>>)
      "tpu.region"() ({
        %run_scoped3A = tpu.sem_alloc : memref<!tpu.dma_semaphore, #tpu.memory_space<semaphore_mem>>
        %dma_start3A_53 = arith.constant 0 : i32
        %dma_start3A_54 = tpu.memref_slice %arg7[%add3A_22, %dma_start3A_53] : memref<40x128xi32, #tpu.memory_space<vmem>> -> memref<1x128xi32, #tpu.memory_space<vmem>>
        %dma_start3A_55 = tpu.memref_squeeze %dma_start3A_54 : memref<1x128xi32, #tpu.memory_space<vmem>> -> memref<128xi32, #tpu.memory_space<vmem>>
        %dma_start3A_56 = arith.constant 0 : i32
        %dma_start3A_57 = arith.constant 0 : i32
        %dma_start3A_58 = tpu.memref_slice %arg6[%dma_start3A_56, %dma_start3A_57] : memref<10112x128xf32, #tpu.memory_space<vmem_shared>> -> memref<10112x128xf32, #tpu.memory_space<vmem_shared>>
        tpu.enqueue_indirect_dma source(%arg8 : memref<128x128xf32, #tpu.memory_space<vmem>>) target(%dma_start3A_58 : memref<10112x128xf32, #tpu.memory_space<vmem_shared>>) offsets(%dma_start3A_55 : memref<128xi32, #tpu.memory_space<vmem>>) semaphore(%run_scoped3A : memref<!tpu.dma_semaphore, #tpu.memory_space<semaphore_mem>>) {add = true}
        %dma_wait3A_59 = arith.constant 0 : i32
        %dma_wait3A_60 = tpu.memref_slice %arg7[%add3A_22, %dma_wait3A_59] : memref<40x128xi32, #tpu.memory_space<vmem>> -> memref<1x128xi32, #tpu.memory_space<vmem>>
        %dma_wait3A_61 = tpu.memref_squeeze %dma_wait3A_60 : memref<1x128xi32, #tpu.memory_space<vmem>> -> memref<128xi32, #tpu.memory_space<vmem>>
        %dma_wait3A_62 = arith.constant 0 : i32
        %dma_wait3A_63 = arith.constant 0 : i32
        %dma_wait3A_64 = tpu.memref_slice %arg6[%dma_wait3A_62, %dma_wait3A_63] : memref<10112x128xf32, #tpu.memory_space<vmem_shared>> -> memref<10112x128xf32, #tpu.memory_space<vmem_shared>>
        tpu.wait_indirect_dma semaphore(%run_scoped3A : memref<!tpu.dma_semaphore, #tpu.memory_space<semaphore_mem>>) src(%arg8 : memref<128x128xf32, #tpu.memory_space<vmem>>) dst(%dma_wait3A_64 : memref<10112x128xf32, #tpu.memory_space<vmem_shared>>)
        tpu.yield
      }) : () -> ()
      %mul3A_34 = arith.constant 2 : i32
      %mul3A_35 = arith.muli %scan3A_18, %mul3A_34 : i32
      %add3A_36 = arith.constant 1 : i32
      %add3A_37 = arith.addi %mul3A_35, %add3A_36 : i32
      %add3A_38 = arith.constant 1 : i32
      %add3A_39 = arith.addi %add3A_37, %add3A_38 : i32
      %lt3A_40 = arith.constant 40 : i32
      %lt3A_41 = arith.cmpi slt, %add3A_39, %lt3A_40 : i32
      %convert_element_type3A_42 = arith.extui %lt3A_41 : i1 to i32
      %cond3A_43 = arith.constant 0 : i32
      %cond3A_44 = arith.cmpi ne, %convert_element_type3A_42, %cond3A_43 : i32
      scf.if %cond3A_44 {
        %add3A_53 = arith.constant 1 : i32
        %add3A_54 = arith.addi %add3A_37, %add3A_53 : i32
        %mul3A_55 = arith.constant 128 : i32
        %mul3A_56 = arith.muli %add3A_54, %mul3A_55 : i32
        %add3A_57 = arith.addi %multiple_of3A, %mul3A_56 : i32
        %multiple_of3A_58 = tpu.assume_multiple %add3A_57, 128 : i32
        %dma_start3A_59 = arith.constant 0 : i32
        %dma_start3A_60 = tpu.memref_slice %arg2[%multiple_of3A_58, %dma_start3A_59] : memref<163840x128xf32, #tpu.memory_space<hbm>> -> memref<128x128xf32, #tpu.memory_space<hbm>>
        %dma_start3A_61 = arith.constant 0 : i32
        %dma_start3A_62 = tpu.memref_slice %arg2[%multiple_of3A_58, %dma_start3A_61] : memref<163840x128xf32, #tpu.memory_space<hbm>> -> memref<128x128xf32, #tpu.memory_space<hbm>>
        tpu.enqueue_dma source(%dma_start3A_62 : memref<128x128xf32, #tpu.memory_space<hbm>>) target(%arg8 : memref<128x128xf32, #tpu.memory_space<vmem>>) target_semaphore(%arg10 : memref<!tpu.dma_semaphore, #tpu.memory_space<semaphore_mem>>)
      } else {
      }
      %mul3A_45 = arith.constant 128 : i32
      %mul3A_46 = arith.muli %add3A_37, %mul3A_45 : i32
      %add3A_47 = arith.addi %multiple_of3A, %mul3A_46 : i32
      %multiple_of3A_48 = tpu.assume_multiple %add3A_47, 128 : i32
      %dma_wait3A_49 = arith.constant 0 : i32
      %dma_wait3A_50 = tpu.memref_slice %arg2[%multiple_of3A_48, %dma_wait3A_49] : memref<163840x128xf32, #tpu.memory_space<hbm>> -> memref<128x128xf32, #tpu.memory_space<hbm>>
      %dma_wait3A_51 = arith.constant 0 : i32
      %dma_wait3A_52 = tpu.memref_slice %arg2[%multiple_of3A_48, %dma_wait3A_51] : memref<163840x128xf32, #tpu.memory_space<hbm>> -> memref<128x128xf32, #tpu.memory_space<hbm>>
      tpu.wait_dma2 semaphore(%arg11 : memref<!tpu.dma_semaphore, #tpu.memory_space<semaphore_mem>>) src(%dma_wait3A_52 : memref<128x128xf32, #tpu.memory_space<hbm>>) dst(%arg9 : memref<128x128xf32, #tpu.memory_space<vmem>>)
      "tpu.region"() ({
        %run_scoped3A = tpu.sem_alloc : memref<!tpu.dma_semaphore, #tpu.memory_space<semaphore_mem>>
        %dma_start3A_53 = arith.constant 0 : i32
        %dma_start3A_54 = tpu.memref_slice %arg7[%add3A_37, %dma_start3A_53] : memref<40x128xi32, #tpu.memory_space<vmem>> -> memref<1x128xi32, #tpu.memory_space<vmem>>
        %dma_start3A_55 = tpu.memref_squeeze %dma_start3A_54 : memref<1x128xi32, #tpu.memory_space<vmem>> -> memref<128xi32, #tpu.memory_space<vmem>>
        %dma_start3A_56 = arith.constant 0 : i32
        %dma_start3A_57 = arith.constant 0 : i32
        %dma_start3A_58 = tpu.memref_slice %arg6[%dma_start3A_56, %dma_start3A_57] : memref<10112x128xf32, #tpu.memory_space<vmem_shared>> -> memref<10112x128xf32, #tpu.memory_space<vmem_shared>>
        tpu.enqueue_indirect_dma source(%arg9 : memref<128x128xf32, #tpu.memory_space<vmem>>) target(%dma_start3A_58 : memref<10112x128xf32, #tpu.memory_space<vmem_shared>>) offsets(%dma_start3A_55 : memref<128xi32, #tpu.memory_space<vmem>>) semaphore(%run_scoped3A : memref<!tpu.dma_semaphore, #tpu.memory_space<semaphore_mem>>) {add = true}
        %dma_wait3A_59 = arith.constant 0 : i32
        %dma_wait3A_60 = tpu.memref_slice %arg7[%add3A_37, %dma_wait3A_59] : memref<40x128xi32, #tpu.memory_space<vmem>> -> memref<1x128xi32, #tpu.memory_space<vmem>>
        %dma_wait3A_61 = tpu.memref_squeeze %dma_wait3A_60 : memref<1x128xi32, #tpu.memory_space<vmem>> -> memref<128xi32, #tpu.memory_space<vmem>>
        %dma_wait3A_62 = arith.constant 0 : i32
        %dma_wait3A_63 = arith.constant 0 : i32
        %dma_wait3A_64 = tpu.memref_slice %arg6[%dma_wait3A_62, %dma_wait3A_63] : memref<10112x128xf32, #tpu.memory_space<vmem_shared>> -> memref<10112x128xf32, #tpu.memory_space<vmem_shared>>
        tpu.wait_indirect_dma semaphore(%run_scoped3A : memref<!tpu.dma_semaphore, #tpu.memory_space<semaphore_mem>>) src(%arg9 : memref<128x128xf32, #tpu.memory_space<vmem>>) dst(%dma_wait3A_64 : memref<10112x128xf32, #tpu.memory_space<vmem_shared>>)
        tpu.yield
      }) : () -> ()
    }
    %scan3A_16 = arith.constant 20 : i32
    %barrier3A_17 = arith.constant 0 : index
    tpu.barrier barrier_id(%barrier3A_17)
    "tpu.region"() ({
      %run_scoped3A = tpu.sem_alloc : memref<!tpu.dma_semaphore, #tpu.memory_space<semaphore_mem>>
      %dma_start3A_18 = arith.constant 0 : i32
      %dma_start3A_19 = arith.constant 0 : i32
      %dma_start3A_20 = tpu.memref_slice %arg5[%arg0, %dma_start3A_18, %dma_start3A_19] : memref<2x10112x128xf32, #tpu.memory_space<hbm>> -> memref<1x10112x128xf32, #tpu.memory_space<hbm>>
      %dma_start3A_21 = tpu.memref_squeeze %dma_start3A_20 : memref<1x10112x128xf32, #tpu.memory_space<hbm>> -> memref<10112x128xf32, #tpu.memory_space<hbm>>
      %dma_start3A_22 = arith.constant 0 : i32
      %dma_start3A_23 = tpu.memref_slice %dma_start3A_21[%multiple_of3A_5, %dma_start3A_22] : memref<10112x128xf32, #tpu.memory_space<hbm>> -> memref<632x128xf32, #tpu.memory_space<hbm>>
      %dma_start3A_24 = arith.constant 0 : i32
      %dma_start3A_25 = tpu.memref_slice %arg6[%multiple_of3A_5, %dma_start3A_24] : memref<10112x128xf32, #tpu.memory_space<vmem_shared>> -> memref<632x128xf32, #tpu.memory_space<vmem_shared>>
      tpu.enqueue_dma source(%dma_start3A_25 : memref<632x128xf32, #tpu.memory_space<vmem_shared>>) target(%dma_start3A_23 : memref<632x128xf32, #tpu.memory_space<hbm>>) target_semaphore(%run_scoped3A : memref<!tpu.dma_semaphore, #tpu.memory_space<semaphore_mem>>)
      %dma_wait3A = arith.constant 0 : i32
      %dma_wait3A_26 = arith.constant 0 : i32
      %dma_wait3A_27 = tpu.memref_slice %arg5[%arg0, %dma_wait3A, %dma_wait3A_26] : memref<2x10112x128xf32, #tpu.memory_space<hbm>> -> memref<1x10112x128xf32, #tpu.memory_space<hbm>>
      %dma_wait3A_28 = tpu.memref_squeeze %dma_wait3A_27 : memref<1x10112x128xf32, #tpu.memory_space<hbm>> -> memref<10112x128xf32, #tpu.memory_space<hbm>>
      %dma_wait3A_29 = arith.constant 0 : i32
      %dma_wait3A_30 = tpu.memref_slice %dma_wait3A_28[%multiple_of3A_5, %dma_wait3A_29] : memref<10112x128xf32, #tpu.memory_space<hbm>> -> memref<632x128xf32, #tpu.memory_space<hbm>>
      %dma_wait3A_31 = arith.constant 0 : i32
      %dma_wait3A_32 = tpu.memref_slice %arg6[%multiple_of3A_5, %dma_wait3A_31] : memref<10112x128xf32, #tpu.memory_space<vmem_shared>> -> memref<632x128xf32, #tpu.memory_space<vmem_shared>>
      tpu.wait_dma2 semaphore(%run_scoped3A : memref<!tpu.dma_semaphore, #tpu.memory_space<semaphore_mem>>) src(%dma_wait3A_32 : memref<632x128xf32, #tpu.memory_space<vmem_shared>>) dst(%dma_wait3A_30 : memref<632x128xf32, #tpu.memory_space<hbm>>)
      tpu.yield
    }) : () -> ()
    return
  }
}

module attributes {stable_mosaic.version = 14 : i64} {
  func.func @_embed_body(%arg0: i32, %arg1: memref<2000x1xi32, #tpu.memory_space<vmem>>, %arg2: memref<128x128xf32, #tpu.memory_space<vmem>>, %arg3: memref<128x128xf32, #tpu.memory_space<vmem>>, %arg4: memref<128x128xf32, #tpu.memory_space<vmem>>, %arg5: memref<1x128xf32, #tpu.memory_space<vmem>>, %arg6: memref<2000x128xf32, #tpu.memory_space<vmem>>, %arg7: memref<2000x128xf32, #tpu.memory_space<vmem>>, %arg8: memref<2000x128xf32, #tpu.memory_space<vmem>>) attributes {dimension_semantics = [#tpu.dimension_semantics<arbitrary>], iteration_bounds = array<i64: 5>, scalar_prefetch = 0 : i64, scratch_operands = 0 : i64, tpu.core_type = #tpu.core_type<tc>, window_params = [{transform_indices = @transform_0, window_bounds = array<i64: 2000, 1>}, {pipeline_mode = #tpu.pipeline_mode<synchronous>, transform_indices = @transform_1, window_bounds = array<i64: 128, 128>}, {pipeline_mode = #tpu.pipeline_mode<synchronous>, transform_indices = @transform_2, window_bounds = array<i64: 128, 128>}, {pipeline_mode = #tpu.pipeline_mode<synchronous>, transform_indices = @transform_3, window_bounds = array<i64: 128, 128>}, {pipeline_mode = #tpu.pipeline_mode<synchronous>, transform_indices = @transform_4, window_bounds = array<i64: 1, 128>}, {transform_indices = @transform_5, window_bounds = array<i64: 2000, 128>}, {transform_indices = @transform_6, window_bounds = array<i64: 2000, 128>}, {transform_indices = @transform_7, window_bounds = array<i64: 2000, 128>}]} {
    %get3A = arith.constant 0 : index
    %get3A_0 = arith.constant 0 : index
    %get3A_1 = vector.load %arg1[%get3A, %get3A_0] : memref<2000x1xi32, #tpu.memory_space<vmem>>, vector<2000x1xi32>
    %iota3A = tpu.iota {dimensions = array<i32: 1>} : vector<2000x128xi32>
    %eq3A = vector.broadcast %get3A_1 : vector<2000x1xi32> to vector<2000x128xi32>
    %eq3A_2 = arith.cmpi eq, %eq3A, %iota3A : vector<2000x128xi32>
    %convert_element_type3A = arith.extui %eq3A_2 : vector<2000x128xi1> to vector<2000x128xi32>
    %convert_element_type3A_3 = arith.sitofp %convert_element_type3A : vector<2000x128xi32> to vector<2000x128xf32>
    %get3A_4 = arith.constant 0 : index
    %get3A_5 = arith.constant 0 : index
    %get3A_6 = vector.load %arg2[%get3A_4, %get3A_5] : memref<128x128xf32, #tpu.memory_space<vmem>>, vector<128x128xf32>
    %dot_general3A = arith.constant dense<0.000000e+00> : vector<2000x128xf32>
    %dot_general3A_7 = tpu.matmul %convert_element_type3A_3, %get3A_6, %dot_general3A {dimension_numbers = #tpu.dot_dimension_numbers<[1], [0], [0], [1], [0, 0, 1, 1], [], []>, transpose_lhs_hint = false} : vector<2000x128xf32>, vector<128x128xf32>, vector<2000x128xf32> -> vector<2000x128xf32>
    %swap3A = arith.constant 0 : index
    %swap3A_8 = arith.constant 0 : index
    %swap3A_9 = vector.load %arg6[%swap3A, %swap3A_8] : memref<2000x128xf32, #tpu.memory_space<vmem>>, vector<2000x128xf32>
    tpu.vector_store %arg6[%swap3A, %swap3A_8], %dot_general3A_7 {strides = array<i32>} : memref<2000x128xf32, #tpu.memory_space<vmem>>, vector<2000x128xf32>,
    %get3A_10 = arith.constant 0 : index
    %get3A_11 = arith.constant 0 : index
    %get3A_12 = vector.load %arg3[%get3A_10, %get3A_11] : memref<128x128xf32, #tpu.memory_space<vmem>>, vector<128x128xf32>
    %dot_general3A_13 = arith.constant dense<0.000000e+00> : vector<2000x128xf32>
    %dot_general3A_14 = tpu.matmul %dot_general3A_7, %get3A_12, %dot_general3A_13 {dimension_numbers = #tpu.dot_dimension_numbers<[1], [0], [0], [1], [0, 0, 1, 1], [], []>, transpose_lhs_hint = false} : vector<2000x128xf32>, vector<128x128xf32>, vector<2000x128xf32> -> vector<2000x128xf32>
    %get3A_15 = arith.constant 0 : index
    %get3A_16 = arith.constant 0 : index
    %get3A_17 = vector.load %arg5[%get3A_15, %get3A_16] : memref<1x128xf32, #tpu.memory_space<vmem>>, vector<1x128xf32>
    %add3A = vector.broadcast %get3A_17 : vector<1x128xf32> to vector<2000x128xf32>
    %add3A_18 = arith.addf %dot_general3A_14, %add3A : vector<2000x128xf32>
    %swap3A_19 = arith.constant 0 : index
    %swap3A_20 = arith.constant 0 : index
    %swap3A_21 = vector.load %arg7[%swap3A_19, %swap3A_20] : memref<2000x128xf32, #tpu.memory_space<vmem>>, vector<2000x128xf32>
    tpu.vector_store %arg7[%swap3A_19, %swap3A_20], %add3A_18 {strides = array<i32>} : memref<2000x128xf32, #tpu.memory_space<vmem>>, vector<2000x128xf32>,
    %get3A_22 = arith.constant 0 : index
    %get3A_23 = arith.constant 0 : index
    %get3A_24 = vector.load %arg4[%get3A_22, %get3A_23] : memref<128x128xf32, #tpu.memory_space<vmem>>, vector<128x128xf32>
    %dot_general3A_25 = arith.constant dense<0.000000e+00> : vector<2000x128xf32>
    %dot_general3A_26 = tpu.matmul %dot_general3A_7, %get3A_24, %dot_general3A_25 {dimension_numbers = #tpu.dot_dimension_numbers<[1], [0], [0], [1], [0, 0, 1, 1], [], []>, transpose_lhs_hint = false} : vector<2000x128xf32>, vector<128x128xf32>, vector<2000x128xf32> -> vector<2000x128xf32>
    %swap3A_27 = arith.constant 0 : index
    %swap3A_28 = arith.constant 0 : index
    %swap3A_29 = vector.load %arg8[%swap3A_27, %swap3A_28] : memref<2000x128xf32, #tpu.memory_space<vmem>>, vector<2000x128xf32>
    tpu.vector_store %arg8[%swap3A_27, %swap3A_28], %dot_general3A_26 {strides = array<i32>} : memref<2000x128xf32, #tpu.memory_space<vmem>>, vector<2000x128xf32>,
    return
  }
  func.func @transform_0(%arg0: i32) -> (i32, i32) {
    %c0_i32 = arith.constant 0 : i32
    %c0_i32_0 = arith.constant 0 : i32
    return %arg0, %c0_i32 : i32, i32
  }
  func.func @transform_1(%arg0: i32) -> (i32, i32) {
    %c0_i32 = arith.constant 0 : i32
    %c0_i32_0 = arith.constant 0 : i32
    %c0_i32_1 = arith.constant 0 : i32
    return %c0_i32, %c0_i32_0 : i32, i32
  }
  func.func @transform_2(%arg0: i32) -> (i32, i32) {
    %c0_i32 = arith.constant 0 : i32
    %c0_i32_0 = arith.constant 0 : i32
    %c0_i32_1 = arith.constant 0 : i32
    return %c0_i32, %c0_i32_0 : i32, i32
  }
  func.func @transform_3(%arg0: i32) -> (i32, i32) {
    %c0_i32 = arith.constant 0 : i32
    %c0_i32_0 = arith.constant 0 : i32
    %c0_i32_1 = arith.constant 0 : i32
    return %c0_i32, %c0_i32_0 : i32, i32
  }
  func.func @transform_4(%arg0: i32) -> (i32, i32) {
    %c0_i32 = arith.constant 0 : i32
    %c0_i32_0 = arith.constant 0 : i32
    %c0_i32_1 = arith.constant 0 : i32
    return %c0_i32, %c0_i32_0 : i32, i32
  }
  func.func @transform_5(%arg0: i32) -> (i32, i32) {
    %c0_i32 = arith.constant 0 : i32
    %c0_i32_0 = arith.constant 0 : i32
    return %arg0, %c0_i32 : i32, i32
  }
  func.func @transform_6(%arg0: i32) -> (i32, i32) {
    %c0_i32 = arith.constant 0 : i32
    %c0_i32_0 = arith.constant 0 : i32
    return %arg0, %c0_i32 : i32, i32
  }
  func.func @transform_7(%arg0: i32) -> (i32, i32) {
    %c0_i32 = arith.constant 0 : i32
    %c0_i32_0 = arith.constant 0 : i32
    return %arg0, %c0_i32 : i32, i32
  }
}

module attributes {stable_mosaic.version = 14 : i64} {
  func.func @_edge_body(%arg0: i32, %arg1: memref<2048x128xf32, #tpu.memory_space<vmem>>, %arg2: memref<2048x1xf32, #tpu.memory_space<vmem>>, %arg3: memref<1x128xf32, #tpu.memory_space<vmem>>, %arg4: memref<128x128xf32, #tpu.memory_space<vmem>>, %arg5: memref<1x128xf32, #tpu.memory_space<vmem>>, %arg6: memref<2048x128xf32, #tpu.memory_space<vmem>>) attributes {dimension_semantics = [#tpu.dimension_semantics<arbitrary>], iteration_bounds = array<i64: 80>, scalar_prefetch = 0 : i64, scratch_operands = 0 : i64, tpu.core_type = #tpu.core_type<tc>, window_params = [{transform_indices = @transform_0, window_bounds = array<i64: 2048, 128>}, {transform_indices = @transform_1, window_bounds = array<i64: 2048, 1>}, {pipeline_mode = #tpu.pipeline_mode<synchronous>, transform_indices = @transform_2, window_bounds = array<i64: 1, 128>}, {pipeline_mode = #tpu.pipeline_mode<synchronous>, transform_indices = @transform_3, window_bounds = array<i64: 128, 128>}, {pipeline_mode = #tpu.pipeline_mode<synchronous>, transform_indices = @transform_4, window_bounds = array<i64: 1, 128>}, {transform_indices = @transform_5, window_bounds = array<i64: 2048, 128>}]} {
    %get3A = arith.constant 0 : index
    %get3A_0 = arith.constant 0 : index
    %get3A_1 = vector.load %arg2[%get3A, %get3A_0] : memref<2048x1xf32, #tpu.memory_space<vmem>>, vector<2048x1xf32>
    %add3A = arith.constant 9.99999996E-13 : f32
    %add3A_2 = vector.broadcast %add3A : f32 to vector<2048x1xf32>
    %add3A_3 = arith.addf %get3A_1, %add3A_2 : vector<2048x1xf32>
    %sqrt3A = math.sqrt %add3A_3 : vector<2048x1xf32>
    %get3A_4 = arith.constant 0 : index
    %get3A_5 = arith.constant 0 : index
    %get3A_6 = vector.load %arg1[%get3A_4, %get3A_5] : memref<2048x128xf32, #tpu.memory_space<vmem>>, vector<2048x128xf32>
    %get3A_7 = arith.constant 0 : index
    %get3A_8 = arith.constant 0 : index
    %get3A_9 = vector.load %arg3[%get3A_7, %get3A_8] : memref<1x128xf32, #tpu.memory_space<vmem>>, vector<1x128xf32>
    %mul3A = vector.broadcast %sqrt3A : vector<2048x1xf32> to vector<2048x128xf32>
    %mul3A_10 = vector.broadcast %get3A_9 : vector<1x128xf32> to vector<2048x128xf32>
    %mul3A_11 = arith.mulf %mul3A, %mul3A_10 : vector<2048x128xf32>
    %add3A_12 = arith.addf %get3A_6, %mul3A_11 : vector<2048x128xf32>
    %logistic3A = arith.negf %add3A_12 : vector<2048x128xf32>
    %logistic3A_13 = math.exp %logistic3A : vector<2048x128xf32>
    %logistic3A_14 = arith.constant 1.000000e+00 : f32
    %logistic3A_15 = vector.broadcast %logistic3A_14 : f32 to vector<2048x128xf32>
    %logistic3A_16 = arith.addf %logistic3A_15, %logistic3A_13 : vector<2048x128xf32>
    %logistic3A_17 = arith.divf %logistic3A_15, %logistic3A_16 : vector<2048x128xf32>
    %mul3A_18 = arith.mulf %add3A_12, %logistic3A_17 : vector<2048x128xf32>
    %get3A_19 = arith.constant 0 : index
    %get3A_20 = arith.constant 0 : index
    %get3A_21 = vector.load %arg4[%get3A_19, %get3A_20] : memref<128x128xf32, #tpu.memory_space<vmem>>, vector<128x128xf32>
    %dot_general3A = arith.constant dense<0.000000e+00> : vector<2048x128xf32>
    %dot_general3A_22 = tpu.matmul %mul3A_18, %get3A_21, %dot_general3A {dimension_numbers = #tpu.dot_dimension_numbers<[1], [0], [0], [1], [0, 0, 1, 1], [], []>, transpose_lhs_hint = false} : vector<2048x128xf32>, vector<128x128xf32>, vector<2048x128xf32> -> vector<2048x128xf32>
    %get3A_23 = arith.constant 0 : index
    %get3A_24 = arith.constant 0 : index
    %get3A_25 = vector.load %arg5[%get3A_23, %get3A_24] : memref<1x128xf32, #tpu.memory_space<vmem>>, vector<1x128xf32>
    %add3A_26 = vector.broadcast %get3A_25 : vector<1x128xf32> to vector<2048x128xf32>
    %add3A_27 = arith.addf %dot_general3A_22, %add3A_26 : vector<2048x128xf32>
    %logistic3A_28 = arith.negf %add3A_27 : vector<2048x128xf32>
    %logistic3A_29 = math.exp %logistic3A_28 : vector<2048x128xf32>
    %logistic3A_30 = arith.constant 1.000000e+00 : f32
    %logistic3A_31 = vector.broadcast %logistic3A_30 : f32 to vector<2048x128xf32>
    %logistic3A_32 = arith.addf %logistic3A_31, %logistic3A_29 : vector<2048x128xf32>
    %logistic3A_33 = arith.divf %logistic3A_31, %logistic3A_32 : vector<2048x128xf32>
    %mul3A_34 = arith.mulf %add3A_27, %logistic3A_33 : vector<2048x128xf32>
    %swap3A = arith.constant 0 : index
    %swap3A_35 = arith.constant 0 : index
    %swap3A_36 = vector.load %arg6[%swap3A, %swap3A_35] : memref<2048x128xf32, #tpu.memory_space<vmem>>, vector<2048x128xf32>
    tpu.vector_store %arg6[%swap3A, %swap3A_35], %mul3A_34 {strides = array<i32>} : memref<2048x128xf32, #tpu.memory_space<vmem>>, vector<2048x128xf32>,
    return
  }
  func.func @transform_0(%arg0: i32) -> (i32, i32) {
    %c0_i32 = arith.constant 0 : i32
    %c0_i32_0 = arith.constant 0 : i32
    return %arg0, %c0_i32 : i32, i32
  }
  func.func @transform_1(%arg0: i32) -> (i32, i32) {
    %c0_i32 = arith.constant 0 : i32
    %c0_i32_0 = arith.constant 0 : i32
    return %arg0, %c0_i32 : i32, i32
  }
  func.func @transform_2(%arg0: i32) -> (i32, i32) {
    %c0_i32 = arith.constant 0 : i32
    %c0_i32_0 = arith.constant 0 : i32
    %c0_i32_1 = arith.constant 0 : i32
    return %c0_i32, %c0_i32_0 : i32, i32
  }
  func.func @transform_3(%arg0: i32) -> (i32, i32) {
    %c0_i32 = arith.constant 0 : i32
    %c0_i32_0 = arith.constant 0 : i32
    %c0_i32_1 = arith.constant 0 : i32
    return %c0_i32, %c0_i32_0 : i32, i32
  }
  func.func @transform_4(%arg0: i32) -> (i32, i32) {
    %c0_i32 = arith.constant 0 : i32
    %c0_i32_0 = arith.constant 0 : i32
    %c0_i32_1 = arith.constant 0 : i32
    return %c0_i32, %c0_i32_0 : i32, i32
  }
  func.func @transform_5(%arg0: i32) -> (i32, i32) {
    %c0_i32 = arith.constant 0 : i32
    %c0_i32_0 = arith.constant 0 : i32
    return %arg0, %c0_i32 : i32, i32
  }
}

module attributes {stable_mosaic.version = 14 : i64} {
  func.func @_node_body(%arg0: i32, %arg1: memref<2000x128xf32, #tpu.memory_space<vmem>>, %arg2: memref<1x2000x128xf32, #tpu.memory_space<vmem>>, %arg3: memref<1x2000x128xf32, #tpu.memory_space<vmem>>, %arg4: memref<128x128xf32, #tpu.memory_space<vmem>>, %arg5: memref<128x128xf32, #tpu.memory_space<vmem>>, %arg6: memref<1x128xf32, #tpu.memory_space<vmem>>, %arg7: memref<128x128xf32, #tpu.memory_space<vmem>>, %arg8: memref<1x128xf32, #tpu.memory_space<vmem>>, %arg9: memref<128x128xf32, #tpu.memory_space<vmem>>, %arg10: memref<128x128xf32, #tpu.memory_space<vmem>>, %arg11: memref<1x128xf32, #tpu.memory_space<vmem>>, %arg12: memref<2000x128xf32, #tpu.memory_space<vmem>>, %arg13: memref<2000x128xf32, #tpu.memory_space<vmem>>, %arg14: memref<2000x128xf32, #tpu.memory_space<vmem>>) attributes {dimension_semantics = [#tpu.dimension_semantics<arbitrary>], iteration_bounds = array<i64: 5>, scalar_prefetch = 0 : i64, scratch_operands = 0 : i64, tpu.core_type = #tpu.core_type<tc>, window_params = [{transform_indices = @transform_0, window_bounds = array<i64: 2000, 128>}, {transform_indices = @transform_1, window_bounds = array<i64: 1, 2000, 128>}, {transform_indices = @transform_2, window_bounds = array<i64: 1, 2000, 128>}, {pipeline_mode = #tpu.pipeline_mode<synchronous>, transform_indices = @transform_3, window_bounds = array<i64: 128, 128>}, {pipeline_mode = #tpu.pipeline_mode<synchronous>, transform_indices = @transform_4, window_bounds = array<i64: 128, 128>}, {pipeline_mode = #tpu.pipeline_mode<synchronous>, transform_indices = @transform_5, window_bounds = array<i64: 1, 128>}, {pipeline_mode = #tpu.pipeline_mode<synchronous>, transform_indices = @transform_6, window_bounds = array<i64: 128, 128>}, {pipeline_mode = #tpu.pipeline_mode<synchronous>, transform_indices = @transform_7, window_bounds = array<i64: 1, 128>}, {pipeline_mode = #tpu.pipeline_mode<synchronous>, transform_indices = @transform_8, window_bounds = array<i64: 128, 128>}, {pipeline_mode = #tpu.pipeline_mode<synchronous>, transform_indices = @transform_9, window_bounds = array<i64: 128, 128>}, {pipeline_mode = #tpu.pipeline_mode<synchronous>, transform_indices = @transform_10, window_bounds = array<i64: 1, 128>}, {transform_indices = @transform_11, window_bounds = array<i64: 2000, 128>}, {transform_indices = @transform_12, window_bounds = array<i64: 2000, 128>}, {transform_indices = @transform_13, window_bounds = array<i64: 2000, 128>}]} {
    %get3A = arith.constant 0 : index
    %get3A_0 = arith.constant 0 : index
    %get3A_1 = vector.load %arg1[%get3A, %get3A_0] : memref<2000x128xf32, #tpu.memory_space<vmem>>, vector<2000x128xf32>
    %get3A_2 = arith.constant 0 : index
    %get3A_3 = arith.constant 0 : index
    %get3A_4 = arith.constant 0 : index
    %get3A_5 = vector.load %arg2[%get3A_2, %get3A_3, %get3A_4] : memref<1x2000x128xf32, #tpu.memory_space<vmem>>, vector<1x2000x128xf32>
    %get3A_6 = vector.shape_cast %get3A_5 : vector<1x2000x128xf32> to vector<2000x128xf32>
    %get3A_7 = arith.constant 0 : index
    %get3A_8 = arith.constant 0 : index
    %get3A_9 = arith.constant 0 : index
    %get3A_10 = vector.load %arg3[%get3A_7, %get3A_8, %get3A_9] : memref<1x2000x128xf32, #tpu.memory_space<vmem>>, vector<1x2000x128xf32>
    %get3A_11 = vector.shape_cast %get3A_10 : vector<1x2000x128xf32> to vector<2000x128xf32>
    %add3A = arith.addf %get3A_6, %get3A_11 : vector<2000x128xf32>
    %get3A_12 = arith.constant 0 : index
    %get3A_13 = arith.constant 0 : index
    %get3A_14 = vector.load %arg4[%get3A_12, %get3A_13] : memref<128x128xf32, #tpu.memory_space<vmem>>, vector<128x128xf32>
    %dot_general3A = arith.constant dense<0.000000e+00> : vector<2000x128xf32>
    %dot_general3A_15 = tpu.matmul %get3A_1, %get3A_14, %dot_general3A {dimension_numbers = #tpu.dot_dimension_numbers<[1], [0], [0], [1], [0, 0, 1, 1], [], []>, transpose_lhs_hint = false} : vector<2000x128xf32>, vector<128x128xf32>, vector<2000x128xf32> -> vector<2000x128xf32>
    %get3A_16 = arith.constant 0 : index
    %get3A_17 = arith.constant 0 : index
    %get3A_18 = vector.load %arg5[%get3A_16, %get3A_17] : memref<128x128xf32, #tpu.memory_space<vmem>>, vector<128x128xf32>
    %dot_general3A_19 = arith.constant dense<0.000000e+00> : vector<2000x128xf32>
    %dot_general3A_20 = tpu.matmul %add3A, %get3A_18, %dot_general3A_19 {dimension_numbers = #tpu.dot_dimension_numbers<[1], [0], [0], [1], [0, 0, 1, 1], [], []>, transpose_lhs_hint = false} : vector<2000x128xf32>, vector<128x128xf32>, vector<2000x128xf32> -> vector<2000x128xf32>
    %add3A_21 = arith.addf %dot_general3A_15, %dot_general3A_20 : vector<2000x128xf32>
    %get3A_22 = arith.constant 0 : index
    %get3A_23 = arith.constant 0 : index
    %get3A_24 = vector.load %arg6[%get3A_22, %get3A_23] : memref<1x128xf32, #tpu.memory_space<vmem>>, vector<1x128xf32>
    %add3A_25 = vector.broadcast %get3A_24 : vector<1x128xf32> to vector<2000x128xf32>
    %add3A_26 = arith.addf %add3A_21, %add3A_25 : vector<2000x128xf32>
    %logistic3A = arith.negf %add3A_26 : vector<2000x128xf32>
    %logistic3A_27 = math.exp %logistic3A : vector<2000x128xf32>
    %logistic3A_28 = arith.constant 1.000000e+00 : f32
    %logistic3A_29 = vector.broadcast %logistic3A_28 : f32 to vector<2000x128xf32>
    %logistic3A_30 = arith.addf %logistic3A_29, %logistic3A_27 : vector<2000x128xf32>
    %logistic3A_31 = arith.divf %logistic3A_29, %logistic3A_30 : vector<2000x128xf32>
    %mul3A = arith.mulf %add3A_26, %logistic3A_31 : vector<2000x128xf32>
    %get3A_32 = arith.constant 0 : index
    %get3A_33 = arith.constant 0 : index
    %get3A_34 = vector.load %arg7[%get3A_32, %get3A_33] : memref<128x128xf32, #tpu.memory_space<vmem>>, vector<128x128xf32>
    %dot_general3A_35 = arith.constant dense<0.000000e+00> : vector<2000x128xf32>
    %dot_general3A_36 = tpu.matmul %mul3A, %get3A_34, %dot_general3A_35 {dimension_numbers = #tpu.dot_dimension_numbers<[1], [0], [0], [1], [0, 0, 1, 1], [], []>, transpose_lhs_hint = false} : vector<2000x128xf32>, vector<128x128xf32>, vector<2000x128xf32> -> vector<2000x128xf32>
    %add3A_37 = arith.addf %get3A_1, %dot_general3A_36 : vector<2000x128xf32>
    %get3A_38 = arith.constant 0 : index
    %get3A_39 = arith.constant 0 : index
    %get3A_40 = vector.load %arg8[%get3A_38, %get3A_39] : memref<1x128xf32, #tpu.memory_space<vmem>>, vector<1x128xf32>
    %add3A_41 = vector.broadcast %get3A_40 : vector<1x128xf32> to vector<2000x128xf32>
    %add3A_42 = arith.addf %add3A_37, %add3A_41 : vector<2000x128xf32>
    %swap3A = arith.constant 0 : index
    %swap3A_43 = arith.constant 0 : index
    %swap3A_44 = vector.load %arg12[%swap3A, %swap3A_43] : memref<2000x128xf32, #tpu.memory_space<vmem>>, vector<2000x128xf32>
    tpu.vector_store %arg12[%swap3A, %swap3A_43], %add3A_42 {strides = array<i32>} : memref<2000x128xf32, #tpu.memory_space<vmem>>, vector<2000x128xf32>,
    %get3A_45 = arith.constant 0 : index
    %get3A_46 = arith.constant 0 : index
    %get3A_47 = vector.load %arg9[%get3A_45, %get3A_46] : memref<128x128xf32, #tpu.memory_space<vmem>>, vector<128x128xf32>
    %dot_general3A_48 = arith.constant dense<0.000000e+00> : vector<2000x128xf32>
    %dot_general3A_49 = tpu.matmul %add3A_42, %get3A_47, %dot_general3A_48 {dimension_numbers = #tpu.dot_dimension_numbers<[1], [0], [0], [1], [0, 0, 1, 1], [], []>, transpose_lhs_hint = false} : vector<2000x128xf32>, vector<128x128xf32>, vector<2000x128xf32> -> vector<2000x128xf32>
    %get3A_50 = arith.constant 0 : index
    %get3A_51 = arith.constant 0 : index
    %get3A_52 = vector.load %arg11[%get3A_50, %get3A_51] : memref<1x128xf32, #tpu.memory_space<vmem>>, vector<1x128xf32>
    %add3A_53 = vector.broadcast %get3A_52 : vector<1x128xf32> to vector<2000x128xf32>
    %add3A_54 = arith.addf %dot_general3A_49, %add3A_53 : vector<2000x128xf32>
    %swap3A_55 = arith.constant 0 : index
    %swap3A_56 = arith.constant 0 : index
    %swap3A_57 = vector.load %arg13[%swap3A_55, %swap3A_56] : memref<2000x128xf32, #tpu.memory_space<vmem>>, vector<2000x128xf32>
    tpu.vector_store %arg13[%swap3A_55, %swap3A_56], %add3A_54 {strides = array<i32>} : memref<2000x128xf32, #tpu.memory_space<vmem>>, vector<2000x128xf32>,
    %get3A_58 = arith.constant 0 : index
    %get3A_59 = arith.constant 0 : index
    %get3A_60 = vector.load %arg10[%get3A_58, %get3A_59] : memref<128x128xf32, #tpu.memory_space<vmem>>, vector<128x128xf32>
    %dot_general3A_61 = arith.constant dense<0.000000e+00> : vector<2000x128xf32>
    %dot_general3A_62 = tpu.matmul %add3A_42, %get3A_60, %dot_general3A_61 {dimension_numbers = #tpu.dot_dimension_numbers<[1], [0], [0], [1], [0, 0, 1, 1], [], []>, transpose_lhs_hint = false} : vector<2000x128xf32>, vector<128x128xf32>, vector<2000x128xf32> -> vector<2000x128xf32>
    %swap3A_63 = arith.constant 0 : index
    %swap3A_64 = arith.constant 0 : index
    %swap3A_65 = vector.load %arg14[%swap3A_63, %swap3A_64] : memref<2000x128xf32, #tpu.memory_space<vmem>>, vector<2000x128xf32>
    tpu.vector_store %arg14[%swap3A_63, %swap3A_64], %dot_general3A_62 {strides = array<i32>} : memref<2000x128xf32, #tpu.memory_space<vmem>>, vector<2000x128xf32>,
    return
  }
  func.func @transform_0(%arg0: i32) -> (i32, i32) {
    %c0_i32 = arith.constant 0 : i32
    %c0_i32_0 = arith.constant 0 : i32
    return %arg0, %c0_i32 : i32, i32
  }
  func.func @transform_1(%arg0: i32) -> (i32, i32, i32) {
    %c0_i32 = arith.constant 0 : i32
    %c0_i32_0 = arith.constant 0 : i32
    %c0_i32_1 = arith.constant 0 : i32
    return %c0_i32, %arg0, %c0_i32_0 : i32, i32, i32
  }
  func.func @transform_2(%arg0: i32) -> (i32, i32, i32) {
    %c1_i32 = arith.constant 1 : i32
    %c0_i32 = arith.constant 0 : i32
    %c0_i32_0 = arith.constant 0 : i32
    return %c1_i32, %arg0, %c0_i32 : i32, i32, i32
  }
  func.func @transform_3(%arg0: i32) -> (i32, i32) {
    %c0_i32 = arith.constant 0 : i32
    %c0_i32_0 = arith.constant 0 : i32
    %c0_i32_1 = arith.constant 0 : i32
    return %c0_i32, %c0_i32_0 : i32, i32
  }
  func.func @transform_4(%arg0: i32) -> (i32, i32) {
    %c0_i32 = arith.constant 0 : i32
    %c0_i32_0 = arith.constant 0 : i32
    %c0_i32_1 = arith.constant 0 : i32
    return %c0_i32, %c0_i32_0 : i32, i32
  }
  func.func @transform_5(%arg0: i32) -> (i32, i32) {
    %c0_i32 = arith.constant 0 : i32
    %c0_i32_0 = arith.constant 0 : i32
    %c0_i32_1 = arith.constant 0 : i32
    return %c0_i32, %c0_i32_0 : i32, i32
  }
  func.func @transform_6(%arg0: i32) -> (i32, i32) {
    %c0_i32 = arith.constant 0 : i32
    %c0_i32_0 = arith.constant 0 : i32
    %c0_i32_1 = arith.constant 0 : i32
    return %c0_i32, %c0_i32_0 : i32, i32
  }
  func.func @transform_7(%arg0: i32) -> (i32, i32) {
    %c0_i32 = arith.constant 0 : i32
    %c0_i32_0 = arith.constant 0 : i32
    %c0_i32_1 = arith.constant 0 : i32
    return %c0_i32, %c0_i32_0 : i32, i32
  }
  func.func @transform_8(%arg0: i32) -> (i32, i32) {
    %c0_i32 = arith.constant 0 : i32
    %c0_i32_0 = arith.constant 0 : i32
    %c0_i32_1 = arith.constant 0 : i32
    return %c0_i32, %c0_i32_0 : i32, i32
  }
  func.func @transform_9(%arg0: i32) -> (i32, i32) {
    %c0_i32 = arith.constant 0 : i32
    %c0_i32_0 = arith.constant 0 : i32
    %c0_i32_1 = arith.constant 0 : i32
    return %c0_i32, %c0_i32_0 : i32, i32
  }
  func.func @transform_10(%arg0: i32) -> (i32, i32) {
    %c0_i32 = arith.constant 0 : i32
    %c0_i32_0 = arith.constant 0 : i32
    %c0_i32_1 = arith.constant 0 : i32
    return %c0_i32, %c0_i32_0 : i32, i32
  }
  func.func @transform_11(%arg0: i32) -> (i32, i32) {
    %c0_i32 = arith.constant 0 : i32
    %c0_i32_0 = arith.constant 0 : i32
    return %arg0, %c0_i32 : i32, i32
  }
  func.func @transform_12(%arg0: i32) -> (i32, i32) {
    %c0_i32 = arith.constant 0 : i32
    %c0_i32_0 = arith.constant 0 : i32
    return %arg0, %c0_i32 : i32, i32
  }
  func.func @transform_13(%arg0: i32) -> (i32, i32) {
    %c0_i32 = arith.constant 0 : i32
    %c0_i32_0 = arith.constant 0 : i32
    return %arg0, %c0_i32 : i32, i32
  }
}

module attributes {stable_mosaic.version = 14 : i64} {
  func.func @_node_final_body(%arg0: i32, %arg1: memref<2000x128xf32, #tpu.memory_space<vmem>>, %arg2: memref<1x2000x128xf32, #tpu.memory_space<vmem>>, %arg3: memref<1x2000x128xf32, #tpu.memory_space<vmem>>, %arg4: memref<128x128xf32, #tpu.memory_space<vmem>>, %arg5: memref<128x128xf32, #tpu.memory_space<vmem>>, %arg6: memref<1x128xf32, #tpu.memory_space<vmem>>, %arg7: memref<128x128xf32, #tpu.memory_space<vmem>>, %arg8: memref<1x128xf32, #tpu.memory_space<vmem>>, %arg9: memref<128x128xf32, #tpu.memory_space<vmem>>, %arg10: memref<1x128xf32, #tpu.memory_space<vmem>>, %arg11: memref<128x128xf32, #tpu.memory_space<vmem>>, %arg12: memref<1x128xf32, #tpu.memory_space<vmem>>, %arg13: memref<2000x1xi32, #tpu.memory_space<vmem>>, %arg14: memref<64x128xf32, #tpu.memory_space<vmem>>) attributes {dimension_semantics = [#tpu.dimension_semantics<arbitrary>], iteration_bounds = array<i64: 5>, scalar_prefetch = 0 : i64, scratch_operands = 0 : i64, tpu.core_type = #tpu.core_type<tc>, window_params = [{transform_indices = @transform_0, window_bounds = array<i64: 2000, 128>}, {transform_indices = @transform_1, window_bounds = array<i64: 1, 2000, 128>}, {transform_indices = @transform_2, window_bounds = array<i64: 1, 2000, 128>}, {pipeline_mode = #tpu.pipeline_mode<synchronous>, transform_indices = @transform_3, window_bounds = array<i64: 128, 128>}, {pipeline_mode = #tpu.pipeline_mode<synchronous>, transform_indices = @transform_4, window_bounds = array<i64: 128, 128>}, {pipeline_mode = #tpu.pipeline_mode<synchronous>, transform_indices = @transform_5, window_bounds = array<i64: 1, 128>}, {pipeline_mode = #tpu.pipeline_mode<synchronous>, transform_indices = @transform_6, window_bounds = array<i64: 128, 128>}, {pipeline_mode = #tpu.pipeline_mode<synchronous>, transform_indices = @transform_7, window_bounds = array<i64: 1, 128>}, {pipeline_mode = #tpu.pipeline_mode<synchronous>, transform_indices = @transform_8, window_bounds = array<i64: 128, 128>}, {pipeline_mode = #tpu.pipeline_mode<synchronous>, transform_indices = @transform_9, window_bounds = array<i64: 1, 128>}, {pipeline_mode = #tpu.pipeline_mode<synchronous>, transform_indices = @transform_10, window_bounds = array<i64: 128, 128>}, {pipeline_mode = #tpu.pipeline_mode<synchronous>, transform_indices = @transform_11, window_bounds = array<i64: 1, 128>}, {transform_indices = @transform_12, window_bounds = array<i64: 2000, 1>}, {pipeline_mode = #tpu.pipeline_mode<synchronous>, transform_indices = @transform_13, window_bounds = array<i64: 64, 128>}]} {
    %get3A = arith.constant 0 : index
    %get3A_0 = arith.constant 0 : index
    %get3A_1 = vector.load %arg1[%get3A, %get3A_0] : memref<2000x128xf32, #tpu.memory_space<vmem>>, vector<2000x128xf32>
    %get3A_2 = arith.constant 0 : index
    %get3A_3 = arith.constant 0 : index
    %get3A_4 = arith.constant 0 : index
    %get3A_5 = vector.load %arg2[%get3A_2, %get3A_3, %get3A_4] : memref<1x2000x128xf32, #tpu.memory_space<vmem>>, vector<1x2000x128xf32>
    %get3A_6 = vector.shape_cast %get3A_5 : vector<1x2000x128xf32> to vector<2000x128xf32>
    %get3A_7 = arith.constant 0 : index
    %get3A_8 = arith.constant 0 : index
    %get3A_9 = arith.constant 0 : index
    %get3A_10 = vector.load %arg3[%get3A_7, %get3A_8, %get3A_9] : memref<1x2000x128xf32, #tpu.memory_space<vmem>>, vector<1x2000x128xf32>
    %get3A_11 = vector.shape_cast %get3A_10 : vector<1x2000x128xf32> to vector<2000x128xf32>
    %add3A = arith.addf %get3A_6, %get3A_11 : vector<2000x128xf32>
    %get3A_12 = arith.constant 0 : index
    %get3A_13 = arith.constant 0 : index
    %get3A_14 = vector.load %arg4[%get3A_12, %get3A_13] : memref<128x128xf32, #tpu.memory_space<vmem>>, vector<128x128xf32>
    %dot_general3A = arith.constant dense<0.000000e+00> : vector<2000x128xf32>
    %dot_general3A_15 = tpu.matmul %get3A_1, %get3A_14, %dot_general3A {dimension_numbers = #tpu.dot_dimension_numbers<[1], [0], [0], [1], [0, 0, 1, 1], [], []>, transpose_lhs_hint = false} : vector<2000x128xf32>, vector<128x128xf32>, vector<2000x128xf32> -> vector<2000x128xf32>
    %get3A_16 = arith.constant 0 : index
    %get3A_17 = arith.constant 0 : index
    %get3A_18 = vector.load %arg5[%get3A_16, %get3A_17] : memref<128x128xf32, #tpu.memory_space<vmem>>, vector<128x128xf32>
    %dot_general3A_19 = arith.constant dense<0.000000e+00> : vector<2000x128xf32>
    %dot_general3A_20 = tpu.matmul %add3A, %get3A_18, %dot_general3A_19 {dimension_numbers = #tpu.dot_dimension_numbers<[1], [0], [0], [1], [0, 0, 1, 1], [], []>, transpose_lhs_hint = false} : vector<2000x128xf32>, vector<128x128xf32>, vector<2000x128xf32> -> vector<2000x128xf32>
    %add3A_21 = arith.addf %dot_general3A_15, %dot_general3A_20 : vector<2000x128xf32>
    %get3A_22 = arith.constant 0 : index
    %get3A_23 = arith.constant 0 : index
    %get3A_24 = vector.load %arg6[%get3A_22, %get3A_23] : memref<1x128xf32, #tpu.memory_space<vmem>>, vector<1x128xf32>
    %add3A_25 = vector.broadcast %get3A_24 : vector<1x128xf32> to vector<2000x128xf32>
    %add3A_26 = arith.addf %add3A_21, %add3A_25 : vector<2000x128xf32>
    %logistic3A = arith.negf %add3A_26 : vector<2000x128xf32>
    %logistic3A_27 = math.exp %logistic3A : vector<2000x128xf32>
    %logistic3A_28 = arith.constant 1.000000e+00 : f32
    %logistic3A_29 = vector.broadcast %logistic3A_28 : f32 to vector<2000x128xf32>
    %logistic3A_30 = arith.addf %logistic3A_29, %logistic3A_27 : vector<2000x128xf32>
    %logistic3A_31 = arith.divf %logistic3A_29, %logistic3A_30 : vector<2000x128xf32>
    %mul3A = arith.mulf %add3A_26, %logistic3A_31 : vector<2000x128xf32>
    %get3A_32 = arith.constant 0 : index
    %get3A_33 = arith.constant 0 : index
    %get3A_34 = vector.load %arg7[%get3A_32, %get3A_33] : memref<128x128xf32, #tpu.memory_space<vmem>>, vector<128x128xf32>
    %dot_general3A_35 = arith.constant dense<0.000000e+00> : vector<2000x128xf32>
    %dot_general3A_36 = tpu.matmul %mul3A, %get3A_34, %dot_general3A_35 {dimension_numbers = #tpu.dot_dimension_numbers<[1], [0], [0], [1], [0, 0, 1, 1], [], []>, transpose_lhs_hint = false} : vector<2000x128xf32>, vector<128x128xf32>, vector<2000x128xf32> -> vector<2000x128xf32>
    %add3A_37 = arith.addf %get3A_1, %dot_general3A_36 : vector<2000x128xf32>
    %get3A_38 = arith.constant 0 : index
    %get3A_39 = arith.constant 0 : index
    %get3A_40 = vector.load %arg8[%get3A_38, %get3A_39] : memref<1x128xf32, #tpu.memory_space<vmem>>, vector<1x128xf32>
    %add3A_41 = vector.broadcast %get3A_40 : vector<1x128xf32> to vector<2000x128xf32>
    %add3A_42 = arith.addf %add3A_37, %add3A_41 : vector<2000x128xf32>
    %get3A_43 = arith.constant 0 : index
    %get3A_44 = arith.constant 0 : index
    %get3A_45 = vector.load %arg9[%get3A_43, %get3A_44] : memref<128x128xf32, #tpu.memory_space<vmem>>, vector<128x128xf32>
    %dot_general3A_46 = arith.constant dense<0.000000e+00> : vector<2000x128xf32>
    %dot_general3A_47 = tpu.matmul %add3A_42, %get3A_45, %dot_general3A_46 {dimension_numbers = #tpu.dot_dimension_numbers<[1], [0], [0], [1], [0, 0, 1, 1], [], []>, transpose_lhs_hint = false} : vector<2000x128xf32>, vector<128x128xf32>, vector<2000x128xf32> -> vector<2000x128xf32>
    %get3A_48 = arith.constant 0 : index
    %get3A_49 = arith.constant 0 : index
    %get3A_50 = vector.load %arg10[%get3A_48, %get3A_49] : memref<1x128xf32, #tpu.memory_space<vmem>>, vector<1x128xf32>
    %add3A_51 = vector.broadcast %get3A_50 : vector<1x128xf32> to vector<2000x128xf32>
    %add3A_52 = arith.addf %dot_general3A_47, %add3A_51 : vector<2000x128xf32>
    %logistic3A_53 = arith.negf %add3A_52 : vector<2000x128xf32>
    %logistic3A_54 = math.exp %logistic3A_53 : vector<2000x128xf32>
    %logistic3A_55 = arith.constant 1.000000e+00 : f32
    %logistic3A_56 = vector.broadcast %logistic3A_55 : f32 to vector<2000x128xf32>
    %logistic3A_57 = arith.addf %logistic3A_56, %logistic3A_54 : vector<2000x128xf32>
    %logistic3A_58 = arith.divf %logistic3A_56, %logistic3A_57 : vector<2000x128xf32>
    %mul3A_59 = arith.mulf %add3A_52, %logistic3A_58 : vector<2000x128xf32>
    %get3A_60 = arith.constant 0 : index
    %get3A_61 = arith.constant 0 : index
    %get3A_62 = vector.load %arg11[%get3A_60, %get3A_61] : memref<128x128xf32, #tpu.memory_space<vmem>>, vector<128x128xf32>
    %dot_general3A_63 = arith.constant dense<0.000000e+00> : vector<2000x128xf32>
    %dot_general3A_64 = tpu.matmul %mul3A_59, %get3A_62, %dot_general3A_63 {dimension_numbers = #tpu.dot_dimension_numbers<[1], [0], [0], [1], [0, 0, 1, 1], [], []>, transpose_lhs_hint = false} : vector<2000x128xf32>, vector<128x128xf32>, vector<2000x128xf32> -> vector<2000x128xf32>
    %get3A_65 = arith.constant 0 : index
    %get3A_66 = arith.constant 0 : index
    %get3A_67 = vector.load %arg12[%get3A_65, %get3A_66] : memref<1x128xf32, #tpu.memory_space<vmem>>, vector<1x128xf32>
    %add3A_68 = vector.broadcast %get3A_67 : vector<1x128xf32> to vector<2000x128xf32>
    %add3A_69 = arith.addf %dot_general3A_64, %add3A_68 : vector<2000x128xf32>
    %get3A_70 = arith.constant 0 : index
    %get3A_71 = arith.constant 0 : index
    %get3A_72 = vector.load %arg13[%get3A_70, %get3A_71] : memref<2000x1xi32, #tpu.memory_space<vmem>>, vector<2000x1xi32>
    %iota3A = tpu.iota {dimensions = array<i32: 1>} : vector<2000x64xi32>
    %eq3A = vector.broadcast %get3A_72 : vector<2000x1xi32> to vector<2000x64xi32>
    %eq3A_73 = arith.cmpi eq, %eq3A, %iota3A : vector<2000x64xi32>
    %convert_element_type3A = arith.extui %eq3A_73 : vector<2000x64xi1> to vector<2000x64xi32>
    %convert_element_type3A_74 = arith.sitofp %convert_element_type3A : vector<2000x64xi32> to vector<2000x64xf32>
    %dot_general3A_75 = arith.constant dense<0.000000e+00> : vector<64x128xf32>
    %dot_general3A_76 = tpu.matmul %convert_element_type3A_74, %add3A_69, %dot_general3A_75 {dimension_numbers = #tpu.dot_dimension_numbers<[0], [0], [1], [1], [0, 1, 1, 1], [], []>, transpose_lhs_hint = false} : vector<2000x64xf32>, vector<2000x128xf32>, vector<64x128xf32> -> vector<64x128xf32>
    %eq3A_77 = arith.constant 0 : i32
    %eq3A_78 = arith.cmpi eq, %arg0, %eq3A_77 : i32
    %convert_element_type3A_79 = arith.extui %eq3A_78 : i1 to i32
    %cond3A = arith.constant 0 : i32
    %cond3A_80 = arith.cmpi ne, %convert_element_type3A_79, %cond3A : i32
    scf.if %cond3A_80 {
      %broadcast_in_dim3A = arith.constant 0.000000e+00 : f32
      %broadcast_in_dim3A_87 = vector.broadcast %broadcast_in_dim3A : f32 to vector<64x128xf32>
      %swap3A_88 = arith.constant 0 : index
      %swap3A_89 = arith.constant 0 : index
      %swap3A_90 = vector.load %arg14[%swap3A_88, %swap3A_89] : memref<64x128xf32, #tpu.memory_space<vmem>>, vector<64x128xf32>
      tpu.vector_store %arg14[%swap3A_88, %swap3A_89], %broadcast_in_dim3A_87 {strides = array<i32>} : memref<64x128xf32, #tpu.memory_space<vmem>>, vector<64x128xf32>,
    } else {
    }
    %get3A_81 = arith.constant 0 : index
    %get3A_82 = arith.constant 0 : index
    %get3A_83 = vector.load %arg14[%get3A_81, %get3A_82] : memref<64x128xf32, #tpu.memory_space<vmem>>, vector<64x128xf32>
    %add3A_84 = arith.addf %get3A_83, %dot_general3A_76 : vector<64x128xf32>
    %swap3A = arith.constant 0 : index
    %swap3A_85 = arith.constant 0 : index
    %swap3A_86 = vector.load %arg14[%swap3A, %swap3A_85] : memref<64x128xf32, #tpu.memory_space<vmem>>, vector<64x128xf32>
    tpu.vector_store %arg14[%swap3A, %swap3A_85], %add3A_84 {strides = array<i32>} : memref<64x128xf32, #tpu.memory_space<vmem>>, vector<64x128xf32>,
    return
  }
  func.func @transform_0(%arg0: i32) -> (i32, i32) {
    %c0_i32 = arith.constant 0 : i32
    %c0_i32_0 = arith.constant 0 : i32
    return %arg0, %c0_i32 : i32, i32
  }
  func.func @transform_1(%arg0: i32) -> (i32, i32, i32) {
    %c0_i32 = arith.constant 0 : i32
    %c0_i32_0 = arith.constant 0 : i32
    %c0_i32_1 = arith.constant 0 : i32
    return %c0_i32, %arg0, %c0_i32_0 : i32, i32, i32
  }
  func.func @transform_2(%arg0: i32) -> (i32, i32, i32) {
    %c1_i32 = arith.constant 1 : i32
    %c0_i32 = arith.constant 0 : i32
    %c0_i32_0 = arith.constant 0 : i32
    return %c1_i32, %arg0, %c0_i32 : i32, i32, i32
  }
  func.func @transform_3(%arg0: i32) -> (i32, i32) {
    %c0_i32 = arith.constant 0 : i32
    %c0_i32_0 = arith.constant 0 : i32
    %c0_i32_1 = arith.constant 0 : i32
    return %c0_i32, %c0_i32_0 : i32, i32
  }
  func.func @transform_4(%arg0: i32) -> (i32, i32) {
    %c0_i32 = arith.constant 0 : i32
    %c0_i32_0 = arith.constant 0 : i32
    %c0_i32_1 = arith.constant 0 : i32
    return %c0_i32, %c0_i32_0 : i32, i32
  }
  func.func @transform_5(%arg0: i32) -> (i32, i32) {
    %c0_i32 = arith.constant 0 : i32
    %c0_i32_0 = arith.constant 0 : i32
    %c0_i32_1 = arith.constant 0 : i32
    return %c0_i32, %c0_i32_0 : i32, i32
  }
  func.func @transform_6(%arg0: i32) -> (i32, i32) {
    %c0_i32 = arith.constant 0 : i32
    %c0_i32_0 = arith.constant 0 : i32
    %c0_i32_1 = arith.constant 0 : i32
    return %c0_i32, %c0_i32_0 : i32, i32
  }
  func.func @transform_7(%arg0: i32) -> (i32, i32) {
    %c0_i32 = arith.constant 0 : i32
    %c0_i32_0 = arith.constant 0 : i32
    %c0_i32_1 = arith.constant 0 : i32
    return %c0_i32, %c0_i32_0 : i32, i32
  }
  func.func @transform_8(%arg0: i32) -> (i32, i32) {
    %c0_i32 = arith.constant 0 : i32
    %c0_i32_0 = arith.constant 0 : i32
    %c0_i32_1 = arith.constant 0 : i32
    return %c0_i32, %c0_i32_0 : i32, i32
  }
  func.func @transform_9(%arg0: i32) -> (i32, i32) {
    %c0_i32 = arith.constant 0 : i32
    %c0_i32_0 = arith.constant 0 : i32
    %c0_i32_1 = arith.constant 0 : i32
    return %c0_i32, %c0_i32_0 : i32, i32
  }
  func.func @transform_10(%arg0: i32) -> (i32, i32) {
    %c0_i32 = arith.constant 0 : i32
    %c0_i32_0 = arith.constant 0 : i32
    %c0_i32_1 = arith.constant 0 : i32
    return %c0_i32, %c0_i32_0 : i32, i32
  }
  func.func @transform_11(%arg0: i32) -> (i32, i32) {
    %c0_i32 = arith.constant 0 : i32
    %c0_i32_0 = arith.constant 0 : i32
    %c0_i32_1 = arith.constant 0 : i32
    return %c0_i32, %c0_i32_0 : i32, i32
  }
  func.func @transform_12(%arg0: i32) -> (i32, i32) {
    %c0_i32 = arith.constant 0 : i32
    %c0_i32_0 = arith.constant 0 : i32
    return %arg0, %c0_i32 : i32, i32
  }
  func.func @transform_13(%arg0: i32) -> (i32, i32) {
    %c0_i32 = arith.constant 0 : i32
    %c0_i32_0 = arith.constant 0 : i32
    %c0_i32_1 = arith.constant 0 : i32
    return %c0_i32, %c0_i32_0 : i32, i32
  }
}

</mosaic_0001>

<sc_bundles>
// kernel: kernel.16.cloned.1.call-start
scs
__scs_entry_jumppad:
0x0: {  	(pc) =	sbr.rel $0x88, $3  }
0x1: {  	(tag) =	ssettag $0x0;
	lr =	simm.s32 $0x1  }
0x2: {  	[smem:$0x3F8E] =	sst lr;
	_ =	strace $0xD0000000  }
0x3: {  	_ = 	snop  }
0x4: {  	_ = 	snop  }
0x5: {  	_ = 	snop  }
0x6: {  	_ = 	snop  }
0x7: {  	_ = 	snop  }
__scs_overlays_trampoline_lowered:
0x8: {  	[smem:$0x3F9D] =	sst s0  }
0x9: {  	[smem:$0x3F9E] =	sst s1  }
0xa: {  	[smem:$0x3F9F] =	sst s2  }
0xb: {  	[smem:$0x3FA0] =	sst s3  }
0xc: {  	[smem:$0x3FA1] =	sst s4  }
0xd: {  	[smem:$0x3FA2] =	sst s5  }
0xe: {  	[smem:$0x3FA3] =	sst s6  }
0xf: {  	[smem:$0x3FA4] =	sst s7  }
0x10: {  	[smem:$0x3FA5] =	sst s8  }
0x11: {  	[smem:$0x3FA6] =	sst s9;
	s0 =	simm.s32 @!p0 $0x0  }
0x12: {  	s1 =	sld [smem:$0x3F8C];
	s0 =	simm.s32 @p0 $0x1  }
0x13: {  	[smem:$0x3FA7] =	sst s0;
	s0 =	simm.s32 @!p1 $0x0  }
0x14: {  	s2 =	sld [smem:$0x3F8B];
	s0 =	simm.s32 @p1 $0x1  }
0x15: {  	[smem:$0x3FA8] =	sst s0;
	s0 =	simm.s32 @!p2 $0x0  }
0x16: {  	s3 =	sld [smem:$0x3FDB];
	s0 =	simm.s32 @p2 $0x1  }
0x17: {  	s4 =	simm.s32 $0x1BF5;
	[smem:$0x3FAA] =	sst s0  }
0x18: {  	s0 =	sld [smem:$0x3F8D];
	_ =	swait.ge [sflag:s4], $0x0  }
0x19: {  	s7 =	sld [smem:$0x3F8E]  }
0x1a: {  	s8 =	sadd.s32 $0xFFFFE003, lr  }
0x1b: {  	s9 =	sadd.s32 $0xFFFFFEF7, lr;
	s5 =	simm.s32 $0xFFFFFFFF;
	p2 =	slt.u32 s8, $0xFFFFF086  }
0x1c: {  	p1 =	slt.u32 s9, $0xF7A;
	s5 =	simm.s32 @!p2 $0x0  }
0x1d: {  	s5 =	simm.s32 @p1 $0x1;
	p0 =	seq.s32 s7, s2  }
0x1e: {  	s7 =	smul.u32 @!p0 $0xF7A, s2;
	p2 =	seq.s32 @!p0 s5, $0x0  }
0x1f: {  	s9 =	smul.u32 $0xF7A, s1;
	s8 =	simm.s32 @!p0 $0x1BF5;
	p2 =	por !p2, p0  }
0x20: {  	[sflag:s8] =	ssyncset.s32 @!p0 $0xFFFFF086;
	s6 =	sadd.s32 @!p0 s3, s7;
	s7 =	simm.s32 @!p0 $0x108  }
0x21: {  	s3 =	sadd.s32 s3, s9;
	s6 =	sadd.s32 @!p0 $0x88, s6;
	s7 =	simm.s32 @p2 $0x1082  }
0x22: {  	[simem:s7], [sflag:s8] =	dma.local @!p0 [hbm:s6], $0xF7A  }
0x23: {  	s9 =	sor.u32 $0xD0000000, s2;
	s6 =	simm.s32 $0x108;
	_ =	swait.ge @!p0 [sflag:s8], $0x0  }
0x24: {  	s3 =	sadd.s32 $0x88, s3;
	s6 =	simm.s32 @!p1 $0x1082;
	[sflag:s4] =	ssyncset.s32 $0xFFFFF086  }
0x25: {  	[simem:s6], [sflag:s4] =	dma.local [hbm:s3], $0xF7A  }
0x26: {  	[smem:$0x3F8E] =	sst s1;
	(tag) =	ssettag s2;
	_ =	strace s9  }
0x27: {  	s1 =	sld [smem:$0x3F9E]  }
0x28: {  	s2 =	sld [smem:$0x3F9F]  }
0x29: {  	s4 =	sld [smem:$0x3FA1]  }
0x2a: {  	p0 =	seq.s32 s5, $0x0;
	s5 =	sld [smem:$0x3FA2]  }
0x2b: {  	s6 =	sld [smem:$0x3FA3]  }
0x2c: {  	s7 =	sld [smem:$0x3FA4]  }
0x2d: {  	s3 =	simm.s32 $0x108;
	s8 =	sld [smem:$0x3FA5]  }
0x2e: {  	s3 =	simm.s32 @!p0 $0x1082;
	s9 =	sld [smem:$0x3FA6]  }
0x2f: {  	lr =	sadd.s32 s0, s3;
	s0 =	sld [smem:$0x3F9D]  }
0x30: {  	s3 =	sld [smem:$0x3FA0]  }
0x31: {  	[smem:$0x3FA9] =	sst s10  }
0x32: {  	s10 =	sld [smem:$0x3FA7];
	_ =	sdelay $0x3  }
0x33: {  	p0 =	seq.s32 s10, $0x1;
	s10 =	sld [smem:$0x3FA9];
	_ =	sdelay $0x3  }
0x34: {  	[smem:$0x3FA9] =	sst s10  }
0x35: {  	s10 =	sld [smem:$0x3FA8];
	_ =	sdelay $0x3  }
0x36: {  	p1 =	seq.s32 s10, $0x1;
	s10 =	sld [smem:$0x3FA9];
	_ =	sdelay $0x3  }
0x37: {  	[smem:$0x3FA9] =	sst s10  }
0x38: {  	s10 =	sld [smem:$0x3FAA]  }
0x39: {  	_ = 	snop;
	(pc) =	sbr.ind lr, $3  }
0x3a: {  	_ = 	snop  }
0x3b: {  	_ = 	snop  }
0x3c: {  	p2 =	seq.s32 s10, $0x1;
	s10 =	sld [smem:$0x3FA9]  }
0x3d: {  	_ =	shalt  }
0x3e: {  	_ =	shalt  }
0x3f: {  	_ =	shalt  }
0x40: {  	_ =	shalt  }
0x41: {  	_ =	shalt  }
0x42: {  	_ =	shalt  }
0x43: {  	_ =	shalt  }
0x44: {  	_ =	shalt  }
0x45: {  	_ =	shalt  }
0x46: {  	_ =	shalt  }
0x47: {  	_ =	shalt  }
0x48: {  	_ =	shalt  }
0x49: {  	_ =	shalt  }
0x4a: {  	_ =	shalt  }
0x4b: {  	_ =	shalt  }
0x4c: {  	_ =	shalt  }
0x4d: {  	_ =	shalt  }
0x4e: {  	_ =	shalt  }
0x4f: {  	_ =	shalt  }
0x50: {  	_ =	shalt  }
0x51: {  	_ =	shalt  }
0x52: {  	_ =	shalt  }
0x53: {  	_ =	shalt  }
0x54: {  	_ =	shalt  }
0x55: {  	_ =	shalt  }
0x56: {  	_ =	shalt  }
0x57: {  	_ =	shalt  }
0x58: {  	_ =	shalt  }
0x59: {  	_ =	shalt  }
0x5a: {  	_ =	shalt  }
0x5b: {  	_ =	shalt  }
0x5c: {  	_ =	shalt  }
0x5d: {  	_ =	shalt  }
0x5e: {  	_ =	shalt  }
0x5f: {  	_ =	shalt  }
0x60: {  	_ =	shalt  }
0x61: {  	_ =	shalt  }
0x62: {  	_ =	shalt  }
0x63: {  	_ =	shalt  }
0x64: {  	_ =	shalt  }
0x65: {  	_ =	shalt  }
0x66: {  	_ =	shalt  }
0x67: {  	_ =	shalt  }
0x68: {  	_ =	shalt  }
0x69: {  	_ =	shalt  }
0x6a: {  	_ =	shalt  }
0x6b: {  	_ =	shalt  }
0x6c: {  	_ =	shalt  }
0x6d: {  	_ =	shalt  }
0x6e: {  	_ =	shalt  }
0x6f: {  	_ =	shalt  }
0x70: {  	_ =	shalt  }
0x71: {  	_ =	shalt  }
0x72: {  	_ =	shalt  }
0x73: {  	_ =	shalt  }
0x74: {  	_ =	shalt  }
0x75: {  	_ =	shalt  }
0x76: {  	_ =	shalt  }
0x77: {  	_ =	shalt  }
0x78: {  	_ =	shalt  }
0x79: {  	_ =	shalt  }
0x7a: {  	_ =	shalt  }
0x7b: {  	_ =	shalt  }
0x7c: {  	_ =	shalt  }
0x7d: {  	_ =	shalt  }
0x7e: {  	_ =	shalt  }
0x7f: {  	_ =	shalt  }
0x80: {  	_ =	shalt  }
0x81: {  	_ =	shalt  }
0x82: {  	_ =	shalt  }
0x83: {  	_ =	shalt  }
0x84: {  	_ =	shalt  }
0x85: {  	_ =	shalt  }
0x86: {  	_ =	shalt  }
0x87: {  	_ =	shalt  }
.Lfunc_end0:
.L_simem_size_0:
called_computation_lowered:
.L_overlay_start_0:
0x88: {  	s2 =	sld [smem:$0x3FD9]  }
0x89: {  	s3 =	sld [smem:$0x3FFE];
	_ =	sdelay $0x1  }
0x8a: {  	s1 =	srdreg.scid  }
0x8b: {  	s0 =	sand.u32 $0x1, s1  }
0x8c: {  	s17 =	sshll.u32 s0, $0xA;
	s2 =	sadd.s32 s3, s2  }
0x8d: {  	s2 =	sadd.s32 s2, s17  }
0x8e: {  	[smem:$0x3FB5] =	sst s2  }
0x8f: {  	_ = 	snop  }
0x90: {  	s2 =	sld [smem:$0x3FC9];
	(tm) =	ssettm $0x1  }
0x91: {  	s18 =	sld [smem:$0x3FFB];
	_ =	sdelay $0x3  }
0x92: {  	_ =	strace s18  }
0x93: {  	s3 =	sld [smem:$0x3FFC];
	_ =	sdelay $0x3  }
0x94: {  	_ =	strace s3  }
0x95: {  	s3 =	sld [smem:$0x3FFD];
	_ =	sdelay $0x3  }
0x96: {  	_ =	strace s3  }
0x97: {  	_ =	strace $0x8FFFFFFF  }
0x98: {  	s19 =	sld [smem:$0x3FDB];
	_ =	sdelay $0x1  }
0x99: {  	s4 =	simm.s32 $_scs_section_size  }
0x9a: {  	s5 =	simm.s32 $_size__tile_overlayer_lowered;
	s6 =	simm.s32 $_tile_overlayer_lowered  }
0x9b: {  	s22 =	simm.s32 $0x1BFF;
	s21 =	sshll.u32 s6, $0x1;
	s3 =	sadd.s32 s4, s19  }
0x9c: {  	s7 =	simm.s32 $0x0;
	s20 =	sshll.u32 s5, $0x1;
	s5 =	sadd.s32 s21, s3  }
0x9d: {  	[timem:s7], [sflag:s22] =	dma.local [hbm:s5], s20  }
0x9e: {  	_ =	swait.ge [sflag:s22], s20  }
0x9f: {  	s4 =	ssub.s32 $0x0, s20;
	[sflag:s22] =	ssyncset.done $0x0  }
0xa0: {  	[sflag:s22] =	ssyncadd.s32 s4;
	_ =	sdelay $0x1  }
0xa1: {  	s23 =	simm.s32 $0x1B8B  }
0xa2: {  	_ =	swait.ge [sflag:s23], $0x1  }
0xa3: {  	[sflag:s23] =	ssyncset.done $0x0  }
0xa4: {  	s25 =	simm.s32 $0x1B8E;
	s24 =	sld [smem:$0x3FFE];
	[sflag:s23] =	ssyncadd.s32 $0xFFFFFFFF  }
0xa5: {  	s26 =	simm.s32 $execute0_lowered;
	[smem:$0x3FD2] =	sst s25  }
0xa6: {  	s5 =	sshll.u32 s26, $0x1;
	_ =	strace $0x80000046;
	[dreg:$0x1] =	wrdreg $0xFFFFFFFF  }
0xa7: {  	s28 =	simm.s32 $_size_execute0_lowered;
	s3 =	sadd.s32 s3, s5;
	[dreg:$0x0] =	wrdreg $0x0  }
0xa8: {  	s5 =	sshll.u32 s28, $0x1;
	[dreg:$0x2] =	wrdreg s3  }
0xa9: {  	[dreg:$0x3] =	wrdreg s5  }
0xaa: {  	[dreg:$0x4] =	wrdreg $0xC0  }
0xab: {  	_ =	task [dreg:s7], $0x5FFFF  }
0xac: {  	[dreg:$0x1] =	wrdreg $0xFFFFFFFF  }
0xad: {  	[dreg:$0x0] =	wrdreg $0x60  }
0xae: {  	[dreg:$0x2] =	wrdreg s24  }
0xaf: {  	[dreg:$0x3] =	wrdreg s2  }
0xb0: {  	[dreg:$0x4] =	wrdreg $0x9  }
0xb1: {  	_ =	task.clear_ibuf [dreg:s7], $0x5FFFF;
	_ =	strace $0x90000046  }
0xb2: {  	s29 =	simm.s32 $0x9;
	_ =	strace $0x80000048  }
0xb3: {  	_ =	swait.ge [sflag:s29], $0x1  }
0xb4: {  	[sflag:s29] =	ssyncadd.s32 $0xFFFFFFFF  }
0xb5: {  	_ =	strace $0x90000048  }
0xb6: {  	_ =	sfence  }
0xb7: {  	s30 =	sld [smem:$0x0];
	_ =	sdelay $0x2  }
0xb8: {  	s31 =	sshll.u32 s1, $0xD;
	s1 =	sshrl.u32 s1, $0x2  }
0xb9: {  	s3 =	sand.u32 $0x4000, s31;
	s1 =	sadd.s32 s1, s30  }
0xba: {  	s0 =	sor.u32 s3, s0;
	s1 =	sshll.u32 s1, $0x11  }
0xbb: {  	s0 =	sor.u32 s1, s0  }
0xbc: {  	s0 =	sadd.s32 $0x8F2B, s0  }
0xbd: {  	[sflag:s0] =	ssyncadd.remote.s32 $0x1  }
0xbe: {  	_ =	sfence.sel $0xFFFF  }
0xbf: {  	[dreg:$0x0] =	wrdreg $0xFFFFFFFF;
	(pc) =	sbr.abs _section_cstart, $3  }
0xc0: {  	[dreg:$0x1] =	wrdreg $0xFFFFFFFF  }
0xc1: {  	_ =	task.clear_ibuf [dreg:s7], $0x2FFFF;
	_ =	strace $0x9FFFFFFF  }
0xc2: {  	(tm) =	ssettm $0x7FFFFFFF  }
0xc3: {  	_ =	shalt  }
tec
execute0_lowered:
.L_overlay_start_1:
0x0: {  	(tag) =	ssettag $0x1  }
0x1: {  	s1 =	srdreg.scid  }
0x2: {  	s0 =	stileid.u32;
	s7 =	rddreg [dreg:$0x0]  }
0x3: {  	s2 =	rddreg [dreg:$0x1];
	s3 =	simm.s32 $0x0;
	s12 =	simm.s32 $0x9C80  }
0x4: {  	s13 =	simm.s32 $0xC400;
	s14 =	simm.s32 $0x11800;
	s15 =	simm.s32 $0x12C00  }
0x5: {  	s16 =	simm.s32 $0xC800;
	s17 =	simm.s32 $0x14000;
	s18 =	simm.s32 $0x0  }
0x6: {  	s6 =	sand.u32 $0x1, s1;
	s30 =	sshll.u32 s0, $0x1;
	s10 =	smul.u32 $0x2800, s0  }
0x7: {  	s1 =	rddreg [dreg:$0x2];
	s4 =	sor.u32 s6, s30;
	s11 =	smul.u32 $0x1400, s6  }
0x8: {  	[smem:$0x7FF] =	sst s3;
	s5 =	sadd.s32 $0x14800, s7;
	s8 =	smul.u32 $0xA00, s4  }
0x9: {  	_ =	strace $0x80000047;
	s6 =	ssub.s32 $0x2, s6;
	s9 =	smul.u32 $0x1400, s4  }
0xa: {  	s4 =	sadd.s32 $0x13400, s7;
	s31 =	sshrl.u32 s6, $0x1;
	s10 =	sadd.s32 s11, s10  }
0xb: {  	s11 =	ssub.s32 s6, s31;
	s9 =	sshrl.u32 s9, $0x3;
	s10 =	sshrl.u32 s10, $0x3  }
0xc: {  	s8 =	sadd.s32 s8, s7;
	s9 =	sadd.s32 s9, s7;
	s10 =	sadd.s32 s10, s7  }
0xd: {  	v0 =	vlaneseq.u32;
	s8 =	sadd.s32 $0x14A00, s8;
	s6 =	sadd.s32 $0x28A00, s9;
	s7 =	sadd.s32 $0x9400, s9  }
0xe: {  	v0 =	vmul.u32 $0x4, v0;
	s9 =	smax.u32 s11, $0x1;
	s10 =	sadd.s32 $0x2DA00, s10;
	s11 =	simm.s32 $0x1  }
.LBB2_1:
0xf: {  	[tilespmem:s3], [sflag:$0x1] =	stream.linear.gather [hbm4b:s4+s3], $0x9C80, $0x38;
	[tilespmem:$0x14080] =	vst v63  }
0x10: {  	_ =	swait.ge [sflag:s11], $0x9C80  }
0x11: {  	[sflag:s11] =	ssyncset.done $0x0  }
0x12: {  	[sflag:s11] =	ssyncadd.s32 $0xFFFF6380  }
0x13: {  	[tilespmem:s12], [sflag:$0x1] =	stream.linear.gather [hbm4b:s2+s3], $0x2780, $0x38;
	[tilespmem:$0x14080] =	vst v63  }
0x14: {  	_ =	swait.ge [sflag:s11], $0x2780  }
0x15: {  	[sflag:s11] =	ssyncset.done $0x0  }
0x16: {  	[sflag:s11] =	ssyncadd.s32 $0xFFFFD880  }
0x17: {  	[tilespmem:s13], [sflag:$0x1] =	stream.linear.gather [hbm4b:s5+s3], $0x400, $0x38;
	[tilespmem:$0x14080] =	vst v63  }
0x18: {  	_ =	swait.ge [sflag:s11], $0x400  }
0x19: {  	[sflag:s11] =	ssyncset.done $0x0  }
0x1a: {  	[sflag:s11] =	ssyncadd.s32 $0xFFFFFC00  }
0x1b: {  	[tilespmem:s14], [sflag:$0x1] =	stream.linear.gather [hbm4b:s6+s3], $0x1400, $0x38;
	[tilespmem:$0x14080] =	vst v63  }
0x1c: {  	_ =	swait.ge [sflag:s11], $0x1400  }
0x1d: {  	[sflag:s11] =	ssyncset.done $0x0  }
0x1e: {  	[sflag:s11] =	ssyncadd.s32 $0xFFFFEC00  }
0x1f: {  	[tilespmem:s15], [sflag:$0x1] =	stream.linear.gather [hbm4b:s7+s3], $0x1400, $0x38;
	[tilespmem:$0x14080] =	vst v63  }
0x20: {  	_ =	swait.ge [sflag:s11], $0x1400  }
0x21: {  	[sflag:s11] =	ssyncset.done $0x0  }
0x22: {  	[sflag:s11] =	ssyncadd.s32 $0xFFFFEC00  }
0x23: {  	[tilespmem:s16], [sflag:$0x1] =	stream.linear.gather [hbm4b:s8+s3], $0x5000, $0x38;
	[tilespmem:$0x14080] =	vst v63  }
0x24: {  	_ =	swait.ge [sflag:s11], $0x5000  }
0x25: {  	s19 =	simm.s32 $0x70;
	s20 =	simm.s32 $0x11840;
	[sflag:s11] =	ssyncset.done $0x0  }
0x26: {  	s21 =	simm.s32 $0x12C40;
	s22 =	smov.u32 s10;
	[sflag:s11] =	ssyncadd.s32 $0xFFFFB000  }
.LBB2_2:
0x27: {  	v1 =	vld [tilespmem:s20+$0xFFFFFFC0]  }
0x28: {  	s23 =	sadd.s32 $0xFFFFFF90, s19  }
0x29: {  	v2 =	vld [tilespmem:s21+$0xFFFFFFC0];
	v10 =	vmov s23  }
0x2a: {  	v10 =	vshll.u32 v10, $0x2  }
0x2b: {  	v10 =	vor.u32 v0, v10  }
0x2c: {  	v15 =	vor.u32 $0x1, v10  }
0x2d: {  	v3 =	vshll.u32 v1, $0x2  }
0x2e: {  	v2 =	vshll.u32 v2, $0x2  }
0x2f: {  	v4 =	vor.u32 $0x1, v3;
	v1 =	vld.idx.msk [tilespmem:v1+s12+$0x0], $0xffff  }
0x30: {  	v5 =	vor.u32 $0x2, v3;
	v17 =	vld.idx.msk [tilespmem:v10+s16+$0x0], $0xffff  }
0x31: {  	v6 =	vor.u32 $0x1, v2;
	v15 =	vld.idx.msk [tilespmem:v15+s16+$0x0], $0xffff  }
0x32: {  	v7 =	vor.u32 $0x2, v2;
	v3 =	vld.idx.msk [tilespmem:v3+s3+$0x0], $0xffff  }
0x33: {  	v10 =	vor.u32 $0x2, v10;
	v2 =	vld.idx.msk [tilespmem:v2+s3+$0x0], $0xffff  }
0x34: {  	v4 =	vld.idx.msk [tilespmem:v4+s3+$0x0], $0xffff;
	v1 =	vshll.u32 v1, $0x4  }
0x35: {  	v5 =	vld.idx.msk [tilespmem:v5+s3+$0x0], $0xffff;
	v8 =	vor.u32 $0x1, v1  }
0x36: {  	v6 =	vld.idx.msk [tilespmem:v6+s3+$0x0], $0xffff;
	v9 =	vor.u32 $0x2, v1  }
0x37: {  	v7 =	vld.idx.msk [tilespmem:v7+s3+$0x0], $0xffff;
	v11 =	vor.u32 $0x3, v1  }
0x38: {  	v10 =	vld.idx.msk [tilespmem:v10+s16+$0x0], $0xffff;
	v13 =	vor.u32 $0x4, v1  }
0x39: {  	v14 =	vor.u32 $0x5, v1;
	v12 =	vld.idx.msk [tilespmem:v1+s13+$0x0], $0xffff  }
0x3a: {  	v18 =	vor.u32 $0x7, v1;
	v8 =	vld.idx.msk [tilespmem:v8+s13+$0x0], $0xffff  }
0x3b: {  	v16 =	vor.u32 $0x6, v1;
	v9 =	vld.idx.msk [tilespmem:v9+s13+$0x0], $0xffff  }
0x3c: {  	v11 =	vld.idx.msk [tilespmem:v11+s13+$0x0], $0xffff  }
0x3d: {  	v1 =	vor.u32 $0x8, v1;
	v13 =	vld.idx.msk [tilespmem:v13+s13+$0x0], $0xffff  }
0x3e: {  	v14 =	vld.idx.msk [tilespmem:v14+s13+$0x0], $0xffff  }
0x3f: {  	v42 =	vld.idx.msk [tilespmem:v18+s13+$0x0], $0xffff  }
0x40: {  	v2 =	vsub.f32 v2, v3;
	v16 =	vld.idx.msk [tilespmem:v16+s13+$0x0], $0xffff  }
0x41: {  	v4 =	vsub.f32 v6, v4;
	v3 =	vmul.f32 v17, v12;
	v43 =	vmul.f32 v17, v8  }
0x42: {  	v5 =	vsub.f32 v7, v5;
	v1 =	vld.idx.msk [tilespmem:v1+s13+$0x0], $0xffff;
	v44 =	vmul.f32 v15, v13;
	v45 =	vmul.f32 v17, v9  }
0x43: {  	v2 =	vadd.f32 v3, v2;
	v3 =	vmul.f32 v15, v11;
	v4 =	vadd.f32 v43, v4  }
0x44: {  	v46 =	vmul.f32 v10, v42;
	v47 =	vmul.f32 v15, v14;
	v5 =	vadd.f32 v45, v5  }
0x45: {  	v2 =	vadd.f32 v3, v2;
	v3 =	vmul.f32 v10, v16;
	v4 =	vadd.f32 v44, v4  }
0x46: {  	v48 =	vadd.f32 v47, v5  }
0x47: {  	v1 =	vmul.f32 v10, v1;
	v2 =	vadd.f32 v3, v2;
	v3 =	vadd.f32 v46, v4;
	_ =	sdelay $0x1  }
0x48: {  	v1 =	vadd.f32 v1, v48;
	v2 =	vmul.f32 v2, v2;
	v3 =	vmul.f32 v3, v3;
	_ =	sdelay $0x1  }
0x49: {  	v1 =	vmul.f32 v1, v1;
	v2 =	vadd.f32 v3, v2;
	_ =	sdelay $0x1  }
0x4a: {  	v1 =	vadd.f32 v2, v1  }
0x4b: {  	s25 =	sadd.s32 $0xFFFFFFA0, s19  }
0x4c: {  	v55 =	vmov s25;
	[tilespmem:$0x14000] =	vst v1  }
0x4d: {  	v10 =	vshll.u32 v55, $0x2;
	v1 =	vld [tilespmem:s20+$0xFFFFFFD0]  }
0x4e: {  	v10 =	vor.u32 v0, v10;
	_ =	sdelay $0x1  }
0x4f: {  	v2 =	vld [tilespmem:s21+$0xFFFFFFD0];
	_ =	sdelay $0x1  }
0x50: {  	v60 =	vor.u32 $0x1, v10  }
0x51: {  	v62 =	vld.idx.msk [tilespmem:v10+s16+$0x0], $0xffff;
	v10 =	vor.u32 $0x2, v10  }
0x52: {  	v3 =	vshll.u32 v1, $0x2  }
0x53: {  	v2 =	vshll.u32 v2, $0x2;
	v1 =	vld.idx.msk [tilespmem:v1+s12+$0x0], $0xffff  }
0x54: {  	v49 =	vor.u32 $0x1, v3  }
0x55: {  	v15 =	vld.idx.msk [tilespmem:v60+s16+$0x0], $0xffff;
	v50 =	vor.u32 $0x2, v3  }
0x56: {  	v10 =	vld.idx.msk [tilespmem:v10+s16+$0x0], $0xffff;
	v51 =	vor.u32 $0x1, v2  }
0x57: {  	v52 =	vor.u32 $0x2, v2;
	v3 =	vld.idx.msk [tilespmem:v3+s3+$0x0], $0xffff  }
0x58: {  	v2 =	vld.idx.msk [tilespmem:v2+s3+$0x0], $0xffff;
	v1 =	vshll.u32 v1, $0x4  }
0x59: {  	v4 =	vld.idx.msk [tilespmem:v49+s3+$0x0], $0xffff;
	v53 =	vor.u32 $0x1, v1  }
0x5a: {  	v5 =	vld.idx.msk [tilespmem:v50+s3+$0x0], $0xffff;
	v54 =	vor.u32 $0x2, v1  }
0x5b: {  	v6 =	vld.idx.msk [tilespmem:v51+s3+$0x0], $0xffff;
	v56 =	vor.u32 $0x3, v1  }
0x5c: {  	v7 =	vld.idx.msk [tilespmem:v52+s3+$0x0], $0xffff;
	v58 =	vor.u32 $0x4, v1  }
0x5d: {  	v59 =	vor.u32 $0x5, v1;
	v57 =	vld.idx.msk [tilespmem:v1+s13+$0x0], $0xffff  }
0x5e: {  	v63 =	vor.u32 $0x7, v1;
	v8 =	vld.idx.msk [tilespmem:v53+s13+$0x0], $0xffff  }
0x5f: {  	v61 =	vor.u32 $0x6, v1;
	v9 =	vld.idx.msk [tilespmem:v54+s13+$0x0], $0xffff  }
0x60: {  	v11 =	vld.idx.msk [tilespmem:v56+s13+$0x0], $0xffff  }
0x61: {  	v1 =	vor.u32 $0x8, v1;
	v13 =	vld.idx.msk [tilespmem:v58+s13+$0x0], $0xffff  }
0x62: {  	v14 =	vld.idx.msk [tilespmem:v59+s13+$0x0], $0xffff  }
0x63: {  	v20 =	vld.idx.msk [tilespmem:v63+s13+$0x0], $0xffff  }
0x64: {  	v2 =	vsub.f32 v2, v3;
	v16 =	vld.idx.msk [tilespmem:v61+s13+$0x0], $0xffff  }
0x65: {  	v4 =	vsub.f32 v6, v4;
	v3 =	vmul.f32 v62, v57;
	v21 =	vmul.f32 v62, v8  }
0x66: {  	v5 =	vsub.f32 v7, v5;
	v1 =	vld.idx.msk [tilespmem:v1+s13+$0x0], $0xffff;
	v22 =	vmul.f32 v15, v13;
	v23 =	vmul.f32 v62, v9  }
0x67: {  	v2 =	vadd.f32 v3, v2;
	v3 =	vmul.f32 v15, v11;
	v4 =	vadd.f32 v21, v4  }
0x68: {  	v24 =	vmul.f32 v10, v20;
	v25 =	vmul.f32 v15, v14;
	v5 =	vadd.f32 v23, v5  }
0x69: {  	v2 =	vadd.f32 v3, v2;
	v3 =	vmul.f32 v10, v16;
	v4 =	vadd.f32 v22, v4  }
0x6a: {  	v26 =	vadd.f32 v25, v5  }
0x6b: {  	v1 =	vmul.f32 v10, v1;
	v2 =	vadd.f32 v3, v2;
	v3 =	vadd.f32 v24, v4;
	_ =	sdelay $0x1  }
0x6c: {  	v1 =	vadd.f32 v1, v26;
	v2 =	vmul.f32 v2, v2;
	v3 =	vmul.f32 v3, v3;
	_ =	sdelay $0x1  }
0x6d: {  	v1 =	vmul.f32 v1, v1;
	v2 =	vadd.f32 v3, v2;
	_ =	sdelay $0x1  }
0x6e: {  	v1 =	vadd.f32 v2, v1  }
0x6f: {  	s26 =	sadd.s32 $0xFFFFFFB0, s19  }
0x70: {  	v33 =	vmov s26;
	[tilespmem:$0x14010] =	vst v1  }
0x71: {  	v10 =	vshll.u32 v33, $0x2;
	v1 =	vld [tilespmem:s20+$0xFFFFFFE0]  }
0x72: {  	v10 =	vor.u32 v0, v10;
	_ =	sdelay $0x1  }
0x73: {  	v2 =	vld [tilespmem:s21+$0xFFFFFFE0];
	_ =	sdelay $0x1  }
0x74: {  	v38 =	vor.u32 $0x1, v10  }
0x75: {  	v40 =	vld.idx.msk [tilespmem:v10+s16+$0x0], $0xffff;
	v10 =	vor.u32 $0x2, v10  }
0x76: {  	v3 =	vshll.u32 v1, $0x2  }
0x77: {  	v2 =	vshll.u32 v2, $0x2;
	v1 =	vld.idx.msk [tilespmem:v1+s12+$0x0], $0xffff  }
0x78: {  	v27 =	vor.u32 $0x1, v3  }
0x79: {  	v15 =	vld.idx.msk [tilespmem:v38+s16+$0x0], $0xffff;
	v28 =	vor.u32 $0x2, v3  }
0x7a: {  	v10 =	vld.idx.msk [tilespmem:v10+s16+$0x0], $0xffff;
	v29 =	vor.u32 $0x1, v2  }
0x7b: {  	v30 =	vor.u32 $0x2, v2;
	v3 =	vld.idx.msk [tilespmem:v3+s3+$0x0], $0xffff  }
0x7c: {  	v2 =	vld.idx.msk [tilespmem:v2+s3+$0x0], $0xffff;
	v1 =	vshll.u32 v1, $0x4  }
0x7d: {  	v4 =	vld.idx.msk [tilespmem:v27+s3+$0x0], $0xffff;
	v31 =	vor.u32 $0x1, v1  }
0x7e: {  	v5 =	vld.idx.msk [tilespmem:v28+s3+$0x0], $0xffff;
	v32 =	vor.u32 $0x2, v1  }
0x7f: {  	v6 =	vld.idx.msk [tilespmem:v29+s3+$0x0], $0xffff;
	v34 =	vor.u32 $0x3, v1  }
0x80: {  	v7 =	vld.idx.msk [tilespmem:v30+s3+$0x0], $0xffff;
	v36 =	vor.u32 $0x4, v1  }
0x81: {  	v37 =	vor.u32 $0x5, v1;
	v35 =	vld.idx.msk [tilespmem:v1+s13+$0x0], $0xffff  }
0x82: {  	v41 =	vor.u32 $0x7, v1;
	v8 =	vld.idx.msk [tilespmem:v31+s13+$0x0], $0xffff  }
0x83: {  	v39 =	vor.u32 $0x6, v1;
	v9 =	vld.idx.msk [tilespmem:v32+s13+$0x0], $0xffff  }
0x84: {  	v11 =	vld.idx.msk [tilespmem:v34+s13+$0x0], $0xffff  }
0x85: {  	v1 =	vor.u32 $0x8, v1;
	v13 =	vld.idx.msk [tilespmem:v36+s13+$0x0], $0xffff  }
0x86: {  	v14 =	vld.idx.msk [tilespmem:v37+s13+$0x0], $0xffff  }
0x87: {  	v42 =	vld.idx.msk [tilespmem:v41+s13+$0x0], $0xffff  }
0x88: {  	v2 =	vsub.f32 v2, v3;
	v16 =	vld.idx.msk [tilespmem:v39+s13+$0x0], $0xffff  }
0x89: {  	v4 =	vsub.f32 v6, v4;
	v3 =	vmul.f32 v40, v35;
	v43 =	vmul.f32 v40, v8  }
0x8a: {  	v5 =	vsub.f32 v7, v5;
	v1 =	vld.idx.msk [tilespmem:v1+s13+$0x0], $0xffff;
	v44 =	vmul.f32 v15, v13;
	v45 =	vmul.f32 v40, v9  }
0x8b: {  	v2 =	vadd.f32 v3, v2;
	v3 =	vmul.f32 v15, v11;
	v4 =	vadd.f32 v43, v4  }
0x8c: {  	v46 =	vmul.f32 v10, v42;
	v47 =	vmul.f32 v15, v14;
	v5 =	vadd.f32 v45, v5  }
0x8d: {  	v2 =	vadd.f32 v3, v2;
	v3 =	vmul.f32 v10, v16;
	v4 =	vadd.f32 v44, v4  }
0x8e: {  	v48 =	vadd.f32 v47, v5  }
0x8f: {  	v1 =	vmul.f32 v10, v1;
	v2 =	vadd.f32 v3, v2;
	v3 =	vadd.f32 v46, v4;
	_ =	sdelay $0x1  }
0x90: {  	v1 =	vadd.f32 v1, v48;
	v2 =	vmul.f32 v2, v2;
	v3 =	vmul.f32 v3, v3;
	_ =	sdelay $0x1  }
0x91: {  	v1 =	vmul.f32 v1, v1;
	v2 =	vadd.f32 v3, v2;
	_ =	sdelay $0x1  }
0x92: {  	v1 =	vadd.f32 v2, v1  }
0x93: {  	s28 =	sadd.s32 $0xFFFFFFC0, s19  }
0x94: {  	v55 =	vmov s28;
	[tilespmem:$0x14020] =	vst v1  }
0x95: {  	v10 =	vshll.u32 v55, $0x2;
	v1 =	vld [tilespmem:s20+$0xFFFFFFF0]  }
0x96: {  	v10 =	vor.u32 v0, v10;
	_ =	sdelay $0x1  }
0x97: {  	v2 =	vld [tilespmem:s21+$0xFFFFFFF0];
	_ =	sdelay $0x1  }
0x98: {  	v60 =	vor.u32 $0x1, v10  }
0x99: {  	v62 =	vld.idx.msk [tilespmem:v10+s16+$0x0], $0xffff;
	v10 =	vor.u32 $0x2, v10  }
0x9a: {  	v3 =	vshll.u32 v1, $0x2  }
0x9b: {  	v2 =	vshll.u32 v2, $0x2;
	v1 =	vld.idx.msk [tilespmem:v1+s12+$0x0], $0xffff  }
0x9c: {  	v49 =	vor.u32 $0x1, v3  }
0x9d: {  	v15 =	vld.idx.msk [tilespmem:v60+s16+$0x0], $0xffff;
	v50 =	vor.u32 $0x2, v3  }
0x9e: {  	v10 =	vld.idx.msk [tilespmem:v10+s16+$0x0], $0xffff;
	v51 =	vor.u32 $0x1, v2  }
0x9f: {  	v52 =	vor.u32 $0x2, v2;
	v3 =	vld.idx.msk [tilespmem:v3+s3+$0x0], $0xffff  }
0xa0: {  	v2 =	vld.idx.msk [tilespmem:v2+s3+$0x0], $0xffff;
	v1 =	vshll.u32 v1, $0x4  }
0xa1: {  	v4 =	vld.idx.msk [tilespmem:v49+s3+$0x0], $0xffff;
	v53 =	vor.u32 $0x1, v1  }
0xa2: {  	v5 =	vld.idx.msk [tilespmem:v50+s3+$0x0], $0xffff;
	v54 =	vor.u32 $0x2, v1  }
0xa3: {  	v6 =	vld.idx.msk [tilespmem:v51+s3+$0x0], $0xffff;
	v56 =	vor.u32 $0x3, v1  }
0xa4: {  	v7 =	vld.idx.msk [tilespmem:v52+s3+$0x0], $0xffff;
	v58 =	vor.u32 $0x4, v1  }
0xa5: {  	v59 =	vor.u32 $0x5, v1;
	v57 =	vld.idx.msk [tilespmem:v1+s13+$0x0], $0xffff  }
0xa6: {  	v63 =	vor.u32 $0x7, v1;
	v8 =	vld.idx.msk [tilespmem:v53+s13+$0x0], $0xffff  }
0xa7: {  	v61 =	vor.u32 $0x6, v1;
	v9 =	vld.idx.msk [tilespmem:v54+s13+$0x0], $0xffff  }
0xa8: {  	v11 =	vld.idx.msk [tilespmem:v56+s13+$0x0], $0xffff  }
0xa9: {  	v1 =	vor.u32 $0x8, v1;
	v13 =	vld.idx.msk [tilespmem:v58+s13+$0x0], $0xffff  }
0xaa: {  	v14 =	vld.idx.msk [tilespmem:v59+s13+$0x0], $0xffff  }
0xab: {  	v18 =	vld.idx.msk [tilespmem:v63+s13+$0x0], $0xffff  }
0xac: {  	v2 =	vsub.f32 v2, v3;
	v16 =	vld.idx.msk [tilespmem:v61+s13+$0x0], $0xffff  }
0xad: {  	v4 =	vsub.f32 v6, v4;
	v3 =	vmul.f32 v62, v57;
	v19 =	vmul.f32 v62, v8  }
0xae: {  	v5 =	vsub.f32 v7, v5;
	v1 =	vld.idx.msk [tilespmem:v1+s13+$0x0], $0xffff;
	v20 =	vmul.f32 v15, v13;
	v21 =	vmul.f32 v62, v9  }
0xaf: {  	v2 =	vadd.f32 v3, v2;
	v3 =	vmul.f32 v15, v11;
	v4 =	vadd.f32 v19, v4  }
0xb0: {  	v22 =	vmul.f32 v10, v18;
	v23 =	vmul.f32 v15, v14;
	v5 =	vadd.f32 v21, v5  }
0xb1: {  	v2 =	vadd.f32 v3, v2;
	v3 =	vmul.f32 v10, v16;
	v4 =	vadd.f32 v20, v4  }
0xb2: {  	v24 =	vadd.f32 v23, v5  }
0xb3: {  	v1 =	vmul.f32 v10, v1;
	v2 =	vadd.f32 v3, v2;
	v3 =	vadd.f32 v22, v4;
	_ =	sdelay $0x1  }
0xb4: {  	v1 =	vadd.f32 v1, v24;
	v2 =	vmul.f32 v2, v2;
	v3 =	vmul.f32 v3, v3;
	_ =	sdelay $0x1  }
0xb5: {  	v1 =	vmul.f32 v1, v1;
	v2 =	vadd.f32 v3, v2;
	_ =	sdelay $0x1  }
0xb6: {  	v1 =	vadd.f32 v2, v1  }
0xb7: {  	s29 =	sadd.s32 $0xFFFFFFD0, s19  }
0xb8: {  	v31 =	vmov s29;
	[tilespmem:$0x14030] =	vst v1  }
0xb9: {  	v10 =	vshll.u32 v31, $0x2;
	v1 =	vld [tilespmem:s20+$0x0]  }
0xba: {  	v10 =	vor.u32 v0, v10;
	_ =	sdelay $0x1  }
0xbb: {  	v2 =	vld [tilespmem:s21+$0x0];
	_ =	sdelay $0x1  }
0xbc: {  	v36 =	vor.u32 $0x1, v10  }
0xbd: {  	v38 =	vld.idx.msk [tilespmem:v10+s16+$0x0], $0xffff;
	v10 =	vor.u32 $0x2, v10  }
0xbe: {  	v3 =	vshll.u32 v1, $0x2  }
0xbf: {  	v2 =	vshll.u32 v2, $0x2;
	v1 =	vld.idx.msk [tilespmem:v1+s12+$0x0], $0xffff  }
0xc0: {  	v25 =	vor.u32 $0x1, v3  }
0xc1: {  	v15 =	vld.idx.msk [tilespmem:v36+s16+$0x0], $0xffff;
	v26 =	vor.u32 $0x2, v3  }
0xc2: {  	v10 =	vld.idx.msk [tilespmem:v10+s16+$0x0], $0xffff;
	v27 =	vor.u32 $0x1, v2  }
0xc3: {  	v28 =	vor.u32 $0x2, v2;
	v3 =	vld.idx.msk [tilespmem:v3+s3+$0x0], $0xffff  }
0xc4: {  	v2 =	vld.idx.msk [tilespmem:v2+s3+$0x0], $0xffff;
	v1 =	vshll.u32 v1, $0x4  }
0xc5: {  	v4 =	vld.idx.msk [tilespmem:v25+s3+$0x0], $0xffff;
	v29 =	vor.u32 $0x1, v1  }
0xc6: {  	v5 =	vld.idx.msk [tilespmem:v26+s3+$0x0], $0xffff;
	v30 =	vor.u32 $0x2, v1  }
0xc7: {  	v6 =	vld.idx.msk [tilespmem:v27+s3+$0x0], $0xffff;
	v32 =	vor.u32 $0x3, v1  }
0xc8: {  	v7 =	vld.idx.msk [tilespmem:v28+s3+$0x0], $0xffff;
	v34 =	vor.u32 $0x4, v1  }
0xc9: {  	v35 =	vor.u32 $0x5, v1;
	v33 =	vld.idx.msk [tilespmem:v1+s13+$0x0], $0xffff  }
0xca: {  	v39 =	vor.u32 $0x7, v1;
	v8 =	vld.idx.msk [tilespmem:v29+s13+$0x0], $0xffff  }
0xcb: {  	v37 =	vor.u32 $0x6, v1;
	v9 =	vld.idx.msk [tilespmem:v30+s13+$0x0], $0xffff  }
0xcc: {  	v11 =	vld.idx.msk [tilespmem:v32+s13+$0x0], $0xffff  }
0xcd: {  	v1 =	vor.u32 $0x8, v1;
	v13 =	vld.idx.msk [tilespmem:v34+s13+$0x0], $0xffff  }
0xce: {  	v14 =	vld.idx.msk [tilespmem:v35+s13+$0x0], $0xffff  }
0xcf: {  	v40 =	vld.idx.msk [tilespmem:v39+s13+$0x0], $0xffff  }
0xd0: {  	v2 =	vsub.f32 v2, v3;
	v16 =	vld.idx.msk [tilespmem:v37+s13+$0x0], $0xffff  }
0xd1: {  	v4 =	vsub.f32 v6, v4;
	v3 =	vmul.f32 v38, v33;
	v41 =	vmul.f32 v38, v8  }
0xd2: {  	v5 =	vsub.f32 v7, v5;
	v1 =	vld.idx.msk [tilespmem:v1+s13+$0x0], $0xffff;
	v42 =	vmul.f32 v15, v13;
	v43 =	vmul.f32 v38, v9  }
0xd3: {  	v2 =	vadd.f32 v3, v2;
	v3 =	vmul.f32 v15, v11;
	v4 =	vadd.f32 v41, v4  }
0xd4: {  	v44 =	vmul.f32 v10, v40;
	v45 =	vmul.f32 v15, v14;
	v5 =	vadd.f32 v43, v5  }
0xd5: {  	v2 =	vadd.f32 v3, v2;
	v3 =	vmul.f32 v10, v16;
	v4 =	vadd.f32 v42, v4  }
0xd6: {  	v46 =	vadd.f32 v45, v5  }
0xd7: {  	v1 =	vmul.f32 v10, v1;
	v2 =	vadd.f32 v3, v2;
	v3 =	vadd.f32 v44, v4;
	_ =	sdelay $0x1  }
0xd8: {  	v1 =	vadd.f32 v1, v46;
	v2 =	vmul.f32 v2, v2;
	v3 =	vmul.f32 v3, v3;
	_ =	sdelay $0x1  }
0xd9: {  	v1 =	vmul.f32 v1, v1;
	v2 =	vadd.f32 v3, v2;
	_ =	sdelay $0x1  }
0xda: {  	v1 =	vadd.f32 v2, v1  }
0xdb: {  	s30 =	sadd.s32 $0xFFFFFFE0, s19  }
0xdc: {  	v53 =	vmov s30;
	[tilespmem:$0x14040] =	vst v1  }
0xdd: {  	v10 =	vshll.u32 v53, $0x2;
	v1 =	vld [tilespmem:s20+$0x10]  }
0xde: {  	v10 =	vor.u32 v0, v10;
	_ =	sdelay $0x1  }
0xdf: {  	v2 =	vld [tilespmem:s21+$0x10];
	_ =	sdelay $0x1  }
0xe0: {  	v58 =	vor.u32 $0x1, v10  }
0xe1: {  	v60 =	vld.idx.msk [tilespmem:v10+s16+$0x0], $0xffff;
	v10 =	vor.u32 $0x2, v10  }
0xe2: {  	v3 =	vshll.u32 v1, $0x2  }
0xe3: {  	v2 =	vshll.u32 v2, $0x2;
	v1 =	vld.idx.msk [tilespmem:v1+s12+$0x0], $0xffff  }
0xe4: {  	v47 =	vor.u32 $0x1, v3  }
0xe5: {  	v15 =	vld.idx.msk [tilespmem:v58+s16+$0x0], $0xffff;
	v48 =	vor.u32 $0x2, v3  }
0xe6: {  	v10 =	vld.idx.msk [tilespmem:v10+s16+$0x0], $0xffff;
	v49 =	vor.u32 $0x1, v2  }
0xe7: {  	v50 =	vor.u32 $0x2, v2;
	v3 =	vld.idx.msk [tilespmem:v3+s3+$0x0], $0xffff  }
0xe8: {  	v2 =	vld.idx.msk [tilespmem:v2+s3+$0x0], $0xffff;
	v1 =	vshll.u32 v1, $0x4  }
0xe9: {  	v4 =	vld.idx.msk [tilespmem:v47+s3+$0x0], $0xffff;
	v51 =	vor.u32 $0x1, v1  }
0xea: {  	v5 =	vld.idx.msk [tilespmem:v48+s3+$0x0], $0xffff;
	v52 =	vor.u32 $0x2, v1  }
0xeb: {  	v6 =	vld.idx.msk [tilespmem:v49+s3+$0x0], $0xffff;
	v54 =	vor.u32 $0x3, v1  }
0xec: {  	v7 =	vld.idx.msk [tilespmem:v50+s3+$0x0], $0xffff;
	v56 =	vor.u32 $0x4, v1  }
0xed: {  	v59 =	vor.u32 $0x6, v1;
	v55 =	vld.idx.msk [tilespmem:v1+s13+$0x0], $0xffff  }
0xee: {  	v61 =	vor.u32 $0x7, v1;
	v8 =	vld.idx.msk [tilespmem:v51+s13+$0x0], $0xffff  }
0xef: {  	v57 =	vor.u32 $0x5, v1;
	v9 =	vld.idx.msk [tilespmem:v52+s13+$0x0], $0xffff  }
0xf0: {  	v11 =	vld.idx.msk [tilespmem:v54+s13+$0x0], $0xffff  }
0xf1: {  	v1 =	vor.u32 $0x8, v1;
	v13 =	vld.idx.msk [tilespmem:v56+s13+$0x0], $0xffff  }
0xf2: {  	v16 =	vld.idx.msk [tilespmem:v59+s13+$0x0], $0xffff  }
0xf3: {  	v62 =	vld.idx.msk [tilespmem:v61+s13+$0x0], $0xffff  }
0xf4: {  	v2 =	vsub.f32 v2, v3;
	v14 =	vld.idx.msk [tilespmem:v57+s13+$0x0], $0xffff;
	v3 =	vmul.f32 v60, v55  }
0xf5: {  	v4 =	vsub.f32 v6, v4;
	v63 =	vmul.f32 v60, v8  }
0xf6: {  	v5 =	vsub.f32 v7, v5;
	v1 =	vld.idx.msk [tilespmem:v1+s13+$0x0], $0xffff;
	v2 =	vadd.f32 v3, v2;
	v3 =	vmul.f32 v15, v11  }
0xf7: {  	v11 =	vmul.f32 v15, v13;
	v13 =	vmul.f32 v60, v9;
	v4 =	vadd.f32 v63, v4  }
0xf8: {  	v17 =	vmul.f32 v10, v62;
	v2 =	vadd.f32 v3, v2;
	v3 =	vmul.f32 v10, v16  }
0xf9: {  	v18 =	vmul.f32 v15, v14;
	v5 =	vadd.f32 v13, v5;
	v4 =	vadd.f32 v11, v4  }
0xfa: {  	v2 =	vadd.f32 v3, v2  }
0xfb: {  	v1 =	vmul.f32 v10, v1;
	v19 =	vadd.f32 v18, v5;
	v3 =	vadd.f32 v17, v4;
	_ =	sdelay $0x1  }
0xfc: {  	v1 =	vadd.f32 v1, v19;
	v2 =	vmul.f32 v2, v2;
	v3 =	vmul.f32 v3, v3;
	_ =	sdelay $0x1  }
0xfd: {  	v1 =	vmul.f32 v1, v1;
	v2 =	vadd.f32 v3, v2;
	_ =	sdelay $0x1  }
0xfe: {  	v1 =	vadd.f32 v2, v1  }
0xff: {  	s31 =	sadd.s32 $0xFFFFFFF0, s19  }
0x100: {  	v26 =	vmov s31;
	[tilespmem:$0x14050] =	vst v1  }
0x101: {  	v10 =	vshll.u32 v26, $0x2;
	v1 =	vld [tilespmem:s20+$0x20]  }
0x102: {  	v10 =	vor.u32 v0, v10;
	_ =	sdelay $0x1  }
0x103: {  	v2 =	vld [tilespmem:s21+$0x20];
	_ =	sdelay $0x1  }
0x104: {  	v31 =	vor.u32 $0x1, v10  }
0x105: {  	v33 =	vld.idx.msk [tilespmem:v10+s16+$0x0], $0xffff;
	v10 =	vor.u32 $0x2, v10  }
0x106: {  	v3 =	vshll.u32 v1, $0x2  }
0x107: {  	v2 =	vshll.u32 v2, $0x2;
	v1 =	vld.idx.msk [tilespmem:v1+s12+$0x0], $0xffff  }
0x108: {  	v20 =	vor.u32 $0x1, v3  }
0x109: {  	v15 =	vld.idx.msk [tilespmem:v31+s16+$0x0], $0xffff;
	v21 =	vor.u32 $0x2, v3  }
0x10a: {  	v10 =	vld.idx.msk [tilespmem:v10+s16+$0x0], $0xffff;
	v22 =	vor.u32 $0x1, v2  }
0x10b: {  	v23 =	vor.u32 $0x2, v2;
	v3 =	vld.idx.msk [tilespmem:v3+s3+$0x0], $0xffff  }
0x10c: {  	v2 =	vld.idx.msk [tilespmem:v2+s3+$0x0], $0xffff;
	v1 =	vshll.u32 v1, $0x4  }
0x10d: {  	v4 =	vld.idx.msk [tilespmem:v20+s3+$0x0], $0xffff;
	v24 =	vor.u32 $0x1, v1  }
0x10e: {  	v5 =	vld.idx.msk [tilespmem:v21+s3+$0x0], $0xffff;
	v25 =	vor.u32 $0x2, v1  }
0x10f: {  	v6 =	vld.idx.msk [tilespmem:v22+s3+$0x0], $0xffff;
	v27 =	vor.u32 $0x3, v1  }
0x110: {  	v7 =	vld.idx.msk [tilespmem:v23+s3+$0x0], $0xffff;
	v29 =	vor.u32 $0x4, v1  }
0x111: {  	v30 =	vor.u32 $0x5, v1;
	v28 =	vld.idx.msk [tilespmem:v1+s13+$0x0], $0xffff  }
0x112: {  	v34 =	vor.u32 $0x7, v1;
	v8 =	vld.idx.msk [tilespmem:v24+s13+$0x0], $0xffff  }
0x113: {  	v32 =	vor.u32 $0x6, v1;
	v9 =	vld.idx.msk [tilespmem:v25+s13+$0x0], $0xffff  }
0x114: {  	v11 =	vld.idx.msk [tilespmem:v27+s13+$0x0], $0xffff  }
0x115: {  	v1 =	vor.u32 $0x8, v1;
	v13 =	vld.idx.msk [tilespmem:v29+s13+$0x0], $0xffff  }
0x116: {  	v14 =	vld.idx.msk [tilespmem:v30+s13+$0x0], $0xffff  }
0x117: {  	v35 =	vld.idx.msk [tilespmem:v34+s13+$0x0], $0xffff  }
0x118: {  	v2 =	vsub.f32 v2, v3;
	v16 =	vld.idx.msk [tilespmem:v32+s13+$0x0], $0xffff  }
0x119: {  	v4 =	vsub.f32 v6, v4;
	v3 =	vmul.f32 v33, v28;
	v36 =	vmul.f32 v33, v8  }
0x11a: {  	v5 =	vsub.f32 v7, v5;
	v1 =	vld.idx.msk [tilespmem:v1+s13+$0x0], $0xffff;
	v37 =	vmul.f32 v15, v13;
	v38 =	vmul.f32 v33, v9  }
0x11b: {  	v2 =	vadd.f32 v3, v2;
	v3 =	vmul.f32 v15, v11;
	v4 =	vadd.f32 v36, v4  }
0x11c: {  	v39 =	vmul.f32 v10, v35;
	v40 =	vmul.f32 v15, v14;
	v5 =	vadd.f32 v38, v5  }
0x11d: {  	v2 =	vadd.f32 v3, v2;
	v3 =	vmul.f32 v10, v16;
	v4 =	vadd.f32 v37, v4  }
0x11e: {  	v41 =	vadd.f32 v40, v5  }
0x11f: {  	v1 =	vmul.f32 v10, v1;
	v2 =	vadd.f32 v3, v2;
	v3 =	vadd.f32 v39, v4;
	_ =	sdelay $0x1  }
0x120: {  	v1 =	vadd.f32 v1, v41;
	v2 =	vmul.f32 v2, v2;
	v3 =	vmul.f32 v3, v3;
	_ =	sdelay $0x1  }
0x121: {  	v1 =	vmul.f32 v1, v1;
	v2 =	vadd.f32 v3, v2;
	_ =	sdelay $0x1  }
0x122: {  	v1 =	vadd.f32 v2, v1;
	_ =	sdelay $0x1  }
0x123: {  	v48 =	vmov s19;
	[tilespmem:$0x14060] =	vst v1  }
0x124: {  	v10 =	vshll.u32 v48, $0x2;
	v1 =	vld [tilespmem:s20+$0x30]  }
0x125: {  	v10 =	vor.u32 v0, v10;
	_ =	sdelay $0x1  }
0x126: {  	v2 =	vld [tilespmem:s21+$0x30];
	_ =	sdelay $0x1  }
0x127: {  	v53 =	vor.u32 $0x1, v10  }
0x128: {  	v55 =	vld.idx.msk [tilespmem:v10+s16+$0x0], $0xffff;
	v10 =	vor.u32 $0x2, v10  }
0x129: {  	v3 =	vshll.u32 v1, $0x2  }
0x12a: {  	v2 =	vshll.u32 v2, $0x2;
	v1 =	vld.idx.msk [tilespmem:v1+s12+$0x0], $0xffff  }
0x12b: {  	v42 =	vor.u32 $0x1, v3  }
0x12c: {  	v15 =	vld.idx.msk [tilespmem:v53+s16+$0x0], $0xffff;
	v43 =	vor.u32 $0x2, v3  }
0x12d: {  	v10 =	vld.idx.msk [tilespmem:v10+s16+$0x0], $0xffff;
	v44 =	vor.u32 $0x1, v2  }
0x12e: {  	v45 =	vor.u32 $0x2, v2;
	v3 =	vld.idx.msk [tilespmem:v3+s3+$0x0], $0xffff  }
0x12f: {  	v2 =	vld.idx.msk [tilespmem:v2+s3+$0x0], $0xffff;
	v1 =	vshll.u32 v1, $0x4  }
0x130: {  	v4 =	vld.idx.msk [tilespmem:v42+s3+$0x0], $0xffff;
	v46 =	vor.u32 $0x1, v1  }
0x131: {  	v5 =	vld.idx.msk [tilespmem:v43+s3+$0x0], $0xffff;
	v47 =	vor.u32 $0x2, v1  }
0x132: {  	v6 =	vld.idx.msk [tilespmem:v44+s3+$0x0], $0xffff;
	v49 =	vor.u32 $0x3, v1  }
0x133: {  	v7 =	vld.idx.msk [tilespmem:v45+s3+$0x0], $0xffff;
	v51 =	vor.u32 $0x4, v1  }
0x134: {  	v52 =	vor.u32 $0x5, v1;
	v50 =	vld.idx.msk [tilespmem:v1+s13+$0x0], $0xffff  }
0x135: {  	v56 =	vor.u32 $0x7, v1;
	v8 =	vld.idx.msk [tilespmem:v46+s13+$0x0], $0xffff  }
0x136: {  	v54 =	vor.u32 $0x6, v1;
	v9 =	vld.idx.msk [tilespmem:v47+s13+$0x0], $0xffff  }
0x137: {  	v11 =	vld.idx.msk [tilespmem:v49+s13+$0x0], $0xffff  }
0x138: {  	v1 =	vor.u32 $0x8, v1;
	v13 =	vld.idx.msk [tilespmem:v51+s13+$0x0], $0xffff  }
0x139: {  	v14 =	vld.idx.msk [tilespmem:v52+s13+$0x0], $0xffff  }
0x13a: {  	v57 =	vld.idx.msk [tilespmem:v56+s13+$0x0], $0xffff  }
0x13b: {  	v2 =	vsub.f32 v2, v3;
	v16 =	vld.idx.msk [tilespmem:v54+s13+$0x0], $0xffff  }
0x13c: {  	v4 =	vsub.f32 v6, v4;
	v3 =	vmul.f32 v55, v50;
	v58 =	vmul.f32 v55, v8  }
0x13d: {  	v5 =	vsub.f32 v7, v5;
	v1 =	vld.idx.msk [tilespmem:v1+s13+$0x0], $0xffff;
	v59 =	vmul.f32 v15, v13;
	v60 =	vmul.f32 v55, v9  }
0x13e: {  	v2 =	vadd.f32 v3, v2;
	v3 =	vmul.f32 v15, v11;
	v4 =	vadd.f32 v58, v4  }
0x13f: {  	v61 =	vmul.f32 v10, v57;
	v62 =	vmul.f32 v15, v14;
	v5 =	vadd.f32 v60, v5  }
0x140: {  	v2 =	vadd.f32 v3, v2;
	v3 =	vmul.f32 v10, v16;
	v4 =	vadd.f32 v59, v4  }
0x141: {  	v63 =	vadd.f32 v62, v5  }
0x142: {  	v1 =	vmul.f32 v10, v1;
	v2 =	vadd.f32 v3, v2;
	v3 =	vadd.f32 v61, v4;
	_ =	sdelay $0x1  }
0x143: {  	v1 =	vadd.f32 v1, v63;
	v2 =	vmul.f32 v2, v2;
	v3 =	vmul.f32 v3, v3;
	_ =	sdelay $0x1  }
0x144: {  	v1 =	vmul.f32 v1, v1;
	v2 =	vadd.f32 v3, v2;
	_ =	sdelay $0x1  }
0x145: {  	v1 =	vadd.f32 v2, v1  }
0x146: {  	p0 =	sne.s32 s19, $0x13F0  }
.Ltmp0:
0x147: {  	[tilespmem:$0x14070] =	vst v1;
	(pc) =	sbr.rel @p0 .LBB2_2-.Ltmp0, $4  }
0x148: {  	[hbm4b:s22+s3] =	stream.linear.scatter [tilespmem:s17], [sflag:$0x1], $0x80, $0x38;
	[tilespmem:$0x14080] =	vst v63  }
0x149: {  	_ =	swait.ge [sflag:s11], $0x80  }
0x14a: {  	s19 =	sadd.s32 $0x80, s19;
	s20 =	sadd.s32 $0x80, s20;
	[sflag:s11] =	ssyncset.done $0x0  }
0x14b: {  	s21 =	sadd.s32 $0x80, s21;
	s22 =	sadd.s32 $0x10, s22;
	[sflag:s11] =	ssyncadd.s32 $0xFFFFFF80  }
0x14c: {  	s18 =	sadd.s32 $0x1, s18  }
0x14d: {  	p0 =	sne.s32 s18, s9  }
.Ltmp1:
0x14e: {  	_ = 	snop;
	(pc) =	sbr.rel @p0 .LBB2_1-.Ltmp1, $1  }
0x14f: {  	_ =	sdelay $0x3  }
0x150: {  	_ =	sfence.sel $0x180000  }
0x151: {  	[bflag:$0x0] =	sbarrier.arrive $0xFFFF  }
0x152: {  	p0 =	sne.s32 s0, $0x0;
	_ =	strace $0x90000047  }
0x153: {  	s0 =	sadd.s32 @!p0 $0x100000, s1;
	[bflag:$0x2] =	sbarrier.arrive $0xFFFF  }
0x154: {  	[sflag:s0] =	ssyncadd.tile.s32 @!p0 $0x1;
	_ =	shalt  }
.Lfunc_end2:
_tile_overlayer_lowered:
.L_overlay_start_2:
0x155: {  	(tag) =	ssettag $0x2  }
0x156: {  	s0 =	rddreg [dreg:$0x0];
	s2 =	stileid.u32  }
0x157: {  	s1 =	rddreg [dreg:$0x1];
	p0 =	sne.s32 s2, $0x0  }
0x158: {  	s3 =	rddreg [dreg:$0x2];
	[bflag:$0x3] =	sbarrier.arrive $0xFFFF;
	s2 =	simm.s32 @!p0 $0x1C01  }
0x159: {  	[timem:s3], [sflag:s2] =	dma.local @!p0 [hbm:s0], s1  }
0x15a: {  	s0 =	simm.s32 @!p0 $0x1  }
0x15b: {  	_ =	swait.ge @!p0 [sflag:s0], s1  }
0x15c: {  	s1 =	ssub.s32 @!p0 $0x0, s1;
	[sflag:s0] =	ssyncset.done @!p0 $0x0  }
0x15d: {  	[sflag:s0] =	ssyncadd.s32 @!p0 s1  }
0x15e: {  	[bflag:$0x3] =	sbarrier.arrive $0xFFFF  }
0x15f: {  	_ =	shalt  }

// kernel: kernel.19.cloned.1.call-start
scs
__scs_entry_jumppad:
0x0: {  	(pc) =	sbr.rel $0x88, $3  }
0x1: {  	(tag) =	ssettag $0x0;
	lr =	simm.s32 $0x1  }
0x2: {  	[smem:$0x3F8E] =	sst lr;
	_ =	strace $0xD0000000  }
0x3: {  	_ = 	snop  }
0x4: {  	_ = 	snop  }
0x5: {  	_ = 	snop  }
0x6: {  	_ = 	snop  }
0x7: {  	_ = 	snop  }
__scs_overlays_trampoline_lowered:
0x8: {  	[smem:$0x3F9D] =	sst s0  }
0x9: {  	[smem:$0x3F9E] =	sst s1  }
0xa: {  	[smem:$0x3F9F] =	sst s2  }
0xb: {  	[smem:$0x3FA0] =	sst s3  }
0xc: {  	[smem:$0x3FA1] =	sst s4  }
0xd: {  	[smem:$0x3FA2] =	sst s5  }
0xe: {  	[smem:$0x3FA3] =	sst s6  }
0xf: {  	[smem:$0x3FA4] =	sst s7  }
0x10: {  	[smem:$0x3FA5] =	sst s8  }
0x11: {  	[smem:$0x3FA6] =	sst s9;
	s0 =	simm.s32 @!p0 $0x0  }
0x12: {  	s1 =	sld [smem:$0x3F8C];
	s0 =	simm.s32 @p0 $0x1  }
0x13: {  	[smem:$0x3FA7] =	sst s0;
	s0 =	simm.s32 @!p1 $0x0  }
0x14: {  	s2 =	sld [smem:$0x3F8B];
	s0 =	simm.s32 @p1 $0x1  }
0x15: {  	[smem:$0x3FA8] =	sst s0;
	s0 =	simm.s32 @!p2 $0x0  }
0x16: {  	s3 =	sld [smem:$0x3FDB];
	s0 =	simm.s32 @p2 $0x1  }
0x17: {  	s4 =	simm.s32 $0x1BF5;
	[smem:$0x3FAA] =	sst s0  }
0x18: {  	s0 =	sld [smem:$0x3F8D];
	_ =	swait.ge [sflag:s4], $0x0  }
0x19: {  	s7 =	sld [smem:$0x3F8E]  }
0x1a: {  	s8 =	sadd.s32 $0xFFFFE003, lr  }
0x1b: {  	s9 =	sadd.s32 $0xFFFFFEF7, lr;
	s5 =	simm.s32 $0xFFFFFFFF;
	p2 =	slt.u32 s8, $0xFFFFF086  }
0x1c: {  	p1 =	slt.u32 s9, $0xF7A;
	s5 =	simm.s32 @!p2 $0x0  }
0x1d: {  	s5 =	simm.s32 @p1 $0x1;
	p0 =	seq.s32 s7, s2  }
0x1e: {  	s7 =	smul.u32 @!p0 $0xF7A, s2;
	p2 =	seq.s32 @!p0 s5, $0x0  }
0x1f: {  	s9 =	smul.u32 $0xF7A, s1;
	s8 =	simm.s32 @!p0 $0x1BF5;
	p2 =	por !p2, p0  }
0x20: {  	[sflag:s8] =	ssyncset.s32 @!p0 $0xFFFFF086;
	s6 =	sadd.s32 @!p0 s3, s7;
	s7 =	simm.s32 @!p0 $0x108  }
0x21: {  	s3 =	sadd.s32 s3, s9;
	s6 =	sadd.s32 @!p0 $0x88, s6;
	s7 =	simm.s32 @p2 $0x1082  }
0x22: {  	[simem:s7], [sflag:s8] =	dma.local @!p0 [hbm:s6], $0xF7A  }
0x23: {  	s9 =	sor.u32 $0xD0000000, s2;
	s6 =	simm.s32 $0x108;
	_ =	swait.ge @!p0 [sflag:s8], $0x0  }
0x24: {  	s3 =	sadd.s32 $0x88, s3;
	s6 =	simm.s32 @!p1 $0x1082;
	[sflag:s4] =	ssyncset.s32 $0xFFFFF086  }
0x25: {  	[simem:s6], [sflag:s4] =	dma.local [hbm:s3], $0xF7A  }
0x26: {  	[smem:$0x3F8E] =	sst s1;
	(tag) =	ssettag s2;
	_ =	strace s9  }
0x27: {  	s1 =	sld [smem:$0x3F9E]  }
0x28: {  	s2 =	sld [smem:$0x3F9F]  }
0x29: {  	s4 =	sld [smem:$0x3FA1]  }
0x2a: {  	p0 =	seq.s32 s5, $0x0;
	s5 =	sld [smem:$0x3FA2]  }
0x2b: {  	s6 =	sld [smem:$0x3FA3]  }
0x2c: {  	s7 =	sld [smem:$0x3FA4]  }
0x2d: {  	s3 =	simm.s32 $0x108;
	s8 =	sld [smem:$0x3FA5]  }
0x2e: {  	s3 =	simm.s32 @!p0 $0x1082;
	s9 =	sld [smem:$0x3FA6]  }
0x2f: {  	lr =	sadd.s32 s0, s3;
	s0 =	sld [smem:$0x3F9D]  }
0x30: {  	s3 =	sld [smem:$0x3FA0]  }
0x31: {  	[smem:$0x3FA9] =	sst s10  }
0x32: {  	s10 =	sld [smem:$0x3FA7];
	_ =	sdelay $0x3  }
0x33: {  	p0 =	seq.s32 s10, $0x1;
	s10 =	sld [smem:$0x3FA9];
	_ =	sdelay $0x3  }
0x34: {  	[smem:$0x3FA9] =	sst s10  }
0x35: {  	s10 =	sld [smem:$0x3FA8];
	_ =	sdelay $0x3  }
0x36: {  	p1 =	seq.s32 s10, $0x1;
	s10 =	sld [smem:$0x3FA9];
	_ =	sdelay $0x3  }
0x37: {  	[smem:$0x3FA9] =	sst s10  }
0x38: {  	s10 =	sld [smem:$0x3FAA]  }
0x39: {  	_ = 	snop;
	(pc) =	sbr.ind lr, $3  }
0x3a: {  	_ = 	snop  }
0x3b: {  	_ = 	snop  }
0x3c: {  	p2 =	seq.s32 s10, $0x1;
	s10 =	sld [smem:$0x3FA9]  }
0x3d: {  	_ =	shalt  }
0x3e: {  	_ =	shalt  }
0x3f: {  	_ =	shalt  }
0x40: {  	_ =	shalt  }
0x41: {  	_ =	shalt  }
0x42: {  	_ =	shalt  }
0x43: {  	_ =	shalt  }
0x44: {  	_ =	shalt  }
0x45: {  	_ =	shalt  }
0x46: {  	_ =	shalt  }
0x47: {  	_ =	shalt  }
0x48: {  	_ =	shalt  }
0x49: {  	_ =	shalt  }
0x4a: {  	_ =	shalt  }
0x4b: {  	_ =	shalt  }
0x4c: {  	_ =	shalt  }
0x4d: {  	_ =	shalt  }
0x4e: {  	_ =	shalt  }
0x4f: {  	_ =	shalt  }
0x50: {  	_ =	shalt  }
0x51: {  	_ =	shalt  }
0x52: {  	_ =	shalt  }
0x53: {  	_ =	shalt  }
0x54: {  	_ =	shalt  }
0x55: {  	_ =	shalt  }
0x56: {  	_ =	shalt  }
0x57: {  	_ =	shalt  }
0x58: {  	_ =	shalt  }
0x59: {  	_ =	shalt  }
0x5a: {  	_ =	shalt  }
0x5b: {  	_ =	shalt  }
0x5c: {  	_ =	shalt  }
0x5d: {  	_ =	shalt  }
0x5e: {  	_ =	shalt  }
0x5f: {  	_ =	shalt  }
0x60: {  	_ =	shalt  }
0x61: {  	_ =	shalt  }
0x62: {  	_ =	shalt  }
0x63: {  	_ =	shalt  }
0x64: {  	_ =	shalt  }
0x65: {  	_ =	shalt  }
0x66: {  	_ =	shalt  }
0x67: {  	_ =	shalt  }
0x68: {  	_ =	shalt  }
0x69: {  	_ =	shalt  }
0x6a: {  	_ =	shalt  }
0x6b: {  	_ =	shalt  }
0x6c: {  	_ =	shalt  }
0x6d: {  	_ =	shalt  }
0x6e: {  	_ =	shalt  }
0x6f: {  	_ =	shalt  }
0x70: {  	_ =	shalt  }
0x71: {  	_ =	shalt  }
0x72: {  	_ =	shalt  }
0x73: {  	_ =	shalt  }
0x74: {  	_ =	shalt  }
0x75: {  	_ =	shalt  }
0x76: {  	_ =	shalt  }
0x77: {  	_ =	shalt  }
0x78: {  	_ =	shalt  }
0x79: {  	_ =	shalt  }
0x7a: {  	_ =	shalt  }
0x7b: {  	_ =	shalt  }
0x7c: {  	_ =	shalt  }
0x7d: {  	_ =	shalt  }
0x7e: {  	_ =	shalt  }
0x7f: {  	_ =	shalt  }
0x80: {  	_ =	shalt  }
0x81: {  	_ =	shalt  }
0x82: {  	_ =	shalt  }
0x83: {  	_ =	shalt  }
0x84: {  	_ =	shalt  }
0x85: {  	_ =	shalt  }
0x86: {  	_ =	shalt  }
0x87: {  	_ =	shalt  }
.Lfunc_end0:
.L_simem_size_0:
called_computation.1_lowered:
.L_overlay_start_0:
0x88: {  	s2 =	sld [smem:$0x3FD9]  }
0x89: {  	s3 =	sld [smem:$0x3FFE];
	_ =	sdelay $0x1  }
0x8a: {  	s1 =	srdreg.scid  }
0x8b: {  	s0 =	sand.u32 $0x1, s1  }
0x8c: {  	s17 =	sshll.u32 s0, $0xA;
	s2 =	sadd.s32 s3, s2  }
0x8d: {  	s2 =	sadd.s32 s2, s17  }
0x8e: {  	[smem:$0x3FB5] =	sst s2  }
0x8f: {  	_ = 	snop  }
0x90: {  	(tm) =	ssettm $0x1  }
0x91: {  	s18 =	sld [smem:$0x3FFB];
	_ =	sdelay $0x3  }
0x92: {  	_ =	strace s18  }
0x93: {  	s2 =	sld [smem:$0x3FFC];
	_ =	sdelay $0x3  }
0x94: {  	_ =	strace s2  }
0x95: {  	s2 =	sld [smem:$0x3FFD];
	_ =	sdelay $0x3  }
0x96: {  	_ =	strace s2  }
0x97: {  	_ =	strace $0x8FFFFFFF  }
0x98: {  	s19 =	sld [smem:$0x3FDB];
	_ =	sdelay $0x1  }
0x99: {  	s20 =	simm.s32 $_scs_section_size  }
0x9a: {  	s4 =	simm.s32 $_size__tile_overlayer_lowered;
	s5 =	simm.s32 $_tile_overlayer_lowered  }
0x9b: {  	s6 =	simm.s32 $0x1BFF;
	s21 =	sshll.u32 s5, $0x1;
	s3 =	sadd.s32 s20, s19  }
0x9c: {  	s22 =	simm.s32 $0x0;
	s4 =	sshll.u32 s4, $0x1;
	s5 =	sadd.s32 s21, s3  }
0x9d: {  	[timem:s22], [sflag:s6] =	dma.local [hbm:s5], s4  }
0x9e: {  	_ =	swait.ge [sflag:s6], s4  }
0x9f: {  	s4 =	ssub.s32 $0x0, s4;
	[sflag:s6] =	ssyncset.done $0x0  }
0xa0: {  	[sflag:s6] =	ssyncadd.s32 s4;
	_ =	sdelay $0x1  }
0xa1: {  	s23 =	simm.s32 $0x1B8B  }
0xa2: {  	_ =	swait.ge [sflag:s23], $0x1  }
0xa3: {  	[sflag:s23] =	ssyncset.done $0x0  }
0xa4: {  	[sflag:s23] =	ssyncadd.s32 $0xFFFFFFFF  }
0xa5: {  	s4 =	sld [smem:$0x0]  }
0xa6: {  	s5 =	sand.u32 $0xFFFFFFFE, s1  }
0xa7: {  	p0 =	sne.s32 s1, s5  }
0xa8: {  	s5 =	sshll.u32 @p0 s5, $0xE  }
0xa9: {  	s5 =	sadd.s32 @p0 $0x11B8D, s5;
	s6 =	sshll.u32 @p0 s4, $0x11  }
0xaa: {  	s5 =	sor.u32 @p0 s6, s5  }
0xab: {  	[sflag:s5] =	ssyncadd.remote.s32 @p0 $0x1;
	_ =	sdelay $0x1  }
0xac: {  	s5 =	simm.s32 @p0 $0x1B8D  }
0xad: {  	_ =	swait.eq @p0 [sflag:s5], $0x1  }
0xae: {  	[sflag:s5] =	ssyncadd.s32 @p0 $0xFFFFFFFF  }
0xaf: {  	s6 =	sshll.u32 @!p0 s1, $0xE  }
0xb0: {  	s6 =	sor.u32 @!p0 $0x4000, s6;
	s5 =	simm.s32 @!p0 $0x1B8D  }
0xb1: {  	s4 =	sshll.u32 @!p0 s4, $0x11;
	s6 =	sadd.s32 @!p0 $0x11B8D, s6;
	_ =	swait.eq @!p0 [sflag:s5], $0x1  }
0xb2: {  	s4 =	sor.u32 @!p0 s4, s6;
	[sflag:s5] =	ssyncadd.s32 @!p0 $0xFFFFFFFF  }
0xb3: {  	s25 =	simm.s32 $0x1B8E;
	s24 =	sld [smem:$0x3FFE];
	[sflag:s4] =	ssyncadd.remote.s32 @!p0 $0x1  }
0xb4: {  	s26 =	simm.s32 $execute0_lowered;
	[smem:$0x3FD2] =	sst s25  }
0xb5: {  	s5 =	sshll.u32 s26, $0x1;
	_ =	strace $0x80000049;
	[dreg:$0x1] =	wrdreg $0xFFFFFFFF  }
0xb6: {  	s28 =	simm.s32 $_size_execute0_lowered;
	s3 =	sadd.s32 s3, s5;
	[dreg:$0x0] =	wrdreg $0x0  }
0xb7: {  	s5 =	sshll.u32 s28, $0x1;
	[dreg:$0x2] =	wrdreg s3  }
0xb8: {  	[dreg:$0x3] =	wrdreg s5  }
0xb9: {  	[dreg:$0x4] =	wrdreg $0xC0  }
0xba: {  	_ =	task [dreg:s22], $0x5FFFF  }
0xbb: {  	[dreg:$0x1] =	wrdreg $0xFFFFFFFF  }
0xbc: {  	[dreg:$0x0] =	wrdreg $0x60  }
0xbd: {  	[dreg:$0x2] =	wrdreg s24  }
0xbe: {  	[dreg:$0x3] =	wrdreg $0xA  }
0xbf: {  	_ =	task.clear_ibuf [dreg:s22], $0x4FFFF;
	_ =	strace $0x90000049  }
0xc0: {  	s29 =	simm.s32 $0xA;
	_ =	strace $0x8000004B  }
0xc1: {  	_ =	swait.ge [sflag:s29], $0x1  }
0xc2: {  	[sflag:s29] =	ssyncadd.s32 $0xFFFFFFFF  }
0xc3: {  	_ =	strace $0x9000004B  }
0xc4: {  	_ =	sfence  }
0xc5: {  	s30 =	sld [smem:$0x0];
	_ =	sdelay $0x2  }
0xc6: {  	s31 =	sshll.u32 s1, $0xD;
	s1 =	sshrl.u32 s1, $0x2  }
0xc7: {  	s4 =	sand.u32 $0x4000, s31;
	s1 =	sadd.s32 s1, s30  }
0xc8: {  	s0 =	sor.u32 s4, s0;
	s1 =	sshll.u32 s1, $0x11  }
0xc9: {  	s0 =	sor.u32 s1, s0  }
0xca: {  	s0 =	sadd.s32 $0x8F2B, s0  }
0xcb: {  	[sflag:s0] =	ssyncadd.remote.s32 $0x1  }
0xcc: {  	_ =	sfence.sel $0xFFFF  }
0xcd: {  	[dreg:$0x0] =	wrdreg $0xFFFFFFFF;
	(pc) =	sbr.abs _section_cstart, $3  }
0xce: {  	[dreg:$0x1] =	wrdreg $0xFFFFFFFF  }
0xcf: {  	_ =	task.clear_ibuf [dreg:s22], $0x2FFFF;
	_ =	strace $0x9FFFFFFF  }
0xd0: {  	(tm) =	ssettm $0x7FFFFFFF  }
0xd1: {  	_ =	shalt  }
tec
execute0_lowered:
.L_overlay_start_1:
0x0: {  	(tag) =	ssettag $0x1  }
0x1: {  	s5 =	rddreg [dreg:$0x0]  }
0x2: {  	s0 =	rddreg [dreg:$0x1];
	s2 =	simm.s32 $0x0;
	s4 =	srdreg.scid  }
0x3: {  	s1 =	stileid.u32;
	s10 =	simm.s32 $0x1000;
	s11 =	simm.s32 $0x6  }
0x4: {  	s12 =	simm.s32 $0x1400;
	s13 =	simm.s32 $0x2800;
	s14 =	simm.s32 $0x6800  }
0x5: {  	s15 =	simm.s32 $0xA800;
	s16 =	simm.s32 $0xE800;
	s17 =	simm.s32 $0x1  }
0x6: {  	s18 =	simm.s32 $0x2;
	s19 =	simm.s32 $0x3;
	s20 =	simm.s32 $0x4  }
0x7: {  	s21 =	simm.s32 $0x5;
	s22 =	simm.s32 $0x0;
	[smem:$0x7FF] =	sst s2  }
0x8: {  	s3 =	sadd.s32 $0x37800, s5;
	s6 =	sand.u32 $0x1, s4;
	s7 =	sshll.u32 s1, $0x1  }
0x9: {  	s4 =	sadd.s32 $0x5EA00, s5;
	_ =	strace $0x8000004A;
	s7 =	sor.u32 s6, s7  }
0xa: {  	s6 =	ssub.s32 $0x2, s6;
	s8 =	sshll.u32 s7, $0x4;
	s7 =	sshll.u32 s7, $0xB  }
0xb: {  	s9 =	sshrl.u32 s6, $0x1;
	s8 =	sadd.s32 s8, s5;
	s7 =	sadd.s32 s7, s5  }
0xc: {  	s9 =	ssub.s32 s6, s9;
	s5 =	sadd.s32 $0x28A00, s8;
	s6 =	sadd.s32 $0x9400, s8  }
0xd: {  	s7 =	sadd.s32 $0xACE00, s7;
	s8 =	smax.u32 s9, $0x1;
	s9 =	simm.s32 $0x80  }
.LBB2_1:
0xe: {  	[tilespmem:s2], [sflag:$0x6] =	stream.strided.gather [hbm4b:s5+s9], $0x1400, s10, s9, $0x38;
	[tilespmem:$0x12800] =	vst v63  }
0xf: {  	_ =	swait.ge [sflag:s11], $0x1400  }
0x10: {  	[sflag:s11] =	ssyncset.done $0x0  }
0x11: {  	[sflag:s11] =	ssyncadd.s32 $0xFFFFEC00  }
0x12: {  	[tilespmem:s12], [sflag:$0x6] =	stream.strided.gather [hbm4b:s6+s9], $0x1400, s10, s9, $0x38;
	[tilespmem:$0x12800] =	vst v63  }
0x13: {  	_ =	swait.ge [sflag:s11], $0x1400  }
0x14: {  	[sflag:s11] =	ssyncset.done $0x0  }
0x15: {  	[sflag:s11] =	ssyncadd.s32 $0xFFFFEC00  }
0x16: {  	[tilespmem:s13], [sflag:$0x1] =	stream.indirect.gather [hbm4b:s3+s9], $0x80, s2, s9, $0xb8;
	[tilespmem:$0x12800] =	vst v63  }
0x17: {  	s23 =	simm.s32 $0x0  }
0x18: {  	[tilespmem:s14], [sflag:$0x2] =	stream.indirect.gather [hbm4b:s4+s9], $0x80, s12, s9, $0xb8;
	[tilespmem:$0x12800] =	vst v63  }
.LBB2_2:
0x19: {  	p0 =	seq.s32 s23, $0x0  }
0x1a: {  	s25 =	simm.s32 @!p0 $0x5  }
0x1b: {  	_ =	swait.ge @!p0 [sflag:s25], $0x4000  }
0x1c: {  	s24 =	sshllo.u32 s23, $0x1;
	[sflag:s25] =	ssyncset.done @!p0 $0x0  }
0x1d: {  	s31 =	sshll.u32 s24, $0x7;
	[sflag:s25] =	ssyncadd.s32 @!p0 $0xFFFFC000  }
0x1e: {  	[tilespmem:s15], [sflag:$0x3] =	stream.indirect.gather [hbm4b:s3+s9], $0x80, s31, s9, $0xb8;
	[tilespmem:$0x12800] =	vst v63  }
0x1f: {  	s25 =	sadd.s32 $0x1400, s31  }
0x20: {  	[tilespmem:s16], [sflag:$0x4] =	stream.indirect.gather [hbm4b:s4+s9], $0x80, s25, s9, $0xb8;
	[tilespmem:$0x12800] =	vst v63  }
0x21: {  	_ =	swait.ge [sflag:s17], $0x4000  }
0x22: {  	[sflag:s17] =	ssyncset.done $0x0  }
0x23: {  	[sflag:s17] =	ssyncadd.s32 $0xFFFFC000  }
0x24: {  	_ =	swait.ge [sflag:s18], $0x4000  }
0x25: {  	[sflag:s18] =	ssyncset.done $0x0  }
0x26: {  	s25 =	simm.s32 $0x0;
	[sflag:s18] =	ssyncadd.s32 $0xFFFFC000  }
0x27: {  	v7 =	vld [tilespmem:s25+$0x6800]  }
0x28: {  	v11 =	vld [tilespmem:s25+$0x6810]  }
0x29: {  	v5 =	vld [tilespmem:s25+$0x6820]  }
0x2a: {  	v4 =	vld [tilespmem:s25+$0x6830]  }
0x2b: {  	v3 =	vld [tilespmem:s25+$0x6840]  }
0x2c: {  	v2 =	vld [tilespmem:s25+$0x6850]  }
0x2d: {  	v1 =	vld [tilespmem:s25+$0x6860]  }
0x2e: {  	v0 =	vld [tilespmem:s25+$0x6870]  }
0x2f: {  	v12 =	vld [tilespmem:s25+$0x2800]  }
0x30: {  	v13 =	vld [tilespmem:s25+$0x2810]  }
0x31: {  	v10 =	vld [tilespmem:s25+$0x2820]  }
0x32: {  	v9 =	vld [tilespmem:s25+$0x2830]  }
0x33: {  	v8 =	vld [tilespmem:s25+$0x2840]  }
0x34: {  	v6 =	vld [tilespmem:s25+$0x2850];
	v12 =	vadd.f32 v7, v12  }
0x35: {  	s26 =	simm.s32 $0x200;
	v11 =	vadd.f32 v11, v13;
	v7 =	vld [tilespmem:s25+$0x2860]  }
.LBB2_3:
0x36: {  	s28 =	sshra.s32 s26, $0x2;
	p0 =	sne.s32 s26, $0xFE00;
	[tilespmem:s25+$0x2800] =	vst v12;
	v5 =	vadd.f32 v5, v10;
	v10 =	vld [tilespmem:s25+$0x2870]  }
0x37: {  	v12 =	vld [tilespmem:s28+$0x6800];
	[tilespmem:s25+$0x2810] =	vst v11;
	v4 =	vadd.f32 v4, v9  }
0x38: {  	v11 =	vld [tilespmem:s28+$0x6810];
	[tilespmem:s25+$0x2820] =	vst v5;
	v3 =	vadd.f32 v3, v8  }
0x39: {  	v5 =	vld [tilespmem:s28+$0x6820];
	[tilespmem:s25+$0x2830] =	vst v4;
	v2 =	vadd.f32 v2, v6  }
0x3a: {  	v4 =	vld [tilespmem:s28+$0x6830];
	[tilespmem:s25+$0x2840] =	vst v3;
	v1 =	vadd.f32 v1, v7  }
0x3b: {  	v3 =	vld [tilespmem:s28+$0x6840];
	[tilespmem:s25+$0x2850] =	vst v2;
	v0 =	vadd.f32 v0, v10  }
0x3c: {  	v2 =	vld [tilespmem:s28+$0x6850];
	[tilespmem:s25+$0x2860] =	vst v1  }
0x3d: {  	v1 =	vld [tilespmem:s28+$0x6860];
	[tilespmem:s25+$0x2870] =	vst v0;
	s25 =	smov.u32 s28  }
0x3e: {  	v0 =	vld [tilespmem:s25+$0x6870]  }
0x3f: {  	v6 =	vld [tilespmem:s25+$0x2800]  }
0x40: {  	v7 =	vld [tilespmem:s25+$0x2810]  }
.Ltmp0:
0x41: {  	v10 =	vld [tilespmem:s25+$0x2820];
	(pc) =	sbr.rel @p0 .LBB2_3-.Ltmp0, $4  }
0x42: {  	v9 =	vld [tilespmem:s25+$0x2830]  }
0x43: {  	v8 =	vld [tilespmem:s25+$0x2840]  }
0x44: {  	v12 =	vadd.f32 v12, v6;
	v6 =	vld [tilespmem:s25+$0x2850]  }
0x45: {  	s26 =	sadd.s32 $0x200, s26;
	v11 =	vadd.f32 v11, v7;
	v7 =	vld [tilespmem:s25+$0x2860]  }
0x46: {  	[tilespmem:s25+$0x2800] =	vst v12;
	v5 =	vadd.f32 v5, v10;
	v10 =	vld [tilespmem:s25+$0x2870]  }
0x47: {  	[tilespmem:s25+$0x2810] =	vst v11;
	v4 =	vadd.f32 v4, v9  }
0x48: {  	[tilespmem:s25+$0x2820] =	vst v5;
	v3 =	vadd.f32 v3, v8  }
0x49: {  	[tilespmem:s25+$0x2830] =	vst v4;
	v2 =	vadd.f32 v2, v6  }
0x4a: {  	[tilespmem:s25+$0x2840] =	vst v3;
	v1 =	vadd.f32 v1, v7  }
0x4b: {  	[tilespmem:s25+$0x2850] =	vst v2;
	v0 =	vadd.f32 v0, v10  }
0x4c: {  	s26 =	sshll.u32 s23, $0x11;
	p0 =	seq.s32 s23, $0x13;
	[tilespmem:s25+$0x2860] =	vst v1  }
0x4d: {  	s31 =	sadd.s32 s26, s7;
	[tilespmem:s25+$0x2870] =	vst v0;
	s25 =	simm.s32 @!p0 $0x5  }
0x4e: {  	[hbm4b:s31+s2] =	stream.linear.scatter [tilespmem:s13], [sflag:$0x5], $0x4000, $0x38;
	[tilespmem:$0x12800] =	vst v63  }
0x4f: {  	_ =	swait.ge @!p0 [sflag:s25], $0x4000  }
0x50: {  	[sflag:s25] =	ssyncset.done @!p0 $0x0  }
0x51: {  	[sflag:s25] =	ssyncadd.s32 @!p0 $0xFFFFC000;
	s25 =	sshll.u32 @!p0 s23, $0x8  }
0x52: {  	s28 =	simm.s32 @!p0 $0x80;
	s29 =	simm.s32 @!p0 $0x2800;
	s26 =	sadd.s32 @!p0 $0x100, s25  }
0x53: {  	[tilespmem:s29], [sflag:$0x1] =	stream.indirect.gather @!p0 [hbm4b:s3+s28], $0x80, s26, s28, $0xb8;
	[tilespmem:$0x12800] =	vst v63  }
0x54: {  	s25 =	sadd.s32 @!p0 $0x1500, s25;
	s26 =	simm.s32 @!p0 $0x6800  }
0x55: {  	[tilespmem:s26], [sflag:$0x2] =	stream.indirect.gather @!p0 [hbm4b:s4+s28], $0x80, s25, s28, $0xb8;
	[tilespmem:$0x12800] =	vst v63  }
0x56: {  	_ =	swait.ge [sflag:s19], $0x4000  }
0x57: {  	[sflag:s19] =	ssyncset.done $0x0  }
0x58: {  	[sflag:s19] =	ssyncadd.s32 $0xFFFFC000  }
0x59: {  	_ =	swait.ge [sflag:s20], $0x4000  }
0x5a: {  	[sflag:s20] =	ssyncset.done $0x0  }
0x5b: {  	s25 =	simm.s32 $0x0;
	[sflag:s20] =	ssyncadd.s32 $0xFFFFC000  }
0x5c: {  	v7 =	vld [tilespmem:s25+$0xE800]  }
0x5d: {  	v11 =	vld [tilespmem:s25+$0xE810]  }
0x5e: {  	v5 =	vld [tilespmem:s25+$0xE820]  }
0x5f: {  	v4 =	vld [tilespmem:s25+$0xE830]  }
0x60: {  	v3 =	vld [tilespmem:s25+$0xE840]  }
0x61: {  	v2 =	vld [tilespmem:s25+$0xE850]  }
0x62: {  	v1 =	vld [tilespmem:s25+$0xE860]  }
0x63: {  	v0 =	vld [tilespmem:s25+$0xE870]  }
0x64: {  	v12 =	vld [tilespmem:s25+$0xA800]  }
0x65: {  	v13 =	vld [tilespmem:s25+$0xA810]  }
0x66: {  	v10 =	vld [tilespmem:s25+$0xA820]  }
0x67: {  	v9 =	vld [tilespmem:s25+$0xA830]  }
0x68: {  	v8 =	vld [tilespmem:s25+$0xA840]  }
0x69: {  	v6 =	vld [tilespmem:s25+$0xA850];
	v12 =	vadd.f32 v7, v12  }
0x6a: {  	s26 =	simm.s32 $0x200;
	v11 =	vadd.f32 v11, v13;
	v7 =	vld [tilespmem:s25+$0xA860]  }
.LBB2_5:
0x6b: {  	s28 =	sshra.s32 s26, $0x2;
	p0 =	sne.s32 s26, $0xFE00;
	[tilespmem:s25+$0xA800] =	vst v12;
	v5 =	vadd.f32 v5, v10;
	v10 =	vld [tilespmem:s25+$0xA870]  }
0x6c: {  	v12 =	vld [tilespmem:s28+$0xE800];
	[tilespmem:s25+$0xA810] =	vst v11;
	v4 =	vadd.f32 v4, v9  }
0x6d: {  	v11 =	vld [tilespmem:s28+$0xE810];
	[tilespmem:s25+$0xA820] =	vst v5;
	v3 =	vadd.f32 v3, v8  }
0x6e: {  	v5 =	vld [tilespmem:s28+$0xE820];
	[tilespmem:s25+$0xA830] =	vst v4;
	v2 =	vadd.f32 v2, v6  }
0x6f: {  	v4 =	vld [tilespmem:s28+$0xE830];
	[tilespmem:s25+$0xA840] =	vst v3;
	v1 =	vadd.f32 v1, v7  }
0x70: {  	v3 =	vld [tilespmem:s28+$0xE840];
	[tilespmem:s25+$0xA850] =	vst v2;
	v0 =	vadd.f32 v0, v10  }
0x71: {  	v2 =	vld [tilespmem:s28+$0xE850];
	[tilespmem:s25+$0xA860] =	vst v1  }
0x72: {  	v1 =	vld [tilespmem:s28+$0xE860];
	[tilespmem:s25+$0xA870] =	vst v0;
	s25 =	smov.u32 s28  }
0x73: {  	v0 =	vld [tilespmem:s25+$0xE870]  }
0x74: {  	v6 =	vld [tilespmem:s25+$0xA800]  }
0x75: {  	v7 =	vld [tilespmem:s25+$0xA810]  }
.Ltmp1:
0x76: {  	v10 =	vld [tilespmem:s25+$0xA820];
	(pc) =	sbr.rel @p0 .LBB2_5-.Ltmp1, $4  }
0x77: {  	v9 =	vld [tilespmem:s25+$0xA830]  }
0x78: {  	v8 =	vld [tilespmem:s25+$0xA840]  }
0x79: {  	v12 =	vadd.f32 v12, v6;
	v6 =	vld [tilespmem:s25+$0xA850]  }
0x7a: {  	s26 =	sadd.s32 $0x200, s26;
	v11 =	vadd.f32 v11, v7;
	v7 =	vld [tilespmem:s25+$0xA860]  }
0x7b: {  	[tilespmem:s25+$0xA800] =	vst v12;
	v5 =	vadd.f32 v5, v10;
	v63 =	vld [tilespmem:s25+$0xA870]  }
0x7c: {  	[tilespmem:s25+$0xA810] =	vst v11;
	v4 =	vadd.f32 v4, v9  }
0x7d: {  	s23 =	sadd.s32 $0x1, s23;
	[tilespmem:s25+$0xA820] =	vst v5;
	v3 =	vadd.f32 v3, v8  }
0x7e: {  	p0 =	sne.s32 s23, $0x14;
	[tilespmem:s25+$0xA830] =	vst v4;
	v2 =	vadd.f32 v2, v6  }
.Ltmp2:
0x7f: {  	[tilespmem:s25+$0xA840] =	vst v3;
	v1 =	vadd.f32 v1, v7;
	(pc) =	sbr.rel @p0 .LBB2_2-.Ltmp2, $4  }
0x80: {  	[tilespmem:s25+$0xA850] =	vst v2;
	v0 =	vadd.f32 v0, v63  }
0x81: {  	s24 =	sshll.u32 s24, $0x10;
	[tilespmem:s25+$0xA860] =	vst v1  }
0x82: {  	s24 =	sadd.s32 s24, s7;
	[tilespmem:s25+$0xA870] =	vst v0  }
0x83: {  	[hbm4b:s24+s2] =	stream.linear.scatter [tilespmem:s15], [sflag:$0x5], $0x4000, $0x38;
	[tilespmem:$0x12800] =	vst v63  }
0x84: {  	s22 =	sadd.s32 $0x1, s22  }
0x85: {  	_ =	swait.ge [sflag:s21], $0x4000;
	p0 =	sne.s32 s22, s8  }
.Ltmp3:
0x86: {  	[sflag:s21] =	ssyncset.done $0x0;
	(pc) =	sbr.rel @p0 .LBB2_1-.Ltmp3, $4  }
0x87: {  	[sflag:s21] =	ssyncadd.s32 $0xFFFFC000  }
0x88: {  	_ =	swait.ge [sflag:s21], $0x4000  }
0x89: {  	[sflag:s21] =	ssyncset.done $0x0  }
0x8a: {  	[sflag:s21] =	ssyncadd.s32 $0xFFFFC000  }
0x8b: {  	_ =	sfence.sel $0x180000  }
0x8c: {  	[bflag:$0x0] =	sbarrier.arrive $0xFFFF  }
0x8d: {  	p0 =	sne.s32 s1, $0x0;
	_ =	strace $0x9000004A  }
0x8e: {  	s0 =	sadd.s32 @!p0 $0x100000, s0;
	[bflag:$0x2] =	sbarrier.arrive $0xFFFF  }
0x8f: {  	[sflag:s0] =	ssyncadd.tile.s32 @!p0 $0x1;
	_ =	shalt  }
.Lfunc_end2:
_tile_overlayer_lowered:
.L_overlay_start_2:
0x90: {  	(tag) =	ssettag $0x2  }
0x91: {  	s0 =	rddreg [dreg:$0x0];
	s2 =	stileid.u32  }
0x92: {  	s1 =	rddreg [dreg:$0x1];
	p0 =	sne.s32 s2, $0x0  }
0x93: {  	s3 =	rddreg [dreg:$0x2];
	[bflag:$0x3] =	sbarrier.arrive $0xFFFF;
	s2 =	simm.s32 @!p0 $0x1C06  }
0x94: {  	[timem:s3], [sflag:s2] =	dma.local @!p0 [hbm:s0], s1  }
0x95: {  	s0 =	simm.s32 @!p0 $0x6  }
0x96: {  	_ =	swait.ge @!p0 [sflag:s0], s1  }
0x97: {  	s1 =	ssub.s32 @!p0 $0x0, s1;
	[sflag:s0] =	ssyncset.done @!p0 $0x0  }
0x98: {  	[sflag:s0] =	ssyncadd.s32 @!p0 s1  }
0x99: {  	[bflag:$0x3] =	sbarrier.arrive $0xFFFF  }
0x9a: {  	_ =	shalt  }

// kernel: kernel.22.cloned.1.call-start
scs
__scs_entry_jumppad:
0x0: {  	(pc) =	sbr.rel $0x88, $3  }
0x1: {  	(tag) =	ssettag $0x0;
	lr =	simm.s32 $0x1  }
0x2: {  	[smem:$0x3F8E] =	sst lr;
	_ =	strace $0xD0000000  }
0x3: {  	_ = 	snop  }
0x4: {  	_ = 	snop  }
0x5: {  	_ = 	snop  }
0x6: {  	_ = 	snop  }
0x7: {  	_ = 	snop  }
__scs_overlays_trampoline_lowered:
0x8: {  	[smem:$0x3F9D] =	sst s0  }
0x9: {  	[smem:$0x3F9E] =	sst s1  }
0xa: {  	[smem:$0x3F9F] =	sst s2  }
0xb: {  	[smem:$0x3FA0] =	sst s3  }
0xc: {  	[smem:$0x3FA1] =	sst s4  }
0xd: {  	[smem:$0x3FA2] =	sst s5  }
0xe: {  	[smem:$0x3FA3] =	sst s6  }
0xf: {  	[smem:$0x3FA4] =	sst s7  }
0x10: {  	[smem:$0x3FA5] =	sst s8  }
0x11: {  	[smem:$0x3FA6] =	sst s9;
	s0 =	simm.s32 @!p0 $0x0  }
0x12: {  	s1 =	sld [smem:$0x3F8C];
	s0 =	simm.s32 @p0 $0x1  }
0x13: {  	[smem:$0x3FA7] =	sst s0;
	s0 =	simm.s32 @!p1 $0x0  }
0x14: {  	s2 =	sld [smem:$0x3F8B];
	s0 =	simm.s32 @p1 $0x1  }
0x15: {  	[smem:$0x3FA8] =	sst s0;
	s0 =	simm.s32 @!p2 $0x0  }
0x16: {  	s3 =	sld [smem:$0x3FDB];
	s0 =	simm.s32 @p2 $0x1  }
0x17: {  	s4 =	simm.s32 $0x1BF5;
	[smem:$0x3FAA] =	sst s0  }
0x18: {  	s0 =	sld [smem:$0x3F8D];
	_ =	swait.ge [sflag:s4], $0x0  }
0x19: {  	s7 =	sld [smem:$0x3F8E]  }
0x1a: {  	s8 =	sadd.s32 $0xFFFFE003, lr  }
0x1b: {  	s9 =	sadd.s32 $0xFFFFFEF7, lr;
	s5 =	simm.s32 $0xFFFFFFFF;
	p2 =	slt.u32 s8, $0xFFFFF086  }
0x1c: {  	p1 =	slt.u32 s9, $0xF7A;
	s5 =	simm.s32 @!p2 $0x0  }
0x1d: {  	s5 =	simm.s32 @p1 $0x1;
	p0 =	seq.s32 s7, s2  }
0x1e: {  	s7 =	smul.u32 @!p0 $0xF7A, s2;
	p2 =	seq.s32 @!p0 s5, $0x0  }
0x1f: {  	s9 =	smul.u32 $0xF7A, s1;
	s8 =	simm.s32 @!p0 $0x1BF5;
	p2 =	por !p2, p0  }
0x20: {  	[sflag:s8] =	ssyncset.s32 @!p0 $0xFFFFF086;
	s6 =	sadd.s32 @!p0 s3, s7;
	s7 =	simm.s32 @!p0 $0x108  }
0x21: {  	s3 =	sadd.s32 s3, s9;
	s6 =	sadd.s32 @!p0 $0x88, s6;
	s7 =	simm.s32 @p2 $0x1082  }
0x22: {  	[simem:s7], [sflag:s8] =	dma.local @!p0 [hbm:s6], $0xF7A  }
0x23: {  	s9 =	sor.u32 $0xD0000000, s2;
	s6 =	simm.s32 $0x108;
	_ =	swait.ge @!p0 [sflag:s8], $0x0  }
0x24: {  	s3 =	sadd.s32 $0x88, s3;
	s6 =	simm.s32 @!p1 $0x1082;
	[sflag:s4] =	ssyncset.s32 $0xFFFFF086  }
0x25: {  	[simem:s6], [sflag:s4] =	dma.local [hbm:s3], $0xF7A  }
0x26: {  	[smem:$0x3F8E] =	sst s1;
	(tag) =	ssettag s2;
	_ =	strace s9  }
0x27: {  	s1 =	sld [smem:$0x3F9E]  }
0x28: {  	s2 =	sld [smem:$0x3F9F]  }
0x29: {  	s4 =	sld [smem:$0x3FA1]  }
0x2a: {  	p0 =	seq.s32 s5, $0x0;
	s5 =	sld [smem:$0x3FA2]  }
0x2b: {  	s6 =	sld [smem:$0x3FA3]  }
0x2c: {  	s7 =	sld [smem:$0x3FA4]  }
0x2d: {  	s3 =	simm.s32 $0x108;
	s8 =	sld [smem:$0x3FA5]  }
0x2e: {  	s3 =	simm.s32 @!p0 $0x1082;
	s9 =	sld [smem:$0x3FA6]  }
0x2f: {  	lr =	sadd.s32 s0, s3;
	s0 =	sld [smem:$0x3F9D]  }
0x30: {  	s3 =	sld [smem:$0x3FA0]  }
0x31: {  	[smem:$0x3FA9] =	sst s10  }
0x32: {  	s10 =	sld [smem:$0x3FA7];
	_ =	sdelay $0x3  }
0x33: {  	p0 =	seq.s32 s10, $0x1;
	s10 =	sld [smem:$0x3FA9];
	_ =	sdelay $0x3  }
0x34: {  	[smem:$0x3FA9] =	sst s10  }
0x35: {  	s10 =	sld [smem:$0x3FA8];
	_ =	sdelay $0x3  }
0x36: {  	p1 =	seq.s32 s10, $0x1;
	s10 =	sld [smem:$0x3FA9];
	_ =	sdelay $0x3  }
0x37: {  	[smem:$0x3FA9] =	sst s10  }
0x38: {  	s10 =	sld [smem:$0x3FAA]  }
0x39: {  	_ = 	snop;
	(pc) =	sbr.ind lr, $3  }
0x3a: {  	_ = 	snop  }
0x3b: {  	_ = 	snop  }
0x3c: {  	p2 =	seq.s32 s10, $0x1;
	s10 =	sld [smem:$0x3FA9]  }
0x3d: {  	_ =	shalt  }
0x3e: {  	_ =	shalt  }
0x3f: {  	_ =	shalt  }
0x40: {  	_ =	shalt  }
0x41: {  	_ =	shalt  }
0x42: {  	_ =	shalt  }
0x43: {  	_ =	shalt  }
0x44: {  	_ =	shalt  }
0x45: {  	_ =	shalt  }
0x46: {  	_ =	shalt  }
0x47: {  	_ =	shalt  }
0x48: {  	_ =	shalt  }
0x49: {  	_ =	shalt  }
0x4a: {  	_ =	shalt  }
0x4b: {  	_ =	shalt  }
0x4c: {  	_ =	shalt  }
0x4d: {  	_ =	shalt  }
0x4e: {  	_ =	shalt  }
0x4f: {  	_ =	shalt  }
0x50: {  	_ =	shalt  }
0x51: {  	_ =	shalt  }
0x52: {  	_ =	shalt  }
0x53: {  	_ =	shalt  }
0x54: {  	_ =	shalt  }
0x55: {  	_ =	shalt  }
0x56: {  	_ =	shalt  }
0x57: {  	_ =	shalt  }
0x58: {  	_ =	shalt  }
0x59: {  	_ =	shalt  }
0x5a: {  	_ =	shalt  }
0x5b: {  	_ =	shalt  }
0x5c: {  	_ =	shalt  }
0x5d: {  	_ =	shalt  }
0x5e: {  	_ =	shalt  }
0x5f: {  	_ =	shalt  }
0x60: {  	_ =	shalt  }
0x61: {  	_ =	shalt  }
0x62: {  	_ =	shalt  }
0x63: {  	_ =	shalt  }
0x64: {  	_ =	shalt  }
0x65: {  	_ =	shalt  }
0x66: {  	_ =	shalt  }
0x67: {  	_ =	shalt  }
0x68: {  	_ =	shalt  }
0x69: {  	_ =	shalt  }
0x6a: {  	_ =	shalt  }
0x6b: {  	_ =	shalt  }
0x6c: {  	_ =	shalt  }
0x6d: {  	_ =	shalt  }
0x6e: {  	_ =	shalt  }
0x6f: {  	_ =	shalt  }
0x70: {  	_ =	shalt  }
0x71: {  	_ =	shalt  }
0x72: {  	_ =	shalt  }
0x73: {  	_ =	shalt  }
0x74: {  	_ =	shalt  }
0x75: {  	_ =	shalt  }
0x76: {  	_ =	shalt  }
0x77: {  	_ =	shalt  }
0x78: {  	_ =	shalt  }
0x79: {  	_ =	shalt  }
0x7a: {  	_ =	shalt  }
0x7b: {  	_ =	shalt  }
0x7c: {  	_ =	shalt  }
0x7d: {  	_ =	shalt  }
0x7e: {  	_ =	shalt  }
0x7f: {  	_ =	shalt  }
0x80: {  	_ =	shalt  }
0x81: {  	_ =	shalt  }
0x82: {  	_ =	shalt  }
0x83: {  	_ =	shalt  }
0x84: {  	_ =	shalt  }
0x85: {  	_ =	shalt  }
0x86: {  	_ =	shalt  }
0x87: {  	_ =	shalt  }
.Lfunc_end0:
.L_simem_size_0:
called_computation.2_lowered:
.L_overlay_start_0:
0x88: {  	s2 =	sld [smem:$0x3FD9]  }
0x89: {  	s3 =	sld [smem:$0x3FFE];
	_ =	sdelay $0x1  }
0x8a: {  	s1 =	srdreg.scid  }
0x8b: {  	s0 =	sand.u32 $0x1, s1  }
0x8c: {  	s16 =	sshll.u32 s0, $0xA;
	s2 =	sadd.s32 s3, s2  }
0x8d: {  	s2 =	sadd.s32 s2, s16  }
0x8e: {  	[smem:$0x3FB5] =	sst s2  }
0x8f: {  	_ = 	snop  }
0x90: {  	(tm) =	ssettm $0x1  }
0x91: {  	s17 =	sld [smem:$0x3FFB];
	_ =	sdelay $0x3  }
0x92: {  	_ =	strace s17  }
0x93: {  	s2 =	sld [smem:$0x3FFC];
	_ =	sdelay $0x3  }
0x94: {  	_ =	strace s2  }
0x95: {  	s2 =	sld [smem:$0x3FFD];
	_ =	sdelay $0x3  }
0x96: {  	_ =	strace s2  }
0x97: {  	_ =	strace $0x8FFFFFFF  }
0x98: {  	s18 =	sld [smem:$0x3FDB];
	_ =	sdelay $0x1  }
0x99: {  	s19 =	simm.s32 $_scs_section_size  }
0x9a: {  	s4 =	simm.s32 $_size__tile_overlayer_lowered;
	s5 =	simm.s32 $_tile_overlayer_lowered  }
0x9b: {  	s22 =	simm.s32 $0x1BFF;
	s21 =	sshll.u32 s5, $0x1;
	s2 =	sadd.s32 s19, s18  }
0x9c: {  	s6 =	simm.s32 $0x0;
	s20 =	sshll.u32 s4, $0x1;
	s4 =	sadd.s32 s21, s2  }
0x9d: {  	[timem:s6], [sflag:s22] =	dma.local [hbm:s4], s20  }
0x9e: {  	_ =	swait.ge [sflag:s22], s20  }
0x9f: {  	s3 =	ssub.s32 $0x0, s20;
	[sflag:s22] =	ssyncset.done $0x0  }
0xa0: {  	[sflag:s22] =	ssyncadd.s32 s3;
	_ =	sdelay $0x1  }
0xa1: {  	s23 =	simm.s32 $0x1B8B  }
0xa2: {  	_ =	swait.ge [sflag:s23], $0x1  }
0xa3: {  	[sflag:s23] =	ssyncset.done $0x0  }
0xa4: {  	s25 =	simm.s32 $0x1B8E;
	s24 =	sld [smem:$0x3FFE];
	[sflag:s23] =	ssyncadd.s32 $0xFFFFFFFF  }
0xa5: {  	s26 =	simm.s32 $execute0_lowered;
	[smem:$0x3FD2] =	sst s25  }
0xa6: {  	s4 =	sshll.u32 s26, $0x1;
	_ =	strace $0x8000004C;
	[dreg:$0x1] =	wrdreg $0xFFFFFFFF  }
0xa7: {  	s28 =	simm.s32 $_size_execute0_lowered;
	s2 =	sadd.s32 s2, s4;
	[dreg:$0x0] =	wrdreg $0x0  }
0xa8: {  	s4 =	sshll.u32 s28, $0x1;
	[dreg:$0x2] =	wrdreg s2  }
0xa9: {  	[dreg:$0x3] =	wrdreg s4  }
0xaa: {  	[dreg:$0x4] =	wrdreg $0xC0  }
0xab: {  	_ =	task [dreg:s6], $0x5FFFF  }
0xac: {  	[dreg:$0x1] =	wrdreg $0xFFFFFFFF  }
0xad: {  	[dreg:$0x0] =	wrdreg $0x60  }
0xae: {  	[dreg:$0x2] =	wrdreg s24  }
0xaf: {  	[dreg:$0x3] =	wrdreg $0x0  }
0xb0: {  	[dreg:$0x4] =	wrdreg $0x9  }
0xb1: {  	_ =	task.clear_ibuf [dreg:s6], $0x5FFFF;
	_ =	strace $0x9000004C  }
0xb2: {  	s29 =	simm.s32 $0x9;
	_ =	strace $0x8000004E  }
0xb3: {  	_ =	swait.ge [sflag:s29], $0x1  }
0xb4: {  	[sflag:s29] =	ssyncadd.s32 $0xFFFFFFFF  }
0xb5: {  	_ =	strace $0x9000004E  }
0xb6: {  	_ =	sfence  }
0xb7: {  	s30 =	sld [smem:$0x0];
	_ =	sdelay $0x2  }
0xb8: {  	s31 =	sshll.u32 s1, $0xD;
	s1 =	sshrl.u32 s1, $0x2  }
0xb9: {  	s3 =	sand.u32 $0x4000, s31;
	s1 =	sadd.s32 s1, s30  }
0xba: {  	s0 =	sor.u32 s3, s0;
	s1 =	sshll.u32 s1, $0x11  }
0xbb: {  	s0 =	sor.u32 s1, s0  }
0xbc: {  	s0 =	sadd.s32 $0x8F2B, s0  }
0xbd: {  	[sflag:s0] =	ssyncadd.remote.s32 $0x1  }
0xbe: {  	_ =	sfence.sel $0xFFFF  }
0xbf: {  	[dreg:$0x0] =	wrdreg $0xFFFFFFFF;
	(pc) =	sbr.abs _section_cstart, $3  }
0xc0: {  	[dreg:$0x1] =	wrdreg $0xFFFFFFFF  }
0xc1: {  	_ =	task.clear_ibuf [dreg:s6], $0x2FFFF;
	_ =	strace $0x9FFFFFFF  }
0xc2: {  	(tm) =	ssettm $0x7FFFFFFF  }
0xc3: {  	_ =	shalt  }
tec
execute0_lowered:
.L_overlay_start_1:
0x0: {  	(tag) =	ssettag $0x1  }
0x1: {  	s1 =	srdreg.scid;
	s4 =	rddreg [dreg:$0x0]  }
0x2: {  	s0 =	stileid.u32;
	s2 =	rddreg [dreg:$0x1];
	s3 =	simm.s32 $0x0  }
0x3: {  	s16 =	simm.s32 $0x1;
	s17 =	simm.s32 $0x80;
	s18 =	simm.s32 $0x2  }
0x4: {  	s19 =	simm.s32 $0x14F00;
	s20 =	simm.s32 $0x14F80;
	s21 =	smul.u32 $0x2780, s0  }
0x5: {  	s5 =	sand.u32 $0x1, s1;
	s1 =	rddreg [dreg:$0x2];
	s9 =	smul.u32 $0x4F000, s0  }
0x6: {  	s23 =	sshll.u32 s0, $0x1;
	[smem:$0x7FF] =	sst s3;
	s25 =	smul.u32 $0x140000, s0  }
0x7: {  	s11 =	sadd.s32 $0x5AE200, s4;
	s26 =	sshll.u32 s0, $0x6;
	s8 =	smul.u32 $0x27800, s5  }
0x8: {  	s7 =	sor.u32 s5, s23;
	_ =	strace $0x8000004D;
	s15 =	smul.u32 $0xA0000, s5  }
0x9: {  	s24 =	ssub.s32 $0x2, s5;
	s5 =	sor.u32 $0x1C03, s26;
	s6 =	smul.u32 $0x280, s7  }
0xa: {  	s10 =	sadd.s32 s21, s4;
	s12 =	sshrl.u32 s24, $0x1;
	s13 =	smul.u32 $0x14000, s7  }
0xb: {  	s9 =	sshrl.u32 s9, $0x2;
	s28 =	smul.u32 $0xA0000, s7;
	s8 =	sadd.s32 s8, s4  }
0xc: {  	s12 =	ssub.s32 s24, s12;
	s14 =	sadd.s32 s9, s2;
	s9 =	sadd.s32 s15, s25  }
0xd: {  	s15 =	simm.s32 $0x19000;
	s6 =	sadd.s32 s6, s4;
	s4 =	sadd.s32 $0x37800, s10  }
0xe: {  	s7 =	sadd.s32 s11, s13;
	s22 =	sadd.s32 $0xACE00, s8;
	s8 =	smax.u32 s12, $0x1  }
0xf: {  	s10 =	sshrl.u32 s28, $0x3;
	s29 =	sor.u32 $0x8000, s9;
	s30 =	sor.u32 $0x4000, s9  }
0x10: {  	s13 =	simm.s32 $0x3;
	s6 =	sadd.s32 $0xE400, s6;
	s10 =	sadd.s32 s11, s10  }
0x11: {  	s12 =	sshrl.u32 s29, $0x3;
	s31 =	sshrl.u32 s30, $0x3;
	s21 =	sadd.s32 s21, s22  }
0x12: {  	s22 =	simm.s32 $0x0;
	s9 =	sadd.s32 $0x13800, s10;
	s10 =	sadd.s32 s12, s11  }
0x13: {  	s11 =	sadd.s32 s31, s11;
	s12 =	sshrl.u32 s14, $0x3;
	s14 =	simm.s32 $0x15000  }
.LBB2_1:
0x14: {  	[spmem:s12], [sflag:s5] =	dma.local [hbm:s4], $0x2780  }
0x15: {  	_ =	swait.ge [sflag:s13], $0x2780  }
0x16: {  	[sflag:s13] =	ssyncset.done $0x0  }
0x17: {  	s23 =	simm.s32 $0x13C00;
	[sflag:s13] =	ssyncadd.s32 $0xFFFFD880  }
0x18: {  	[tilespmem:s23], [sflag:$0x3] =	stream.linear.gather [hbm4b:s6+s3], $0x1400, $0x38;
	[tilespmem:$0x1D000] =	vst v63  }
0x19: {  	_ =	swait.ge [sflag:s13], $0x1400  }
0x1a: {  	[sflag:s13] =	ssyncset.done $0x0  }
0x1b: {  	[sflag:s13] =	ssyncadd.s32 $0xFFFFEC00  }
0x1c: {  	[bflag:$0x0] =	sbarrier.arrive $0xFFFF  }
0x1d: {  	[tilespmem:s14], [sflag:$0x1] =	stream.linear.gather [hbm4b:s7+s3], $0x4000, $0x38;
	[tilespmem:$0x1D000] =	vst v63  }
0x1e: {  	s24 =	sadd.s32 $0x0, s11  }
0x1f: {  	[tilespmem:s15], [sflag:$0x2] =	stream.linear.gather [hbm4b:s24+s3], $0x4000, $0x38;
	[tilespmem:$0x1D000] =	vst v63  }
0x20: {  	_ =	swait.ge [sflag:s16], $0x4000  }
0x21: {  	[sflag:s16] =	ssyncset.done $0x0  }
0x22: {  	[sflag:s16] =	ssyncadd.s32 $0xFFFFC000  }
0x23: {  	[spmem:s2] =	stream.indirect.scatter.add.f32 [tilespmem:s14], [sflag:$0x3], $0x80, s23, s17, $0xb8;
	[tilespmem:$0x1D000] =	vst v63  }
0x24: {  	_ =	swait.ge [sflag:s13], $0x4000  }
0x25: {  	[sflag:s13] =	ssyncset.done $0x0  }
0x26: {  	s30 =	sadd.s32 $0x0, s10;
	[sflag:s13] =	ssyncadd.s32 $0xFFFFC000  }
0x27: {  	[tilespmem:s14], [sflag:$0x1] =	stream.linear.gather [hbm4b:s30+s3], $0x4000, $0x38;
	[tilespmem:$0x1D000] =	vst v63  }
0x28: {  	_ =	swait.ge [sflag:s18], $0x4000  }
0x29: {  	[sflag:s18] =	ssyncset.done $0x0  }
0x2a: {  	s31 =	simm.s32 $0x13C80;
	[sflag:s18] =	ssyncadd.s32 $0xFFFFC000  }
0x2b: {  	[spmem:s2] =	stream.indirect.scatter.add.f32 [tilespmem:s15], [sflag:$0x3], $0x80, s31, s17, $0xb8;
	[tilespmem:$0x1D000] =	vst v63  }
0x2c: {  	s25 =	simm.s32 $0x2000;
	_ =	swait.ge [sflag:s13], $0x4000  }
0x2d: {  	s24 =	simm.s32 $0x1000;
	s23 =	simm.s32 $0x13D00;
	[sflag:s13] =	ssyncset.done $0x0  }
.LBB2_2:
0x2e: {  	s26 =	sadd.s32 s24, s11  }
0x2f: {  	[sflag:s13] =	ssyncadd.s32 $0xFFFFC000;
	s28 =	smov.u32 s25;
	s29 =	sadd.s32 $0x1000, s25  }
0x30: {  	[tilespmem:s15], [sflag:$0x2] =	stream.linear.gather [hbm4b:s26+s3], $0x4000, $0x38;
	[tilespmem:$0x1D000] =	vst v63  }
0x31: {  	p0 =	sne.s32 s25, $0x12000;
	_ =	swait.ge [sflag:s16], $0x4000  }
0x32: {  	[sflag:s16] =	ssyncset.done $0x0  }
0x33: {  	[sflag:s16] =	ssyncadd.s32 $0xFFFFC000  }
0x34: {  	[spmem:s2] =	stream.indirect.scatter.add.f32 [tilespmem:s14], [sflag:$0x3], $0x80, s23, s17, $0xb8;
	[tilespmem:$0x1D000] =	vst v63  }
0x35: {  	_ =	swait.ge [sflag:s13], $0x4000  }
0x36: {  	[sflag:s13] =	ssyncset.done $0x0  }
0x37: {  	s25 =	sadd.s32 s24, s10;
	s24 =	smov.u32 s28;
	[sflag:s13] =	ssyncadd.s32 $0xFFFFC000  }
0x38: {  	[tilespmem:s14], [sflag:$0x1] =	stream.linear.gather [hbm4b:s25+s3], $0x4000, $0x38;
	[tilespmem:$0x1D000] =	vst v63  }
0x39: {  	_ =	swait.ge [sflag:s18], $0x4000  }
.Ltmp0:
0x3a: {  	[sflag:s18] =	ssyncset.done $0x0;
	(pc) =	sbr.rel @p0 .LBB2_2-.Ltmp0, $4  }
0x3b: {  	s25 =	sadd.s32 $0x80, s23;
	[sflag:s18] =	ssyncadd.s32 $0xFFFFC000  }
0x3c: {  	[spmem:s2] =	stream.indirect.scatter.add.f32 [tilespmem:s15], [sflag:$0x3], $0x80, s25, s17, $0xb8;
	[tilespmem:$0x1D000] =	vst v63  }
0x3d: {  	_ =	swait.ge [sflag:s13], $0x4000  }
0x3e: {  	s23 =	sadd.s32 $0x100, s23;
	s25 =	smov.u32 s29;
	[sflag:s13] =	ssyncset.done $0x0  }
0x3f: {  	s25 =	sadd.s32 s24, s11;
	[sflag:s13] =	ssyncadd.s32 $0xFFFFC000  }
0x40: {  	[tilespmem:s15], [sflag:$0x2] =	stream.linear.gather [hbm4b:s25+s3], $0x4000, $0x38;
	[tilespmem:$0x1D000] =	vst v63  }
0x41: {  	_ =	swait.ge [sflag:s16], $0x4000  }
0x42: {  	[sflag:s16] =	ssyncset.done $0x0  }
0x43: {  	[sflag:s16] =	ssyncadd.s32 $0xFFFFC000  }
0x44: {  	[spmem:s2] =	stream.indirect.scatter.add.f32 [tilespmem:s14], [sflag:$0x3], $0x80, s23, s17, $0xb8;
	[tilespmem:$0x1D000] =	vst v63  }
0x45: {  	_ =	swait.ge [sflag:s13], $0x4000  }
0x46: {  	[sflag:s13] =	ssyncset.done $0x0  }
0x47: {  	s30 =	sadd.s32 s24, s10;
	[sflag:s13] =	ssyncadd.s32 $0xFFFFC000  }
0x48: {  	[tilespmem:s14], [sflag:$0x1] =	stream.linear.gather [hbm4b:s30+s3], $0x4000, $0x38;
	[tilespmem:$0x1D000] =	vst v63  }
0x49: {  	_ =	swait.ge [sflag:s18], $0x4000  }
0x4a: {  	[sflag:s18] =	ssyncset.done $0x0  }
0x4b: {  	s31 =	sadd.s32 $0x80, s23;
	[sflag:s18] =	ssyncadd.s32 $0xFFFFC000  }
0x4c: {  	[spmem:s2] =	stream.indirect.scatter.add.f32 [tilespmem:s15], [sflag:$0x3], $0x80, s31, s17, $0xb8;
	[tilespmem:$0x1D000] =	vst v63  }
0x4d: {  	_ =	swait.ge [sflag:s13], $0x4000  }
0x4e: {  	[sflag:s13] =	ssyncset.done $0x0  }
0x4f: {  	[sflag:s13] =	ssyncadd.s32 $0xFFFFC000  }
0x50: {  	[tilespmem:s15], [sflag:$0x2] =	stream.linear.gather [hbm4b:s9+s3], $0x4000, $0x38;
	[tilespmem:$0x1D000] =	vst v63  }
0x51: {  	_ =	swait.ge [sflag:s16], $0x4000  }
0x52: {  	[sflag:s16] =	ssyncset.done $0x0  }
0x53: {  	[sflag:s16] =	ssyncadd.s32 $0xFFFFC000  }
0x54: {  	[spmem:s2] =	stream.indirect.scatter.add.f32 [tilespmem:s14], [sflag:$0x3], $0x80, s19, s17, $0xb8;
	[tilespmem:$0x1D000] =	vst v63  }
0x55: {  	_ =	swait.ge [sflag:s13], $0x4000  }
0x56: {  	[sflag:s13] =	ssyncset.done $0x0  }
0x57: {  	[sflag:s13] =	ssyncadd.s32 $0xFFFFC000  }
0x58: {  	_ =	swait.ge [sflag:s18], $0x4000  }
0x59: {  	[sflag:s18] =	ssyncset.done $0x0  }
0x5a: {  	[sflag:s18] =	ssyncadd.s32 $0xFFFFC000  }
0x5b: {  	[spmem:s2] =	stream.indirect.scatter.add.f32 [tilespmem:s15], [sflag:$0x3], $0x80, s20, s17, $0xb8;
	[tilespmem:$0x1D000] =	vst v63  }
0x5c: {  	_ =	swait.ge [sflag:s13], $0x4000  }
0x5d: {  	s22 =	sadd.s32 $0x1, s22;
	[sflag:s13] =	ssyncset.done $0x0  }
0x5e: {  	p0 =	sne.s32 s22, s8;
	[sflag:s13] =	ssyncadd.s32 $0xFFFFC000  }
.Ltmp1:
0x5f: {  	[bflag:$0x0] =	sbarrier.arrive $0xFFFF;
	(pc) =	sbr.rel @p0 .LBB2_1-.Ltmp1, $4  }
0x60: {  	[hbm:s21], [sflag:s5] =	dma.local [spmem:s12], $0x2780  }
0x61: {  	_ =	swait.ge [sflag:s13], $0x2780  }
0x62: {  	[sflag:s13] =	ssyncset.done $0x0  }
0x63: {  	[sflag:s13] =	ssyncadd.s32 $0xFFFFD880  }
0x64: {  	_ =	sfence.sel $0x180000  }
0x65: {  	[bflag:$0x0] =	sbarrier.arrive $0xFFFF  }
0x66: {  	p0 =	sne.s32 s0, $0x0;
	_ =	strace $0x9000004D  }
0x67: {  	s0 =	sadd.s32 @!p0 $0x100000, s1;
	[bflag:$0x2] =	sbarrier.arrive $0xFFFF  }
0x68: {  	[sflag:s0] =	ssyncadd.tile.s32 @!p0 $0x1;
	_ =	shalt  }
.Lfunc_end2:
_tile_overlayer_lowered:
.L_overlay_start_2:
0x69: {  	(tag) =	ssettag $0x2  }
0x6a: {  	s0 =	rddreg [dreg:$0x0];
	s2 =	stileid.u32  }
0x6b: {  	s1 =	rddreg [dreg:$0x1];
	p0 =	sne.s32 s2, $0x0  }
0x6c: {  	s3 =	rddreg [dreg:$0x2];
	[bflag:$0x3] =	sbarrier.arrive $0xFFFF;
	s2 =	simm.s32 @!p0 $0x1C03  }
0x6d: {  	[timem:s3], [sflag:s2] =	dma.local @!p0 [hbm:s0], s1  }
0x6e: {  	s0 =	simm.s32 @!p0 $0x3  }
0x6f: {  	_ =	swait.ge @!p0 [sflag:s0], s1  }
0x70: {  	s1 =	ssub.s32 @!p0 $0x0, s1;
	[sflag:s0] =	ssyncset.done @!p0 $0x0  }
0x71: {  	[sflag:s0] =	ssyncadd.s32 @!p0 s1  }
0x72: {  	[bflag:$0x3] =	sbarrier.arrive $0xFFFF  }
0x73: {  	_ =	shalt  }

// kernel: kernel.25.cloned.1.call-start
scs
__scs_entry_jumppad:
0x0: {  	(pc) =	sbr.rel $0x88, $3  }
0x1: {  	(tag) =	ssettag $0x0;
	lr =	simm.s32 $0x1  }
0x2: {  	[smem:$0x3F8E] =	sst lr;
	_ =	strace $0xD0000000  }
0x3: {  	_ = 	snop  }
0x4: {  	_ = 	snop  }
0x5: {  	_ = 	snop  }
0x6: {  	_ = 	snop  }
0x7: {  	_ = 	snop  }
__scs_overlays_trampoline_lowered:
0x8: {  	[smem:$0x3F9D] =	sst s0  }
0x9: {  	[smem:$0x3F9E] =	sst s1  }
0xa: {  	[smem:$0x3F9F] =	sst s2  }
0xb: {  	[smem:$0x3FA0] =	sst s3  }
0xc: {  	[smem:$0x3FA1] =	sst s4  }
0xd: {  	[smem:$0x3FA2] =	sst s5  }
0xe: {  	[smem:$0x3FA3] =	sst s6  }
0xf: {  	[smem:$0x3FA4] =	sst s7  }
0x10: {  	[smem:$0x3FA5] =	sst s8  }
0x11: {  	[smem:$0x3FA6] =	sst s9;
	s0 =	simm.s32 @!p0 $0x0  }
0x12: {  	s1 =	sld [smem:$0x3F8C];
	s0 =	simm.s32 @p0 $0x1  }
0x13: {  	[smem:$0x3FA7] =	sst s0;
	s0 =	simm.s32 @!p1 $0x0  }
0x14: {  	s2 =	sld [smem:$0x3F8B];
	s0 =	simm.s32 @p1 $0x1  }
0x15: {  	[smem:$0x3FA8] =	sst s0;
	s0 =	simm.s32 @!p2 $0x0  }
0x16: {  	s3 =	sld [smem:$0x3FDB];
	s0 =	simm.s32 @p2 $0x1  }
0x17: {  	s4 =	simm.s32 $0x1BF5;
	[smem:$0x3FAA] =	sst s0  }
0x18: {  	s0 =	sld [smem:$0x3F8D];
	_ =	swait.ge [sflag:s4], $0x0  }
0x19: {  	s7 =	sld [smem:$0x3F8E]  }
0x1a: {  	s8 =	sadd.s32 $0xFFFFE003, lr  }
0x1b: {  	s9 =	sadd.s32 $0xFFFFFEF7, lr;
	s5 =	simm.s32 $0xFFFFFFFF;
	p2 =	slt.u32 s8, $0xFFFFF086  }
0x1c: {  	p1 =	slt.u32 s9, $0xF7A;
	s5 =	simm.s32 @!p2 $0x0  }
0x1d: {  	s5 =	simm.s32 @p1 $0x1;
	p0 =	seq.s32 s7, s2  }
0x1e: {  	s7 =	smul.u32 @!p0 $0xF7A, s2;
	p2 =	seq.s32 @!p0 s5, $0x0  }
0x1f: {  	s9 =	smul.u32 $0xF7A, s1;
	s8 =	simm.s32 @!p0 $0x1BF5;
	p2 =	por !p2, p0  }
0x20: {  	[sflag:s8] =	ssyncset.s32 @!p0 $0xFFFFF086;
	s6 =	sadd.s32 @!p0 s3, s7;
	s7 =	simm.s32 @!p0 $0x108  }
0x21: {  	s3 =	sadd.s32 s3, s9;
	s6 =	sadd.s32 @!p0 $0x88, s6;
	s7 =	simm.s32 @p2 $0x1082  }
0x22: {  	[simem:s7], [sflag:s8] =	dma.local @!p0 [hbm:s6], $0xF7A  }
0x23: {  	s9 =	sor.u32 $0xD0000000, s2;
	s6 =	simm.s32 $0x108;
	_ =	swait.ge @!p0 [sflag:s8], $0x0  }
0x24: {  	s3 =	sadd.s32 $0x88, s3;
	s6 =	simm.s32 @!p1 $0x1082;
	[sflag:s4] =	ssyncset.s32 $0xFFFFF086  }
0x25: {  	[simem:s6], [sflag:s4] =	dma.local [hbm:s3], $0xF7A  }
0x26: {  	[smem:$0x3F8E] =	sst s1;
	(tag) =	ssettag s2;
	_ =	strace s9  }
0x27: {  	s1 =	sld [smem:$0x3F9E]  }
0x28: {  	s2 =	sld [smem:$0x3F9F]  }
0x29: {  	s4 =	sld [smem:$0x3FA1]  }
0x2a: {  	p0 =	seq.s32 s5, $0x0;
	s5 =	sld [smem:$0x3FA2]  }
0x2b: {  	s6 =	sld [smem:$0x3FA3]  }
0x2c: {  	s7 =	sld [smem:$0x3FA4]  }
0x2d: {  	s3 =	simm.s32 $0x108;
	s8 =	sld [smem:$0x3FA5]  }
0x2e: {  	s3 =	simm.s32 @!p0 $0x1082;
	s9 =	sld [smem:$0x3FA6]  }
0x2f: {  	lr =	sadd.s32 s0, s3;
	s0 =	sld [smem:$0x3F9D]  }
0x30: {  	s3 =	sld [smem:$0x3FA0]  }
0x31: {  	[smem:$0x3FA9] =	sst s10  }
0x32: {  	s10 =	sld [smem:$0x3FA7];
	_ =	sdelay $0x3  }
0x33: {  	p0 =	seq.s32 s10, $0x1;
	s10 =	sld [smem:$0x3FA9];
	_ =	sdelay $0x3  }
0x34: {  	[smem:$0x3FA9] =	sst s10  }
0x35: {  	s10 =	sld [smem:$0x3FA8];
	_ =	sdelay $0x3  }
0x36: {  	p1 =	seq.s32 s10, $0x1;
	s10 =	sld [smem:$0x3FA9];
	_ =	sdelay $0x3  }
0x37: {  	[smem:$0x3FA9] =	sst s10  }
0x38: {  	s10 =	sld [smem:$0x3FAA]  }
0x39: {  	_ = 	snop;
	(pc) =	sbr.ind lr, $3  }
0x3a: {  	_ = 	snop  }
0x3b: {  	_ = 	snop  }
0x3c: {  	p2 =	seq.s32 s10, $0x1;
	s10 =	sld [smem:$0x3FA9]  }
0x3d: {  	_ =	shalt  }
0x3e: {  	_ =	shalt  }
0x3f: {  	_ =	shalt  }
0x40: {  	_ =	shalt  }
0x41: {  	_ =	shalt  }
0x42: {  	_ =	shalt  }
0x43: {  	_ =	shalt  }
0x44: {  	_ =	shalt  }
0x45: {  	_ =	shalt  }
0x46: {  	_ =	shalt  }
0x47: {  	_ =	shalt  }
0x48: {  	_ =	shalt  }
0x49: {  	_ =	shalt  }
0x4a: {  	_ =	shalt  }
0x4b: {  	_ =	shalt  }
0x4c: {  	_ =	shalt  }
0x4d: {  	_ =	shalt  }
0x4e: {  	_ =	shalt  }
0x4f: {  	_ =	shalt  }
0x50: {  	_ =	shalt  }
0x51: {  	_ =	shalt  }
0x52: {  	_ =	shalt  }
0x53: {  	_ =	shalt  }
0x54: {  	_ =	shalt  }
0x55: {  	_ =	shalt  }
0x56: {  	_ =	shalt  }
0x57: {  	_ =	shalt  }
0x58: {  	_ =	shalt  }
0x59: {  	_ =	shalt  }
0x5a: {  	_ =	shalt  }
0x5b: {  	_ =	shalt  }
0x5c: {  	_ =	shalt  }
0x5d: {  	_ =	shalt  }
0x5e: {  	_ =	shalt  }
0x5f: {  	_ =	shalt  }
0x60: {  	_ =	shalt  }
0x61: {  	_ =	shalt  }
0x62: {  	_ =	shalt  }
0x63: {  	_ =	shalt  }
0x64: {  	_ =	shalt  }
0x65: {  	_ =	shalt  }
0x66: {  	_ =	shalt  }
0x67: {  	_ =	shalt  }
0x68: {  	_ =	shalt  }
0x69: {  	_ =	shalt  }
0x6a: {  	_ =	shalt  }
0x6b: {  	_ =	shalt  }
0x6c: {  	_ =	shalt  }
0x6d: {  	_ =	shalt  }
0x6e: {  	_ =	shalt  }
0x6f: {  	_ =	shalt  }
0x70: {  	_ =	shalt  }
0x71: {  	_ =	shalt  }
0x72: {  	_ =	shalt  }
0x73: {  	_ =	shalt  }
0x74: {  	_ =	shalt  }
0x75: {  	_ =	shalt  }
0x76: {  	_ =	shalt  }
0x77: {  	_ =	shalt  }
0x78: {  	_ =	shalt  }
0x79: {  	_ =	shalt  }
0x7a: {  	_ =	shalt  }
0x7b: {  	_ =	shalt  }
0x7c: {  	_ =	shalt  }
0x7d: {  	_ =	shalt  }
0x7e: {  	_ =	shalt  }
0x7f: {  	_ =	shalt  }
0x80: {  	_ =	shalt  }
0x81: {  	_ =	shalt  }
0x82: {  	_ =	shalt  }
0x83: {  	_ =	shalt  }
0x84: {  	_ =	shalt  }
0x85: {  	_ =	shalt  }
0x86: {  	_ =	shalt  }
0x87: {  	_ =	shalt  }
.Lfunc_end0:
.L_simem_size_0:
called_computation.3_lowered:
.L_overlay_start_0:
0x88: {  	s2 =	sld [smem:$0x3FD9]  }
0x89: {  	s3 =	sld [smem:$0x3FFE];
	_ =	sdelay $0x1  }
0x8a: {  	s1 =	srdreg.scid  }
0x8b: {  	s0 =	sand.u32 $0x1, s1  }
0x8c: {  	s16 =	sshll.u32 s0, $0xA;
	s2 =	sadd.s32 s3, s2  }
0x8d: {  	s2 =	sadd.s32 s2, s16  }
0x8e: {  	[smem:$0x3FB5] =	sst s2  }
0x8f: {  	_ = 	snop  }
0x90: {  	(tm) =	ssettm $0x1  }
0x91: {  	s17 =	sld [smem:$0x3FFB];
	_ =	sdelay $0x3  }
0x92: {  	_ =	strace s17  }
0x93: {  	s2 =	sld [smem:$0x3FFC];
	_ =	sdelay $0x3  }
0x94: {  	_ =	strace s2  }
0x95: {  	s2 =	sld [smem:$0x3FFD];
	_ =	sdelay $0x3  }
0x96: {  	_ =	strace s2  }
0x97: {  	_ =	strace $0x8FFFFFFF  }
0x98: {  	s18 =	sld [smem:$0x3FDB];
	_ =	sdelay $0x1  }
0x99: {  	s19 =	simm.s32 $_scs_section_size  }
0x9a: {  	s4 =	simm.s32 $_size__tile_overlayer_lowered;
	s5 =	simm.s32 $_tile_overlayer_lowered  }
0x9b: {  	s22 =	simm.s32 $0x1BFF;
	s21 =	sshll.u32 s5, $0x1;
	s2 =	sadd.s32 s19, s18  }
0x9c: {  	s6 =	simm.s32 $0x0;
	s20 =	sshll.u32 s4, $0x1;
	s4 =	sadd.s32 s21, s2  }
0x9d: {  	[timem:s6], [sflag:s22] =	dma.local [hbm:s4], s20  }
0x9e: {  	_ =	swait.ge [sflag:s22], s20  }
0x9f: {  	s3 =	ssub.s32 $0x0, s20;
	[sflag:s22] =	ssyncset.done $0x0  }
0xa0: {  	[sflag:s22] =	ssyncadd.s32 s3;
	_ =	sdelay $0x1  }
0xa1: {  	s23 =	simm.s32 $0x1B8B  }
0xa2: {  	_ =	swait.ge [sflag:s23], $0x1  }
0xa3: {  	[sflag:s23] =	ssyncset.done $0x0  }
0xa4: {  	s25 =	simm.s32 $0x1B8E;
	s24 =	sld [smem:$0x3FFE];
	[sflag:s23] =	ssyncadd.s32 $0xFFFFFFFF  }
0xa5: {  	s26 =	simm.s32 $execute0_lowered;
	[smem:$0x3FD2] =	sst s25  }
0xa6: {  	s4 =	sshll.u32 s26, $0x1;
	_ =	strace $0x8000004F;
	[dreg:$0x1] =	wrdreg $0xFFFFFFFF  }
0xa7: {  	s28 =	simm.s32 $_size_execute0_lowered;
	s2 =	sadd.s32 s2, s4;
	[dreg:$0x0] =	wrdreg $0x0  }
0xa8: {  	s4 =	sshll.u32 s28, $0x1;
	[dreg:$0x2] =	wrdreg s2  }
0xa9: {  	[dreg:$0x3] =	wrdreg s4  }
0xaa: {  	[dreg:$0x4] =	wrdreg $0xC0  }
0xab: {  	_ =	task [dreg:s6], $0x5FFFF  }
0xac: {  	[dreg:$0x1] =	wrdreg $0xFFFFFFFF  }
0xad: {  	[dreg:$0x0] =	wrdreg $0x60  }
0xae: {  	[dreg:$0x2] =	wrdreg s24  }
0xaf: {  	[dreg:$0x3] =	wrdreg $0x9  }
0xb0: {  	_ =	task.clear_ibuf [dreg:s6], $0x4FFFF;
	_ =	strace $0x9000004F  }
0xb1: {  	s29 =	simm.s32 $0x9;
	_ =	strace $0x80000051  }
0xb2: {  	_ =	swait.ge [sflag:s29], $0x1  }
0xb3: {  	[sflag:s29] =	ssyncadd.s32 $0xFFFFFFFF  }
0xb4: {  	_ =	strace $0x90000051  }
0xb5: {  	_ =	sfence  }
0xb6: {  	s30 =	sld [smem:$0x0];
	_ =	sdelay $0x2  }
0xb7: {  	s31 =	sshll.u32 s1, $0xD;
	s1 =	sshrl.u32 s1, $0x2  }
0xb8: {  	s3 =	sand.u32 $0x4000, s31;
	s1 =	sadd.s32 s1, s30  }
0xb9: {  	s0 =	sor.u32 s3, s0;
	s1 =	sshll.u32 s1, $0x11  }
0xba: {  	s0 =	sor.u32 s1, s0  }
0xbb: {  	s0 =	sadd.s32 $0x8F2B, s0  }
0xbc: {  	[sflag:s0] =	ssyncadd.remote.s32 $0x1  }
0xbd: {  	_ =	sfence.sel $0xFFFF  }
0xbe: {  	[dreg:$0x0] =	wrdreg $0xFFFFFFFF;
	(pc) =	sbr.abs _section_cstart, $3  }
0xbf: {  	[dreg:$0x1] =	wrdreg $0xFFFFFFFF  }
0xc0: {  	_ =	task.clear_ibuf [dreg:s6], $0x2FFFF;
	_ =	strace $0x9FFFFFFF  }
0xc1: {  	(tm) =	ssettm $0x7FFFFFFF  }
tec
execute0_lowered:
.L_overlay_start_1:
0x0: {  	(tag) =	ssettag $0x1  }
0x1: {  	s5 =	rddreg [dreg:$0x0]  }
0x2: {  	s0 =	rddreg [dreg:$0x1];
	s2 =	simm.s32 $0x0;
	s4 =	srdreg.scid  }
0x3: {  	s1 =	stileid.u32;
	s10 =	simm.s32 $0x1000;
	s11 =	simm.s32 $0x6  }
0x4: {  	s12 =	simm.s32 $0x1400;
	s13 =	simm.s32 $0x2800;
	s14 =	simm.s32 $0x6800  }
0x5: {  	s15 =	simm.s32 $0xA800;
	s16 =	simm.s32 $0xE800;
	s17 =	simm.s32 $0x1  }
0x6: {  	s18 =	simm.s32 $0x2;
	s19 =	simm.s32 $0x3;
	s20 =	simm.s32 $0x4  }
0x7: {  	s21 =	simm.s32 $0x5;
	s22 =	simm.s32 $0x0;
	[smem:$0x7FF] =	sst s2  }
0x8: {  	s3 =	sadd.s32 $0x5F000, s5;
	s6 =	sand.u32 $0x1, s4;
	s7 =	sshll.u32 s1, $0x1  }
0x9: {  	s4 =	sadd.s32 $0x86200, s5;
	_ =	strace $0x80000050;
	s7 =	sor.u32 s6, s7  }
0xa: {  	s6 =	ssub.s32 $0x2, s6;
	s8 =	sshll.u32 s7, $0x4;
	s7 =	sshll.u32 s7, $0xB  }
0xb: {  	s9 =	sshrl.u32 s6, $0x1;
	s8 =	sadd.s32 s8, s5;
	s7 =	sadd.s32 s7, s5  }
0xc: {  	s9 =	ssub.s32 s6, s9;
	s5 =	sadd.s32 $0x28A00, s8;
	s6 =	sadd.s32 $0x9400, s8  }
0xd: {  	s7 =	sadd.s32 $0x5AE200, s7;
	s8 =	smax.u32 s9, $0x1;
	s9 =	simm.s32 $0x80  }
.LBB2_1:
0xe: {  	[tilespmem:s2], [sflag:$0x6] =	stream.strided.gather [hbm4b:s5+s9], $0x1400, s10, s9, $0x38;
	[tilespmem:$0x12800] =	vst v63  }
0xf: {  	_ =	swait.ge [sflag:s11], $0x1400  }
0x10: {  	[sflag:s11] =	ssyncset.done $0x0  }
0x11: {  	[sflag:s11] =	ssyncadd.s32 $0xFFFFEC00  }
0x12: {  	[tilespmem:s12], [sflag:$0x6] =	stream.strided.gather [hbm4b:s6+s9], $0x1400, s10, s9, $0x38;
	[tilespmem:$0x12800] =	vst v63  }
0x13: {  	_ =	swait.ge [sflag:s11], $0x1400  }
0x14: {  	[sflag:s11] =	ssyncset.done $0x0  }
0x15: {  	[sflag:s11] =	ssyncadd.s32 $0xFFFFEC00  }
0x16: {  	[tilespmem:s13], [sflag:$0x1] =	stream.indirect.gather [hbm4b:s3+s9], $0x80, s2, s9, $0xb8;
	[tilespmem:$0x12800] =	vst v63  }
0x17: {  	s23 =	simm.s32 $0x0  }
0x18: {  	[tilespmem:s14], [sflag:$0x2] =	stream.indirect.gather [hbm4b:s4+s9], $0x80, s12, s9, $0xb8;
	[tilespmem:$0x12800] =	vst v63  }
.LBB2_2:
0x19: {  	p0 =	seq.s32 s23, $0x0  }
0x1a: {  	s25 =	simm.s32 @!p0 $0x5  }
0x1b: {  	_ =	swait.ge @!p0 [sflag:s25], $0x4000  }
0x1c: {  	s24 =	sshllo.u32 s23, $0x1;
	[sflag:s25] =	ssyncset.done @!p0 $0x0  }
0x1d: {  	s31 =	sshll.u32 s24, $0x7;
	[sflag:s25] =	ssyncadd.s32 @!p0 $0xFFFFC000  }
0x1e: {  	[tilespmem:s15], [sflag:$0x3] =	stream.indirect.gather [hbm4b:s3+s9], $0x80, s31, s9, $0xb8;
	[tilespmem:$0x12800] =	vst v63  }
0x1f: {  	s25 =	sadd.s32 $0x1400, s31  }
0x20: {  	[tilespmem:s16], [sflag:$0x4] =	stream.indirect.gather [hbm4b:s4+s9], $0x80, s25, s9, $0xb8;
	[tilespmem:$0x12800] =	vst v63  }
0x21: {  	_ =	swait.ge [sflag:s17], $0x4000  }
0x22: {  	[sflag:s17] =	ssyncset.done $0x0  }
0x23: {  	[sflag:s17] =	ssyncadd.s32 $0xFFFFC000  }
0x24: {  	_ =	swait.ge [sflag:s18], $0x4000  }
0x25: {  	[sflag:s18] =	ssyncset.done $0x0  }
0x26: {  	s25 =	simm.s32 $0x0;
	[sflag:s18] =	ssyncadd.s32 $0xFFFFC000  }
0x27: {  	v7 =	vld [tilespmem:s25+$0x6800]  }
0x28: {  	v11 =	vld [tilespmem:s25+$0x6810]  }
0x29: {  	v5 =	vld [tilespmem:s25+$0x6820]  }
0x2a: {  	v4 =	vld [tilespmem:s25+$0x6830]  }
0x2b: {  	v3 =	vld [tilespmem:s25+$0x6840]  }
0x2c: {  	v2 =	vld [tilespmem:s25+$0x6850]  }
0x2d: {  	v1 =	vld [tilespmem:s25+$0x6860]  }
0x2e: {  	v0 =	vld [tilespmem:s25+$0x6870]  }
0x2f: {  	v12 =	vld [tilespmem:s25+$0x2800]  }
0x30: {  	v13 =	vld [tilespmem:s25+$0x2810]  }
0x31: {  	v10 =	vld [tilespmem:s25+$0x2820]  }
0x32: {  	v9 =	vld [tilespmem:s25+$0x2830]  }
0x33: {  	v8 =	vld [tilespmem:s25+$0x2840]  }
0x34: {  	v6 =	vld [tilespmem:s25+$0x2850];
	v12 =	vadd.f32 v7, v12  }
0x35: {  	s26 =	simm.s32 $0x200;
	v11 =	vadd.f32 v11, v13;
	v7 =	vld [tilespmem:s25+$0x2860]  }
.LBB2_3:
0x36: {  	s28 =	sshra.s32 s26, $0x2;
	p0 =	sne.s32 s26, $0xFE00;
	[tilespmem:s25+$0x2800] =	vst v12;
	v5 =	vadd.f32 v5, v10;
	v10 =	vld [tilespmem:s25+$0x2870]  }
0x37: {  	v12 =	vld [tilespmem:s28+$0x6800];
	[tilespmem:s25+$0x2810] =	vst v11;
	v4 =	vadd.f32 v4, v9  }
0x38: {  	v11 =	vld [tilespmem:s28+$0x6810];
	[tilespmem:s25+$0x2820] =	vst v5;
	v3 =	vadd.f32 v3, v8  }
0x39: {  	v5 =	vld [tilespmem:s28+$0x6820];
	[tilespmem:s25+$0x2830] =	vst v4;
	v2 =	vadd.f32 v2, v6  }
0x3a: {  	v4 =	vld [tilespmem:s28+$0x6830];
	[tilespmem:s25+$0x2840] =	vst v3;
	v1 =	vadd.f32 v1, v7  }
0x3b: {  	v3 =	vld [tilespmem:s28+$0x6840];
	[tilespmem:s25+$0x2850] =	vst v2;
	v0 =	vadd.f32 v0, v10  }
0x3c: {  	v2 =	vld [tilespmem:s28+$0x6850];
	[tilespmem:s25+$0x2860] =	vst v1  }
0x3d: {  	v1 =	vld [tilespmem:s28+$0x6860];
	[tilespmem:s25+$0x2870] =	vst v0;
	s25 =	smov.u32 s28  }
0x3e: {  	v0 =	vld [tilespmem:s25+$0x6870]  }
0x3f: {  	v6 =	vld [tilespmem:s25+$0x2800]  }
0x40: {  	v7 =	vld [tilespmem:s25+$0x2810]  }
.Ltmp0:
0x41: {  	v10 =	vld [tilespmem:s25+$0x2820];
	(pc) =	sbr.rel @p0 .LBB2_3-.Ltmp0, $4  }
0x42: {  	v9 =	vld [tilespmem:s25+$0x2830]  }
0x43: {  	v8 =	vld [tilespmem:s25+$0x2840]  }
0x44: {  	v12 =	vadd.f32 v12, v6;
	v6 =	vld [tilespmem:s25+$0x2850]  }
0x45: {  	s26 =	sadd.s32 $0x200, s26;
	v11 =	vadd.f32 v11, v7;
	v7 =	vld [tilespmem:s25+$0x2860]  }
0x46: {  	[tilespmem:s25+$0x2800] =	vst v12;
	v5 =	vadd.f32 v5, v10;
	v10 =	vld [tilespmem:s25+$0x2870]  }
0x47: {  	[tilespmem:s25+$0x2810] =	vst v11;
	v4 =	vadd.f32 v4, v9  }
0x48: {  	[tilespmem:s25+$0x2820] =	vst v5;
	v3 =	vadd.f32 v3, v8  }
0x49: {  	[tilespmem:s25+$0x2830] =	vst v4;
	v2 =	vadd.f32 v2, v6  }
0x4a: {  	[tilespmem:s25+$0x2840] =	vst v3;
	v1 =	vadd.f32 v1, v7  }
0x4b: {  	[tilespmem:s25+$0x2850] =	vst v2;
	v0 =	vadd.f32 v0, v10  }
0x4c: {  	s26 =	sshll.u32 s23, $0x11;
	p0 =	seq.s32 s23, $0x13;
	[tilespmem:s25+$0x2860] =	vst v1  }
0x4d: {  	s31 =	sadd.s32 s26, s7;
	[tilespmem:s25+$0x2870] =	vst v0;
	s25 =	simm.s32 @!p0 $0x5  }
0x4e: {  	[hbm4b:s31+s2] =	stream.linear.scatter [tilespmem:s13], [sflag:$0x5], $0x4000, $0x38;
	[tilespmem:$0x12800] =	vst v63  }
0x4f: {  	_ =	swait.ge @!p0 [sflag:s25], $0x4000  }
0x50: {  	[sflag:s25] =	ssyncset.done @!p0 $0x0  }
0x51: {  	[sflag:s25] =	ssyncadd.s32 @!p0 $0xFFFFC000;
	s25 =	sshll.u32 @!p0 s23, $0x8  }
0x52: {  	s28 =	simm.s32 @!p0 $0x80;
	s29 =	simm.s32 @!p0 $0x2800;
	s26 =	sadd.s32 @!p0 $0x100, s25  }
0x53: {  	[tilespmem:s29], [sflag:$0x1] =	stream.indirect.gather @!p0 [hbm4b:s3+s28], $0x80, s26, s28, $0xb8;
	[tilespmem:$0x12800] =	vst v63  }
0x54: {  	s25 =	sadd.s32 @!p0 $0x1500, s25;
	s26 =	simm.s32 @!p0 $0x6800  }
0x55: {  	[tilespmem:s26], [sflag:$0x2] =	stream.indirect.gather @!p0 [hbm4b:s4+s28], $0x80, s25, s28, $0xb8;
	[tilespmem:$0x12800] =	vst v63  }
0x56: {  	_ =	swait.ge [sflag:s19], $0x4000  }
0x57: {  	[sflag:s19] =	ssyncset.done $0x0  }
0x58: {  	[sflag:s19] =	ssyncadd.s32 $0xFFFFC000  }
0x59: {  	_ =	swait.ge [sflag:s20], $0x4000  }
0x5a: {  	[sflag:s20] =	ssyncset.done $0x0  }
0x5b: {  	s25 =	simm.s32 $0x0;
	[sflag:s20] =	ssyncadd.s32 $0xFFFFC000  }
0x5c: {  	v7 =	vld [tilespmem:s25+$0xE800]  }
0x5d: {  	v11 =	vld [tilespmem:s25+$0xE810]  }
0x5e: {  	v5 =	vld [tilespmem:s25+$0xE820]  }
0x5f: {  	v4 =	vld [tilespmem:s25+$0xE830]  }
0x60: {  	v3 =	vld [tilespmem:s25+$0xE840]  }
0x61: {  	v2 =	vld [tilespmem:s25+$0xE850]  }
0x62: {  	v1 =	vld [tilespmem:s25+$0xE860]  }
0x63: {  	v0 =	vld [tilespmem:s25+$0xE870]  }
0x64: {  	v12 =	vld [tilespmem:s25+$0xA800]  }
0x65: {  	v13 =	vld [tilespmem:s25+$0xA810]  }
0x66: {  	v10 =	vld [tilespmem:s25+$0xA820]  }
0x67: {  	v9 =	vld [tilespmem:s25+$0xA830]  }
0x68: {  	v8 =	vld [tilespmem:s25+$0xA840]  }
0x69: {  	v6 =	vld [tilespmem:s25+$0xA850];
	v12 =	vadd.f32 v7, v12  }
0x6a: {  	s26 =	simm.s32 $0x200;
	v11 =	vadd.f32 v11, v13;
	v7 =	vld [tilespmem:s25+$0xA860]  }
.LBB2_5:
0x6b: {  	s28 =	sshra.s32 s26, $0x2;
	p0 =	sne.s32 s26, $0xFE00;
	[tilespmem:s25+$0xA800] =	vst v12;
	v5 =	vadd.f32 v5, v10;
	v10 =	vld [tilespmem:s25+$0xA870]  }
0x6c: {  	v12 =	vld [tilespmem:s28+$0xE800];
	[tilespmem:s25+$0xA810] =	vst v11;
	v4 =	vadd.f32 v4, v9  }
0x6d: {  	v11 =	vld [tilespmem:s28+$0xE810];
	[tilespmem:s25+$0xA820] =	vst v5;
	v3 =	vadd.f32 v3, v8  }
0x6e: {  	v5 =	vld [tilespmem:s28+$0xE820];
	[tilespmem:s25+$0xA830] =	vst v4;
	v2 =	vadd.f32 v2, v6  }
0x6f: {  	v4 =	vld [tilespmem:s28+$0xE830];
	[tilespmem:s25+$0xA840] =	vst v3;
	v1 =	vadd.f32 v1, v7  }
0x70: {  	v3 =	vld [tilespmem:s28+$0xE840];
	[tilespmem:s25+$0xA850] =	vst v2;
	v0 =	vadd.f32 v0, v10  }
0x71: {  	v2 =	vld [tilespmem:s28+$0xE850];
	[tilespmem:s25+$0xA860] =	vst v1  }
0x72: {  	v1 =	vld [tilespmem:s28+$0xE860];
	[tilespmem:s25+$0xA870] =	vst v0;
	s25 =	smov.u32 s28  }
0x73: {  	v0 =	vld [tilespmem:s25+$0xE870]  }
0x74: {  	v6 =	vld [tilespmem:s25+$0xA800]  }
0x75: {  	v7 =	vld [tilespmem:s25+$0xA810]  }
.Ltmp1:
0x76: {  	v10 =	vld [tilespmem:s25+$0xA820];
	(pc) =	sbr.rel @p0 .LBB2_5-.Ltmp1, $4  }
0x77: {  	v9 =	vld [tilespmem:s25+$0xA830]  }
0x78: {  	v8 =	vld [tilespmem:s25+$0xA840]  }
0x79: {  	v12 =	vadd.f32 v12, v6;
	v6 =	vld [tilespmem:s25+$0xA850]  }
0x7a: {  	s26 =	sadd.s32 $0x200, s26;
	v11 =	vadd.f32 v11, v7;
	v7 =	vld [tilespmem:s25+$0xA860]  }
0x7b: {  	[tilespmem:s25+$0xA800] =	vst v12;
	v5 =	vadd.f32 v5, v10;
	v63 =	vld [tilespmem:s25+$0xA870]  }
0x7c: {  	[tilespmem:s25+$0xA810] =	vst v11;
	v4 =	vadd.f32 v4, v9  }
0x7d: {  	s23 =	sadd.s32 $0x1, s23;
	[tilespmem:s25+$0xA820] =	vst v5;
	v3 =	vadd.f32 v3, v8  }
0x7e: {  	p0 =	sne.s32 s23, $0x14;
	[tilespmem:s25+$0xA830] =	vst v4;
	v2 =	vadd.f32 v2, v6  }
.Ltmp2:
0x7f: {  	[tilespmem:s25+$0xA840] =	vst v3;
	v1 =	vadd.f32 v1, v7;
	(pc) =	sbr.rel @p0 .LBB2_2-.Ltmp2, $4  }
0x80: {  	[tilespmem:s25+$0xA850] =	vst v2;
	v0 =	vadd.f32 v0, v63  }
0x81: {  	s24 =	sshll.u32 s24, $0x10;
	[tilespmem:s25+$0xA860] =	vst v1  }
0x82: {  	s24 =	sadd.s32 s24, s7;
	[tilespmem:s25+$0xA870] =	vst v0  }
0x83: {  	[hbm4b:s24+s2] =	stream.linear.scatter [tilespmem:s15], [sflag:$0x5], $0x4000, $0x38;
	[tilespmem:$0x12800] =	vst v63  }
0x84: {  	s22 =	sadd.s32 $0x1, s22  }
0x85: {  	_ =	swait.ge [sflag:s21], $0x4000;
	p0 =	sne.s32 s22, s8  }
.Ltmp3:
0x86: {  	[sflag:s21] =	ssyncset.done $0x0;
	(pc) =	sbr.rel @p0 .LBB2_1-.Ltmp3, $4  }
0x87: {  	[sflag:s21] =	ssyncadd.s32 $0xFFFFC000  }
0x88: {  	_ =	swait.ge [sflag:s21], $0x4000  }
0x89: {  	[sflag:s21] =	ssyncset.done $0x0  }
0x8a: {  	[sflag:s21] =	ssyncadd.s32 $0xFFFFC000  }
0x8b: {  	_ =	sfence.sel $0x180000  }
0x8c: {  	[bflag:$0x0] =	sbarrier.arrive $0xFFFF  }
0x8d: {  	p0 =	sne.s32 s1, $0x0;
	_ =	strace $0x90000050  }
0x8e: {  	s0 =	sadd.s32 @!p0 $0x100000, s0;
	[bflag:$0x2] =	sbarrier.arrive $0xFFFF  }
0x8f: {  	[sflag:s0] =	ssyncadd.tile.s32 @!p0 $0x1;
	_ =	shalt  }
.Lfunc_end2:
_tile_overlayer_lowered:
.L_overlay_start_2:
0x90: {  	(tag) =	ssettag $0x2  }
0x91: {  	s0 =	rddreg [dreg:$0x0];
	s2 =	stileid.u32  }
0x92: {  	s1 =	rddreg [dreg:$0x1];
	p0 =	sne.s32 s2, $0x0  }
0x93: {  	s3 =	rddreg [dreg:$0x2];
	[bflag:$0x3] =	sbarrier.arrive $0xFFFF;
	s2 =	simm.s32 @!p0 $0x1C06  }
0x94: {  	[timem:s3], [sflag:s2] =	dma.local @!p0 [hbm:s0], s1  }
0x95: {  	s0 =	simm.s32 @!p0 $0x6  }
0x96: {  	_ =	swait.ge @!p0 [sflag:s0], s1  }
0x97: {  	s1 =	ssub.s32 @!p0 $0x0, s1;
	[sflag:s0] =	ssyncset.done @!p0 $0x0  }
0x98: {  	[sflag:s0] =	ssyncadd.s32 @!p0 s1  }
0x99: {  	[bflag:$0x3] =	sbarrier.arrive $0xFFFF  }
0x9a: {  	_ =	shalt  }

// kernel: kernel.28.cloned.1.call-start
scs
__scs_entry_jumppad:
0x0: {  	(pc) =	sbr.rel $0x88, $3  }
0x1: {  	(tag) =	ssettag $0x0;
	lr =	simm.s32 $0x1  }
0x2: {  	[smem:$0x3F8E] =	sst lr;
	_ =	strace $0xD0000000  }
0x3: {  	_ = 	snop  }
0x4: {  	_ = 	snop  }
0x5: {  	_ = 	snop  }
0x6: {  	_ = 	snop  }
0x7: {  	_ = 	snop  }
__scs_overlays_trampoline_lowered:
0x8: {  	[smem:$0x3F9D] =	sst s0  }
0x9: {  	[smem:$0x3F9E] =	sst s1  }
0xa: {  	[smem:$0x3F9F] =	sst s2  }
0xb: {  	[smem:$0x3FA0] =	sst s3  }
0xc: {  	[smem:$0x3FA1] =	sst s4  }
0xd: {  	[smem:$0x3FA2] =	sst s5  }
0xe: {  	[smem:$0x3FA3] =	sst s6  }
0xf: {  	[smem:$0x3FA4] =	sst s7  }
0x10: {  	[smem:$0x3FA5] =	sst s8  }
0x11: {  	[smem:$0x3FA6] =	sst s9;
	s0 =	simm.s32 @!p0 $0x0  }
0x12: {  	s1 =	sld [smem:$0x3F8C];
	s0 =	simm.s32 @p0 $0x1  }
0x13: {  	[smem:$0x3FA7] =	sst s0;
	s0 =	simm.s32 @!p1 $0x0  }
0x14: {  	s2 =	sld [smem:$0x3F8B];
	s0 =	simm.s32 @p1 $0x1  }
0x15: {  	[smem:$0x3FA8] =	sst s0;
	s0 =	simm.s32 @!p2 $0x0  }
0x16: {  	s3 =	sld [smem:$0x3FDB];
	s0 =	simm.s32 @p2 $0x1  }
0x17: {  	s4 =	simm.s32 $0x1BF5;
	[smem:$0x3FAA] =	sst s0  }
0x18: {  	s0 =	sld [smem:$0x3F8D];
	_ =	swait.ge [sflag:s4], $0x0  }
0x19: {  	s7 =	sld [smem:$0x3F8E]  }
0x1a: {  	s8 =	sadd.s32 $0xFFFFE003, lr  }
0x1b: {  	s9 =	sadd.s32 $0xFFFFFEF7, lr;
	s5 =	simm.s32 $0xFFFFFFFF;
	p2 =	slt.u32 s8, $0xFFFFF086  }
0x1c: {  	p1 =	slt.u32 s9, $0xF7A;
	s5 =	simm.s32 @!p2 $0x0  }
0x1d: {  	s5 =	simm.s32 @p1 $0x1;
	p0 =	seq.s32 s7, s2  }
0x1e: {  	s7 =	smul.u32 @!p0 $0xF7A, s2;
	p2 =	seq.s32 @!p0 s5, $0x0  }
0x1f: {  	s9 =	smul.u32 $0xF7A, s1;
	s8 =	simm.s32 @!p0 $0x1BF5;
	p2 =	por !p2, p0  }
0x20: {  	[sflag:s8] =	ssyncset.s32 @!p0 $0xFFFFF086;
	s6 =	sadd.s32 @!p0 s3, s7;
	s7 =	simm.s32 @!p0 $0x108  }
0x21: {  	s3 =	sadd.s32 s3, s9;
	s6 =	sadd.s32 @!p0 $0x88, s6;
	s7 =	simm.s32 @p2 $0x1082  }
0x22: {  	[simem:s7], [sflag:s8] =	dma.local @!p0 [hbm:s6], $0xF7A  }
0x23: {  	s9 =	sor.u32 $0xD0000000, s2;
	s6 =	simm.s32 $0x108;
	_ =	swait.ge @!p0 [sflag:s8], $0x0  }
0x24: {  	s3 =	sadd.s32 $0x88, s3;
	s6 =	simm.s32 @!p1 $0x1082;
	[sflag:s4] =	ssyncset.s32 $0xFFFFF086  }
0x25: {  	[simem:s6], [sflag:s4] =	dma.local [hbm:s3], $0xF7A  }
0x26: {  	[smem:$0x3F8E] =	sst s1;
	(tag) =	ssettag s2;
	_ =	strace s9  }
0x27: {  	s1 =	sld [smem:$0x3F9E]  }
0x28: {  	s2 =	sld [smem:$0x3F9F]  }
0x29: {  	s4 =	sld [smem:$0x3FA1]  }
0x2a: {  	p0 =	seq.s32 s5, $0x0;
	s5 =	sld [smem:$0x3FA2]  }
0x2b: {  	s6 =	sld [smem:$0x3FA3]  }
0x2c: {  	s7 =	sld [smem:$0x3FA4]  }
0x2d: {  	s3 =	simm.s32 $0x108;
	s8 =	sld [smem:$0x3FA5]  }
0x2e: {  	s3 =	simm.s32 @!p0 $0x1082;
	s9 =	sld [smem:$0x3FA6]  }
0x2f: {  	lr =	sadd.s32 s0, s3;
	s0 =	sld [smem:$0x3F9D]  }
0x30: {  	s3 =	sld [smem:$0x3FA0]  }
0x31: {  	[smem:$0x3FA9] =	sst s10  }
0x32: {  	s10 =	sld [smem:$0x3FA7];
	_ =	sdelay $0x3  }
0x33: {  	p0 =	seq.s32 s10, $0x1;
	s10 =	sld [smem:$0x3FA9];
	_ =	sdelay $0x3  }
0x34: {  	[smem:$0x3FA9] =	sst s10  }
0x35: {  	s10 =	sld [smem:$0x3FA8];
	_ =	sdelay $0x3  }
0x36: {  	p1 =	seq.s32 s10, $0x1;
	s10 =	sld [smem:$0x3FA9];
	_ =	sdelay $0x3  }
0x37: {  	[smem:$0x3FA9] =	sst s10  }
0x38: {  	s10 =	sld [smem:$0x3FAA]  }
0x39: {  	_ = 	snop;
	(pc) =	sbr.ind lr, $3  }
0x3a: {  	_ = 	snop  }
0x3b: {  	_ = 	snop  }
0x3c: {  	p2 =	seq.s32 s10, $0x1;
	s10 =	sld [smem:$0x3FA9]  }
0x3d: {  	_ =	shalt  }
0x3e: {  	_ =	shalt  }
0x3f: {  	_ =	shalt  }
0x40: {  	_ =	shalt  }
0x41: {  	_ =	shalt  }
0x42: {  	_ =	shalt  }
0x43: {  	_ =	shalt  }
0x44: {  	_ =	shalt  }
0x45: {  	_ =	shalt  }
0x46: {  	_ =	shalt  }
0x47: {  	_ =	shalt  }
0x48: {  	_ =	shalt  }
0x49: {  	_ =	shalt  }
0x4a: {  	_ =	shalt  }
0x4b: {  	_ =	shalt  }
0x4c: {  	_ =	shalt  }
0x4d: {  	_ =	shalt  }
0x4e: {  	_ =	shalt  }
0x4f: {  	_ =	shalt  }
0x50: {  	_ =	shalt  }
0x51: {  	_ =	shalt  }
0x52: {  	_ =	shalt  }
0x53: {  	_ =	shalt  }
0x54: {  	_ =	shalt  }
0x55: {  	_ =	shalt  }
0x56: {  	_ =	shalt  }
0x57: {  	_ =	shalt  }
0x58: {  	_ =	shalt  }
0x59: {  	_ =	shalt  }
0x5a: {  	_ =	shalt  }
0x5b: {  	_ =	shalt  }
0x5c: {  	_ =	shalt  }
0x5d: {  	_ =	shalt  }
0x5e: {  	_ =	shalt  }
0x5f: {  	_ =	shalt  }
0x60: {  	_ =	shalt  }
0x61: {  	_ =	shalt  }
0x62: {  	_ =	shalt  }
0x63: {  	_ =	shalt  }
0x64: {  	_ =	shalt  }
0x65: {  	_ =	shalt  }
0x66: {  	_ =	shalt  }
0x67: {  	_ =	shalt  }
0x68: {  	_ =	shalt  }
0x69: {  	_ =	shalt  }
0x6a: {  	_ =	shalt  }
0x6b: {  	_ =	shalt  }
0x6c: {  	_ =	shalt  }
0x6d: {  	_ =	shalt  }
0x6e: {  	_ =	shalt  }
0x6f: {  	_ =	shalt  }
0x70: {  	_ =	shalt  }
0x71: {  	_ =	shalt  }
0x72: {  	_ =	shalt  }
0x73: {  	_ =	shalt  }
0x74: {  	_ =	shalt  }
0x75: {  	_ =	shalt  }
0x76: {  	_ =	shalt  }
0x77: {  	_ =	shalt  }
0x78: {  	_ =	shalt  }
0x79: {  	_ =	shalt  }
0x7a: {  	_ =	shalt  }
0x7b: {  	_ =	shalt  }
0x7c: {  	_ =	shalt  }
0x7d: {  	_ =	shalt  }
0x7e: {  	_ =	shalt  }
0x7f: {  	_ =	shalt  }
0x80: {  	_ =	shalt  }
0x81: {  	_ =	shalt  }
0x82: {  	_ =	shalt  }
0x83: {  	_ =	shalt  }
0x84: {  	_ =	shalt  }
0x85: {  	_ =	shalt  }
0x86: {  	_ =	shalt  }
0x87: {  	_ =	shalt  }
.Lfunc_end0:
.L_simem_size_0:
called_computation.4_lowered:
.L_overlay_start_0:
0x88: {  	s2 =	sld [smem:$0x3FD9]  }
0x89: {  	s3 =	sld [smem:$0x3FFE];
	_ =	sdelay $0x1  }
0x8a: {  	s1 =	srdreg.scid  }
0x8b: {  	s0 =	sand.u32 $0x1, s1  }
0x8c: {  	s16 =	sshll.u32 s0, $0xA;
	s2 =	sadd.s32 s3, s2  }
0x8d: {  	s2 =	sadd.s32 s2, s16  }
0x8e: {  	[smem:$0x3FB5] =	sst s2  }
0x8f: {  	_ = 	snop  }
0x90: {  	(tm) =	ssettm $0x1  }
0x91: {  	s17 =	sld [smem:$0x3FFB];
	_ =	sdelay $0x3  }
0x92: {  	_ =	strace s17  }
0x93: {  	s2 =	sld [smem:$0x3FFC];
	_ =	sdelay $0x3  }
0x94: {  	_ =	strace s2  }
0x95: {  	s2 =	sld [smem:$0x3FFD];
	_ =	sdelay $0x3  }
0x96: {  	_ =	strace s2  }
0x97: {  	_ =	strace $0x8FFFFFFF  }
0x98: {  	s18 =	sld [smem:$0x3FDB];
	_ =	sdelay $0x1  }
0x99: {  	s19 =	simm.s32 $_scs_section_size  }
0x9a: {  	s4 =	simm.s32 $_size__tile_overlayer_lowered;
	s5 =	simm.s32 $_tile_overlayer_lowered  }
0x9b: {  	s22 =	simm.s32 $0x1BFF;
	s21 =	sshll.u32 s5, $0x1;
	s2 =	sadd.s32 s19, s18  }
0x9c: {  	s6 =	simm.s32 $0x0;
	s20 =	sshll.u32 s4, $0x1;
	s4 =	sadd.s32 s21, s2  }
0x9d: {  	[timem:s6], [sflag:s22] =	dma.local [hbm:s4], s20  }
0x9e: {  	_ =	swait.ge [sflag:s22], s20  }
0x9f: {  	s3 =	ssub.s32 $0x0, s20;
	[sflag:s22] =	ssyncset.done $0x0  }
0xa0: {  	[sflag:s22] =	ssyncadd.s32 s3;
	_ =	sdelay $0x1  }
0xa1: {  	s23 =	simm.s32 $0x1B8B  }
0xa2: {  	_ =	swait.ge [sflag:s23], $0x1  }
0xa3: {  	[sflag:s23] =	ssyncset.done $0x0  }
0xa4: {  	s25 =	simm.s32 $0x1B8E;
	s24 =	sld [smem:$0x3FFE];
	[sflag:s23] =	ssyncadd.s32 $0xFFFFFFFF  }
0xa5: {  	s26 =	simm.s32 $execute0_lowered;
	[smem:$0x3FD2] =	sst s25  }
0xa6: {  	s4 =	sshll.u32 s26, $0x1;
	_ =	strace $0x80000052;
	[dreg:$0x1] =	wrdreg $0xFFFFFFFF  }
0xa7: {  	s28 =	simm.s32 $_size_execute0_lowered;
	s2 =	sadd.s32 s2, s4;
	[dreg:$0x0] =	wrdreg $0x0  }
0xa8: {  	s4 =	sshll.u32 s28, $0x1;
	[dreg:$0x2] =	wrdreg s2  }
0xa9: {  	[dreg:$0x3] =	wrdreg s4  }
0xaa: {  	[dreg:$0x4] =	wrdreg $0xC0  }
0xab: {  	_ =	task [dreg:s6], $0x5FFFF  }
0xac: {  	[dreg:$0x1] =	wrdreg $0xFFFFFFFF  }
0xad: {  	[dreg:$0x0] =	wrdreg $0x60  }
0xae: {  	[dreg:$0x2] =	wrdreg s24  }
0xaf: {  	[dreg:$0x3] =	wrdreg $0x0  }
0xb0: {  	[dreg:$0x4] =	wrdreg $0x9  }
0xb1: {  	_ =	task.clear_ibuf [dreg:s6], $0x5FFFF;
	_ =	strace $0x90000052  }
0xb2: {  	s29 =	simm.s32 $0x9;
	_ =	strace $0x80000054  }
0xb3: {  	_ =	swait.ge [sflag:s29], $0x1  }
0xb4: {  	[sflag:s29] =	ssyncadd.s32 $0xFFFFFFFF  }
0xb5: {  	_ =	strace $0x90000054  }
0xb6: {  	_ =	sfence  }
0xb7: {  	s30 =	sld [smem:$0x0];
	_ =	sdelay $0x2  }
0xb8: {  	s31 =	sshll.u32 s1, $0xD;
	s1 =	sshrl.u32 s1, $0x2  }
0xb9: {  	s3 =	sand.u32 $0x4000, s31;
	s1 =	sadd.s32 s1, s30  }
0xba: {  	s0 =	sor.u32 s3, s0;
	s1 =	sshll.u32 s1, $0x11  }
0xbb: {  	s0 =	sor.u32 s1, s0  }
0xbc: {  	s0 =	sadd.s32 $0x8F2B, s0  }
0xbd: {  	[sflag:s0] =	ssyncadd.remote.s32 $0x1  }
0xbe: {  	_ =	sfence.sel $0xFFFF  }
0xbf: {  	[dreg:$0x0] =	wrdreg $0xFFFFFFFF;
	(pc) =	sbr.abs _section_cstart, $3  }
0xc0: {  	[dreg:$0x1] =	wrdreg $0xFFFFFFFF  }
0xc1: {  	_ =	task.clear_ibuf [dreg:s6], $0x2FFFF;
	_ =	strace $0x9FFFFFFF  }
0xc2: {  	(tm) =	ssettm $0x7FFFFFFF  }
0xc3: {  	_ =	shalt  }
tec
execute0_lowered:
.L_overlay_start_1:
0x0: {  	(tag) =	ssettag $0x1  }
0x1: {  	s1 =	srdreg.scid;
	s4 =	rddreg [dreg:$0x0]  }
0x2: {  	s0 =	stileid.u32;
	s2 =	rddreg [dreg:$0x1];
	s3 =	simm.s32 $0x0  }
0x3: {  	s16 =	simm.s32 $0x1;
	s17 =	simm.s32 $0x80;
	s18 =	simm.s32 $0x2  }
0x4: {  	s19 =	simm.s32 $0x14F00;
	s20 =	simm.s32 $0x14F80;
	s21 =	smul.u32 $0x2780, s0  }
0x5: {  	s5 =	sand.u32 $0x1, s1;
	s1 =	rddreg [dreg:$0x2];
	s9 =	smul.u32 $0x4F000, s0  }
0x6: {  	s23 =	sshll.u32 s0, $0x1;
	[smem:$0x7FF] =	sst s3;
	s25 =	smul.u32 $0x140000, s0  }
0x7: {  	s11 =	sadd.s32 $0x82E200, s4;
	s26 =	sshll.u32 s0, $0x6;
	s8 =	smul.u32 $0x27800, s5  }
0x8: {  	s7 =	sor.u32 s5, s23;
	_ =	strace $0x80000053;
	s15 =	smul.u32 $0xA0000, s5  }
0x9: {  	s24 =	ssub.s32 $0x2, s5;
	s5 =	sor.u32 $0x1C03, s26;
	s6 =	smul.u32 $0x280, s7  }
0xa: {  	s10 =	sadd.s32 s21, s4;
	s12 =	sshrl.u32 s24, $0x1;
	s13 =	smul.u32 $0x14000, s7  }
0xb: {  	s9 =	sshrl.u32 s9, $0x2;
	s28 =	smul.u32 $0xA0000, s7;
	s8 =	sadd.s32 s8, s4  }
0xc: {  	s12 =	ssub.s32 s24, s12;
	s14 =	sadd.s32 s9, s2;
	s9 =	sadd.s32 s15, s25  }
0xd: {  	s15 =	simm.s32 $0x19000;
	s6 =	sadd.s32 s6, s4;
	s4 =	sadd.s32 $0x37800, s10  }
0xe: {  	s7 =	sadd.s32 s11, s13;
	s22 =	sadd.s32 $0xD4600, s8;
	s8 =	smax.u32 s12, $0x1  }
0xf: {  	s10 =	sshrl.u32 s28, $0x3;
	s29 =	sor.u32 $0x8000, s9;
	s30 =	sor.u32 $0x4000, s9  }
0x10: {  	s13 =	simm.s32 $0x3;
	s6 =	sadd.s32 $0xE400, s6;
	s10 =	sadd.s32 s11, s10  }
0x11: {  	s12 =	sshrl.u32 s29, $0x3;
	s31 =	sshrl.u32 s30, $0x3;
	s21 =	sadd.s32 s21, s22  }
0x12: {  	s22 =	simm.s32 $0x0;
	s9 =	sadd.s32 $0x13800, s10;
	s10 =	sadd.s32 s12, s11  }
0x13: {  	s11 =	sadd.s32 s31, s11;
	s12 =	sshrl.u32 s14, $0x3;
	s14 =	simm.s32 $0x15000  }
.LBB2_1:
0x14: {  	[spmem:s12], [sflag:s5] =	dma.local [hbm:s4], $0x2780  }
0x15: {  	_ =	swait.ge [sflag:s13], $0x2780  }
0x16: {  	[sflag:s13] =	ssyncset.done $0x0  }
0x17: {  	s23 =	simm.s32 $0x13C00;
	[sflag:s13] =	ssyncadd.s32 $0xFFFFD880  }
0x18: {  	[tilespmem:s23], [sflag:$0x3] =	stream.linear.gather [hbm4b:s6+s3], $0x1400, $0x38;
	[tilespmem:$0x1D000] =	vst v63  }
0x19: {  	_ =	swait.ge [sflag:s13], $0x1400  }
0x1a: {  	[sflag:s13] =	ssyncset.done $0x0  }
0x1b: {  	[sflag:s13] =	ssyncadd.s32 $0xFFFFEC00  }
0x1c: {  	[bflag:$0x0] =	sbarrier.arrive $0xFFFF  }
0x1d: {  	[tilespmem:s14], [sflag:$0x1] =	stream.linear.gather [hbm4b:s7+s3], $0x4000, $0x38;
	[tilespmem:$0x1D000] =	vst v63  }
0x1e: {  	s24 =	sadd.s32 $0x0, s11  }
0x1f: {  	[tilespmem:s15], [sflag:$0x2] =	stream.linear.gather [hbm4b:s24+s3], $0x4000, $0x38;
	[tilespmem:$0x1D000] =	vst v63  }
0x20: {  	_ =	swait.ge [sflag:s16], $0x4000  }
0x21: {  	[sflag:s16] =	ssyncset.done $0x0  }
0x22: {  	[sflag:s16] =	ssyncadd.s32 $0xFFFFC000  }
0x23: {  	[spmem:s2] =	stream.indirect.scatter.add.f32 [tilespmem:s14], [sflag:$0x3], $0x80, s23, s17, $0xb8;
	[tilespmem:$0x1D000] =	vst v63  }
0x24: {  	_ =	swait.ge [sflag:s13], $0x4000  }
0x25: {  	[sflag:s13] =	ssyncset.done $0x0  }
0x26: {  	s30 =	sadd.s32 $0x0, s10;
	[sflag:s13] =	ssyncadd.s32 $0xFFFFC000  }
0x27: {  	[tilespmem:s14], [sflag:$0x1] =	stream.linear.gather [hbm4b:s30+s3], $0x4000, $0x38;
	[tilespmem:$0x1D000] =	vst v63  }
0x28: {  	_ =	swait.ge [sflag:s18], $0x4000  }
0x29: {  	[sflag:s18] =	ssyncset.done $0x0  }
0x2a: {  	s31 =	simm.s32 $0x13C80;
	[sflag:s18] =	ssyncadd.s32 $0xFFFFC000  }
0x2b: {  	[spmem:s2] =	stream.indirect.scatter.add.f32 [tilespmem:s15], [sflag:$0x3], $0x80, s31, s17, $0xb8;
	[tilespmem:$0x1D000] =	vst v63  }
0x2c: {  	s25 =	simm.s32 $0x2000;
	_ =	swait.ge [sflag:s13], $0x4000  }
0x2d: {  	s24 =	simm.s32 $0x1000;
	s23 =	simm.s32 $0x13D00;
	[sflag:s13] =	ssyncset.done $0x0  }
.LBB2_2:
0x2e: {  	s26 =	sadd.s32 s24, s11  }
0x2f: {  	[sflag:s13] =	ssyncadd.s32 $0xFFFFC000;
	s28 =	smov.u32 s25;
	s29 =	sadd.s32 $0x1000, s25  }
0x30: {  	[tilespmem:s15], [sflag:$0x2] =	stream.linear.gather [hbm4b:s26+s3], $0x4000, $0x38;
	[tilespmem:$0x1D000] =	vst v63  }
0x31: {  	p0 =	sne.s32 s25, $0x12000;
	_ =	swait.ge [sflag:s16], $0x4000  }
0x32: {  	[sflag:s16] =	ssyncset.done $0x0  }
0x33: {  	[sflag:s16] =	ssyncadd.s32 $0xFFFFC000  }
0x34: {  	[spmem:s2] =	stream.indirect.scatter.add.f32 [tilespmem:s14], [sflag:$0x3], $0x80, s23, s17, $0xb8;
	[tilespmem:$0x1D000] =	vst v63  }
0x35: {  	_ =	swait.ge [sflag:s13], $0x4000  }
0x36: {  	[sflag:s13] =	ssyncset.done $0x0  }
0x37: {  	s25 =	sadd.s32 s24, s10;
	s24 =	smov.u32 s28;
	[sflag:s13] =	ssyncadd.s32 $0xFFFFC000  }
0x38: {  	[tilespmem:s14], [sflag:$0x1] =	stream.linear.gather [hbm4b:s25+s3], $0x4000, $0x38;
	[tilespmem:$0x1D000] =	vst v63  }
0x39: {  	_ =	swait.ge [sflag:s18], $0x4000  }
.Ltmp0:
0x3a: {  	[sflag:s18] =	ssyncset.done $0x0;
	(pc) =	sbr.rel @p0 .LBB2_2-.Ltmp0, $4  }
0x3b: {  	s25 =	sadd.s32 $0x80, s23;
	[sflag:s18] =	ssyncadd.s32 $0xFFFFC000  }
0x3c: {  	[spmem:s2] =	stream.indirect.scatter.add.f32 [tilespmem:s15], [sflag:$0x3], $0x80, s25, s17, $0xb8;
	[tilespmem:$0x1D000] =	vst v63  }
0x3d: {  	_ =	swait.ge [sflag:s13], $0x4000  }
0x3e: {  	s23 =	sadd.s32 $0x100, s23;
	s25 =	smov.u32 s29;
	[sflag:s13] =	ssyncset.done $0x0  }
0x3f: {  	s25 =	sadd.s32 s24, s11;
	[sflag:s13] =	ssyncadd.s32 $0xFFFFC000  }
0x40: {  	[tilespmem:s15], [sflag:$0x2] =	stream.linear.gather [hbm4b:s25+s3], $0x4000, $0x38;
	[tilespmem:$0x1D000] =	vst v63  }
0x41: {  	_ =	swait.ge [sflag:s16], $0x4000  }
0x42: {  	[sflag:s16] =	ssyncset.done $0x0  }
0x43: {  	[sflag:s16] =	ssyncadd.s32 $0xFFFFC000  }
0x44: {  	[spmem:s2] =	stream.indirect.scatter.add.f32 [tilespmem:s14], [sflag:$0x3], $0x80, s23, s17, $0xb8;
	[tilespmem:$0x1D000] =	vst v63  }
0x45: {  	_ =	swait.ge [sflag:s13], $0x4000  }
0x46: {  	[sflag:s13] =	ssyncset.done $0x0  }
0x47: {  	s30 =	sadd.s32 s24, s10;
	[sflag:s13] =	ssyncadd.s32 $0xFFFFC000  }
0x48: {  	[tilespmem:s14], [sflag:$0x1] =	stream.linear.gather [hbm4b:s30+s3], $0x4000, $0x38;
	[tilespmem:$0x1D000] =	vst v63  }
0x49: {  	_ =	swait.ge [sflag:s18], $0x4000  }
0x4a: {  	[sflag:s18] =	ssyncset.done $0x0  }
0x4b: {  	s31 =	sadd.s32 $0x80, s23;
	[sflag:s18] =	ssyncadd.s32 $0xFFFFC000  }
0x4c: {  	[spmem:s2] =	stream.indirect.scatter.add.f32 [tilespmem:s15], [sflag:$0x3], $0x80, s31, s17, $0xb8;
	[tilespmem:$0x1D000] =	vst v63  }
0x4d: {  	_ =	swait.ge [sflag:s13], $0x4000  }
0x4e: {  	[sflag:s13] =	ssyncset.done $0x0  }
0x4f: {  	[sflag:s13] =	ssyncadd.s32 $0xFFFFC000  }
0x50: {  	[tilespmem:s15], [sflag:$0x2] =	stream.linear.gather [hbm4b:s9+s3], $0x4000, $0x38;
	[tilespmem:$0x1D000] =	vst v63  }
0x51: {  	_ =	swait.ge [sflag:s16], $0x4000  }
0x52: {  	[sflag:s16] =	ssyncset.done $0x0  }
0x53: {  	[sflag:s16] =	ssyncadd.s32 $0xFFFFC000  }
0x54: {  	[spmem:s2] =	stream.indirect.scatter.add.f32 [tilespmem:s14], [sflag:$0x3], $0x80, s19, s17, $0xb8;
	[tilespmem:$0x1D000] =	vst v63  }
0x55: {  	_ =	swait.ge [sflag:s13], $0x4000  }
0x56: {  	[sflag:s13] =	ssyncset.done $0x0  }
0x57: {  	[sflag:s13] =	ssyncadd.s32 $0xFFFFC000  }
0x58: {  	_ =	swait.ge [sflag:s18], $0x4000  }
0x59: {  	[sflag:s18] =	ssyncset.done $0x0  }
0x5a: {  	[sflag:s18] =	ssyncadd.s32 $0xFFFFC000  }
0x5b: {  	[spmem:s2] =	stream.indirect.scatter.add.f32 [tilespmem:s15], [sflag:$0x3], $0x80, s20, s17, $0xb8;
	[tilespmem:$0x1D000] =	vst v63  }
0x5c: {  	_ =	swait.ge [sflag:s13], $0x4000  }
0x5d: {  	s22 =	sadd.s32 $0x1, s22;
	[sflag:s13] =	ssyncset.done $0x0  }
0x5e: {  	p0 =	sne.s32 s22, s8;
	[sflag:s13] =	ssyncadd.s32 $0xFFFFC000  }
.Ltmp1:
0x5f: {  	[bflag:$0x0] =	sbarrier.arrive $0xFFFF;
	(pc) =	sbr.rel @p0 .LBB2_1-.Ltmp1, $4  }
0x60: {  	[hbm:s21], [sflag:s5] =	dma.local [spmem:s12], $0x2780  }
0x61: {  	_ =	swait.ge [sflag:s13], $0x2780  }
0x62: {  	[sflag:s13] =	ssyncset.done $0x0  }
0x63: {  	[sflag:s13] =	ssyncadd.s32 $0xFFFFD880  }
0x64: {  	_ =	sfence.sel $0x180000  }
0x65: {  	[bflag:$0x0] =	sbarrier.arrive $0xFFFF  }
0x66: {  	p0 =	sne.s32 s0, $0x0;
	_ =	strace $0x90000053  }
0x67: {  	s0 =	sadd.s32 @!p0 $0x100000, s1;
	[bflag:$0x2] =	sbarrier.arrive $0xFFFF  }
0x68: {  	[sflag:s0] =	ssyncadd.tile.s32 @!p0 $0x1;
	_ =	shalt  }
.Lfunc_end2:
_tile_overlayer_lowered:
.L_overlay_start_2:
0x69: {  	(tag) =	ssettag $0x2  }
0x6a: {  	s0 =	rddreg [dreg:$0x0];
	s2 =	stileid.u32  }
0x6b: {  	s1 =	rddreg [dreg:$0x1];
	p0 =	sne.s32 s2, $0x0  }
0x6c: {  	s3 =	rddreg [dreg:$0x2];
	[bflag:$0x3] =	sbarrier.arrive $0xFFFF;
	s2 =	simm.s32 @!p0 $0x1C03  }
0x6d: {  	[timem:s3], [sflag:s2] =	dma.local @!p0 [hbm:s0], s1  }
0x6e: {  	s0 =	simm.s32 @!p0 $0x3  }
0x6f: {  	_ =	swait.ge @!p0 [sflag:s0], s1  }
0x70: {  	s1 =	ssub.s32 @!p0 $0x0, s1;
	[sflag:s0] =	ssyncset.done @!p0 $0x0  }
0x71: {  	[sflag:s0] =	ssyncadd.s32 @!p0 s1  }
0x72: {  	[bflag:$0x3] =	sbarrier.arrive $0xFFFF  }
0x73: {  	_ =	shalt  }

// kernel: kernel.31.cloned.1.call-start
scs
__scs_entry_jumppad:
0x0: {  	(pc) =	sbr.rel $0x88, $3  }
0x1: {  	(tag) =	ssettag $0x0;
	lr =	simm.s32 $0x1  }
0x2: {  	[smem:$0x3F8E] =	sst lr;
	_ =	strace $0xD0000000  }
0x3: {  	_ = 	snop  }
0x4: {  	_ = 	snop  }
0x5: {  	_ = 	snop  }
0x6: {  	_ = 	snop  }
0x7: {  	_ = 	snop  }
__scs_overlays_trampoline_lowered:
0x8: {  	[smem:$0x3F9D] =	sst s0  }
0x9: {  	[smem:$0x3F9E] =	sst s1  }
0xa: {  	[smem:$0x3F9F] =	sst s2  }
0xb: {  	[smem:$0x3FA0] =	sst s3  }
0xc: {  	[smem:$0x3FA1] =	sst s4  }
0xd: {  	[smem:$0x3FA2] =	sst s5  }
0xe: {  	[smem:$0x3FA3] =	sst s6  }
0xf: {  	[smem:$0x3FA4] =	sst s7  }
0x10: {  	[smem:$0x3FA5] =	sst s8  }
0x11: {  	[smem:$0x3FA6] =	sst s9;
	s0 =	simm.s32 @!p0 $0x0  }
0x12: {  	s1 =	sld [smem:$0x3F8C];
	s0 =	simm.s32 @p0 $0x1  }
0x13: {  	[smem:$0x3FA7] =	sst s0;
	s0 =	simm.s32 @!p1 $0x0  }
0x14: {  	s2 =	sld [smem:$0x3F8B];
	s0 =	simm.s32 @p1 $0x1  }
0x15: {  	[smem:$0x3FA8] =	sst s0;
	s0 =	simm.s32 @!p2 $0x0  }
0x16: {  	s3 =	sld [smem:$0x3FDB];
	s0 =	simm.s32 @p2 $0x1  }
0x17: {  	s4 =	simm.s32 $0x1BF5;
	[smem:$0x3FAA] =	sst s0  }
0x18: {  	s0 =	sld [smem:$0x3F8D];
	_ =	swait.ge [sflag:s4], $0x0  }
0x19: {  	s7 =	sld [smem:$0x3F8E]  }
0x1a: {  	s8 =	sadd.s32 $0xFFFFE003, lr  }
0x1b: {  	s9 =	sadd.s32 $0xFFFFFEF7, lr;
	s5 =	simm.s32 $0xFFFFFFFF;
	p2 =	slt.u32 s8, $0xFFFFF086  }
0x1c: {  	p1 =	slt.u32 s9, $0xF7A;
	s5 =	simm.s32 @!p2 $0x0  }
0x1d: {  	s5 =	simm.s32 @p1 $0x1;
	p0 =	seq.s32 s7, s2  }
0x1e: {  	s7 =	smul.u32 @!p0 $0xF7A, s2;
	p2 =	seq.s32 @!p0 s5, $0x0  }
0x1f: {  	s9 =	smul.u32 $0xF7A, s1;
	s8 =	simm.s32 @!p0 $0x1BF5;
	p2 =	por !p2, p0  }
0x20: {  	[sflag:s8] =	ssyncset.s32 @!p0 $0xFFFFF086;
	s6 =	sadd.s32 @!p0 s3, s7;
	s7 =	simm.s32 @!p0 $0x108  }
0x21: {  	s3 =	sadd.s32 s3, s9;
	s6 =	sadd.s32 @!p0 $0x88, s6;
	s7 =	simm.s32 @p2 $0x1082  }
0x22: {  	[simem:s7], [sflag:s8] =	dma.local @!p0 [hbm:s6], $0xF7A  }
0x23: {  	s9 =	sor.u32 $0xD0000000, s2;
	s6 =	simm.s32 $0x108;
	_ =	swait.ge @!p0 [sflag:s8], $0x0  }
0x24: {  	s3 =	sadd.s32 $0x88, s3;
	s6 =	simm.s32 @!p1 $0x1082;
	[sflag:s4] =	ssyncset.s32 $0xFFFFF086  }
0x25: {  	[simem:s6], [sflag:s4] =	dma.local [hbm:s3], $0xF7A  }
0x26: {  	[smem:$0x3F8E] =	sst s1;
	(tag) =	ssettag s2;
	_ =	strace s9  }
0x27: {  	s1 =	sld [smem:$0x3F9E]  }
0x28: {  	s2 =	sld [smem:$0x3F9F]  }
0x29: {  	s4 =	sld [smem:$0x3FA1]  }
0x2a: {  	p0 =	seq.s32 s5, $0x0;
	s5 =	sld [smem:$0x3FA2]  }
0x2b: {  	s6 =	sld [smem:$0x3FA3]  }
0x2c: {  	s7 =	sld [smem:$0x3FA4]  }
0x2d: {  	s3 =	simm.s32 $0x108;
	s8 =	sld [smem:$0x3FA5]  }
0x2e: {  	s3 =	simm.s32 @!p0 $0x1082;
	s9 =	sld [smem:$0x3FA6]  }
0x2f: {  	lr =	sadd.s32 s0, s3;
	s0 =	sld [smem:$0x3F9D]  }
0x30: {  	s3 =	sld [smem:$0x3FA0]  }
0x31: {  	[smem:$0x3FA9] =	sst s10  }
0x32: {  	s10 =	sld [smem:$0x3FA7];
	_ =	sdelay $0x3  }
0x33: {  	p0 =	seq.s32 s10, $0x1;
	s10 =	sld [smem:$0x3FA9];
	_ =	sdelay $0x3  }
0x34: {  	[smem:$0x3FA9] =	sst s10  }
0x35: {  	s10 =	sld [smem:$0x3FA8];
	_ =	sdelay $0x3  }
0x36: {  	p1 =	seq.s32 s10, $0x1;
	s10 =	sld [smem:$0x3FA9];
	_ =	sdelay $0x3  }
0x37: {  	[smem:$0x3FA9] =	sst s10  }
0x38: {  	s10 =	sld [smem:$0x3FAA]  }
0x39: {  	_ = 	snop;
	(pc) =	sbr.ind lr, $3  }
0x3a: {  	_ = 	snop  }
0x3b: {  	_ = 	snop  }
0x3c: {  	p2 =	seq.s32 s10, $0x1;
	s10 =	sld [smem:$0x3FA9]  }
0x3d: {  	_ =	shalt  }
0x3e: {  	_ =	shalt  }
0x3f: {  	_ =	shalt  }
0x40: {  	_ =	shalt  }
0x41: {  	_ =	shalt  }
0x42: {  	_ =	shalt  }
0x43: {  	_ =	shalt  }
0x44: {  	_ =	shalt  }
0x45: {  	_ =	shalt  }
0x46: {  	_ =	shalt  }
0x47: {  	_ =	shalt  }
0x48: {  	_ =	shalt  }
0x49: {  	_ =	shalt  }
0x4a: {  	_ =	shalt  }
0x4b: {  	_ =	shalt  }
0x4c: {  	_ =	shalt  }
0x4d: {  	_ =	shalt  }
0x4e: {  	_ =	shalt  }
0x4f: {  	_ =	shalt  }
0x50: {  	_ =	shalt  }
0x51: {  	_ =	shalt  }
0x52: {  	_ =	shalt  }
0x53: {  	_ =	shalt  }
0x54: {  	_ =	shalt  }
0x55: {  	_ =	shalt  }
0x56: {  	_ =	shalt  }
0x57: {  	_ =	shalt  }
0x58: {  	_ =	shalt  }
0x59: {  	_ =	shalt  }
0x5a: {  	_ =	shalt  }
0x5b: {  	_ =	shalt  }
0x5c: {  	_ =	shalt  }
0x5d: {  	_ =	shalt  }
0x5e: {  	_ =	shalt  }
0x5f: {  	_ =	shalt  }
0x60: {  	_ =	shalt  }
0x61: {  	_ =	shalt  }
0x62: {  	_ =	shalt  }
0x63: {  	_ =	shalt  }
0x64: {  	_ =	shalt  }
0x65: {  	_ =	shalt  }
0x66: {  	_ =	shalt  }
0x67: {  	_ =	shalt  }
0x68: {  	_ =	shalt  }
0x69: {  	_ =	shalt  }
0x6a: {  	_ =	shalt  }
0x6b: {  	_ =	shalt  }
0x6c: {  	_ =	shalt  }
0x6d: {  	_ =	shalt  }
0x6e: {  	_ =	shalt  }
0x6f: {  	_ =	shalt  }
0x70: {  	_ =	shalt  }
0x71: {  	_ =	shalt  }
0x72: {  	_ =	shalt  }
0x73: {  	_ =	shalt  }
0x74: {  	_ =	shalt  }
0x75: {  	_ =	shalt  }
0x76: {  	_ =	shalt  }
0x77: {  	_ =	shalt  }
0x78: {  	_ =	shalt  }
0x79: {  	_ =	shalt  }
0x7a: {  	_ =	shalt  }
0x7b: {  	_ =	shalt  }
0x7c: {  	_ =	shalt  }
0x7d: {  	_ =	shalt  }
0x7e: {  	_ =	shalt  }
0x7f: {  	_ =	shalt  }
0x80: {  	_ =	shalt  }
0x81: {  	_ =	shalt  }
0x82: {  	_ =	shalt  }
0x83: {  	_ =	shalt  }
0x84: {  	_ =	shalt  }
0x85: {  	_ =	shalt  }
0x86: {  	_ =	shalt  }
0x87: {  	_ =	shalt  }
.Lfunc_end0:
.L_simem_size_0:
called_computation.5_lowered:
.L_overlay_start_0:
0x88: {  	s2 =	sld [smem:$0x3FD9]  }
0x89: {  	s3 =	sld [smem:$0x3FFE];
	_ =	sdelay $0x1  }
0x8a: {  	s1 =	srdreg.scid  }
0x8b: {  	s0 =	sand.u32 $0x1, s1  }
0x8c: {  	s16 =	sshll.u32 s0, $0xA;
	s2 =	sadd.s32 s3, s2  }
0x8d: {  	s2 =	sadd.s32 s2, s16  }
0x8e: {  	[smem:$0x3FB5] =	sst s2  }
0x8f: {  	_ = 	snop  }
0x90: {  	(tm) =	ssettm $0x1  }
0x91: {  	s17 =	sld [smem:$0x3FFB];
	_ =	sdelay $0x3  }
0x92: {  	_ =	strace s17  }
0x93: {  	s2 =	sld [smem:$0x3FFC];
	_ =	sdelay $0x3  }
0x94: {  	_ =	strace s2  }
0x95: {  	s2 =	sld [smem:$0x3FFD];
	_ =	sdelay $0x3  }
0x96: {  	_ =	strace s2  }
0x97: {  	_ =	strace $0x8FFFFFFF  }
0x98: {  	s18 =	sld [smem:$0x3FDB];
	_ =	sdelay $0x1  }
0x99: {  	s19 =	simm.s32 $_scs_section_size  }
0x9a: {  	s4 =	simm.s32 $_size__tile_overlayer_lowered;
	s5 =	simm.s32 $_tile_overlayer_lowered  }
0x9b: {  	s22 =	simm.s32 $0x1BFF;
	s21 =	sshll.u32 s5, $0x1;
	s2 =	sadd.s32 s19, s18  }
0x9c: {  	s6 =	simm.s32 $0x0;
	s20 =	sshll.u32 s4, $0x1;
	s4 =	sadd.s32 s21, s2  }
0x9d: {  	[timem:s6], [sflag:s22] =	dma.local [hbm:s4], s20  }
0x9e: {  	_ =	swait.ge [sflag:s22], s20  }
0x9f: {  	s3 =	ssub.s32 $0x0, s20;
	[sflag:s22] =	ssyncset.done $0x0  }
0xa0: {  	[sflag:s22] =	ssyncadd.s32 s3;
	_ =	sdelay $0x1  }
0xa1: {  	s23 =	simm.s32 $0x1B8B  }
0xa2: {  	_ =	swait.ge [sflag:s23], $0x1  }
0xa3: {  	[sflag:s23] =	ssyncset.done $0x0  }
0xa4: {  	s25 =	simm.s32 $0x1B8E;
	s24 =	sld [smem:$0x3FFE];
	[sflag:s23] =	ssyncadd.s32 $0xFFFFFFFF  }
0xa5: {  	s26 =	simm.s32 $execute0_lowered;
	[smem:$0x3FD2] =	sst s25  }
0xa6: {  	s4 =	sshll.u32 s26, $0x1;
	_ =	strace $0x80000055;
	[dreg:$0x1] =	wrdreg $0xFFFFFFFF  }
0xa7: {  	s28 =	simm.s32 $_size_execute0_lowered;
	s2 =	sadd.s32 s2, s4;
	[dreg:$0x0] =	wrdreg $0x0  }
0xa8: {  	s4 =	sshll.u32 s28, $0x1;
	[dreg:$0x2] =	wrdreg s2  }
0xa9: {  	[dreg:$0x3] =	wrdreg s4  }
0xaa: {  	[dreg:$0x4] =	wrdreg $0xC0  }
0xab: {  	_ =	task [dreg:s6], $0x5FFFF  }
0xac: {  	[dreg:$0x1] =	wrdreg $0xFFFFFFFF  }
0xad: {  	[dreg:$0x0] =	wrdreg $0x60  }
0xae: {  	[dreg:$0x2] =	wrdreg s24  }
0xaf: {  	[dreg:$0x3] =	wrdreg $0x9  }
0xb0: {  	_ =	task.clear_ibuf [dreg:s6], $0x4FFFF;
	_ =	strace $0x90000055  }
0xb1: {  	s29 =	simm.s32 $0x9;
	_ =	strace $0x80000057  }
0xb2: {  	_ =	swait.ge [sflag:s29], $0x1  }
0xb3: {  	[sflag:s29] =	ssyncadd.s32 $0xFFFFFFFF  }
0xb4: {  	_ =	strace $0x90000057  }
0xb5: {  	_ =	sfence  }
0xb6: {  	s30 =	sld [smem:$0x0];
	_ =	sdelay $0x2  }
0xb7: {  	s31 =	sshll.u32 s1, $0xD;
	s1 =	sshrl.u32 s1, $0x2  }
0xb8: {  	s3 =	sand.u32 $0x4000, s31;
	s1 =	sadd.s32 s1, s30  }
0xb9: {  	s0 =	sor.u32 s3, s0;
	s1 =	sshll.u32 s1, $0x11  }
0xba: {  	s0 =	sor.u32 s1, s0  }
0xbb: {  	s0 =	sadd.s32 $0x8F2B, s0  }
0xbc: {  	[sflag:s0] =	ssyncadd.remote.s32 $0x1  }
0xbd: {  	_ =	sfence.sel $0xFFFF  }
0xbe: {  	[dreg:$0x0] =	wrdreg $0xFFFFFFFF;
	(pc) =	sbr.abs _section_cstart, $3  }
0xbf: {  	[dreg:$0x1] =	wrdreg $0xFFFFFFFF  }
0xc0: {  	_ =	task.clear_ibuf [dreg:s6], $0x2FFFF;
	_ =	strace $0x9FFFFFFF  }
0xc1: {  	(tm) =	ssettm $0x7FFFFFFF  }
tec
execute0_lowered:
.L_overlay_start_1:
0x0: {  	(tag) =	ssettag $0x1  }
0x1: {  	s5 =	rddreg [dreg:$0x0]  }
0x2: {  	s0 =	rddreg [dreg:$0x1];
	s2 =	simm.s32 $0x0;
	s4 =	srdreg.scid  }
0x3: {  	s1 =	stileid.u32;
	s10 =	simm.s32 $0x1000;
	s11 =	simm.s32 $0x6  }
0x4: {  	s12 =	simm.s32 $0x1400;
	s13 =	simm.s32 $0x2800;
	s14 =	simm.s32 $0x6800  }
0x5: {  	s15 =	simm.s32 $0xA800;
	s16 =	simm.s32 $0xE800;
	s17 =	simm.s32 $0x1  }
0x6: {  	s18 =	simm.s32 $0x2;
	s19 =	simm.s32 $0x3;
	s20 =	simm.s32 $0x4  }
0x7: {  	s21 =	simm.s32 $0x5;
	s22 =	simm.s32 $0x0;
	[smem:$0x7FF] =	sst s2  }
0x8: {  	s3 =	sadd.s32 $0x5F000, s5;
	s6 =	sand.u32 $0x1, s4;
	s7 =	sshll.u32 s1, $0x1  }
0x9: {  	s4 =	sadd.s32 $0x86200, s5;
	_ =	strace $0x80000056;
	s7 =	sor.u32 s6, s7  }
0xa: {  	s6 =	ssub.s32 $0x2, s6;
	s8 =	sshll.u32 s7, $0x4;
	s7 =	sshll.u32 s7, $0xB  }
0xb: {  	s9 =	sshrl.u32 s6, $0x1;
	s8 =	sadd.s32 s8, s5;
	s7 =	sadd.s32 s7, s5  }
0xc: {  	s9 =	ssub.s32 s6, s9;
	s5 =	sadd.s32 $0x28A00, s8;
	s6 =	sadd.s32 $0x9400, s8  }
0xd: {  	s7 =	sadd.s32 $0x5AE200, s7;
	s8 =	smax.u32 s9, $0x1;
	s9 =	simm.s32 $0x80  }
.LBB2_1:
0xe: {  	[tilespmem:s2], [sflag:$0x6] =	stream.strided.gather [hbm4b:s5+s9], $0x1400, s10, s9, $0x38;
	[tilespmem:$0x12800] =	vst v63  }
0xf: {  	_ =	swait.ge [sflag:s11], $0x1400  }
0x10: {  	[sflag:s11] =	ssyncset.done $0x0  }
0x11: {  	[sflag:s11] =	ssyncadd.s32 $0xFFFFEC00  }
0x12: {  	[tilespmem:s12], [sflag:$0x6] =	stream.strided.gather [hbm4b:s6+s9], $0x1400, s10, s9, $0x38;
	[tilespmem:$0x12800] =	vst v63  }
0x13: {  	_ =	swait.ge [sflag:s11], $0x1400  }
0x14: {  	[sflag:s11] =	ssyncset.done $0x0  }
0x15: {  	[sflag:s11] =	ssyncadd.s32 $0xFFFFEC00  }
0x16: {  	[tilespmem:s13], [sflag:$0x1] =	stream.indirect.gather [hbm4b:s3+s9], $0x80, s2, s9, $0xb8;
	[tilespmem:$0x12800] =	vst v63  }
0x17: {  	s23 =	simm.s32 $0x0  }
0x18: {  	[tilespmem:s14], [sflag:$0x2] =	stream.indirect.gather [hbm4b:s4+s9], $0x80, s12, s9, $0xb8;
	[tilespmem:$0x12800] =	vst v63  }
.LBB2_2:
0x19: {  	p0 =	seq.s32 s23, $0x0  }
0x1a: {  	s25 =	simm.s32 @!p0 $0x5  }
0x1b: {  	_ =	swait.ge @!p0 [sflag:s25], $0x4000  }
0x1c: {  	s24 =	sshllo.u32 s23, $0x1;
	[sflag:s25] =	ssyncset.done @!p0 $0x0  }
0x1d: {  	s31 =	sshll.u32 s24, $0x7;
	[sflag:s25] =	ssyncadd.s32 @!p0 $0xFFFFC000  }
0x1e: {  	[tilespmem:s15], [sflag:$0x3] =	stream.indirect.gather [hbm4b:s3+s9], $0x80, s31, s9, $0xb8;
	[tilespmem:$0x12800] =	vst v63  }
0x1f: {  	s25 =	sadd.s32 $0x1400, s31  }
0x20: {  	[tilespmem:s16], [sflag:$0x4] =	stream.indirect.gather [hbm4b:s4+s9], $0x80, s25, s9, $0xb8;
	[tilespmem:$0x12800] =	vst v63  }
0x21: {  	_ =	swait.ge [sflag:s17], $0x4000  }
0x22: {  	[sflag:s17] =	ssyncset.done $0x0  }
0x23: {  	[sflag:s17] =	ssyncadd.s32 $0xFFFFC000  }
0x24: {  	_ =	swait.ge [sflag:s18], $0x4000  }
0x25: {  	[sflag:s18] =	ssyncset.done $0x0  }
0x26: {  	s25 =	simm.s32 $0x0;
	[sflag:s18] =	ssyncadd.s32 $0xFFFFC000  }
0x27: {  	v7 =	vld [tilespmem:s25+$0x6800]  }
0x28: {  	v11 =	vld [tilespmem:s25+$0x6810]  }
0x29: {  	v5 =	vld [tilespmem:s25+$0x6820]  }
0x2a: {  	v4 =	vld [tilespmem:s25+$0x6830]  }
0x2b: {  	v3 =	vld [tilespmem:s25+$0x6840]  }
0x2c: {  	v2 =	vld [tilespmem:s25+$0x6850]  }
0x2d: {  	v1 =	vld [tilespmem:s25+$0x6860]  }
0x2e: {  	v0 =	vld [tilespmem:s25+$0x6870]  }
0x2f: {  	v12 =	vld [tilespmem:s25+$0x2800]  }
0x30: {  	v13 =	vld [tilespmem:s25+$0x2810]  }
0x31: {  	v10 =	vld [tilespmem:s25+$0x2820]  }
0x32: {  	v9 =	vld [tilespmem:s25+$0x2830]  }
0x33: {  	v8 =	vld [tilespmem:s25+$0x2840]  }
0x34: {  	v6 =	vld [tilespmem:s25+$0x2850];
	v12 =	vadd.f32 v7, v12  }
0x35: {  	s26 =	simm.s32 $0x200;
	v11 =	vadd.f32 v11, v13;
	v7 =	vld [tilespmem:s25+$0x2860]  }
.LBB2_3:
0x36: {  	s28 =	sshra.s32 s26, $0x2;
	p0 =	sne.s32 s26, $0xFE00;
	[tilespmem:s25+$0x2800] =	vst v12;
	v5 =	vadd.f32 v5, v10;
	v10 =	vld [tilespmem:s25+$0x2870]  }
0x37: {  	v12 =	vld [tilespmem:s28+$0x6800];
	[tilespmem:s25+$0x2810] =	vst v11;
	v4 =	vadd.f32 v4, v9  }
0x38: {  	v11 =	vld [tilespmem:s28+$0x6810];
	[tilespmem:s25+$0x2820] =	vst v5;
	v3 =	vadd.f32 v3, v8  }
0x39: {  	v5 =	vld [tilespmem:s28+$0x6820];
	[tilespmem:s25+$0x2830] =	vst v4;
	v2 =	vadd.f32 v2, v6  }
0x3a: {  	v4 =	vld [tilespmem:s28+$0x6830];
	[tilespmem:s25+$0x2840] =	vst v3;
	v1 =	vadd.f32 v1, v7  }
0x3b: {  	v3 =	vld [tilespmem:s28+$0x6840];
	[tilespmem:s25+$0x2850] =	vst v2;
	v0 =	vadd.f32 v0, v10  }
0x3c: {  	v2 =	vld [tilespmem:s28+$0x6850];
	[tilespmem:s25+$0x2860] =	vst v1  }
0x3d: {  	v1 =	vld [tilespmem:s28+$0x6860];
	[tilespmem:s25+$0x2870] =	vst v0;
	s25 =	smov.u32 s28  }
0x3e: {  	v0 =	vld [tilespmem:s25+$0x6870]  }
0x3f: {  	v6 =	vld [tilespmem:s25+$0x2800]  }
0x40: {  	v7 =	vld [tilespmem:s25+$0x2810]  }
.Ltmp0:
0x41: {  	v10 =	vld [tilespmem:s25+$0x2820];
	(pc) =	sbr.rel @p0 .LBB2_3-.Ltmp0, $4  }
0x42: {  	v9 =	vld [tilespmem:s25+$0x2830]  }
0x43: {  	v8 =	vld [tilespmem:s25+$0x2840]  }
0x44: {  	v12 =	vadd.f32 v12, v6;
	v6 =	vld [tilespmem:s25+$0x2850]  }
0x45: {  	s26 =	sadd.s32 $0x200, s26;
	v11 =	vadd.f32 v11, v7;
	v7 =	vld [tilespmem:s25+$0x2860]  }
0x46: {  	[tilespmem:s25+$0x2800] =	vst v12;
	v5 =	vadd.f32 v5, v10;
	v10 =	vld [tilespmem:s25+$0x2870]  }
0x47: {  	[tilespmem:s25+$0x2810] =	vst v11;
	v4 =	vadd.f32 v4, v9  }
0x48: {  	[tilespmem:s25+$0x2820] =	vst v5;
	v3 =	vadd.f32 v3, v8  }
0x49: {  	[tilespmem:s25+$0x2830] =	vst v4;
	v2 =	vadd.f32 v2, v6  }
0x4a: {  	[tilespmem:s25+$0x2840] =	vst v3;
	v1 =	vadd.f32 v1, v7  }
0x4b: {  	[tilespmem:s25+$0x2850] =	vst v2;
	v0 =	vadd.f32 v0, v10  }
0x4c: {  	s26 =	sshll.u32 s23, $0x11;
	p0 =	seq.s32 s23, $0x13;
	[tilespmem:s25+$0x2860] =	vst v1  }
0x4d: {  	s31 =	sadd.s32 s26, s7;
	[tilespmem:s25+$0x2870] =	vst v0;
	s25 =	simm.s32 @!p0 $0x5  }
0x4e: {  	[hbm4b:s31+s2] =	stream.linear.scatter [tilespmem:s13], [sflag:$0x5], $0x4000, $0x38;
	[tilespmem:$0x12800] =	vst v63  }
0x4f: {  	_ =	swait.ge @!p0 [sflag:s25], $0x4000  }
0x50: {  	[sflag:s25] =	ssyncset.done @!p0 $0x0  }
0x51: {  	[sflag:s25] =	ssyncadd.s32 @!p0 $0xFFFFC000;
	s25 =	sshll.u32 @!p0 s23, $0x8  }
0x52: {  	s28 =	simm.s32 @!p0 $0x80;
	s29 =	simm.s32 @!p0 $0x2800;
	s26 =	sadd.s32 @!p0 $0x100, s25  }
0x53: {  	[tilespmem:s29], [sflag:$0x1] =	stream.indirect.gather @!p0 [hbm4b:s3+s28], $0x80, s26, s28, $0xb8;
	[tilespmem:$0x12800] =	vst v63  }
0x54: {  	s25 =	sadd.s32 @!p0 $0x1500, s25;
	s26 =	simm.s32 @!p0 $0x6800  }
0x55: {  	[tilespmem:s26], [sflag:$0x2] =	stream.indirect.gather @!p0 [hbm4b:s4+s28], $0x80, s25, s28, $0xb8;
	[tilespmem:$0x12800] =	vst v63  }
0x56: {  	_ =	swait.ge [sflag:s19], $0x4000  }
0x57: {  	[sflag:s19] =	ssyncset.done $0x0  }
0x58: {  	[sflag:s19] =	ssyncadd.s32 $0xFFFFC000  }
0x59: {  	_ =	swait.ge [sflag:s20], $0x4000  }
0x5a: {  	[sflag:s20] =	ssyncset.done $0x0  }
0x5b: {  	s25 =	simm.s32 $0x0;
	[sflag:s20] =	ssyncadd.s32 $0xFFFFC000  }
0x5c: {  	v7 =	vld [tilespmem:s25+$0xE800]  }
0x5d: {  	v11 =	vld [tilespmem:s25+$0xE810]  }
0x5e: {  	v5 =	vld [tilespmem:s25+$0xE820]  }
0x5f: {  	v4 =	vld [tilespmem:s25+$0xE830]  }
0x60: {  	v3 =	vld [tilespmem:s25+$0xE840]  }
0x61: {  	v2 =	vld [tilespmem:s25+$0xE850]  }
0x62: {  	v1 =	vld [tilespmem:s25+$0xE860]  }
0x63: {  	v0 =	vld [tilespmem:s25+$0xE870]  }
0x64: {  	v12 =	vld [tilespmem:s25+$0xA800]  }
0x65: {  	v13 =	vld [tilespmem:s25+$0xA810]  }
0x66: {  	v10 =	vld [tilespmem:s25+$0xA820]  }
0x67: {  	v9 =	vld [tilespmem:s25+$0xA830]  }
0x68: {  	v8 =	vld [tilespmem:s25+$0xA840]  }
0x69: {  	v6 =	vld [tilespmem:s25+$0xA850];
	v12 =	vadd.f32 v7, v12  }
0x6a: {  	s26 =	simm.s32 $0x200;
	v11 =	vadd.f32 v11, v13;
	v7 =	vld [tilespmem:s25+$0xA860]  }
.LBB2_5:
0x6b: {  	s28 =	sshra.s32 s26, $0x2;
	p0 =	sne.s32 s26, $0xFE00;
	[tilespmem:s25+$0xA800] =	vst v12;
	v5 =	vadd.f32 v5, v10;
	v10 =	vld [tilespmem:s25+$0xA870]  }
0x6c: {  	v12 =	vld [tilespmem:s28+$0xE800];
	[tilespmem:s25+$0xA810] =	vst v11;
	v4 =	vadd.f32 v4, v9  }
0x6d: {  	v11 =	vld [tilespmem:s28+$0xE810];
	[tilespmem:s25+$0xA820] =	vst v5;
	v3 =	vadd.f32 v3, v8  }
0x6e: {  	v5 =	vld [tilespmem:s28+$0xE820];
	[tilespmem:s25+$0xA830] =	vst v4;
	v2 =	vadd.f32 v2, v6  }
0x6f: {  	v4 =	vld [tilespmem:s28+$0xE830];
	[tilespmem:s25+$0xA840] =	vst v3;
	v1 =	vadd.f32 v1, v7  }
0x70: {  	v3 =	vld [tilespmem:s28+$0xE840];
	[tilespmem:s25+$0xA850] =	vst v2;
	v0 =	vadd.f32 v0, v10  }
0x71: {  	v2 =	vld [tilespmem:s28+$0xE850];
	[tilespmem:s25+$0xA860] =	vst v1  }
0x72: {  	v1 =	vld [tilespmem:s28+$0xE860];
	[tilespmem:s25+$0xA870] =	vst v0;
	s25 =	smov.u32 s28  }
0x73: {  	v0 =	vld [tilespmem:s25+$0xE870]  }
0x74: {  	v6 =	vld [tilespmem:s25+$0xA800]  }
0x75: {  	v7 =	vld [tilespmem:s25+$0xA810]  }
.Ltmp1:
0x76: {  	v10 =	vld [tilespmem:s25+$0xA820];
	(pc) =	sbr.rel @p0 .LBB2_5-.Ltmp1, $4  }
0x77: {  	v9 =	vld [tilespmem:s25+$0xA830]  }
0x78: {  	v8 =	vld [tilespmem:s25+$0xA840]  }
0x79: {  	v12 =	vadd.f32 v12, v6;
	v6 =	vld [tilespmem:s25+$0xA850]  }
0x7a: {  	s26 =	sadd.s32 $0x200, s26;
	v11 =	vadd.f32 v11, v7;
	v7 =	vld [tilespmem:s25+$0xA860]  }
0x7b: {  	[tilespmem:s25+$0xA800] =	vst v12;
	v5 =	vadd.f32 v5, v10;
	v63 =	vld [tilespmem:s25+$0xA870]  }
0x7c: {  	[tilespmem:s25+$0xA810] =	vst v11;
	v4 =	vadd.f32 v4, v9  }
0x7d: {  	s23 =	sadd.s32 $0x1, s23;
	[tilespmem:s25+$0xA820] =	vst v5;
	v3 =	vadd.f32 v3, v8  }
0x7e: {  	p0 =	sne.s32 s23, $0x14;
	[tilespmem:s25+$0xA830] =	vst v4;
	v2 =	vadd.f32 v2, v6  }
.Ltmp2:
0x7f: {  	[tilespmem:s25+$0xA840] =	vst v3;
	v1 =	vadd.f32 v1, v7;
	(pc) =	sbr.rel @p0 .LBB2_2-.Ltmp2, $4  }
0x80: {  	[tilespmem:s25+$0xA850] =	vst v2;
	v0 =	vadd.f32 v0, v63  }
0x81: {  	s24 =	sshll.u32 s24, $0x10;
	[tilespmem:s25+$0xA860] =	vst v1  }
0x82: {  	s24 =	sadd.s32 s24, s7;
	[tilespmem:s25+$0xA870] =	vst v0  }
0x83: {  	[hbm4b:s24+s2] =	stream.linear.scatter [tilespmem:s15], [sflag:$0x5], $0x4000, $0x38;
	[tilespmem:$0x12800] =	vst v63  }
0x84: {  	s22 =	sadd.s32 $0x1, s22  }
0x85: {  	_ =	swait.ge [sflag:s21], $0x4000;
	p0 =	sne.s32 s22, s8  }
.Ltmp3:
0x86: {  	[sflag:s21] =	ssyncset.done $0x0;
	(pc) =	sbr.rel @p0 .LBB2_1-.Ltmp3, $4  }
0x87: {  	[sflag:s21] =	ssyncadd.s32 $0xFFFFC000  }
0x88: {  	_ =	swait.ge [sflag:s21], $0x4000  }
0x89: {  	[sflag:s21] =	ssyncset.done $0x0  }
0x8a: {  	[sflag:s21] =	ssyncadd.s32 $0xFFFFC000  }
0x8b: {  	_ =	sfence.sel $0x180000  }
0x8c: {  	[bflag:$0x0] =	sbarrier.arrive $0xFFFF  }
0x8d: {  	p0 =	sne.s32 s1, $0x0;
	_ =	strace $0x90000056  }
0x8e: {  	s0 =	sadd.s32 @!p0 $0x100000, s0;
	[bflag:$0x2] =	sbarrier.arrive $0xFFFF  }
0x8f: {  	[sflag:s0] =	ssyncadd.tile.s32 @!p0 $0x1;
	_ =	shalt  }
.Lfunc_end2:
_tile_overlayer_lowered:
.L_overlay_start_2:
0x90: {  	(tag) =	ssettag $0x2  }
0x91: {  	s0 =	rddreg [dreg:$0x0];
	s2 =	stileid.u32  }
0x92: {  	s1 =	rddreg [dreg:$0x1];
	p0 =	sne.s32 s2, $0x0  }
0x93: {  	s3 =	rddreg [dreg:$0x2];
	[bflag:$0x3] =	sbarrier.arrive $0xFFFF;
	s2 =	simm.s32 @!p0 $0x1C06  }
0x94: {  	[timem:s3], [sflag:s2] =	dma.local @!p0 [hbm:s0], s1  }
0x95: {  	s0 =	simm.s32 @!p0 $0x6  }
0x96: {  	_ =	swait.ge @!p0 [sflag:s0], s1  }
0x97: {  	s1 =	ssub.s32 @!p0 $0x0, s1;
	[sflag:s0] =	ssyncset.done @!p0 $0x0  }
0x98: {  	[sflag:s0] =	ssyncadd.s32 @!p0 s1  }
0x99: {  	[bflag:$0x3] =	sbarrier.arrive $0xFFFF  }
0x9a: {  	_ =	shalt  }

// kernel: kernel.34.cloned.1.call-start
scs
__scs_entry_jumppad:
0x0: {  	(pc) =	sbr.rel $0x88, $3  }
0x1: {  	(tag) =	ssettag $0x0;
	lr =	simm.s32 $0x1  }
0x2: {  	[smem:$0x3F8E] =	sst lr;
	_ =	strace $0xD0000000  }
0x3: {  	_ = 	snop  }
0x4: {  	_ = 	snop  }
0x5: {  	_ = 	snop  }
0x6: {  	_ = 	snop  }
0x7: {  	_ = 	snop  }
__scs_overlays_trampoline_lowered:
0x8: {  	[smem:$0x3F9D] =	sst s0  }
0x9: {  	[smem:$0x3F9E] =	sst s1  }
0xa: {  	[smem:$0x3F9F] =	sst s2  }
0xb: {  	[smem:$0x3FA0] =	sst s3  }
0xc: {  	[smem:$0x3FA1] =	sst s4  }
0xd: {  	[smem:$0x3FA2] =	sst s5  }
0xe: {  	[smem:$0x3FA3] =	sst s6  }
0xf: {  	[smem:$0x3FA4] =	sst s7  }
0x10: {  	[smem:$0x3FA5] =	sst s8  }
0x11: {  	[smem:$0x3FA6] =	sst s9;
	s0 =	simm.s32 @!p0 $0x0  }
0x12: {  	s1 =	sld [smem:$0x3F8C];
	s0 =	simm.s32 @p0 $0x1  }
0x13: {  	[smem:$0x3FA7] =	sst s0;
	s0 =	simm.s32 @!p1 $0x0  }
0x14: {  	s2 =	sld [smem:$0x3F8B];
	s0 =	simm.s32 @p1 $0x1  }
0x15: {  	[smem:$0x3FA8] =	sst s0;
	s0 =	simm.s32 @!p2 $0x0  }
0x16: {  	s3 =	sld [smem:$0x3FDB];
	s0 =	simm.s32 @p2 $0x1  }
0x17: {  	s4 =	simm.s32 $0x1BF5;
	[smem:$0x3FAA] =	sst s0  }
0x18: {  	s0 =	sld [smem:$0x3F8D];
	_ =	swait.ge [sflag:s4], $0x0  }
0x19: {  	s7 =	sld [smem:$0x3F8E]  }
0x1a: {  	s8 =	sadd.s32 $0xFFFFE003, lr  }
0x1b: {  	s9 =	sadd.s32 $0xFFFFFEF7, lr;
	s5 =	simm.s32 $0xFFFFFFFF;
	p2 =	slt.u32 s8, $0xFFFFF086  }
0x1c: {  	p1 =	slt.u32 s9, $0xF7A;
	s5 =	simm.s32 @!p2 $0x0  }
0x1d: {  	s5 =	simm.s32 @p1 $0x1;
	p0 =	seq.s32 s7, s2  }
0x1e: {  	s7 =	smul.u32 @!p0 $0xF7A, s2;
	p2 =	seq.s32 @!p0 s5, $0x0  }
0x1f: {  	s9 =	smul.u32 $0xF7A, s1;
	s8 =	simm.s32 @!p0 $0x1BF5;
	p2 =	por !p2, p0  }
0x20: {  	[sflag:s8] =	ssyncset.s32 @!p0 $0xFFFFF086;
	s6 =	sadd.s32 @!p0 s3, s7;
	s7 =	simm.s32 @!p0 $0x108  }
0x21: {  	s3 =	sadd.s32 s3, s9;
	s6 =	sadd.s32 @!p0 $0x88, s6;
	s7 =	simm.s32 @p2 $0x1082  }
0x22: {  	[simem:s7], [sflag:s8] =	dma.local @!p0 [hbm:s6], $0xF7A  }
0x23: {  	s9 =	sor.u32 $0xD0000000, s2;
	s6 =	simm.s32 $0x108;
	_ =	swait.ge @!p0 [sflag:s8], $0x0  }
0x24: {  	s3 =	sadd.s32 $0x88, s3;
	s6 =	simm.s32 @!p1 $0x1082;
	[sflag:s4] =	ssyncset.s32 $0xFFFFF086  }
0x25: {  	[simem:s6], [sflag:s4] =	dma.local [hbm:s3], $0xF7A  }
0x26: {  	[smem:$0x3F8E] =	sst s1;
	(tag) =	ssettag s2;
	_ =	strace s9  }
0x27: {  	s1 =	sld [smem:$0x3F9E]  }
0x28: {  	s2 =	sld [smem:$0x3F9F]  }
0x29: {  	s4 =	sld [smem:$0x3FA1]  }
0x2a: {  	p0 =	seq.s32 s5, $0x0;
	s5 =	sld [smem:$0x3FA2]  }
0x2b: {  	s6 =	sld [smem:$0x3FA3]  }
0x2c: {  	s7 =	sld [smem:$0x3FA4]  }
0x2d: {  	s3 =	simm.s32 $0x108;
	s8 =	sld [smem:$0x3FA5]  }
0x2e: {  	s3 =	simm.s32 @!p0 $0x1082;
	s9 =	sld [smem:$0x3FA6]  }
0x2f: {  	lr =	sadd.s32 s0, s3;
	s0 =	sld [smem:$0x3F9D]  }
0x30: {  	s3 =	sld [smem:$0x3FA0]  }
0x31: {  	[smem:$0x3FA9] =	sst s10  }
0x32: {  	s10 =	sld [smem:$0x3FA7];
	_ =	sdelay $0x3  }
0x33: {  	p0 =	seq.s32 s10, $0x1;
	s10 =	sld [smem:$0x3FA9];
	_ =	sdelay $0x3  }
0x34: {  	[smem:$0x3FA9] =	sst s10  }
0x35: {  	s10 =	sld [smem:$0x3FA8];
	_ =	sdelay $0x3  }
0x36: {  	p1 =	seq.s32 s10, $0x1;
	s10 =	sld [smem:$0x3FA9];
	_ =	sdelay $0x3  }
0x37: {  	[smem:$0x3FA9] =	sst s10  }
0x38: {  	s10 =	sld [smem:$0x3FAA]  }
0x39: {  	_ = 	snop;
	(pc) =	sbr.ind lr, $3  }
0x3a: {  	_ = 	snop  }
0x3b: {  	_ = 	snop  }
0x3c: {  	p2 =	seq.s32 s10, $0x1;
	s10 =	sld [smem:$0x3FA9]  }
0x3d: {  	_ =	shalt  }
0x3e: {  	_ =	shalt  }
0x3f: {  	_ =	shalt  }
0x40: {  	_ =	shalt  }
0x41: {  	_ =	shalt  }
0x42: {  	_ =	shalt  }
0x43: {  	_ =	shalt  }
0x44: {  	_ =	shalt  }
0x45: {  	_ =	shalt  }
0x46: {  	_ =	shalt  }
0x47: {  	_ =	shalt  }
0x48: {  	_ =	shalt  }
0x49: {  	_ =	shalt  }
0x4a: {  	_ =	shalt  }
0x4b: {  	_ =	shalt  }
0x4c: {  	_ =	shalt  }
0x4d: {  	_ =	shalt  }
0x4e: {  	_ =	shalt  }
0x4f: {  	_ =	shalt  }
0x50: {  	_ =	shalt  }
0x51: {  	_ =	shalt  }
0x52: {  	_ =	shalt  }
0x53: {  	_ =	shalt  }
0x54: {  	_ =	shalt  }
0x55: {  	_ =	shalt  }
0x56: {  	_ =	shalt  }
0x57: {  	_ =	shalt  }
0x58: {  	_ =	shalt  }
0x59: {  	_ =	shalt  }
0x5a: {  	_ =	shalt  }
0x5b: {  	_ =	shalt  }
0x5c: {  	_ =	shalt  }
0x5d: {  	_ =	shalt  }
0x5e: {  	_ =	shalt  }
0x5f: {  	_ =	shalt  }
0x60: {  	_ =	shalt  }
0x61: {  	_ =	shalt  }
0x62: {  	_ =	shalt  }
0x63: {  	_ =	shalt  }
0x64: {  	_ =	shalt  }
0x65: {  	_ =	shalt  }
0x66: {  	_ =	shalt  }
0x67: {  	_ =	shalt  }
0x68: {  	_ =	shalt  }
0x69: {  	_ =	shalt  }
0x6a: {  	_ =	shalt  }
0x6b: {  	_ =	shalt  }
0x6c: {  	_ =	shalt  }
0x6d: {  	_ =	shalt  }
0x6e: {  	_ =	shalt  }
0x6f: {  	_ =	shalt  }
0x70: {  	_ =	shalt  }
0x71: {  	_ =	shalt  }
0x72: {  	_ =	shalt  }
0x73: {  	_ =	shalt  }
0x74: {  	_ =	shalt  }
0x75: {  	_ =	shalt  }
0x76: {  	_ =	shalt  }
0x77: {  	_ =	shalt  }
0x78: {  	_ =	shalt  }
0x79: {  	_ =	shalt  }
0x7a: {  	_ =	shalt  }
0x7b: {  	_ =	shalt  }
0x7c: {  	_ =	shalt  }
0x7d: {  	_ =	shalt  }
0x7e: {  	_ =	shalt  }
0x7f: {  	_ =	shalt  }
0x80: {  	_ =	shalt  }
0x81: {  	_ =	shalt  }
0x82: {  	_ =	shalt  }
0x83: {  	_ =	shalt  }
0x84: {  	_ =	shalt  }
0x85: {  	_ =	shalt  }
0x86: {  	_ =	shalt  }
0x87: {  	_ =	shalt  }
.Lfunc_end0:
.L_simem_size_0:
called_computation.6_lowered:
.L_overlay_start_0:
0x88: {  	s2 =	sld [smem:$0x3FD9]  }
0x89: {  	s3 =	sld [smem:$0x3FFE];
	_ =	sdelay $0x1  }
0x8a: {  	s1 =	srdreg.scid  }
0x8b: {  	s0 =	sand.u32 $0x1, s1  }
0x8c: {  	s16 =	sshll.u32 s0, $0xA;
	s2 =	sadd.s32 s3, s2  }
0x8d: {  	s2 =	sadd.s32 s2, s16  }
0x8e: {  	[smem:$0x3FB5] =	sst s2  }
0x8f: {  	_ = 	snop  }
0x90: {  	(tm) =	ssettm $0x1  }
0x91: {  	s17 =	sld [smem:$0x3FFB];
	_ =	sdelay $0x3  }
0x92: {  	_ =	strace s17  }
0x93: {  	s2 =	sld [smem:$0x3FFC];
	_ =	sdelay $0x3  }
0x94: {  	_ =	strace s2  }
0x95: {  	s2 =	sld [smem:$0x3FFD];
	_ =	sdelay $0x3  }
0x96: {  	_ =	strace s2  }
0x97: {  	_ =	strace $0x8FFFFFFF  }
0x98: {  	s18 =	sld [smem:$0x3FDB];
	_ =	sdelay $0x1  }
0x99: {  	s19 =	simm.s32 $_scs_section_size  }
0x9a: {  	s4 =	simm.s32 $_size__tile_overlayer_lowered;
	s5 =	simm.s32 $_tile_overlayer_lowered  }
0x9b: {  	s22 =	simm.s32 $0x1BFF;
	s21 =	sshll.u32 s5, $0x1;
	s2 =	sadd.s32 s19, s18  }
0x9c: {  	s6 =	simm.s32 $0x0;
	s20 =	sshll.u32 s4, $0x1;
	s4 =	sadd.s32 s21, s2  }
0x9d: {  	[timem:s6], [sflag:s22] =	dma.local [hbm:s4], s20  }
0x9e: {  	_ =	swait.ge [sflag:s22], s20  }
0x9f: {  	s3 =	ssub.s32 $0x0, s20;
	[sflag:s22] =	ssyncset.done $0x0  }
0xa0: {  	[sflag:s22] =	ssyncadd.s32 s3;
	_ =	sdelay $0x1  }
0xa1: {  	s23 =	simm.s32 $0x1B8B  }
0xa2: {  	_ =	swait.ge [sflag:s23], $0x1  }
0xa3: {  	[sflag:s23] =	ssyncset.done $0x0  }
0xa4: {  	s25 =	simm.s32 $0x1B8E;
	s24 =	sld [smem:$0x3FFE];
	[sflag:s23] =	ssyncadd.s32 $0xFFFFFFFF  }
0xa5: {  	s26 =	simm.s32 $execute0_lowered;
	[smem:$0x3FD2] =	sst s25  }
0xa6: {  	s4 =	sshll.u32 s26, $0x1;
	_ =	strace $0x80000058;
	[dreg:$0x1] =	wrdreg $0xFFFFFFFF  }
0xa7: {  	s28 =	simm.s32 $_size_execute0_lowered;
	s2 =	sadd.s32 s2, s4;
	[dreg:$0x0] =	wrdreg $0x0  }
0xa8: {  	s4 =	sshll.u32 s28, $0x1;
	[dreg:$0x2] =	wrdreg s2  }
0xa9: {  	[dreg:$0x3] =	wrdreg s4  }
0xaa: {  	[dreg:$0x4] =	wrdreg $0xC0  }
0xab: {  	_ =	task [dreg:s6], $0x5FFFF  }
0xac: {  	[dreg:$0x1] =	wrdreg $0xFFFFFFFF  }
0xad: {  	[dreg:$0x0] =	wrdreg $0x60  }
0xae: {  	[dreg:$0x2] =	wrdreg s24  }
0xaf: {  	[dreg:$0x3] =	wrdreg $0x0  }
0xb0: {  	[dreg:$0x4] =	wrdreg $0x9  }
0xb1: {  	_ =	task.clear_ibuf [dreg:s6], $0x5FFFF;
	_ =	strace $0x90000058  }
0xb2: {  	s29 =	simm.s32 $0x9;
	_ =	strace $0x8000005A  }
0xb3: {  	_ =	swait.ge [sflag:s29], $0x1  }
0xb4: {  	[sflag:s29] =	ssyncadd.s32 $0xFFFFFFFF  }
0xb5: {  	_ =	strace $0x9000005A  }
0xb6: {  	_ =	sfence  }
0xb7: {  	s30 =	sld [smem:$0x0];
	_ =	sdelay $0x2  }
0xb8: {  	s31 =	sshll.u32 s1, $0xD;
	s1 =	sshrl.u32 s1, $0x2  }
0xb9: {  	s3 =	sand.u32 $0x4000, s31;
	s1 =	sadd.s32 s1, s30  }
0xba: {  	s0 =	sor.u32 s3, s0;
	s1 =	sshll.u32 s1, $0x11  }
0xbb: {  	s0 =	sor.u32 s1, s0  }
0xbc: {  	s0 =	sadd.s32 $0x8F2B, s0  }
0xbd: {  	[sflag:s0] =	ssyncadd.remote.s32 $0x1  }
0xbe: {  	_ =	sfence.sel $0xFFFF  }
0xbf: {  	[dreg:$0x0] =	wrdreg $0xFFFFFFFF;
	(pc) =	sbr.abs _section_cstart, $3  }
0xc0: {  	[dreg:$0x1] =	wrdreg $0xFFFFFFFF  }
0xc1: {  	_ =	task.clear_ibuf [dreg:s6], $0x2FFFF;
	_ =	strace $0x9FFFFFFF  }
0xc2: {  	(tm) =	ssettm $0x7FFFFFFF  }
0xc3: {  	_ =	shalt  }
tec
execute0_lowered:
.L_overlay_start_1:
0x0: {  	(tag) =	ssettag $0x1  }
0x1: {  	s1 =	srdreg.scid;
	s4 =	rddreg [dreg:$0x0]  }
0x2: {  	s0 =	stileid.u32;
	s2 =	rddreg [dreg:$0x1];
	s3 =	simm.s32 $0x0  }
0x3: {  	s16 =	simm.s32 $0x1;
	s17 =	simm.s32 $0x80;
	s18 =	simm.s32 $0x2  }
0x4: {  	s19 =	simm.s32 $0x14F00;
	s20 =	simm.s32 $0x14F80;
	s21 =	smul.u32 $0x2780, s0  }
0x5: {  	s5 =	sand.u32 $0x1, s1;
	s1 =	rddreg [dreg:$0x2];
	s9 =	smul.u32 $0x4F000, s0  }
0x6: {  	s23 =	sshll.u32 s0, $0x1;
	[smem:$0x7FF] =	sst s3;
	s25 =	smul.u32 $0x140000, s0  }
0x7: {  	s11 =	sadd.s32 $0x82E200, s4;
	s26 =	sshll.u32 s0, $0x6;
	s8 =	smul.u32 $0x27800, s5  }
0x8: {  	s7 =	sor.u32 s5, s23;
	_ =	strace $0x80000059;
	s15 =	smul.u32 $0xA0000, s5  }
0x9: {  	s24 =	ssub.s32 $0x2, s5;
	s5 =	sor.u32 $0x1C03, s26;
	s6 =	smul.u32 $0x280, s7  }
0xa: {  	s10 =	sadd.s32 s21, s4;
	s12 =	sshrl.u32 s24, $0x1;
	s13 =	smul.u32 $0x14000, s7  }
0xb: {  	s9 =	sshrl.u32 s9, $0x2;
	s28 =	smul.u32 $0xA0000, s7;
	s8 =	sadd.s32 s8, s4  }
0xc: {  	s12 =	ssub.s32 s24, s12;
	s14 =	sadd.s32 s9, s2;
	s9 =	sadd.s32 s15, s25  }
0xd: {  	s15 =	simm.s32 $0x19000;
	s6 =	sadd.s32 s6, s4;
	s4 =	sadd.s32 $0x37800, s10  }
0xe: {  	s7 =	sadd.s32 s11, s13;
	s22 =	sadd.s32 $0xD4600, s8;
	s8 =	smax.u32 s12, $0x1  }
0xf: {  	s10 =	sshrl.u32 s28, $0x3;
	s29 =	sor.u32 $0x8000, s9;
	s30 =	sor.u32 $0x4000, s9  }
0x10: {  	s13 =	simm.s32 $0x3;
	s6 =	sadd.s32 $0xE400, s6;
	s10 =	sadd.s32 s11, s10  }
0x11: {  	s12 =	sshrl.u32 s29, $0x3;
	s31 =	sshrl.u32 s30, $0x3;
	s21 =	sadd.s32 s21, s22  }
0x12: {  	s22 =	simm.s32 $0x0;
	s9 =	sadd.s32 $0x13800, s10;
	s10 =	sadd.s32 s12, s11  }
0x13: {  	s11 =	sadd.s32 s31, s11;
	s12 =	sshrl.u32 s14, $0x3;
	s14 =	simm.s32 $0x15000  }
.LBB2_1:
0x14: {  	[spmem:s12], [sflag:s5] =	dma.local [hbm:s4], $0x2780  }
0x15: {  	_ =	swait.ge [sflag:s13], $0x2780  }
0x16: {  	[sflag:s13] =	ssyncset.done $0x0  }
0x17: {  	s23 =	simm.s32 $0x13C00;
	[sflag:s13] =	ssyncadd.s32 $0xFFFFD880  }
0x18: {  	[tilespmem:s23], [sflag:$0x3] =	stream.linear.gather [hbm4b:s6+s3], $0x1400, $0x38;
	[tilespmem:$0x1D000] =	vst v63  }
0x19: {  	_ =	swait.ge [sflag:s13], $0x1400  }
0x1a: {  	[sflag:s13] =	ssyncset.done $0x0  }
0x1b: {  	[sflag:s13] =	ssyncadd.s32 $0xFFFFEC00  }
0x1c: {  	[bflag:$0x0] =	sbarrier.arrive $0xFFFF  }
0x1d: {  	[tilespmem:s14], [sflag:$0x1] =	stream.linear.gather [hbm4b:s7+s3], $0x4000, $0x38;
	[tilespmem:$0x1D000] =	vst v63  }
0x1e: {  	s24 =	sadd.s32 $0x0, s11  }
0x1f: {  	[tilespmem:s15], [sflag:$0x2] =	stream.linear.gather [hbm4b:s24+s3], $0x4000, $0x38;
	[tilespmem:$0x1D000] =	vst v63  }
0x20: {  	_ =	swait.ge [sflag:s16], $0x4000  }
0x21: {  	[sflag:s16] =	ssyncset.done $0x0  }
0x22: {  	[sflag:s16] =	ssyncadd.s32 $0xFFFFC000  }
0x23: {  	[spmem:s2] =	stream.indirect.scatter.add.f32 [tilespmem:s14], [sflag:$0x3], $0x80, s23, s17, $0xb8;
	[tilespmem:$0x1D000] =	vst v63  }
0x24: {  	_ =	swait.ge [sflag:s13], $0x4000  }
0x25: {  	[sflag:s13] =	ssyncset.done $0x0  }
0x26: {  	s30 =	sadd.s32 $0x0, s10;
	[sflag:s13] =	ssyncadd.s32 $0xFFFFC000  }
0x27: {  	[tilespmem:s14], [sflag:$0x1] =	stream.linear.gather [hbm4b:s30+s3], $0x4000, $0x38;
	[tilespmem:$0x1D000] =	vst v63  }
0x28: {  	_ =	swait.ge [sflag:s18], $0x4000  }
0x29: {  	[sflag:s18] =	ssyncset.done $0x0  }
0x2a: {  	s31 =	simm.s32 $0x13C80;
	[sflag:s18] =	ssyncadd.s32 $0xFFFFC000  }
0x2b: {  	[spmem:s2] =	stream.indirect.scatter.add.f32 [tilespmem:s15], [sflag:$0x3], $0x80, s31, s17, $0xb8;
	[tilespmem:$0x1D000] =	vst v63  }
0x2c: {  	s25 =	simm.s32 $0x2000;
	_ =	swait.ge [sflag:s13], $0x4000  }
0x2d: {  	s24 =	simm.s32 $0x1000;
	s23 =	simm.s32 $0x13D00;
	[sflag:s13] =	ssyncset.done $0x0  }
.LBB2_2:
0x2e: {  	s26 =	sadd.s32 s24, s11  }
0x2f: {  	[sflag:s13] =	ssyncadd.s32 $0xFFFFC000;
	s28 =	smov.u32 s25;
	s29 =	sadd.s32 $0x1000, s25  }
0x30: {  	[tilespmem:s15], [sflag:$0x2] =	stream.linear.gather [hbm4b:s26+s3], $0x4000, $0x38;
	[tilespmem:$0x1D000] =	vst v63  }
0x31: {  	p0 =	sne.s32 s25, $0x12000;
	_ =	swait.ge [sflag:s16], $0x4000  }
0x32: {  	[sflag:s16] =	ssyncset.done $0x0  }
0x33: {  	[sflag:s16] =	ssyncadd.s32 $0xFFFFC000  }
0x34: {  	[spmem:s2] =	stream.indirect.scatter.add.f32 [tilespmem:s14], [sflag:$0x3], $0x80, s23, s17, $0xb8;
	[tilespmem:$0x1D000] =	vst v63  }
0x35: {  	_ =	swait.ge [sflag:s13], $0x4000  }
0x36: {  	[sflag:s13] =	ssyncset.done $0x0  }
0x37: {  	s25 =	sadd.s32 s24, s10;
	s24 =	smov.u32 s28;
	[sflag:s13] =	ssyncadd.s32 $0xFFFFC000  }
0x38: {  	[tilespmem:s14], [sflag:$0x1] =	stream.linear.gather [hbm4b:s25+s3], $0x4000, $0x38;
	[tilespmem:$0x1D000] =	vst v63  }
0x39: {  	_ =	swait.ge [sflag:s18], $0x4000  }
.Ltmp0:
0x3a: {  	[sflag:s18] =	ssyncset.done $0x0;
	(pc) =	sbr.rel @p0 .LBB2_2-.Ltmp0, $4  }
0x3b: {  	s25 =	sadd.s32 $0x80, s23;
	[sflag:s18] =	ssyncadd.s32 $0xFFFFC000  }
0x3c: {  	[spmem:s2] =	stream.indirect.scatter.add.f32 [tilespmem:s15], [sflag:$0x3], $0x80, s25, s17, $0xb8;
	[tilespmem:$0x1D000] =	vst v63  }
0x3d: {  	_ =	swait.ge [sflag:s13], $0x4000  }
0x3e: {  	s23 =	sadd.s32 $0x100, s23;
	s25 =	smov.u32 s29;
	[sflag:s13] =	ssyncset.done $0x0  }
0x3f: {  	s25 =	sadd.s32 s24, s11;
	[sflag:s13] =	ssyncadd.s32 $0xFFFFC000  }
0x40: {  	[tilespmem:s15], [sflag:$0x2] =	stream.linear.gather [hbm4b:s25+s3], $0x4000, $0x38;
	[tilespmem:$0x1D000] =	vst v63  }
0x41: {  	_ =	swait.ge [sflag:s16], $0x4000  }
0x42: {  	[sflag:s16] =	ssyncset.done $0x0  }
0x43: {  	[sflag:s16] =	ssyncadd.s32 $0xFFFFC000  }
0x44: {  	[spmem:s2] =	stream.indirect.scatter.add.f32 [tilespmem:s14], [sflag:$0x3], $0x80, s23, s17, $0xb8;
	[tilespmem:$0x1D000] =	vst v63  }
0x45: {  	_ =	swait.ge [sflag:s13], $0x4000  }
0x46: {  	[sflag:s13] =	ssyncset.done $0x0  }
0x47: {  	s30 =	sadd.s32 s24, s10;
	[sflag:s13] =	ssyncadd.s32 $0xFFFFC000  }
0x48: {  	[tilespmem:s14], [sflag:$0x1] =	stream.linear.gather [hbm4b:s30+s3], $0x4000, $0x38;
	[tilespmem:$0x1D000] =	vst v63  }
0x49: {  	_ =	swait.ge [sflag:s18], $0x4000  }
0x4a: {  	[sflag:s18] =	ssyncset.done $0x0  }
0x4b: {  	s31 =	sadd.s32 $0x80, s23;
	[sflag:s18] =	ssyncadd.s32 $0xFFFFC000  }
0x4c: {  	[spmem:s2] =	stream.indirect.scatter.add.f32 [tilespmem:s15], [sflag:$0x3], $0x80, s31, s17, $0xb8;
	[tilespmem:$0x1D000] =	vst v63  }
0x4d: {  	_ =	swait.ge [sflag:s13], $0x4000  }
0x4e: {  	[sflag:s13] =	ssyncset.done $0x0  }
0x4f: {  	[sflag:s13] =	ssyncadd.s32 $0xFFFFC000  }
0x50: {  	[tilespmem:s15], [sflag:$0x2] =	stream.linear.gather [hbm4b:s9+s3], $0x4000, $0x38;
	[tilespmem:$0x1D000] =	vst v63  }
0x51: {  	_ =	swait.ge [sflag:s16], $0x4000  }
0x52: {  	[sflag:s16] =	ssyncset.done $0x0  }
0x53: {  	[sflag:s16] =	ssyncadd.s32 $0xFFFFC000  }
0x54: {  	[spmem:s2] =	stream.indirect.scatter.add.f32 [tilespmem:s14], [sflag:$0x3], $0x80, s19, s17, $0xb8;
	[tilespmem:$0x1D000] =	vst v63  }
0x55: {  	_ =	swait.ge [sflag:s13], $0x4000  }
0x56: {  	[sflag:s13] =	ssyncset.done $0x0  }
0x57: {  	[sflag:s13] =	ssyncadd.s32 $0xFFFFC000  }
0x58: {  	_ =	swait.ge [sflag:s18], $0x4000  }
0x59: {  	[sflag:s18] =	ssyncset.done $0x0  }
0x5a: {  	[sflag:s18] =	ssyncadd.s32 $0xFFFFC000  }
0x5b: {  	[spmem:s2] =	stream.indirect.scatter.add.f32 [tilespmem:s15], [sflag:$0x3], $0x80, s20, s17, $0xb8;
	[tilespmem:$0x1D000] =	vst v63  }
0x5c: {  	_ =	swait.ge [sflag:s13], $0x4000  }
0x5d: {  	s22 =	sadd.s32 $0x1, s22;
	[sflag:s13] =	ssyncset.done $0x0  }
0x5e: {  	p0 =	sne.s32 s22, s8;
	[sflag:s13] =	ssyncadd.s32 $0xFFFFC000  }
.Ltmp1:
0x5f: {  	[bflag:$0x0] =	sbarrier.arrive $0xFFFF;
	(pc) =	sbr.rel @p0 .LBB2_1-.Ltmp1, $4  }
0x60: {  	[hbm:s21], [sflag:s5] =	dma.local [spmem:s12], $0x2780  }
0x61: {  	_ =	swait.ge [sflag:s13], $0x2780  }
0x62: {  	[sflag:s13] =	ssyncset.done $0x0  }
0x63: {  	[sflag:s13] =	ssyncadd.s32 $0xFFFFD880  }
0x64: {  	_ =	sfence.sel $0x180000  }
0x65: {  	[bflag:$0x0] =	sbarrier.arrive $0xFFFF  }
0x66: {  	p0 =	sne.s32 s0, $0x0;
	_ =	strace $0x90000059  }
0x67: {  	s0 =	sadd.s32 @!p0 $0x100000, s1;
	[bflag:$0x2] =	sbarrier.arrive $0xFFFF  }
0x68: {  	[sflag:s0] =	ssyncadd.tile.s32 @!p0 $0x1;
	_ =	shalt  }
.Lfunc_end2:
_tile_overlayer_lowered:
.L_overlay_start_2:
0x69: {  	(tag) =	ssettag $0x2  }
0x6a: {  	s0 =	rddreg [dreg:$0x0];
	s2 =	stileid.u32  }
0x6b: {  	s1 =	rddreg [dreg:$0x1];
	p0 =	sne.s32 s2, $0x0  }
0x6c: {  	s3 =	rddreg [dreg:$0x2];
	[bflag:$0x3] =	sbarrier.arrive $0xFFFF;
	s2 =	simm.s32 @!p0 $0x1C03  }
0x6d: {  	[timem:s3], [sflag:s2] =	dma.local @!p0 [hbm:s0], s1  }
0x6e: {  	s0 =	simm.s32 @!p0 $0x3  }
0x6f: {  	_ =	swait.ge @!p0 [sflag:s0], s1  }
0x70: {  	s1 =	ssub.s32 @!p0 $0x0, s1;
	[sflag:s0] =	ssyncset.done @!p0 $0x0  }
0x71: {  	[sflag:s0] =	ssyncadd.s32 @!p0 s1  }
0x72: {  	[bflag:$0x3] =	sbarrier.arrive $0xFFFF  }
0x73: {  	_ =	shalt  }

</sc_bundles>
